<compile_context>
chip_gen: v7x
topology: tpu7x:2x2x1
jax: 0.10.2.dev20260603
libtpu: 0.0.44.dev20260713+nightly
codegen_flags: <defaults>
</compile_context>

<pallas_src>
import functools

import jax
import jax.numpy as jnp
from jax import lax
from jax.experimental import pallas as pl
from jax.experimental.pallas import tpu as pltpu
from jax.experimental.pallas import tpu_sc as plsc

N = 10000
D = 128
E = 160000
NSUB = 16
NCORE = 2
NP = 10240
C = 128
CPT = 80
NCH_R = NSUB * CPT
EP = NCH_R * C
RPT = NP // NSUB
NSTG = 2
SPC = CPT // NSTG


def _regcopy_row(dst_ref, src_ref, j):
    for k in range(C // 16):
        dst_ref[pl.ds(k * 16, 16)] = src_ref[j, pl.ds(k * 16, 16)]


def _sc_mesh():
    return plsc.VectorSubcoreMesh(core_axis_name="c", subcore_axis_name="s",
                                  num_cores=NCORE, num_subcores=NSUB)


def _deg_body(srcs_hbm, dsts_hbm, zflat_hbm, out_hbm,
              srcb_v, dstb_v, scur_v, dcur_v, ones_v, dsrc_s, ddst_s):
    cid = lax.axis_index("c")
    sid = lax.axis_index("s")
    rpt2 = (2 * NP) // NSUB
    base = cid * NCH_R + sid * CPT
    pltpu.sync_copy(srcs_hbm.at[pl.ds(base, CPT)], srcb_v)
    pltpu.sync_copy(dsts_hbm.at[pl.ds(base, CPT)], dstb_v)
    pltpu.sync_copy(zflat_hbm.at[pl.ds(sid * rpt2, rpt2)],
                    dsrc_s.at[pl.ds(sid * rpt2, rpt2)])
    pltpu.sync_copy(zflat_hbm.at[pl.ds(sid * RPT, RPT)],
                    ddst_s.at[pl.ds(sid * RPT, RPT)])
    for k in range(C // 16):
        ones_v[pl.ds(k * 16, 16)] = jnp.ones((16,), jnp.float32)
    plsc.subcore_barrier()

    def body(j, carry):
        _regcopy_row(scur_v, srcb_v, j)
        _regcopy_row(dcur_v, dstb_v, j)
        pltpu.sync_copy(ones_v, dsrc_s.at[scur_v], add=True)
        pltpu.sync_copy(ones_v, ddst_s.at[dcur_v], add=True)
        return carry

    lax.fori_loop(0, CPT, body, 0)
    plsc.subcore_barrier()
    pltpu.sync_copy(dsrc_s.at[pl.ds(cid * NP + sid * RPT, RPT)],
                    out_hbm.at[pl.ds((2 * cid) * NP + sid * RPT, RPT)])
    pltpu.sync_copy(ddst_s.at[pl.ds(sid * RPT, RPT)],
                    out_hbm.at[pl.ds((2 * cid + 1) * NP + sid * RPT, RPT)])


def _spmm_body(xs_hbm, srcs_hbm, dsts_hbm, zrows_hbm, g_hbm,
               srcb_v, dstb_v, dcur0_v, dcur1_v, rows0_v, rows1_v, acc_s,
               sem0, sem1):
    cid = lax.axis_index("c")
    sid = lax.axis_index("s")
    base = cid * NCH_R + sid * CPT
    pltpu.sync_copy(zrows_hbm.at[pl.ds(sid * RPT, RPT)],
                    acc_s.at[pl.ds(sid * RPT, RPT)])
    plsc.subcore_barrier()

    npair = SPC // 2
    for s in range(NSTG):
        sbase = base + s * SPC
        pltpu.sync_copy(srcs_hbm.at[pl.ds(sbase, SPC)], srcb_v)
        pltpu.sync_copy(dsts_hbm.at[pl.ds(sbase, SPC)], dstb_v)
        pltpu.async_copy(xs_hbm.at[srcb_v.at[0]], rows0_v, sem0)
        _regcopy_row(dcur0_v, dstb_v, 0)

        def body(i, carry):
            a = 2 * i
            pltpu.async_copy(xs_hbm.at[srcb_v.at[a + 1]], rows1_v, sem1)
            _regcopy_row(dcur1_v, dstb_v, a + 1)
            pltpu.make_async_copy(xs_hbm, rows0_v, sem0).wait()
            pltpu.sync_copy(rows0_v, acc_s.at[dcur0_v], add=True)

            @pl.when(i < npair - 1)
            def _():
                pltpu.async_copy(xs_hbm.at[srcb_v.at[a + 2]], rows0_v, sem0)
                _regcopy_row(dcur0_v, dstb_v, a + 2)

            pltpu.make_async_copy(xs_hbm, rows1_v, sem1).wait()
            pltpu.sync_copy(rows1_v, acc_s.at[dcur1_v], add=True)
            return carry

        lax.fori_loop(0, npair, body, 0)
    plsc.subcore_barrier()
    pltpu.sync_copy(acc_s.at[pl.ds(sid * RPT, RPT)],
                    g_hbm.at[pl.ds(cid * NP + sid * RPT, RPT)])


def _deg_call():
    return pl.kernel(
        _deg_body,
        out_type=jax.ShapeDtypeStruct((4 * NP,), jnp.float32),
        mesh=_sc_mesh(),
        scratch_types=[
            pltpu.VMEM((CPT, C), jnp.int32),
            pltpu.VMEM((CPT, C), jnp.int32),
            pltpu.VMEM((C,), jnp.int32),
            pltpu.VMEM((C,), jnp.int32),
            pltpu.VMEM((C,), jnp.float32),
            pltpu.VMEM_SHARED((2 * NP,), jnp.float32),
            pltpu.VMEM_SHARED((NP,), jnp.float32),
        ],
    )


def _spmm_call():
    return pl.kernel(
        _spmm_body,
        out_type=jax.ShapeDtypeStruct((2 * NP, D), jnp.float32),
        mesh=_sc_mesh(),
        scratch_types=[
            pltpu.VMEM((SPC, C), jnp.int32),
            pltpu.VMEM((SPC, C), jnp.int32),
            pltpu.VMEM((C,), jnp.int32),
            pltpu.VMEM((C,), jnp.int32),
            pltpu.VMEM((C, D), jnp.float32),
            pltpu.VMEM((C, D), jnp.float32),
            pltpu.VMEM_SHARED((NP, D), jnp.float32),
            pltpu.SemaphoreType.DMA,
            pltpu.SemaphoreType.DMA,
        ],
    )


def _prep_body(xp_ref, degc_ref, xs_ref, csd_ref):
    iot = lax.broadcasted_iota(jnp.int32, (NP, 1), 0)
    dg = degc_ref[...]
    valid = (dg > 0) & (iot < N)
    csd = jnp.where(valid, lax.rsqrt(jnp.maximum(dg, 1.0)), 0.0)
    csd_ref[...] = csd
    xpv = xp_ref[...]
    xs_ref[0:NP, :] = xpv * csd[:, 0:1]
    xs_ref[NP:2 * NP, :] = xpv * csd[:, 2:3]


def _dense_mid_body(g_ref, csd_ref, w_ref, b_ref, xsn_ref):
    a0 = g_ref[0:N, :] * csd_ref[0:N, 1:2]
    a1 = g_ref[NP:NP + N, :] * csd_ref[0:N, 3:4]
    t = (jnp.dot(a0, w_ref[0], preferred_element_type=jnp.float32)
         + jnp.dot(a1, w_ref[1], preferred_element_type=jnp.float32)
         + b_ref[0:1, :] + b_ref[1:2, :])
    h = jnp.where(t > 0, t, 0.25 * t)
    xsn_ref[0:N, :] = h * csd_ref[0:N, 0:1]
    xsn_ref[N:NP, :] = jnp.zeros((NP - N, D), jnp.float32)
    xsn_ref[NP:NP + N, :] = h * csd_ref[0:N, 2:3]
    xsn_ref[NP + N:2 * NP, :] = jnp.zeros((NP - N, D), jnp.float32)


def _dense_last_body(g_ref, csd_ref, w_ref, b_ref, h_ref):
    a0 = g_ref[0:N, :] * csd_ref[0:N, 1:2]
    a1 = g_ref[NP:NP + N, :] * csd_ref[0:N, 3:4]
    t = (jnp.dot(a0, w_ref[0], preferred_element_type=jnp.float32)
         + jnp.dot(a1, w_ref[1], preferred_element_type=jnp.float32)
         + b_ref[0:1, :] + b_ref[1:2, :])
    h_ref[...] = jnp.where(t > 0, t, 0.25 * t)


_prep_call = pl.pallas_call(
    _prep_body,
    out_shape=(jax.ShapeDtypeStruct((2 * NP, D), jnp.float32),
               jax.ShapeDtypeStruct((NP, 4), jnp.float32)),
)

_dense_mid_call = pl.pallas_call(
    _dense_mid_body,
    out_shape=jax.ShapeDtypeStruct((2 * NP, D), jnp.float32),
)

_dense_last_call = pl.pallas_call(
    _dense_last_body,
    out_shape=jax.ShapeDtypeStruct((N, D), jnp.float32),
)


def kernel(x, edge_index_r0, edge_index_r1, W1, b1, W2, b2, W3, b3):
    srcs = jnp.stack([edge_index_r0[0], edge_index_r1[0]]).astype(jnp.int32)
    dsts = jnp.stack([edge_index_r0[1], edge_index_r1[1]]).astype(jnp.int32)
    srcs_p = jnp.pad(srcs, ((0, 0), (0, EP - E)), constant_values=N)
    dsts_p = jnp.pad(dsts, ((0, 0), (0, EP - E)), constant_values=N)
    srcs_g = (srcs_p + jnp.array([[0], [NP]], jnp.int32)).reshape(2 * NCH_R, C)
    dsts_g = dsts_p.reshape(2 * NCH_R, C)

    zflat = jnp.zeros((2 * NP,), jnp.float32)
    zrows = jnp.zeros((NP, D), jnp.float32)
    xp = jnp.pad(x.astype(jnp.float32), ((0, NP - N), (0, 0)))

    degs_flat = _deg_call()(srcs_g, dsts_g, zflat)
    degc = degs_flat.reshape(4, NP).T
    xs, csd = _prep_call(xp, degc)

    for li, (W, b) in enumerate(((W1, b1), (W2, b2), (W3, b3))):
        g = _spmm_call()(xs, srcs_g, dsts_g, zrows)
        if li < 2:
            xs = _dense_mid_call(g, csd, W, b)
        else:
            return _dense_last_call(g, csd, W, b)

# --- scband reference (transcript-rebuilt; emitter-appended) ---
"""Pipeline reference for scband-hgcn-convolution-34600256537156 (READ-ONLY COPY).

The authoritative reference and input builder live on the scoring server;
editing this copy changes nothing except your own understanding.
"""

import jax, jax.numpy as jnp
import numpy as np

N = 10000
E = 160000
D = 128
R = 2


def setup_inputs(seed: int = 0):
    key = jax.random.key(seed)
    ks = jax.random.split(key, 10)
    x = jax.random.normal(ks[0], (N, D), dtype=jnp.float32)
    edge_index_r0 = jax.random.randint(ks[1], (2, E), 0, N)
    edge_index_r1 = jax.random.randint(ks[2], (2, E), 0, N)
    W1 = jax.random.normal(ks[3], (R, D, D), dtype=jnp.float32) * 0.05
    b1 = jnp.zeros((R, D), dtype=jnp.float32)
    W2 = jax.random.normal(ks[4], (R, D, D), dtype=jnp.float32) * 0.05
    b2 = jnp.zeros((R, D), dtype=jnp.float32)
    W3 = jax.random.normal(ks[5], (R, D, D), dtype=jnp.float32) * 0.05
    b3 = jnp.zeros((R, D), dtype=jnp.float32)
    return {"x": x, "edge_index_r0": edge_index_r0, "edge_index_r1": edge_index_r1,
            "W1": W1, "b1": b1, "W2": W2, "b2": b2, "W3": W3, "b3": b3}


def _graph_conv(h, src, dst, W, b):
    # DGL GraphConv with norm='both': D_dst^{-1/2} A D_src^{-1/2} (h W) + b
    n = h.shape[0]
    ones = jnp.ones(src.shape[0], dtype=h.dtype)
    deg_out = jax.ops.segment_sum(ones, src, num_segments=n)
    deg_in = jax.ops.segment_sum(ones, dst, num_segments=n)
    cs = jnp.where(deg_out > 0, jax.lax.rsqrt(jnp.maximum(deg_out, 1.0)), 0.0)
    cd = jnp.where(deg_in > 0, jax.lax.rsqrt(jnp.maximum(deg_in, 1.0)), 0.0)
    hs = (h * cs[:, None]) @ W
    msg = hs[src]
    agg = jax.ops.segment_sum(msg, dst, num_segments=n)
    return agg * cd[:, None] + b


def _hetero_layer(h, edges, W, b):
    acc = jnp.zeros((h.shape[0], W.shape[2]), dtype=h.dtype)
    for r, ei in enumerate(edges):
        acc = acc + _graph_conv(h, ei[0], ei[1], W[r], b[r])
    return acc


def reference(x, edge_index_r0, edge_index_r1, W1, b1, W2, b2, W3, b3):
    edges = (edge_index_r0, edge_index_r1)
    h = _hetero_layer(x, edges, W1, b1)
    h = jnp.where(h > 0, h, 0.25 * h)
    # dropout p=0.0 (eval): identity
    h = _hetero_layer(h, edges, W2, b2)
    h = jnp.where(h > 0, h, 0.25 * h)
    h = _hetero_layer(h, edges, W3, b3)
    h = jnp.where(h > 0, h, 0.25 * h)
    return h

if __name__ == "__main__":
    import jax
    _d = setup_inputs()
    print(jax.jit(kernel)(*tuple(_d.values())))

</pallas_src>

<mosaic_0001>
#map = affine_map<(d0, d1) -> (0, 0)>
module attributes {stable_mosaic.version = 14 : i64} {
  func.func @_spmm_body(%arg0: i32, %arg1: i32, %arg2: memref<20480x128xf32, #tpu.memory_space<hbm>>, %arg3: memref<2560x128xi32, #tpu.memory_space<hbm>>, %arg4: memref<2560x128xi32, #tpu.memory_space<hbm>>, %arg5: memref<10240x128xf32, #tpu.memory_space<hbm>>, %arg6: memref<20480x128xf32, #tpu.memory_space<hbm>>, %arg7: memref<40x128xi32, #tpu.memory_space<vmem>>, %arg8: memref<40x128xi32, #tpu.memory_space<vmem>>, %arg9: memref<128xi32, #tpu.memory_space<vmem>>, %arg10: memref<128xi32, #tpu.memory_space<vmem>>, %arg11: memref<128x128xf32, #tpu.memory_space<vmem>>, %arg12: memref<128x128xf32, #tpu.memory_space<vmem>>, %arg13: memref<10240x128xf32, #tpu.memory_space<vmem_shared>>, %arg14: memref<!tpu.dma_semaphore, #tpu.memory_space<semaphore_mem>>, %arg15: memref<!tpu.dma_semaphore, #tpu.memory_space<semaphore_mem>>) attributes {dimension_semantics = [#tpu.dimension_semantics<core_parallel>, #tpu.dimension_semantics<subcore_parallel>], iteration_bounds = array<i64: 2, 16>, scalar_prefetch = 0 : i64, scratch_operands = 9 : i64, tpu.core_type = #tpu.core_type<sc_vector_subcore>, window_params = [{transform_indices = #map}, {transform_indices = #map}, {transform_indices = #map}, {transform_indices = #map}, {transform_indices = #map}]} {
    %mul3A = arith.constant 1280 : i32
    %mul3A_0 = arith.muli %arg0, %mul3A : i32
    %mul3A_1 = arith.constant 80 : i32
    %mul3A_2 = arith.muli %arg1, %mul3A_1 : i32
    %add3A = arith.addi %mul3A_0, %mul3A_2 : i32
    %mul3A_3 = arith.constant 640 : i32
    %mul3A_4 = arith.muli %arg1, %mul3A_3 : i32
    %mul3A_5 = arith.constant 640 : i32
    %mul3A_6 = arith.muli %arg1, %mul3A_5 : i32
    "tpu.region"() ({
      %run_scoped3A = tpu.sem_alloc : memref<!tpu.dma_semaphore, #tpu.memory_space<semaphore_mem>>
      %dma_start3A_185 = arith.constant 0 : i32
      %dma_start3A_186 = tpu.memref_slice %arg13[%mul3A_6, %dma_start3A_185] : memref<10240x128xf32, #tpu.memory_space<vmem_shared>> -> memref<640x128xf32, #tpu.memory_space<vmem_shared>>
      %dma_start3A_187 = arith.constant 0 : i32
      %dma_start3A_188 = tpu.memref_slice %arg5[%mul3A_4, %dma_start3A_187] : memref<10240x128xf32, #tpu.memory_space<hbm>> -> memref<640x128xf32, #tpu.memory_space<hbm>>
      tpu.enqueue_dma source(%dma_start3A_188 : memref<640x128xf32, #tpu.memory_space<hbm>>) target(%dma_start3A_186 : memref<640x128xf32, #tpu.memory_space<vmem_shared>>) target_semaphore(%run_scoped3A : memref<!tpu.dma_semaphore, #tpu.memory_space<semaphore_mem>>)
      %dma_wait3A = arith.constant 0 : i32
      %dma_wait3A_189 = tpu.memref_slice %arg13[%mul3A_6, %dma_wait3A] : memref<10240x128xf32, #tpu.memory_space<vmem_shared>> -> memref<640x128xf32, #tpu.memory_space<vmem_shared>>
      %dma_wait3A_190 = arith.constant 0 : i32
      %dma_wait3A_191 = tpu.memref_slice %arg5[%mul3A_4, %dma_wait3A_190] : memref<10240x128xf32, #tpu.memory_space<hbm>> -> memref<640x128xf32, #tpu.memory_space<hbm>>
      tpu.wait_dma2 semaphore(%run_scoped3A : memref<!tpu.dma_semaphore, #tpu.memory_space<semaphore_mem>>) src(%dma_wait3A_191 : memref<640x128xf32, #tpu.memory_space<hbm>>) dst(%dma_wait3A_189 : memref<640x128xf32, #tpu.memory_space<vmem_shared>>)
      tpu.yield
    }) : () -> ()
    %barrier3A = arith.constant 0 : index
    tpu.barrier barrier_id(%barrier3A)
    %add3A_7 = arith.constant 0 : i32
    %add3A_8 = arith.addi %add3A, %add3A_7 : i32
    "tpu.region"() ({
      %run_scoped3A = tpu.sem_alloc : memref<!tpu.dma_semaphore, #tpu.memory_space<semaphore_mem>>
      %dma_start3A_185 = arith.constant 0 : i32
      %dma_start3A_186 = tpu.memref_slice %arg3[%add3A_8, %dma_start3A_185] : memref<2560x128xi32, #tpu.memory_space<hbm>> -> memref<40x128xi32, #tpu.memory_space<hbm>>
      %dma_start3A_187 = arith.constant 0 : i32
      %dma_start3A_188 = tpu.memref_slice %arg3[%add3A_8, %dma_start3A_187] : memref<2560x128xi32, #tpu.memory_space<hbm>> -> memref<40x128xi32, #tpu.memory_space<hbm>>
      tpu.enqueue_dma source(%dma_start3A_188 : memref<40x128xi32, #tpu.memory_space<hbm>>) target(%arg7 : memref<40x128xi32, #tpu.memory_space<vmem>>) target_semaphore(%run_scoped3A : memref<!tpu.dma_semaphore, #tpu.memory_space<semaphore_mem>>)
      %dma_wait3A = arith.constant 0 : i32
      %dma_wait3A_189 = tpu.memref_slice %arg3[%add3A_8, %dma_wait3A] : memref<2560x128xi32, #tpu.memory_space<hbm>> -> memref<40x128xi32, #tpu.memory_space<hbm>>
      %dma_wait3A_190 = arith.constant 0 : i32
      %dma_wait3A_191 = tpu.memref_slice %arg3[%add3A_8, %dma_wait3A_190] : memref<2560x128xi32, #tpu.memory_space<hbm>> -> memref<40x128xi32, #tpu.memory_space<hbm>>
      tpu.wait_dma2 semaphore(%run_scoped3A : memref<!tpu.dma_semaphore, #tpu.memory_space<semaphore_mem>>) src(%dma_wait3A_191 : memref<40x128xi32, #tpu.memory_space<hbm>>) dst(%arg7 : memref<40x128xi32, #tpu.memory_space<vmem>>)
      tpu.yield
    }) : () -> ()
    "tpu.region"() ({
      %run_scoped3A = tpu.sem_alloc : memref<!tpu.dma_semaphore, #tpu.memory_space<semaphore_mem>>
      %dma_start3A_185 = arith.constant 0 : i32
      %dma_start3A_186 = tpu.memref_slice %arg4[%add3A_8, %dma_start3A_185] : memref<2560x128xi32, #tpu.memory_space<hbm>> -> memref<40x128xi32, #tpu.memory_space<hbm>>
      %dma_start3A_187 = arith.constant 0 : i32
      %dma_start3A_188 = tpu.memref_slice %arg4[%add3A_8, %dma_start3A_187] : memref<2560x128xi32, #tpu.memory_space<hbm>> -> memref<40x128xi32, #tpu.memory_space<hbm>>
      tpu.enqueue_dma source(%dma_start3A_188 : memref<40x128xi32, #tpu.memory_space<hbm>>) target(%arg8 : memref<40x128xi32, #tpu.memory_space<vmem>>) target_semaphore(%run_scoped3A : memref<!tpu.dma_semaphore, #tpu.memory_space<semaphore_mem>>)
      %dma_wait3A = arith.constant 0 : i32
      %dma_wait3A_189 = tpu.memref_slice %arg4[%add3A_8, %dma_wait3A] : memref<2560x128xi32, #tpu.memory_space<hbm>> -> memref<40x128xi32, #tpu.memory_space<hbm>>
      %dma_wait3A_190 = arith.constant 0 : i32
      %dma_wait3A_191 = tpu.memref_slice %arg4[%add3A_8, %dma_wait3A_190] : memref<2560x128xi32, #tpu.memory_space<hbm>> -> memref<40x128xi32, #tpu.memory_space<hbm>>
      tpu.wait_dma2 semaphore(%run_scoped3A : memref<!tpu.dma_semaphore, #tpu.memory_space<semaphore_mem>>) src(%dma_wait3A_191 : memref<40x128xi32, #tpu.memory_space<hbm>>) dst(%arg8 : memref<40x128xi32, #tpu.memory_space<vmem>>)
      tpu.yield
    }) : () -> ()
    %dma_start3A = arith.constant 0 : i32
    %dma_start3A_9 = arith.constant 0 : i32
    %dma_start3A_10 = tpu.memref_slice %arg7[%dma_start3A, %dma_start3A_9] : memref<40x128xi32, #tpu.memory_space<vmem>> -> memref<1x128xi32, #tpu.memory_space<vmem>>
    %dma_start3A_11 = tpu.memref_squeeze %dma_start3A_10 : memref<1x128xi32, #tpu.memory_space<vmem>> -> memref<128xi32, #tpu.memory_space<vmem>>
    %dma_start3A_12 = arith.constant 0 : i32
    %dma_start3A_13 = arith.constant 0 : i32
    %dma_start3A_14 = tpu.memref_slice %arg2[%dma_start3A_12, %dma_start3A_13] : memref<20480x128xf32, #tpu.memory_space<hbm>> -> memref<20480x128xf32, #tpu.memory_space<hbm>>
    tpu.enqueue_indirect_dma source(%dma_start3A_14 : memref<20480x128xf32, #tpu.memory_space<hbm>>) target(%arg11 : memref<128x128xf32, #tpu.memory_space<vmem>>) offsets(%dma_start3A_11 : memref<128xi32, #tpu.memory_space<vmem>>) semaphore(%arg14 : memref<!tpu.dma_semaphore, #tpu.memory_space<semaphore_mem>>)
    %get3A = arith.constant 0 : i32
    %get3A_15 = arith.index_cast %get3A : i32 to index
    %get3A_16 = arith.constant 0 : index
    %get3A_17 = tpu.vector_load %arg8[%get3A_15, %get3A_16] {strides = array<i32>} : memref<40x128xi32, #tpu.memory_space<vmem>>, vector<1x16xi32>,
    %get3A_18 = vector.shape_cast %get3A_17 : vector<1x16xi32> to vector<16xi32>
    %swap3A = arith.constant 0 : index
    %swap3A_19 = tpu.vector_load %arg9[%swap3A] {strides = array<i32>} : memref<128xi32, #tpu.memory_space<vmem>>, vector<16xi32>,
    %swap3A_20 = vector.shape_cast %swap3A_19 : vector<16xi32> to vector<16xi32>
    %swap3A_21 = vector.shape_cast %get3A_18 : vector<16xi32> to vector<16xi32>
    tpu.vector_store %arg9[%swap3A], %swap3A_21 {strides = array<i32>} : memref<128xi32, #tpu.memory_space<vmem>>, vector<16xi32>,
    %get3A_22 = arith.constant 0 : i32
    %get3A_23 = arith.index_cast %get3A_22 : i32 to index
    %get3A_24 = arith.constant 16 : index
    %get3A_25 = tpu.vector_load %arg8[%get3A_23, %get3A_24] {strides = array<i32>} : memref<40x128xi32, #tpu.memory_space<vmem>>, vector<1x16xi32>,
    %get3A_26 = vector.shape_cast %get3A_25 : vector<1x16xi32> to vector<16xi32>
    %swap3A_27 = arith.constant 16 : index
    %swap3A_28 = tpu.vector_load %arg9[%swap3A_27] {strides = array<i32>} : memref<128xi32, #tpu.memory_space<vmem>>, vector<16xi32>,
    %swap3A_29 = vector.shape_cast %swap3A_28 : vector<16xi32> to vector<16xi32>
    %swap3A_30 = vector.shape_cast %get3A_26 : vector<16xi32> to vector<16xi32>
    tpu.vector_store %arg9[%swap3A_27], %swap3A_30 {strides = array<i32>} : memref<128xi32, #tpu.memory_space<vmem>>, vector<16xi32>,
    %get3A_31 = arith.constant 0 : i32
    %get3A_32 = arith.index_cast %get3A_31 : i32 to index
    %get3A_33 = arith.constant 32 : index
    %get3A_34 = tpu.vector_load %arg8[%get3A_32, %get3A_33] {strides = array<i32>} : memref<40x128xi32, #tpu.memory_space<vmem>>, vector<1x16xi32>,
    %get3A_35 = vector.shape_cast %get3A_34 : vector<1x16xi32> to vector<16xi32>
    %swap3A_36 = arith.constant 32 : index
    %swap3A_37 = tpu.vector_load %arg9[%swap3A_36] {strides = array<i32>} : memref<128xi32, #tpu.memory_space<vmem>>, vector<16xi32>,
    %swap3A_38 = vector.shape_cast %swap3A_37 : vector<16xi32> to vector<16xi32>
    %swap3A_39 = vector.shape_cast %get3A_35 : vector<16xi32> to vector<16xi32>
    tpu.vector_store %arg9[%swap3A_36], %swap3A_39 {strides = array<i32>} : memref<128xi32, #tpu.memory_space<vmem>>, vector<16xi32>,
    %get3A_40 = arith.constant 0 : i32
    %get3A_41 = arith.index_cast %get3A_40 : i32 to index
    %get3A_42 = arith.constant 48 : index
    %get3A_43 = tpu.vector_load %arg8[%get3A_41, %get3A_42] {strides = array<i32>} : memref<40x128xi32, #tpu.memory_space<vmem>>, vector<1x16xi32>,
    %get3A_44 = vector.shape_cast %get3A_43 : vector<1x16xi32> to vector<16xi32>
    %swap3A_45 = arith.constant 48 : index
    %swap3A_46 = tpu.vector_load %arg9[%swap3A_45] {strides = array<i32>} : memref<128xi32, #tpu.memory_space<vmem>>, vector<16xi32>,
    %swap3A_47 = vector.shape_cast %swap3A_46 : vector<16xi32> to vector<16xi32>
    %swap3A_48 = vector.shape_cast %get3A_44 : vector<16xi32> to vector<16xi32>
    tpu.vector_store %arg9[%swap3A_45], %swap3A_48 {strides = array<i32>} : memref<128xi32, #tpu.memory_space<vmem>>, vector<16xi32>,
    %get3A_49 = arith.constant 0 : i32
    %get3A_50 = arith.index_cast %get3A_49 : i32 to index
    %get3A_51 = arith.constant 64 : index
    %get3A_52 = tpu.vector_load %arg8[%get3A_50, %get3A_51] {strides = array<i32>} : memref<40x128xi32, #tpu.memory_space<vmem>>, vector<1x16xi32>,
    %get3A_53 = vector.shape_cast %get3A_52 : vector<1x16xi32> to vector<16xi32>
    %swap3A_54 = arith.constant 64 : index
    %swap3A_55 = tpu.vector_load %arg9[%swap3A_54] {strides = array<i32>} : memref<128xi32, #tpu.memory_space<vmem>>, vector<16xi32>,
    %swap3A_56 = vector.shape_cast %swap3A_55 : vector<16xi32> to vector<16xi32>
    %swap3A_57 = vector.shape_cast %get3A_53 : vector<16xi32> to vector<16xi32>
    tpu.vector_store %arg9[%swap3A_54], %swap3A_57 {strides = array<i32>} : memref<128xi32, #tpu.memory_space<vmem>>, vector<16xi32>,
    %get3A_58 = arith.constant 0 : i32
    %get3A_59 = arith.index_cast %get3A_58 : i32 to index
    %get3A_60 = arith.constant 80 : index
    %get3A_61 = tpu.vector_load %arg8[%get3A_59, %get3A_60] {strides = array<i32>} : memref<40x128xi32, #tpu.memory_space<vmem>>, vector<1x16xi32>,
    %get3A_62 = vector.shape_cast %get3A_61 : vector<1x16xi32> to vector<16xi32>
    %swap3A_63 = arith.constant 80 : index
    %swap3A_64 = tpu.vector_load %arg9[%swap3A_63] {strides = array<i32>} : memref<128xi32, #tpu.memory_space<vmem>>, vector<16xi32>,
    %swap3A_65 = vector.shape_cast %swap3A_64 : vector<16xi32> to vector<16xi32>
    %swap3A_66 = vector.shape_cast %get3A_62 : vector<16xi32> to vector<16xi32>
    tpu.vector_store %arg9[%swap3A_63], %swap3A_66 {strides = array<i32>} : memref<128xi32, #tpu.memory_space<vmem>>, vector<16xi32>,
    %get3A_67 = arith.constant 0 : i32
    %get3A_68 = arith.index_cast %get3A_67 : i32 to index
    %get3A_69 = arith.constant 96 : index
    %get3A_70 = tpu.vector_load %arg8[%get3A_68, %get3A_69] {strides = array<i32>} : memref<40x128xi32, #tpu.memory_space<vmem>>, vector<1x16xi32>,
    %get3A_71 = vector.shape_cast %get3A_70 : vector<1x16xi32> to vector<16xi32>
    %swap3A_72 = arith.constant 96 : index
    %swap3A_73 = tpu.vector_load %arg9[%swap3A_72] {strides = array<i32>} : memref<128xi32, #tpu.memory_space<vmem>>, vector<16xi32>,
    %swap3A_74 = vector.shape_cast %swap3A_73 : vector<16xi32> to vector<16xi32>
    %swap3A_75 = vector.shape_cast %get3A_71 : vector<16xi32> to vector<16xi32>
    tpu.vector_store %arg9[%swap3A_72], %swap3A_75 {strides = array<i32>} : memref<128xi32, #tpu.memory_space<vmem>>, vector<16xi32>,
    %get3A_76 = arith.constant 0 : i32
    %get3A_77 = arith.index_cast %get3A_76 : i32 to index
    %get3A_78 = arith.constant 112 : index
    %get3A_79 = tpu.vector_load %arg8[%get3A_77, %get3A_78] {strides = array<i32>} : memref<40x128xi32, #tpu.memory_space<vmem>>, vector<1x16xi32>,
    %get3A_80 = vector.shape_cast %get3A_79 : vector<1x16xi32> to vector<16xi32>
    %swap3A_81 = arith.constant 112 : index
    %swap3A_82 = tpu.vector_load %arg9[%swap3A_81] {strides = array<i32>} : memref<128xi32, #tpu.memory_space<vmem>>, vector<16xi32>,
    %swap3A_83 = vector.shape_cast %swap3A_82 : vector<16xi32> to vector<16xi32>
    %swap3A_84 = vector.shape_cast %get3A_80 : vector<16xi32> to vector<16xi32>
    tpu.vector_store %arg9[%swap3A_81], %swap3A_84 {strides = array<i32>} : memref<128xi32, #tpu.memory_space<vmem>>, vector<16xi32>,
    %scan3A = arith.constant 0 : i32
    %scan3A_85 = arith.constant 0 : i32
    %scan3A_86 = arith.constant 20 : i32
    %scan3A_87 = arith.addi %scan3A_85, %scan3A_86 : i32
    %scan3A_88 = arith.constant 1 : i32
    scf.for %scan3A_185 = %scan3A_85 to %scan3A_87 step %scan3A_88  : i32 {
      %mul3A_186 = arith.constant 2 : i32
      %mul3A_187 = arith.muli %mul3A_186, %scan3A_185 : i32
      %add3A_188 = arith.constant 1 : i32
      %add3A_189 = arith.addi %mul3A_187, %add3A_188 : i32
      %dma_start3A_190 = arith.constant 0 : i32
      %dma_start3A_191 = tpu.memref_slice %arg7[%add3A_189, %dma_start3A_190] : memref<40x128xi32, #tpu.memory_space<vmem>> -> memref<1x128xi32, #tpu.memory_space<vmem>>
      %dma_start3A_192 = tpu.memref_squeeze %dma_start3A_191 : memref<1x128xi32, #tpu.memory_space<vmem>> -> memref<128xi32, #tpu.memory_space<vmem>>
      %dma_start3A_193 = arith.constant 0 : i32
      %dma_start3A_194 = arith.constant 0 : i32
      %dma_start3A_195 = tpu.memref_slice %arg2[%dma_start3A_193, %dma_start3A_194] : memref<20480x128xf32, #tpu.memory_space<hbm>> -> memref<20480x128xf32, #tpu.memory_space<hbm>>
      tpu.enqueue_indirect_dma source(%dma_start3A_195 : memref<20480x128xf32, #tpu.memory_space<hbm>>) target(%arg12 : memref<128x128xf32, #tpu.memory_space<vmem>>) offsets(%dma_start3A_192 : memref<128xi32, #tpu.memory_space<vmem>>) semaphore(%arg15 : memref<!tpu.dma_semaphore, #tpu.memory_space<semaphore_mem>>)
      %add3A_196 = arith.constant 1 : i32
      %add3A_197 = arith.addi %mul3A_187, %add3A_196 : i32
      %get3A_198 = arith.index_cast %add3A_197 : i32 to index
      %get3A_199 = arith.constant 0 : index
      %get3A_200 = tpu.vector_load %arg8[%get3A_198, %get3A_199] {strides = array<i32>} : memref<40x128xi32, #tpu.memory_space<vmem>>, vector<1x16xi32>,
      %get3A_201 = vector.shape_cast %get3A_200 : vector<1x16xi32> to vector<16xi32>
      %swap3A_202 = arith.constant 0 : index
      %swap3A_203 = tpu.vector_load %arg10[%swap3A_202] {strides = array<i32>} : memref<128xi32, #tpu.memory_space<vmem>>, vector<16xi32>,
      %swap3A_204 = vector.shape_cast %swap3A_203 : vector<16xi32> to vector<16xi32>
      %swap3A_205 = vector.shape_cast %get3A_201 : vector<16xi32> to vector<16xi32>
      tpu.vector_store %arg10[%swap3A_202], %swap3A_205 {strides = array<i32>} : memref<128xi32, #tpu.memory_space<vmem>>, vector<16xi32>,
      %get3A_206 = arith.index_cast %add3A_197 : i32 to index
      %get3A_207 = arith.constant 16 : index
      %get3A_208 = tpu.vector_load %arg8[%get3A_206, %get3A_207] {strides = array<i32>} : memref<40x128xi32, #tpu.memory_space<vmem>>, vector<1x16xi32>,
      %get3A_209 = vector.shape_cast %get3A_208 : vector<1x16xi32> to vector<16xi32>
      %swap3A_210 = arith.constant 16 : index
      %swap3A_211 = tpu.vector_load %arg10[%swap3A_210] {strides = array<i32>} : memref<128xi32, #tpu.memory_space<vmem>>, vector<16xi32>,
      %swap3A_212 = vector.shape_cast %swap3A_211 : vector<16xi32> to vector<16xi32>
      %swap3A_213 = vector.shape_cast %get3A_209 : vector<16xi32> to vector<16xi32>
      tpu.vector_store %arg10[%swap3A_210], %swap3A_213 {strides = array<i32>} : memref<128xi32, #tpu.memory_space<vmem>>, vector<16xi32>,
      %get3A_214 = arith.index_cast %add3A_197 : i32 to index
      %get3A_215 = arith.constant 32 : index
      %get3A_216 = tpu.vector_load %arg8[%get3A_214, %get3A_215] {strides = array<i32>} : memref<40x128xi32, #tpu.memory_space<vmem>>, vector<1x16xi32>,
      %get3A_217 = vector.shape_cast %get3A_216 : vector<1x16xi32> to vector<16xi32>
      %swap3A_218 = arith.constant 32 : index
      %swap3A_219 = tpu.vector_load %arg10[%swap3A_218] {strides = array<i32>} : memref<128xi32, #tpu.memory_space<vmem>>, vector<16xi32>,
      %swap3A_220 = vector.shape_cast %swap3A_219 : vector<16xi32> to vector<16xi32>
      %swap3A_221 = vector.shape_cast %get3A_217 : vector<16xi32> to vector<16xi32>
      tpu.vector_store %arg10[%swap3A_218], %swap3A_221 {strides = array<i32>} : memref<128xi32, #tpu.memory_space<vmem>>, vector<16xi32>,
      %get3A_222 = arith.index_cast %add3A_197 : i32 to index
      %get3A_223 = arith.constant 48 : index
      %get3A_224 = tpu.vector_load %arg8[%get3A_222, %get3A_223] {strides = array<i32>} : memref<40x128xi32, #tpu.memory_space<vmem>>, vector<1x16xi32>,
      %get3A_225 = vector.shape_cast %get3A_224 : vector<1x16xi32> to vector<16xi32>
      %swap3A_226 = arith.constant 48 : index
      %swap3A_227 = tpu.vector_load %arg10[%swap3A_226] {strides = array<i32>} : memref<128xi32, #tpu.memory_space<vmem>>, vector<16xi32>,
      %swap3A_228 = vector.shape_cast %swap3A_227 : vector<16xi32> to vector<16xi32>
      %swap3A_229 = vector.shape_cast %get3A_225 : vector<16xi32> to vector<16xi32>
      tpu.vector_store %arg10[%swap3A_226], %swap3A_229 {strides = array<i32>} : memref<128xi32, #tpu.memory_space<vmem>>, vector<16xi32>,
      %get3A_230 = arith.index_cast %add3A_197 : i32 to index
      %get3A_231 = arith.constant 64 : index
      %get3A_232 = tpu.vector_load %arg8[%get3A_230, %get3A_231] {strides = array<i32>} : memref<40x128xi32, #tpu.memory_space<vmem>>, vector<1x16xi32>,
      %get3A_233 = vector.shape_cast %get3A_232 : vector<1x16xi32> to vector<16xi32>
      %swap3A_234 = arith.constant 64 : index
      %swap3A_235 = tpu.vector_load %arg10[%swap3A_234] {strides = array<i32>} : memref<128xi32, #tpu.memory_space<vmem>>, vector<16xi32>,
      %swap3A_236 = vector.shape_cast %swap3A_235 : vector<16xi32> to vector<16xi32>
      %swap3A_237 = vector.shape_cast %get3A_233 : vector<16xi32> to vector<16xi32>
      tpu.vector_store %arg10[%swap3A_234], %swap3A_237 {strides = array<i32>} : memref<128xi32, #tpu.memory_space<vmem>>, vector<16xi32>,
      %get3A_238 = arith.index_cast %add3A_197 : i32 to index
      %get3A_239 = arith.constant 80 : index
      %get3A_240 = tpu.vector_load %arg8[%get3A_238, %get3A_239] {strides = array<i32>} : memref<40x128xi32, #tpu.memory_space<vmem>>, vector<1x16xi32>,
      %get3A_241 = vector.shape_cast %get3A_240 : vector<1x16xi32> to vector<16xi32>
      %swap3A_242 = arith.constant 80 : index
      %swap3A_243 = tpu.vector_load %arg10[%swap3A_242] {strides = array<i32>} : memref<128xi32, #tpu.memory_space<vmem>>, vector<16xi32>,
      %swap3A_244 = vector.shape_cast %swap3A_243 : vector<16xi32> to vector<16xi32>
      %swap3A_245 = vector.shape_cast %get3A_241 : vector<16xi32> to vector<16xi32>
      tpu.vector_store %arg10[%swap3A_242], %swap3A_245 {strides = array<i32>} : memref<128xi32, #tpu.memory_space<vmem>>, vector<16xi32>,
      %get3A_246 = arith.index_cast %add3A_197 : i32 to index
      %get3A_247 = arith.constant 96 : index
      %get3A_248 = tpu.vector_load %arg8[%get3A_246, %get3A_247] {strides = array<i32>} : memref<40x128xi32, #tpu.memory_space<vmem>>, vector<1x16xi32>,
      %get3A_249 = vector.shape_cast %get3A_248 : vector<1x16xi32> to vector<16xi32>
      %swap3A_250 = arith.constant 96 : index
      %swap3A_251 = tpu.vector_load %arg10[%swap3A_250] {strides = array<i32>} : memref<128xi32, #tpu.memory_space<vmem>>, vector<16xi32>,
      %swap3A_252 = vector.shape_cast %swap3A_251 : vector<16xi32> to vector<16xi32>
      %swap3A_253 = vector.shape_cast %get3A_249 : vector<16xi32> to vector<16xi32>
      tpu.vector_store %arg10[%swap3A_250], %swap3A_253 {strides = array<i32>} : memref<128xi32, #tpu.memory_space<vmem>>, vector<16xi32>,
      %get3A_254 = arith.index_cast %add3A_197 : i32 to index
      %get3A_255 = arith.constant 112 : index
      %get3A_256 = tpu.vector_load %arg8[%get3A_254, %get3A_255] {strides = array<i32>} : memref<40x128xi32, #tpu.memory_space<vmem>>, vector<1x16xi32>,
      %get3A_257 = vector.shape_cast %get3A_256 : vector<1x16xi32> to vector<16xi32>
      %swap3A_258 = arith.constant 112 : index
      %swap3A_259 = tpu.vector_load %arg10[%swap3A_258] {strides = array<i32>} : memref<128xi32, #tpu.memory_space<vmem>>, vector<16xi32>,
      %swap3A_260 = vector.shape_cast %swap3A_259 : vector<16xi32> to vector<16xi32>
      %swap3A_261 = vector.shape_cast %get3A_257 : vector<16xi32> to vector<16xi32>
      tpu.vector_store %arg10[%swap3A_258], %swap3A_261 {strides = array<i32>} : memref<128xi32, #tpu.memory_space<vmem>>, vector<16xi32>,
      tpu.wait_dma2 semaphore(%arg14 : memref<!tpu.dma_semaphore, #tpu.memory_space<semaphore_mem>>) src(%arg2 : memref<20480x128xf32, #tpu.memory_space<hbm>>) dst(%arg11 : memref<128x128xf32, #tpu.memory_space<vmem>>)
      "tpu.region"() ({
        %run_scoped3A = tpu.sem_alloc : memref<!tpu.dma_semaphore, #tpu.memory_space<semaphore_mem>>
        %dma_start3A_264 = arith.constant 0 : i32
        %dma_start3A_265 = arith.constant 0 : i32
        %dma_start3A_266 = tpu.memref_slice %arg13[%dma_start3A_264, %dma_start3A_265] : memref<10240x128xf32, #tpu.memory_space<vmem_shared>> -> memref<10240x128xf32, #tpu.memory_space<vmem_shared>>
        tpu.enqueue_indirect_dma source(%arg11 : memref<128x128xf32, #tpu.memory_space<vmem>>) target(%dma_start3A_266 : memref<10240x128xf32, #tpu.memory_space<vmem_shared>>) offsets(%arg9 : memref<128xi32, #tpu.memory_space<vmem>>) semaphore(%run_scoped3A : memref<!tpu.dma_semaphore, #tpu.memory_space<semaphore_mem>>) {add = true}
        %dma_wait3A = arith.constant 0 : i32
        %dma_wait3A_267 = arith.constant 0 : i32
        %dma_wait3A_268 = tpu.memref_slice %arg13[%dma_wait3A, %dma_wait3A_267] : memref<10240x128xf32, #tpu.memory_space<vmem_shared>> -> memref<10240x128xf32, #tpu.memory_space<vmem_shared>>
        tpu.wait_indirect_dma semaphore(%run_scoped3A : memref<!tpu.dma_semaphore, #tpu.memory_space<semaphore_mem>>) src(%arg11 : memref<128x128xf32, #tpu.memory_space<vmem>>) dst(%dma_wait3A_268 : memref<10240x128xf32, #tpu.memory_space<vmem_shared>>)
        tpu.yield
      }) : () -> ()
      %lt3A = arith.constant 19 : i32
      %lt3A_262 = arith.cmpi slt, %scan3A_185, %lt3A : i32
      %convert_element_type3A = arith.extui %lt3A_262 : i1 to i32
      %cond3A = arith.constant 0 : i32
      %cond3A_263 = arith.cmpi ne, %convert_element_type3A, %cond3A : i32
      scf.if %cond3A_263 {
        %add3A_264 = arith.constant 2 : i32
        %add3A_265 = arith.addi %mul3A_187, %add3A_264 : i32
        %dma_start3A_266 = arith.constant 0 : i32
        %dma_start3A_267 = tpu.memref_slice %arg7[%add3A_265, %dma_start3A_266] : memref<40x128xi32, #tpu.memory_space<vmem>> -> memref<1x128xi32, #tpu.memory_space<vmem>>
        %dma_start3A_268 = tpu.memref_squeeze %dma_start3A_267 : memref<1x128xi32, #tpu.memory_space<vmem>> -> memref<128xi32, #tpu.memory_space<vmem>>
        %dma_start3A_269 = arith.constant 0 : i32
        %dma_start3A_270 = arith.constant 0 : i32
        %dma_start3A_271 = tpu.memref_slice %arg2[%dma_start3A_269, %dma_start3A_270] : memref<20480x128xf32, #tpu.memory_space<hbm>> -> memref<20480x128xf32, #tpu.memory_space<hbm>>
        tpu.enqueue_indirect_dma source(%dma_start3A_271 : memref<20480x128xf32, #tpu.memory_space<hbm>>) target(%arg11 : memref<128x128xf32, #tpu.memory_space<vmem>>) offsets(%dma_start3A_268 : memref<128xi32, #tpu.memory_space<vmem>>) semaphore(%arg14 : memref<!tpu.dma_semaphore, #tpu.memory_space<semaphore_mem>>)
        %add3A_272 = arith.constant 2 : i32
        %add3A_273 = arith.addi %mul3A_187, %add3A_272 : i32
        %get3A_274 = arith.index_cast %add3A_273 : i32 to index
        %get3A_275 = arith.constant 0 : index
        %get3A_276 = tpu.vector_load %arg8[%get3A_274, %get3A_275] {strides = array<i32>} : memref<40x128xi32, #tpu.memory_space<vmem>>, vector<1x16xi32>,
        %get3A_277 = vector.shape_cast %get3A_276 : vector<1x16xi32> to vector<16xi32>
        %swap3A_278 = arith.constant 0 : index
        %swap3A_279 = tpu.vector_load %arg9[%swap3A_278] {strides = array<i32>} : memref<128xi32, #tpu.memory_space<vmem>>, vector<16xi32>,
        %swap3A_280 = vector.shape_cast %swap3A_279 : vector<16xi32> to vector<16xi32>
        %swap3A_281 = vector.shape_cast %get3A_277 : vector<16xi32> to vector<16xi32>
        tpu.vector_store %arg9[%swap3A_278], %swap3A_281 {strides = array<i32>} : memref<128xi32, #tpu.memory_space<vmem>>, vector<16xi32>,
        %get3A_282 = arith.index_cast %add3A_273 : i32 to index
        %get3A_283 = arith.constant 16 : index
        %get3A_284 = tpu.vector_load %arg8[%get3A_282, %get3A_283] {strides = array<i32>} : memref<40x128xi32, #tpu.memory_space<vmem>>, vector<1x16xi32>,
        %get3A_285 = vector.shape_cast %get3A_284 : vector<1x16xi32> to vector<16xi32>
        %swap3A_286 = arith.constant 16 : index
        %swap3A_287 = tpu.vector_load %arg9[%swap3A_286] {strides = array<i32>} : memref<128xi32, #tpu.memory_space<vmem>>, vector<16xi32>,
        %swap3A_288 = vector.shape_cast %swap3A_287 : vector<16xi32> to vector<16xi32>
        %swap3A_289 = vector.shape_cast %get3A_285 : vector<16xi32> to vector<16xi32>
        tpu.vector_store %arg9[%swap3A_286], %swap3A_289 {strides = array<i32>} : memref<128xi32, #tpu.memory_space<vmem>>, vector<16xi32>,
        %get3A_290 = arith.index_cast %add3A_273 : i32 to index
        %get3A_291 = arith.constant 32 : index
        %get3A_292 = tpu.vector_load %arg8[%get3A_290, %get3A_291] {strides = array<i32>} : memref<40x128xi32, #tpu.memory_space<vmem>>, vector<1x16xi32>,
        %get3A_293 = vector.shape_cast %get3A_292 : vector<1x16xi32> to vector<16xi32>
        %swap3A_294 = arith.constant 32 : index
        %swap3A_295 = tpu.vector_load %arg9[%swap3A_294] {strides = array<i32>} : memref<128xi32, #tpu.memory_space<vmem>>, vector<16xi32>,
        %swap3A_296 = vector.shape_cast %swap3A_295 : vector<16xi32> to vector<16xi32>
        %swap3A_297 = vector.shape_cast %get3A_293 : vector<16xi32> to vector<16xi32>
        tpu.vector_store %arg9[%swap3A_294], %swap3A_297 {strides = array<i32>} : memref<128xi32, #tpu.memory_space<vmem>>, vector<16xi32>,
        %get3A_298 = arith.index_cast %add3A_273 : i32 to index
        %get3A_299 = arith.constant 48 : index
        %get3A_300 = tpu.vector_load %arg8[%get3A_298, %get3A_299] {strides = array<i32>} : memref<40x128xi32, #tpu.memory_space<vmem>>, vector<1x16xi32>,
        %get3A_301 = vector.shape_cast %get3A_300 : vector<1x16xi32> to vector<16xi32>
        %swap3A_302 = arith.constant 48 : index
        %swap3A_303 = tpu.vector_load %arg9[%swap3A_302] {strides = array<i32>} : memref<128xi32, #tpu.memory_space<vmem>>, vector<16xi32>,
        %swap3A_304 = vector.shape_cast %swap3A_303 : vector<16xi32> to vector<16xi32>
        %swap3A_305 = vector.shape_cast %get3A_301 : vector<16xi32> to vector<16xi32>
        tpu.vector_store %arg9[%swap3A_302], %swap3A_305 {strides = array<i32>} : memref<128xi32, #tpu.memory_space<vmem>>, vector<16xi32>,
        %get3A_306 = arith.index_cast %add3A_273 : i32 to index
        %get3A_307 = arith.constant 64 : index
        %get3A_308 = tpu.vector_load %arg8[%get3A_306, %get3A_307] {strides = array<i32>} : memref<40x128xi32, #tpu.memory_space<vmem>>, vector<1x16xi32>,
        %get3A_309 = vector.shape_cast %get3A_308 : vector<1x16xi32> to vector<16xi32>
        %swap3A_310 = arith.constant 64 : index
        %swap3A_311 = tpu.vector_load %arg9[%swap3A_310] {strides = array<i32>} : memref<128xi32, #tpu.memory_space<vmem>>, vector<16xi32>,
        %swap3A_312 = vector.shape_cast %swap3A_311 : vector<16xi32> to vector<16xi32>
        %swap3A_313 = vector.shape_cast %get3A_309 : vector<16xi32> to vector<16xi32>
        tpu.vector_store %arg9[%swap3A_310], %swap3A_313 {strides = array<i32>} : memref<128xi32, #tpu.memory_space<vmem>>, vector<16xi32>,
        %get3A_314 = arith.index_cast %add3A_273 : i32 to index
        %get3A_315 = arith.constant 80 : index
        %get3A_316 = tpu.vector_load %arg8[%get3A_314, %get3A_315] {strides = array<i32>} : memref<40x128xi32, #tpu.memory_space<vmem>>, vector<1x16xi32>,
        %get3A_317 = vector.shape_cast %get3A_316 : vector<1x16xi32> to vector<16xi32>
        %swap3A_318 = arith.constant 80 : index
        %swap3A_319 = tpu.vector_load %arg9[%swap3A_318] {strides = array<i32>} : memref<128xi32, #tpu.memory_space<vmem>>, vector<16xi32>,
        %swap3A_320 = vector.shape_cast %swap3A_319 : vector<16xi32> to vector<16xi32>
        %swap3A_321 = vector.shape_cast %get3A_317 : vector<16xi32> to vector<16xi32>
        tpu.vector_store %arg9[%swap3A_318], %swap3A_321 {strides = array<i32>} : memref<128xi32, #tpu.memory_space<vmem>>, vector<16xi32>,
        %get3A_322 = arith.index_cast %add3A_273 : i32 to index
        %get3A_323 = arith.constant 96 : index
        %get3A_324 = tpu.vector_load %arg8[%get3A_322, %get3A_323] {strides = array<i32>} : memref<40x128xi32, #tpu.memory_space<vmem>>, vector<1x16xi32>,
        %get3A_325 = vector.shape_cast %get3A_324 : vector<1x16xi32> to vector<16xi32>
        %swap3A_326 = arith.constant 96 : index
        %swap3A_327 = tpu.vector_load %arg9[%swap3A_326] {strides = array<i32>} : memref<128xi32, #tpu.memory_space<vmem>>, vector<16xi32>,
        %swap3A_328 = vector.shape_cast %swap3A_327 : vector<16xi32> to vector<16xi32>
        %swap3A_329 = vector.shape_cast %get3A_325 : vector<16xi32> to vector<16xi32>
        tpu.vector_store %arg9[%swap3A_326], %swap3A_329 {strides = array<i32>} : memref<128xi32, #tpu.memory_space<vmem>>, vector<16xi32>,
        %get3A_330 = arith.index_cast %add3A_273 : i32 to index
        %get3A_331 = arith.constant 112 : index
        %get3A_332 = tpu.vector_load %arg8[%get3A_330, %get3A_331] {strides = array<i32>} : memref<40x128xi32, #tpu.memory_space<vmem>>, vector<1x16xi32>,
        %get3A_333 = vector.shape_cast %get3A_332 : vector<1x16xi32> to vector<16xi32>
        %swap3A_334 = arith.constant 112 : index
        %swap3A_335 = tpu.vector_load %arg9[%swap3A_334] {strides = array<i32>} : memref<128xi32, #tpu.memory_space<vmem>>, vector<16xi32>,
        %swap3A_336 = vector.shape_cast %swap3A_335 : vector<16xi32> to vector<16xi32>
        %swap3A_337 = vector.shape_cast %get3A_333 : vector<16xi32> to vector<16xi32>
        tpu.vector_store %arg9[%swap3A_334], %swap3A_337 {strides = array<i32>} : memref<128xi32, #tpu.memory_space<vmem>>, vector<16xi32>,
      } else {
      }
      tpu.wait_dma2 semaphore(%arg15 : memref<!tpu.dma_semaphore, #tpu.memory_space<semaphore_mem>>) src(%arg2 : memref<20480x128xf32, #tpu.memory_space<hbm>>) dst(%arg12 : memref<128x128xf32, #tpu.memory_space<vmem>>)
      "tpu.region"() ({
        %run_scoped3A = tpu.sem_alloc : memref<!tpu.dma_semaphore, #tpu.memory_space<semaphore_mem>>
        %dma_start3A_264 = arith.constant 0 : i32
        %dma_start3A_265 = arith.constant 0 : i32
        %dma_start3A_266 = tpu.memref_slice %arg13[%dma_start3A_264, %dma_start3A_265] : memref<10240x128xf32, #tpu.memory_space<vmem_shared>> -> memref<10240x128xf32, #tpu.memory_space<vmem_shared>>
        tpu.enqueue_indirect_dma source(%arg12 : memref<128x128xf32, #tpu.memory_space<vmem>>) target(%dma_start3A_266 : memref<10240x128xf32, #tpu.memory_space<vmem_shared>>) offsets(%arg10 : memref<128xi32, #tpu.memory_space<vmem>>) semaphore(%run_scoped3A : memref<!tpu.dma_semaphore, #tpu.memory_space<semaphore_mem>>) {add = true}
        %dma_wait3A = arith.constant 0 : i32
        %dma_wait3A_267 = arith.constant 0 : i32
        %dma_wait3A_268 = tpu.memref_slice %arg13[%dma_wait3A, %dma_wait3A_267] : memref<10240x128xf32, #tpu.memory_space<vmem_shared>> -> memref<10240x128xf32, #tpu.memory_space<vmem_shared>>
        tpu.wait_indirect_dma semaphore(%run_scoped3A : memref<!tpu.dma_semaphore, #tpu.memory_space<semaphore_mem>>) src(%arg12 : memref<128x128xf32, #tpu.memory_space<vmem>>) dst(%dma_wait3A_268 : memref<10240x128xf32, #tpu.memory_space<vmem_shared>>)
        tpu.yield
      }) : () -> ()
    }
    %scan3A_89 = arith.constant 20 : i32
    %add3A_90 = arith.constant 40 : i32
    %add3A_91 = arith.addi %add3A, %add3A_90 : i32
    "tpu.region"() ({
      %run_scoped3A = tpu.sem_alloc : memref<!tpu.dma_semaphore, #tpu.memory_space<semaphore_mem>>
      %dma_start3A_185 = arith.constant 0 : i32
      %dma_start3A_186 = tpu.memref_slice %arg3[%add3A_91, %dma_start3A_185] : memref<2560x128xi32, #tpu.memory_space<hbm>> -> memref<40x128xi32, #tpu.memory_space<hbm>>
      %dma_start3A_187 = arith.constant 0 : i32
      %dma_start3A_188 = tpu.memref_slice %arg3[%add3A_91, %dma_start3A_187] : memref<2560x128xi32, #tpu.memory_space<hbm>> -> memref<40x128xi32, #tpu.memory_space<hbm>>
      tpu.enqueue_dma source(%dma_start3A_188 : memref<40x128xi32, #tpu.memory_space<hbm>>) target(%arg7 : memref<40x128xi32, #tpu.memory_space<vmem>>) target_semaphore(%run_scoped3A : memref<!tpu.dma_semaphore, #tpu.memory_space<semaphore_mem>>)
      %dma_wait3A = arith.constant 0 : i32
      %dma_wait3A_189 = tpu.memref_slice %arg3[%add3A_91, %dma_wait3A] : memref<2560x128xi32, #tpu.memory_space<hbm>> -> memref<40x128xi32, #tpu.memory_space<hbm>>
      %dma_wait3A_190 = arith.constant 0 : i32
      %dma_wait3A_191 = tpu.memref_slice %arg3[%add3A_91, %dma_wait3A_190] : memref<2560x128xi32, #tpu.memory_space<hbm>> -> memref<40x128xi32, #tpu.memory_space<hbm>>
      tpu.wait_dma2 semaphore(%run_scoped3A : memref<!tpu.dma_semaphore, #tpu.memory_space<semaphore_mem>>) src(%dma_wait3A_191 : memref<40x128xi32, #tpu.memory_space<hbm>>) dst(%arg7 : memref<40x128xi32, #tpu.memory_space<vmem>>)
      tpu.yield
    }) : () -> ()
    "tpu.region"() ({
      %run_scoped3A = tpu.sem_alloc : memref<!tpu.dma_semaphore, #tpu.memory_space<semaphore_mem>>
      %dma_start3A_185 = arith.constant 0 : i32
      %dma_start3A_186 = tpu.memref_slice %arg4[%add3A_91, %dma_start3A_185] : memref<2560x128xi32, #tpu.memory_space<hbm>> -> memref<40x128xi32, #tpu.memory_space<hbm>>
      %dma_start3A_187 = arith.constant 0 : i32
      %dma_start3A_188 = tpu.memref_slice %arg4[%add3A_91, %dma_start3A_187] : memref<2560x128xi32, #tpu.memory_space<hbm>> -> memref<40x128xi32, #tpu.memory_space<hbm>>
      tpu.enqueue_dma source(%dma_start3A_188 : memref<40x128xi32, #tpu.memory_space<hbm>>) target(%arg8 : memref<40x128xi32, #tpu.memory_space<vmem>>) target_semaphore(%run_scoped3A : memref<!tpu.dma_semaphore, #tpu.memory_space<semaphore_mem>>)
      %dma_wait3A = arith.constant 0 : i32
      %dma_wait3A_189 = tpu.memref_slice %arg4[%add3A_91, %dma_wait3A] : memref<2560x128xi32, #tpu.memory_space<hbm>> -> memref<40x128xi32, #tpu.memory_space<hbm>>
      %dma_wait3A_190 = arith.constant 0 : i32
      %dma_wait3A_191 = tpu.memref_slice %arg4[%add3A_91, %dma_wait3A_190] : memref<2560x128xi32, #tpu.memory_space<hbm>> -> memref<40x128xi32, #tpu.memory_space<hbm>>
      tpu.wait_dma2 semaphore(%run_scoped3A : memref<!tpu.dma_semaphore, #tpu.memory_space<semaphore_mem>>) src(%dma_wait3A_191 : memref<40x128xi32, #tpu.memory_space<hbm>>) dst(%arg8 : memref<40x128xi32, #tpu.memory_space<vmem>>)
      tpu.yield
    }) : () -> ()
    %dma_start3A_92 = arith.constant 0 : i32
    %dma_start3A_93 = arith.constant 0 : i32
    %dma_start3A_94 = tpu.memref_slice %arg7[%dma_start3A_92, %dma_start3A_93] : memref<40x128xi32, #tpu.memory_space<vmem>> -> memref<1x128xi32, #tpu.memory_space<vmem>>
    %dma_start3A_95 = tpu.memref_squeeze %dma_start3A_94 : memref<1x128xi32, #tpu.memory_space<vmem>> -> memref<128xi32, #tpu.memory_space<vmem>>
    %dma_start3A_96 = arith.constant 0 : i32
    %dma_start3A_97 = arith.constant 0 : i32
    %dma_start3A_98 = tpu.memref_slice %arg2[%dma_start3A_96, %dma_start3A_97] : memref<20480x128xf32, #tpu.memory_space<hbm>> -> memref<20480x128xf32, #tpu.memory_space<hbm>>
    tpu.enqueue_indirect_dma source(%dma_start3A_98 : memref<20480x128xf32, #tpu.memory_space<hbm>>) target(%arg11 : memref<128x128xf32, #tpu.memory_space<vmem>>) offsets(%dma_start3A_95 : memref<128xi32, #tpu.memory_space<vmem>>) semaphore(%arg14 : memref<!tpu.dma_semaphore, #tpu.memory_space<semaphore_mem>>)
    %get3A_99 = arith.constant 0 : i32
    %get3A_100 = arith.index_cast %get3A_99 : i32 to index
    %get3A_101 = arith.constant 0 : index
    %get3A_102 = tpu.vector_load %arg8[%get3A_100, %get3A_101] {strides = array<i32>} : memref<40x128xi32, #tpu.memory_space<vmem>>, vector<1x16xi32>,
    %get3A_103 = vector.shape_cast %get3A_102 : vector<1x16xi32> to vector<16xi32>
    %swap3A_104 = arith.constant 0 : index
    %swap3A_105 = tpu.vector_load %arg9[%swap3A_104] {strides = array<i32>} : memref<128xi32, #tpu.memory_space<vmem>>, vector<16xi32>,
    %swap3A_106 = vector.shape_cast %swap3A_105 : vector<16xi32> to vector<16xi32>
    %swap3A_107 = vector.shape_cast %get3A_103 : vector<16xi32> to vector<16xi32>
    tpu.vector_store %arg9[%swap3A_104], %swap3A_107 {strides = array<i32>} : memref<128xi32, #tpu.memory_space<vmem>>, vector<16xi32>,
    %get3A_108 = arith.constant 0 : i32
    %get3A_109 = arith.index_cast %get3A_108 : i32 to index
    %get3A_110 = arith.constant 16 : index
    %get3A_111 = tpu.vector_load %arg8[%get3A_109, %get3A_110] {strides = array<i32>} : memref<40x128xi32, #tpu.memory_space<vmem>>, vector<1x16xi32>,
    %get3A_112 = vector.shape_cast %get3A_111 : vector<1x16xi32> to vector<16xi32>
    %swap3A_113 = arith.constant 16 : index
    %swap3A_114 = tpu.vector_load %arg9[%swap3A_113] {strides = array<i32>} : memref<128xi32, #tpu.memory_space<vmem>>, vector<16xi32>,
    %swap3A_115 = vector.shape_cast %swap3A_114 : vector<16xi32> to vector<16xi32>
    %swap3A_116 = vector.shape_cast %get3A_112 : vector<16xi32> to vector<16xi32>
    tpu.vector_store %arg9[%swap3A_113], %swap3A_116 {strides = array<i32>} : memref<128xi32, #tpu.memory_space<vmem>>, vector<16xi32>,
    %get3A_117 = arith.constant 0 : i32
    %get3A_118 = arith.index_cast %get3A_117 : i32 to index
    %get3A_119 = arith.constant 32 : index
    %get3A_120 = tpu.vector_load %arg8[%get3A_118, %get3A_119] {strides = array<i32>} : memref<40x128xi32, #tpu.memory_space<vmem>>, vector<1x16xi32>,
    %get3A_121 = vector.shape_cast %get3A_120 : vector<1x16xi32> to vector<16xi32>
    %swap3A_122 = arith.constant 32 : index
    %swap3A_123 = tpu.vector_load %arg9[%swap3A_122] {strides = array<i32>} : memref<128xi32, #tpu.memory_space<vmem>>, vector<16xi32>,
    %swap3A_124 = vector.shape_cast %swap3A_123 : vector<16xi32> to vector<16xi32>
    %swap3A_125 = vector.shape_cast %get3A_121 : vector<16xi32> to vector<16xi32>
    tpu.vector_store %arg9[%swap3A_122], %swap3A_125 {strides = array<i32>} : memref<128xi32, #tpu.memory_space<vmem>>, vector<16xi32>,
    %get3A_126 = arith.constant 0 : i32
    %get3A_127 = arith.index_cast %get3A_126 : i32 to index
    %get3A_128 = arith.constant 48 : index
    %get3A_129 = tpu.vector_load %arg8[%get3A_127, %get3A_128] {strides = array<i32>} : memref<40x128xi32, #tpu.memory_space<vmem>>, vector<1x16xi32>,
    %get3A_130 = vector.shape_cast %get3A_129 : vector<1x16xi32> to vector<16xi32>
    %swap3A_131 = arith.constant 48 : index
    %swap3A_132 = tpu.vector_load %arg9[%swap3A_131] {strides = array<i32>} : memref<128xi32, #tpu.memory_space<vmem>>, vector<16xi32>,
    %swap3A_133 = vector.shape_cast %swap3A_132 : vector<16xi32> to vector<16xi32>
    %swap3A_134 = vector.shape_cast %get3A_130 : vector<16xi32> to vector<16xi32>
    tpu.vector_store %arg9[%swap3A_131], %swap3A_134 {strides = array<i32>} : memref<128xi32, #tpu.memory_space<vmem>>, vector<16xi32>,
    %get3A_135 = arith.constant 0 : i32
    %get3A_136 = arith.index_cast %get3A_135 : i32 to index
    %get3A_137 = arith.constant 64 : index
    %get3A_138 = tpu.vector_load %arg8[%get3A_136, %get3A_137] {strides = array<i32>} : memref<40x128xi32, #tpu.memory_space<vmem>>, vector<1x16xi32>,
    %get3A_139 = vector.shape_cast %get3A_138 : vector<1x16xi32> to vector<16xi32>
    %swap3A_140 = arith.constant 64 : index
    %swap3A_141 = tpu.vector_load %arg9[%swap3A_140] {strides = array<i32>} : memref<128xi32, #tpu.memory_space<vmem>>, vector<16xi32>,
    %swap3A_142 = vector.shape_cast %swap3A_141 : vector<16xi32> to vector<16xi32>
    %swap3A_143 = vector.shape_cast %get3A_139 : vector<16xi32> to vector<16xi32>
    tpu.vector_store %arg9[%swap3A_140], %swap3A_143 {strides = array<i32>} : memref<128xi32, #tpu.memory_space<vmem>>, vector<16xi32>,
    %get3A_144 = arith.constant 0 : i32
    %get3A_145 = arith.index_cast %get3A_144 : i32 to index
    %get3A_146 = arith.constant 80 : index
    %get3A_147 = tpu.vector_load %arg8[%get3A_145, %get3A_146] {strides = array<i32>} : memref<40x128xi32, #tpu.memory_space<vmem>>, vector<1x16xi32>,
    %get3A_148 = vector.shape_cast %get3A_147 : vector<1x16xi32> to vector<16xi32>
    %swap3A_149 = arith.constant 80 : index
    %swap3A_150 = tpu.vector_load %arg9[%swap3A_149] {strides = array<i32>} : memref<128xi32, #tpu.memory_space<vmem>>, vector<16xi32>,
    %swap3A_151 = vector.shape_cast %swap3A_150 : vector<16xi32> to vector<16xi32>
    %swap3A_152 = vector.shape_cast %get3A_148 : vector<16xi32> to vector<16xi32>
    tpu.vector_store %arg9[%swap3A_149], %swap3A_152 {strides = array<i32>} : memref<128xi32, #tpu.memory_space<vmem>>, vector<16xi32>,
    %get3A_153 = arith.constant 0 : i32
    %get3A_154 = arith.index_cast %get3A_153 : i32 to index
    %get3A_155 = arith.constant 96 : index
    %get3A_156 = tpu.vector_load %arg8[%get3A_154, %get3A_155] {strides = array<i32>} : memref<40x128xi32, #tpu.memory_space<vmem>>, vector<1x16xi32>,
    %get3A_157 = vector.shape_cast %get3A_156 : vector<1x16xi32> to vector<16xi32>
    %swap3A_158 = arith.constant 96 : index
    %swap3A_159 = tpu.vector_load %arg9[%swap3A_158] {strides = array<i32>} : memref<128xi32, #tpu.memory_space<vmem>>, vector<16xi32>,
    %swap3A_160 = vector.shape_cast %swap3A_159 : vector<16xi32> to vector<16xi32>
    %swap3A_161 = vector.shape_cast %get3A_157 : vector<16xi32> to vector<16xi32>
    tpu.vector_store %arg9[%swap3A_158], %swap3A_161 {strides = array<i32>} : memref<128xi32, #tpu.memory_space<vmem>>, vector<16xi32>,
    %get3A_162 = arith.constant 0 : i32
    %get3A_163 = arith.index_cast %get3A_162 : i32 to index
    %get3A_164 = arith.constant 112 : index
    %get3A_165 = tpu.vector_load %arg8[%get3A_163, %get3A_164] {strides = array<i32>} : memref<40x128xi32, #tpu.memory_space<vmem>>, vector<1x16xi32>,
    %get3A_166 = vector.shape_cast %get3A_165 : vector<1x16xi32> to vector<16xi32>
    %swap3A_167 = arith.constant 112 : index
    %swap3A_168 = tpu.vector_load %arg9[%swap3A_167] {strides = array<i32>} : memref<128xi32, #tpu.memory_space<vmem>>, vector<16xi32>,
    %swap3A_169 = vector.shape_cast %swap3A_168 : vector<16xi32> to vector<16xi32>
    %swap3A_170 = vector.shape_cast %get3A_166 : vector<16xi32> to vector<16xi32>
    tpu.vector_store %arg9[%swap3A_167], %swap3A_170 {strides = array<i32>} : memref<128xi32, #tpu.memory_space<vmem>>, vector<16xi32>,
    %scan3A_171 = arith.constant 0 : i32
    %scan3A_172 = arith.constant 0 : i32
    %scan3A_173 = arith.constant 20 : i32
    %scan3A_174 = arith.addi %scan3A_172, %scan3A_173 : i32
    %scan3A_175 = arith.constant 1 : i32
    scf.for %scan3A_185 = %scan3A_172 to %scan3A_174 step %scan3A_175  : i32 {
      %mul3A_186 = arith.constant 2 : i32
      %mul3A_187 = arith.muli %mul3A_186, %scan3A_185 : i32
      %add3A_188 = arith.constant 1 : i32
      %add3A_189 = arith.addi %mul3A_187, %add3A_188 : i32
      %dma_start3A_190 = arith.constant 0 : i32
      %dma_start3A_191 = tpu.memref_slice %arg7[%add3A_189, %dma_start3A_190] : memref<40x128xi32, #tpu.memory_space<vmem>> -> memref<1x128xi32, #tpu.memory_space<vmem>>
      %dma_start3A_192 = tpu.memref_squeeze %dma_start3A_191 : memref<1x128xi32, #tpu.memory_space<vmem>> -> memref<128xi32, #tpu.memory_space<vmem>>
      %dma_start3A_193 = arith.constant 0 : i32
      %dma_start3A_194 = arith.constant 0 : i32
      %dma_start3A_195 = tpu.memref_slice %arg2[%dma_start3A_193, %dma_start3A_194] : memref<20480x128xf32, #tpu.memory_space<hbm>> -> memref<20480x128xf32, #tpu.memory_space<hbm>>
      tpu.enqueue_indirect_dma source(%dma_start3A_195 : memref<20480x128xf32, #tpu.memory_space<hbm>>) target(%arg12 : memref<128x128xf32, #tpu.memory_space<vmem>>) offsets(%dma_start3A_192 : memref<128xi32, #tpu.memory_space<vmem>>) semaphore(%arg15 : memref<!tpu.dma_semaphore, #tpu.memory_space<semaphore_mem>>)
      %add3A_196 = arith.constant 1 : i32
      %add3A_197 = arith.addi %mul3A_187, %add3A_196 : i32
      %get3A_198 = arith.index_cast %add3A_197 : i32 to index
      %get3A_199 = arith.constant 0 : index
      %get3A_200 = tpu.vector_load %arg8[%get3A_198, %get3A_199] {strides = array<i32>} : memref<40x128xi32, #tpu.memory_space<vmem>>, vector<1x16xi32>,
      %get3A_201 = vector.shape_cast %get3A_200 : vector<1x16xi32> to vector<16xi32>
      %swap3A_202 = arith.constant 0 : index
      %swap3A_203 = tpu.vector_load %arg10[%swap3A_202] {strides = array<i32>} : memref<128xi32, #tpu.memory_space<vmem>>, vector<16xi32>,
      %swap3A_204 = vector.shape_cast %swap3A_203 : vector<16xi32> to vector<16xi32>
      %swap3A_205 = vector.shape_cast %get3A_201 : vector<16xi32> to vector<16xi32>
      tpu.vector_store %arg10[%swap3A_202], %swap3A_205 {strides = array<i32>} : memref<128xi32, #tpu.memory_space<vmem>>, vector<16xi32>,
      %get3A_206 = arith.index_cast %add3A_197 : i32 to index
      %get3A_207 = arith.constant 16 : index
      %get3A_208 = tpu.vector_load %arg8[%get3A_206, %get3A_207] {strides = array<i32>} : memref<40x128xi32, #tpu.memory_space<vmem>>, vector<1x16xi32>,
      %get3A_209 = vector.shape_cast %get3A_208 : vector<1x16xi32> to vector<16xi32>
      %swap3A_210 = arith.constant 16 : index
      %swap3A_211 = tpu.vector_load %arg10[%swap3A_210] {strides = array<i32>} : memref<128xi32, #tpu.memory_space<vmem>>, vector<16xi32>,
      %swap3A_212 = vector.shape_cast %swap3A_211 : vector<16xi32> to vector<16xi32>
      %swap3A_213 = vector.shape_cast %get3A_209 : vector<16xi32> to vector<16xi32>
      tpu.vector_store %arg10[%swap3A_210], %swap3A_213 {strides = array<i32>} : memref<128xi32, #tpu.memory_space<vmem>>, vector<16xi32>,
      %get3A_214 = arith.index_cast %add3A_197 : i32 to index
      %get3A_215 = arith.constant 32 : index
      %get3A_216 = tpu.vector_load %arg8[%get3A_214, %get3A_215] {strides = array<i32>} : memref<40x128xi32, #tpu.memory_space<vmem>>, vector<1x16xi32>,
      %get3A_217 = vector.shape_cast %get3A_216 : vector<1x16xi32> to vector<16xi32>
      %swap3A_218 = arith.constant 32 : index
      %swap3A_219 = tpu.vector_load %arg10[%swap3A_218] {strides = array<i32>} : memref<128xi32, #tpu.memory_space<vmem>>, vector<16xi32>,
      %swap3A_220 = vector.shape_cast %swap3A_219 : vector<16xi32> to vector<16xi32>
      %swap3A_221 = vector.shape_cast %get3A_217 : vector<16xi32> to vector<16xi32>
      tpu.vector_store %arg10[%swap3A_218], %swap3A_221 {strides = array<i32>} : memref<128xi32, #tpu.memory_space<vmem>>, vector<16xi32>,
      %get3A_222 = arith.index_cast %add3A_197 : i32 to index
      %get3A_223 = arith.constant 48 : index
      %get3A_224 = tpu.vector_load %arg8[%get3A_222, %get3A_223] {strides = array<i32>} : memref<40x128xi32, #tpu.memory_space<vmem>>, vector<1x16xi32>,
      %get3A_225 = vector.shape_cast %get3A_224 : vector<1x16xi32> to vector<16xi32>
      %swap3A_226 = arith.constant 48 : index
      %swap3A_227 = tpu.vector_load %arg10[%swap3A_226] {strides = array<i32>} : memref<128xi32, #tpu.memory_space<vmem>>, vector<16xi32>,
      %swap3A_228 = vector.shape_cast %swap3A_227 : vector<16xi32> to vector<16xi32>
      %swap3A_229 = vector.shape_cast %get3A_225 : vector<16xi32> to vector<16xi32>
      tpu.vector_store %arg10[%swap3A_226], %swap3A_229 {strides = array<i32>} : memref<128xi32, #tpu.memory_space<vmem>>, vector<16xi32>,
      %get3A_230 = arith.index_cast %add3A_197 : i32 to index
      %get3A_231 = arith.constant 64 : index
      %get3A_232 = tpu.vector_load %arg8[%get3A_230, %get3A_231] {strides = array<i32>} : memref<40x128xi32, #tpu.memory_space<vmem>>, vector<1x16xi32>,
      %get3A_233 = vector.shape_cast %get3A_232 : vector<1x16xi32> to vector<16xi32>
      %swap3A_234 = arith.constant 64 : index
      %swap3A_235 = tpu.vector_load %arg10[%swap3A_234] {strides = array<i32>} : memref<128xi32, #tpu.memory_space<vmem>>, vector<16xi32>,
      %swap3A_236 = vector.shape_cast %swap3A_235 : vector<16xi32> to vector<16xi32>
      %swap3A_237 = vector.shape_cast %get3A_233 : vector<16xi32> to vector<16xi32>
      tpu.vector_store %arg10[%swap3A_234], %swap3A_237 {strides = array<i32>} : memref<128xi32, #tpu.memory_space<vmem>>, vector<16xi32>,
      %get3A_238 = arith.index_cast %add3A_197 : i32 to index
      %get3A_239 = arith.constant 80 : index
      %get3A_240 = tpu.vector_load %arg8[%get3A_238, %get3A_239] {strides = array<i32>} : memref<40x128xi32, #tpu.memory_space<vmem>>, vector<1x16xi32>,
      %get3A_241 = vector.shape_cast %get3A_240 : vector<1x16xi32> to vector<16xi32>
      %swap3A_242 = arith.constant 80 : index
      %swap3A_243 = tpu.vector_load %arg10[%swap3A_242] {strides = array<i32>} : memref<128xi32, #tpu.memory_space<vmem>>, vector<16xi32>,
      %swap3A_244 = vector.shape_cast %swap3A_243 : vector<16xi32> to vector<16xi32>
      %swap3A_245 = vector.shape_cast %get3A_241 : vector<16xi32> to vector<16xi32>
      tpu.vector_store %arg10[%swap3A_242], %swap3A_245 {strides = array<i32>} : memref<128xi32, #tpu.memory_space<vmem>>, vector<16xi32>,
      %get3A_246 = arith.index_cast %add3A_197 : i32 to index
      %get3A_247 = arith.constant 96 : index
      %get3A_248 = tpu.vector_load %arg8[%get3A_246, %get3A_247] {strides = array<i32>} : memref<40x128xi32, #tpu.memory_space<vmem>>, vector<1x16xi32>,
      %get3A_249 = vector.shape_cast %get3A_248 : vector<1x16xi32> to vector<16xi32>
      %swap3A_250 = arith.constant 96 : index
      %swap3A_251 = tpu.vector_load %arg10[%swap3A_250] {strides = array<i32>} : memref<128xi32, #tpu.memory_space<vmem>>, vector<16xi32>,
      %swap3A_252 = vector.shape_cast %swap3A_251 : vector<16xi32> to vector<16xi32>
      %swap3A_253 = vector.shape_cast %get3A_249 : vector<16xi32> to vector<16xi32>
      tpu.vector_store %arg10[%swap3A_250], %swap3A_253 {strides = array<i32>} : memref<128xi32, #tpu.memory_space<vmem>>, vector<16xi32>,
      %get3A_254 = arith.index_cast %add3A_197 : i32 to index
      %get3A_255 = arith.constant 112 : index
      %get3A_256 = tpu.vector_load %arg8[%get3A_254, %get3A_255] {strides = array<i32>} : memref<40x128xi32, #tpu.memory_space<vmem>>, vector<1x16xi32>,
      %get3A_257 = vector.shape_cast %get3A_256 : vector<1x16xi32> to vector<16xi32>
      %swap3A_258 = arith.constant 112 : index
      %swap3A_259 = tpu.vector_load %arg10[%swap3A_258] {strides = array<i32>} : memref<128xi32, #tpu.memory_space<vmem>>, vector<16xi32>,
      %swap3A_260 = vector.shape_cast %swap3A_259 : vector<16xi32> to vector<16xi32>
      %swap3A_261 = vector.shape_cast %get3A_257 : vector<16xi32> to vector<16xi32>
      tpu.vector_store %arg10[%swap3A_258], %swap3A_261 {strides = array<i32>} : memref<128xi32, #tpu.memory_space<vmem>>, vector<16xi32>,
      tpu.wait_dma2 semaphore(%arg14 : memref<!tpu.dma_semaphore, #tpu.memory_space<semaphore_mem>>) src(%arg2 : memref<20480x128xf32, #tpu.memory_space<hbm>>) dst(%arg11 : memref<128x128xf32, #tpu.memory_space<vmem>>)
      "tpu.region"() ({
        %run_scoped3A = tpu.sem_alloc : memref<!tpu.dma_semaphore, #tpu.memory_space<semaphore_mem>>
        %dma_start3A_264 = arith.constant 0 : i32
        %dma_start3A_265 = arith.constant 0 : i32
        %dma_start3A_266 = tpu.memref_slice %arg13[%dma_start3A_264, %dma_start3A_265] : memref<10240x128xf32, #tpu.memory_space<vmem_shared>> -> memref<10240x128xf32, #tpu.memory_space<vmem_shared>>
        tpu.enqueue_indirect_dma source(%arg11 : memref<128x128xf32, #tpu.memory_space<vmem>>) target(%dma_start3A_266 : memref<10240x128xf32, #tpu.memory_space<vmem_shared>>) offsets(%arg9 : memref<128xi32, #tpu.memory_space<vmem>>) semaphore(%run_scoped3A : memref<!tpu.dma_semaphore, #tpu.memory_space<semaphore_mem>>) {add = true}
        %dma_wait3A = arith.constant 0 : i32
        %dma_wait3A_267 = arith.constant 0 : i32
        %dma_wait3A_268 = tpu.memref_slice %arg13[%dma_wait3A, %dma_wait3A_267] : memref<10240x128xf32, #tpu.memory_space<vmem_shared>> -> memref<10240x128xf32, #tpu.memory_space<vmem_shared>>
        tpu.wait_indirect_dma semaphore(%run_scoped3A : memref<!tpu.dma_semaphore, #tpu.memory_space<semaphore_mem>>) src(%arg11 : memref<128x128xf32, #tpu.memory_space<vmem>>) dst(%dma_wait3A_268 : memref<10240x128xf32, #tpu.memory_space<vmem_shared>>)
        tpu.yield
      }) : () -> ()
      %lt3A = arith.constant 19 : i32
      %lt3A_262 = arith.cmpi slt, %scan3A_185, %lt3A : i32
      %convert_element_type3A = arith.extui %lt3A_262 : i1 to i32
      %cond3A = arith.constant 0 : i32
      %cond3A_263 = arith.cmpi ne, %convert_element_type3A, %cond3A : i32
      scf.if %cond3A_263 {
        %add3A_264 = arith.constant 2 : i32
        %add3A_265 = arith.addi %mul3A_187, %add3A_264 : i32
        %dma_start3A_266 = arith.constant 0 : i32
        %dma_start3A_267 = tpu.memref_slice %arg7[%add3A_265, %dma_start3A_266] : memref<40x128xi32, #tpu.memory_space<vmem>> -> memref<1x128xi32, #tpu.memory_space<vmem>>
        %dma_start3A_268 = tpu.memref_squeeze %dma_start3A_267 : memref<1x128xi32, #tpu.memory_space<vmem>> -> memref<128xi32, #tpu.memory_space<vmem>>
        %dma_start3A_269 = arith.constant 0 : i32
        %dma_start3A_270 = arith.constant 0 : i32
        %dma_start3A_271 = tpu.memref_slice %arg2[%dma_start3A_269, %dma_start3A_270] : memref<20480x128xf32, #tpu.memory_space<hbm>> -> memref<20480x128xf32, #tpu.memory_space<hbm>>
        tpu.enqueue_indirect_dma source(%dma_start3A_271 : memref<20480x128xf32, #tpu.memory_space<hbm>>) target(%arg11 : memref<128x128xf32, #tpu.memory_space<vmem>>) offsets(%dma_start3A_268 : memref<128xi32, #tpu.memory_space<vmem>>) semaphore(%arg14 : memref<!tpu.dma_semaphore, #tpu.memory_space<semaphore_mem>>)
        %add3A_272 = arith.constant 2 : i32
        %add3A_273 = arith.addi %mul3A_187, %add3A_272 : i32
        %get3A_274 = arith.index_cast %add3A_273 : i32 to index
        %get3A_275 = arith.constant 0 : index
        %get3A_276 = tpu.vector_load %arg8[%get3A_274, %get3A_275] {strides = array<i32>} : memref<40x128xi32, #tpu.memory_space<vmem>>, vector<1x16xi32>,
        %get3A_277 = vector.shape_cast %get3A_276 : vector<1x16xi32> to vector<16xi32>
        %swap3A_278 = arith.constant 0 : index
        %swap3A_279 = tpu.vector_load %arg9[%swap3A_278] {strides = array<i32>} : memref<128xi32, #tpu.memory_space<vmem>>, vector<16xi32>,
        %swap3A_280 = vector.shape_cast %swap3A_279 : vector<16xi32> to vector<16xi32>
        %swap3A_281 = vector.shape_cast %get3A_277 : vector<16xi32> to vector<16xi32>
        tpu.vector_store %arg9[%swap3A_278], %swap3A_281 {strides = array<i32>} : memref<128xi32, #tpu.memory_space<vmem>>, vector<16xi32>,
        %get3A_282 = arith.index_cast %add3A_273 : i32 to index
        %get3A_283 = arith.constant 16 : index
        %get3A_284 = tpu.vector_load %arg8[%get3A_282, %get3A_283] {strides = array<i32>} : memref<40x128xi32, #tpu.memory_space<vmem>>, vector<1x16xi32>,
        %get3A_285 = vector.shape_cast %get3A_284 : vector<1x16xi32> to vector<16xi32>
        %swap3A_286 = arith.constant 16 : index
        %swap3A_287 = tpu.vector_load %arg9[%swap3A_286] {strides = array<i32>} : memref<128xi32, #tpu.memory_space<vmem>>, vector<16xi32>,
        %swap3A_288 = vector.shape_cast %swap3A_287 : vector<16xi32> to vector<16xi32>
        %swap3A_289 = vector.shape_cast %get3A_285 : vector<16xi32> to vector<16xi32>
        tpu.vector_store %arg9[%swap3A_286], %swap3A_289 {strides = array<i32>} : memref<128xi32, #tpu.memory_space<vmem>>, vector<16xi32>,
        %get3A_290 = arith.index_cast %add3A_273 : i32 to index
        %get3A_291 = arith.constant 32 : index
        %get3A_292 = tpu.vector_load %arg8[%get3A_290, %get3A_291] {strides = array<i32>} : memref<40x128xi32, #tpu.memory_space<vmem>>, vector<1x16xi32>,
        %get3A_293 = vector.shape_cast %get3A_292 : vector<1x16xi32> to vector<16xi32>
        %swap3A_294 = arith.constant 32 : index
        %swap3A_295 = tpu.vector_load %arg9[%swap3A_294] {strides = array<i32>} : memref<128xi32, #tpu.memory_space<vmem>>, vector<16xi32>,
        %swap3A_296 = vector.shape_cast %swap3A_295 : vector<16xi32> to vector<16xi32>
        %swap3A_297 = vector.shape_cast %get3A_293 : vector<16xi32> to vector<16xi32>
        tpu.vector_store %arg9[%swap3A_294], %swap3A_297 {strides = array<i32>} : memref<128xi32, #tpu.memory_space<vmem>>, vector<16xi32>,
        %get3A_298 = arith.index_cast %add3A_273 : i32 to index
        %get3A_299 = arith.constant 48 : index
        %get3A_300 = tpu.vector_load %arg8[%get3A_298, %get3A_299] {strides = array<i32>} : memref<40x128xi32, #tpu.memory_space<vmem>>, vector<1x16xi32>,
        %get3A_301 = vector.shape_cast %get3A_300 : vector<1x16xi32> to vector<16xi32>
        %swap3A_302 = arith.constant 48 : index
        %swap3A_303 = tpu.vector_load %arg9[%swap3A_302] {strides = array<i32>} : memref<128xi32, #tpu.memory_space<vmem>>, vector<16xi32>,
        %swap3A_304 = vector.shape_cast %swap3A_303 : vector<16xi32> to vector<16xi32>
        %swap3A_305 = vector.shape_cast %get3A_301 : vector<16xi32> to vector<16xi32>
        tpu.vector_store %arg9[%swap3A_302], %swap3A_305 {strides = array<i32>} : memref<128xi32, #tpu.memory_space<vmem>>, vector<16xi32>,
        %get3A_306 = arith.index_cast %add3A_273 : i32 to index
        %get3A_307 = arith.constant 64 : index
        %get3A_308 = tpu.vector_load %arg8[%get3A_306, %get3A_307] {strides = array<i32>} : memref<40x128xi32, #tpu.memory_space<vmem>>, vector<1x16xi32>,
        %get3A_309 = vector.shape_cast %get3A_308 : vector<1x16xi32> to vector<16xi32>
        %swap3A_310 = arith.constant 64 : index
        %swap3A_311 = tpu.vector_load %arg9[%swap3A_310] {strides = array<i32>} : memref<128xi32, #tpu.memory_space<vmem>>, vector<16xi32>,
        %swap3A_312 = vector.shape_cast %swap3A_311 : vector<16xi32> to vector<16xi32>
        %swap3A_313 = vector.shape_cast %get3A_309 : vector<16xi32> to vector<16xi32>
        tpu.vector_store %arg9[%swap3A_310], %swap3A_313 {strides = array<i32>} : memref<128xi32, #tpu.memory_space<vmem>>, vector<16xi32>,
        %get3A_314 = arith.index_cast %add3A_273 : i32 to index
        %get3A_315 = arith.constant 80 : index
        %get3A_316 = tpu.vector_load %arg8[%get3A_314, %get3A_315] {strides = array<i32>} : memref<40x128xi32, #tpu.memory_space<vmem>>, vector<1x16xi32>,
        %get3A_317 = vector.shape_cast %get3A_316 : vector<1x16xi32> to vector<16xi32>
        %swap3A_318 = arith.constant 80 : index
        %swap3A_319 = tpu.vector_load %arg9[%swap3A_318] {strides = array<i32>} : memref<128xi32, #tpu.memory_space<vmem>>, vector<16xi32>,
        %swap3A_320 = vector.shape_cast %swap3A_319 : vector<16xi32> to vector<16xi32>
        %swap3A_321 = vector.shape_cast %get3A_317 : vector<16xi32> to vector<16xi32>
        tpu.vector_store %arg9[%swap3A_318], %swap3A_321 {strides = array<i32>} : memref<128xi32, #tpu.memory_space<vmem>>, vector<16xi32>,
        %get3A_322 = arith.index_cast %add3A_273 : i32 to index
        %get3A_323 = arith.constant 96 : index
        %get3A_324 = tpu.vector_load %arg8[%get3A_322, %get3A_323] {strides = array<i32>} : memref<40x128xi32, #tpu.memory_space<vmem>>, vector<1x16xi32>,
        %get3A_325 = vector.shape_cast %get3A_324 : vector<1x16xi32> to vector<16xi32>
        %swap3A_326 = arith.constant 96 : index
        %swap3A_327 = tpu.vector_load %arg9[%swap3A_326] {strides = array<i32>} : memref<128xi32, #tpu.memory_space<vmem>>, vector<16xi32>,
        %swap3A_328 = vector.shape_cast %swap3A_327 : vector<16xi32> to vector<16xi32>
        %swap3A_329 = vector.shape_cast %get3A_325 : vector<16xi32> to vector<16xi32>
        tpu.vector_store %arg9[%swap3A_326], %swap3A_329 {strides = array<i32>} : memref<128xi32, #tpu.memory_space<vmem>>, vector<16xi32>,
        %get3A_330 = arith.index_cast %add3A_273 : i32 to index
        %get3A_331 = arith.constant 112 : index
        %get3A_332 = tpu.vector_load %arg8[%get3A_330, %get3A_331] {strides = array<i32>} : memref<40x128xi32, #tpu.memory_space<vmem>>, vector<1x16xi32>,
        %get3A_333 = vector.shape_cast %get3A_332 : vector<1x16xi32> to vector<16xi32>
        %swap3A_334 = arith.constant 112 : index
        %swap3A_335 = tpu.vector_load %arg9[%swap3A_334] {strides = array<i32>} : memref<128xi32, #tpu.memory_space<vmem>>, vector<16xi32>,
        %swap3A_336 = vector.shape_cast %swap3A_335 : vector<16xi32> to vector<16xi32>
        %swap3A_337 = vector.shape_cast %get3A_333 : vector<16xi32> to vector<16xi32>
        tpu.vector_store %arg9[%swap3A_334], %swap3A_337 {strides = array<i32>} : memref<128xi32, #tpu.memory_space<vmem>>, vector<16xi32>,
      } else {
      }
      tpu.wait_dma2 semaphore(%arg15 : memref<!tpu.dma_semaphore, #tpu.memory_space<semaphore_mem>>) src(%arg2 : memref<20480x128xf32, #tpu.memory_space<hbm>>) dst(%arg12 : memref<128x128xf32, #tpu.memory_space<vmem>>)
      "tpu.region"() ({
        %run_scoped3A = tpu.sem_alloc : memref<!tpu.dma_semaphore, #tpu.memory_space<semaphore_mem>>
        %dma_start3A_264 = arith.constant 0 : i32
        %dma_start3A_265 = arith.constant 0 : i32
        %dma_start3A_266 = tpu.memref_slice %arg13[%dma_start3A_264, %dma_start3A_265] : memref<10240x128xf32, #tpu.memory_space<vmem_shared>> -> memref<10240x128xf32, #tpu.memory_space<vmem_shared>>
        tpu.enqueue_indirect_dma source(%arg12 : memref<128x128xf32, #tpu.memory_space<vmem>>) target(%dma_start3A_266 : memref<10240x128xf32, #tpu.memory_space<vmem_shared>>) offsets(%arg10 : memref<128xi32, #tpu.memory_space<vmem>>) semaphore(%run_scoped3A : memref<!tpu.dma_semaphore, #tpu.memory_space<semaphore_mem>>) {add = true}
        %dma_wait3A = arith.constant 0 : i32
        %dma_wait3A_267 = arith.constant 0 : i32
        %dma_wait3A_268 = tpu.memref_slice %arg13[%dma_wait3A, %dma_wait3A_267] : memref<10240x128xf32, #tpu.memory_space<vmem_shared>> -> memref<10240x128xf32, #tpu.memory_space<vmem_shared>>
        tpu.wait_indirect_dma semaphore(%run_scoped3A : memref<!tpu.dma_semaphore, #tpu.memory_space<semaphore_mem>>) src(%arg12 : memref<128x128xf32, #tpu.memory_space<vmem>>) dst(%dma_wait3A_268 : memref<10240x128xf32, #tpu.memory_space<vmem_shared>>)
        tpu.yield
      }) : () -> ()
    }
    %scan3A_176 = arith.constant 20 : i32
    %barrier3A_177 = arith.constant 0 : index
    tpu.barrier barrier_id(%barrier3A_177)
    %mul3A_178 = arith.constant 640 : i32
    %mul3A_179 = arith.muli %arg1, %mul3A_178 : i32
    %mul3A_180 = arith.constant 10240 : i32
    %mul3A_181 = arith.muli %arg0, %mul3A_180 : i32
    %mul3A_182 = arith.constant 640 : i32
    %mul3A_183 = arith.muli %arg1, %mul3A_182 : i32
    %add3A_184 = arith.addi %mul3A_181, %mul3A_183 : i32
    "tpu.region"() ({
      %run_scoped3A = tpu.sem_alloc : memref<!tpu.dma_semaphore, #tpu.memory_space<semaphore_mem>>
      %dma_start3A_185 = arith.constant 0 : i32
      %dma_start3A_186 = tpu.memref_slice %arg6[%add3A_184, %dma_start3A_185] : memref<20480x128xf32, #tpu.memory_space<hbm>> -> memref<640x128xf32, #tpu.memory_space<hbm>>
      %dma_start3A_187 = arith.constant 0 : i32
      %dma_start3A_188 = tpu.memref_slice %arg13[%mul3A_179, %dma_start3A_187] : memref<10240x128xf32, #tpu.memory_space<vmem_shared>> -> memref<640x128xf32, #tpu.memory_space<vmem_shared>>
      tpu.enqueue_dma source(%dma_start3A_188 : memref<640x128xf32, #tpu.memory_space<vmem_shared>>) target(%dma_start3A_186 : memref<640x128xf32, #tpu.memory_space<hbm>>) target_semaphore(%run_scoped3A : memref<!tpu.dma_semaphore, #tpu.memory_space<semaphore_mem>>)
      %dma_wait3A = arith.constant 0 : i32
      %dma_wait3A_189 = tpu.memref_slice %arg6[%add3A_184, %dma_wait3A] : memref<20480x128xf32, #tpu.memory_space<hbm>> -> memref<640x128xf32, #tpu.memory_space<hbm>>
      %dma_wait3A_190 = arith.constant 0 : i32
      %dma_wait3A_191 = tpu.memref_slice %arg13[%mul3A_179, %dma_wait3A_190] : memref<10240x128xf32, #tpu.memory_space<vmem_shared>> -> memref<640x128xf32, #tpu.memory_space<vmem_shared>>
      tpu.wait_dma2 semaphore(%run_scoped3A : memref<!tpu.dma_semaphore, #tpu.memory_space<semaphore_mem>>) src(%dma_wait3A_191 : memref<640x128xf32, #tpu.memory_space<vmem_shared>>) dst(%dma_wait3A_189 : memref<640x128xf32, #tpu.memory_space<hbm>>)
      tpu.yield
    }) : () -> ()
    return
  }
}

#map = affine_map<(d0, d1) -> (0, 0)>
#map1 = affine_map<(d0, d1) -> (0)>
module attributes {stable_mosaic.version = 14 : i64} {
  func.func @_deg_body(%arg0: i32, %arg1: i32, %arg2: memref<2560x128xi32, #tpu.memory_space<hbm>>, %arg3: memref<2560x128xi32, #tpu.memory_space<hbm>>, %arg4: memref<20480xf32, #tpu.memory_space<hbm>>, %arg5: memref<40960xf32, #tpu.memory_space<hbm>>, %arg6: memref<80x128xi32, #tpu.memory_space<vmem>>, %arg7: memref<80x128xi32, #tpu.memory_space<vmem>>, %arg8: memref<128xi32, #tpu.memory_space<vmem>>, %arg9: memref<128xi32, #tpu.memory_space<vmem>>, %arg10: memref<128xf32, #tpu.memory_space<vmem>>, %arg11: memref<20480xf32, #tpu.memory_space<vmem_shared>>, %arg12: memref<10240xf32, #tpu.memory_space<vmem_shared>>) attributes {dimension_semantics = [#tpu.dimension_semantics<core_parallel>, #tpu.dimension_semantics<subcore_parallel>], iteration_bounds = array<i64: 2, 16>, scalar_prefetch = 0 : i64, scratch_operands = 7 : i64, tpu.core_type = #tpu.core_type<sc_vector_subcore>, window_params = [{transform_indices = #map}, {transform_indices = #map}, {transform_indices = #map1}, {transform_indices = #map1}]} {
    %mul3A = arith.constant 1280 : i32
    %mul3A_0 = arith.muli %arg0, %mul3A : i32
    %mul3A_1 = arith.constant 80 : i32
    %mul3A_2 = arith.muli %arg1, %mul3A_1 : i32
    %add3A = arith.addi %mul3A_0, %mul3A_2 : i32
    "tpu.region"() ({
      %run_scoped3A = tpu.sem_alloc : memref<!tpu.dma_semaphore, #tpu.memory_space<semaphore_mem>>
      %dma_start3A = arith.constant 0 : i32
      %dma_start3A_86 = tpu.memref_slice %arg2[%add3A, %dma_start3A] : memref<2560x128xi32, #tpu.memory_space<hbm>> -> memref<80x128xi32, #tpu.memory_space<hbm>>
      %dma_start3A_87 = arith.constant 0 : i32
      %dma_start3A_88 = tpu.memref_slice %arg2[%add3A, %dma_start3A_87] : memref<2560x128xi32, #tpu.memory_space<hbm>> -> memref<80x128xi32, #tpu.memory_space<hbm>>
      tpu.enqueue_dma source(%dma_start3A_88 : memref<80x128xi32, #tpu.memory_space<hbm>>) target(%arg6 : memref<80x128xi32, #tpu.memory_space<vmem>>) target_semaphore(%run_scoped3A : memref<!tpu.dma_semaphore, #tpu.memory_space<semaphore_mem>>)
      %dma_wait3A = arith.constant 0 : i32
      %dma_wait3A_89 = tpu.memref_slice %arg2[%add3A, %dma_wait3A] : memref<2560x128xi32, #tpu.memory_space<hbm>> -> memref<80x128xi32, #tpu.memory_space<hbm>>
      %dma_wait3A_90 = arith.constant 0 : i32
      %dma_wait3A_91 = tpu.memref_slice %arg2[%add3A, %dma_wait3A_90] : memref<2560x128xi32, #tpu.memory_space<hbm>> -> memref<80x128xi32, #tpu.memory_space<hbm>>
      tpu.wait_dma2 semaphore(%run_scoped3A : memref<!tpu.dma_semaphore, #tpu.memory_space<semaphore_mem>>) src(%dma_wait3A_91 : memref<80x128xi32, #tpu.memory_space<hbm>>) dst(%arg6 : memref<80x128xi32, #tpu.memory_space<vmem>>)
      tpu.yield
    }) : () -> ()
    "tpu.region"() ({
      %run_scoped3A = tpu.sem_alloc : memref<!tpu.dma_semaphore, #tpu.memory_space<semaphore_mem>>
      %dma_start3A = arith.constant 0 : i32
      %dma_start3A_86 = tpu.memref_slice %arg3[%add3A, %dma_start3A] : memref<2560x128xi32, #tpu.memory_space<hbm>> -> memref<80x128xi32, #tpu.memory_space<hbm>>
      %dma_start3A_87 = arith.constant 0 : i32
      %dma_start3A_88 = tpu.memref_slice %arg3[%add3A, %dma_start3A_87] : memref<2560x128xi32, #tpu.memory_space<hbm>> -> memref<80x128xi32, #tpu.memory_space<hbm>>
      tpu.enqueue_dma source(%dma_start3A_88 : memref<80x128xi32, #tpu.memory_space<hbm>>) target(%arg7 : memref<80x128xi32, #tpu.memory_space<vmem>>) target_semaphore(%run_scoped3A : memref<!tpu.dma_semaphore, #tpu.memory_space<semaphore_mem>>)
      %dma_wait3A = arith.constant 0 : i32
      %dma_wait3A_89 = tpu.memref_slice %arg3[%add3A, %dma_wait3A] : memref<2560x128xi32, #tpu.memory_space<hbm>> -> memref<80x128xi32, #tpu.memory_space<hbm>>
      %dma_wait3A_90 = arith.constant 0 : i32
      %dma_wait3A_91 = tpu.memref_slice %arg3[%add3A, %dma_wait3A_90] : memref<2560x128xi32, #tpu.memory_space<hbm>> -> memref<80x128xi32, #tpu.memory_space<hbm>>
      tpu.wait_dma2 semaphore(%run_scoped3A : memref<!tpu.dma_semaphore, #tpu.memory_space<semaphore_mem>>) src(%dma_wait3A_91 : memref<80x128xi32, #tpu.memory_space<hbm>>) dst(%arg7 : memref<80x128xi32, #tpu.memory_space<vmem>>)
      tpu.yield
    }) : () -> ()
    %mul3A_3 = arith.constant 1280 : i32
    %mul3A_4 = arith.muli %arg1, %mul3A_3 : i32
    %mul3A_5 = arith.constant 1280 : i32
    %mul3A_6 = arith.muli %arg1, %mul3A_5 : i32
    "tpu.region"() ({
      %run_scoped3A = tpu.sem_alloc : memref<!tpu.dma_semaphore, #tpu.memory_space<semaphore_mem>>
      %dma_start3A = tpu.memref_slice %arg11[%mul3A_6] : memref<20480xf32, #tpu.memory_space<vmem_shared>> -> memref<1280xf32, #tpu.memory_space<vmem_shared>>
      %dma_start3A_86 = tpu.memref_slice %arg4[%mul3A_4] : memref<20480xf32, #tpu.memory_space<hbm>> -> memref<1280xf32, #tpu.memory_space<hbm>>
      tpu.enqueue_dma source(%dma_start3A_86 : memref<1280xf32, #tpu.memory_space<hbm>>) target(%dma_start3A : memref<1280xf32, #tpu.memory_space<vmem_shared>>) target_semaphore(%run_scoped3A : memref<!tpu.dma_semaphore, #tpu.memory_space<semaphore_mem>>)
      %dma_wait3A = tpu.memref_slice %arg11[%mul3A_6] : memref<20480xf32, #tpu.memory_space<vmem_shared>> -> memref<1280xf32, #tpu.memory_space<vmem_shared>>
      %dma_wait3A_87 = tpu.memref_slice %arg4[%mul3A_4] : memref<20480xf32, #tpu.memory_space<hbm>> -> memref<1280xf32, #tpu.memory_space<hbm>>
      tpu.wait_dma2 semaphore(%run_scoped3A : memref<!tpu.dma_semaphore, #tpu.memory_space<semaphore_mem>>) src(%dma_wait3A_87 : memref<1280xf32, #tpu.memory_space<hbm>>) dst(%dma_wait3A : memref<1280xf32, #tpu.memory_space<vmem_shared>>)
      tpu.yield
    }) : () -> ()
    %mul3A_7 = arith.constant 640 : i32
    %mul3A_8 = arith.muli %arg1, %mul3A_7 : i32
    %mul3A_9 = arith.constant 640 : i32
    %mul3A_10 = arith.muli %arg1, %mul3A_9 : i32
    "tpu.region"() ({
      %run_scoped3A = tpu.sem_alloc : memref<!tpu.dma_semaphore, #tpu.memory_space<semaphore_mem>>
      %dma_start3A = tpu.memref_slice %arg12[%mul3A_10] : memref<10240xf32, #tpu.memory_space<vmem_shared>> -> memref<640xf32, #tpu.memory_space<vmem_shared>>
      %dma_start3A_86 = tpu.memref_slice %arg4[%mul3A_8] : memref<20480xf32, #tpu.memory_space<hbm>> -> memref<640xf32, #tpu.memory_space<hbm>>
      tpu.enqueue_dma source(%dma_start3A_86 : memref<640xf32, #tpu.memory_space<hbm>>) target(%dma_start3A : memref<640xf32, #tpu.memory_space<vmem_shared>>) target_semaphore(%run_scoped3A : memref<!tpu.dma_semaphore, #tpu.memory_space<semaphore_mem>>)
      %dma_wait3A = tpu.memref_slice %arg12[%mul3A_10] : memref<10240xf32, #tpu.memory_space<vmem_shared>> -> memref<640xf32, #tpu.memory_space<vmem_shared>>
      %dma_wait3A_87 = tpu.memref_slice %arg4[%mul3A_8] : memref<20480xf32, #tpu.memory_space<hbm>> -> memref<640xf32, #tpu.memory_space<hbm>>
      tpu.wait_dma2 semaphore(%run_scoped3A : memref<!tpu.dma_semaphore, #tpu.memory_space<semaphore_mem>>) src(%dma_wait3A_87 : memref<640xf32, #tpu.memory_space<hbm>>) dst(%dma_wait3A : memref<640xf32, #tpu.memory_space<vmem_shared>>)
      tpu.yield
    }) : () -> ()
    %broadcast_in_dim3A = arith.constant 1.000000e+00 : f32
    %broadcast_in_dim3A_11 = vector.broadcast %broadcast_in_dim3A : f32 to vector<16xf32>
    %swap3A = arith.constant 0 : index
    %swap3A_12 = tpu.vector_load %arg10[%swap3A] {strides = array<i32>} : memref<128xf32, #tpu.memory_space<vmem>>, vector<16xf32>,
    %swap3A_13 = vector.shape_cast %swap3A_12 : vector<16xf32> to vector<16xf32>
    %swap3A_14 = vector.shape_cast %broadcast_in_dim3A_11 : vector<16xf32> to vector<16xf32>
    tpu.vector_store %arg10[%swap3A], %swap3A_14 {strides = array<i32>} : memref<128xf32, #tpu.memory_space<vmem>>, vector<16xf32>,
    %broadcast_in_dim3A_15 = arith.constant 1.000000e+00 : f32
    %broadcast_in_dim3A_16 = vector.broadcast %broadcast_in_dim3A_15 : f32 to vector<16xf32>
    %swap3A_17 = arith.constant 16 : index
    %swap3A_18 = tpu.vector_load %arg10[%swap3A_17] {strides = array<i32>} : memref<128xf32, #tpu.memory_space<vmem>>, vector<16xf32>,
    %swap3A_19 = vector.shape_cast %swap3A_18 : vector<16xf32> to vector<16xf32>
    %swap3A_20 = vector.shape_cast %broadcast_in_dim3A_16 : vector<16xf32> to vector<16xf32>
    tpu.vector_store %arg10[%swap3A_17], %swap3A_20 {strides = array<i32>} : memref<128xf32, #tpu.memory_space<vmem>>, vector<16xf32>,
    %broadcast_in_dim3A_21 = arith.constant 1.000000e+00 : f32
    %broadcast_in_dim3A_22 = vector.broadcast %broadcast_in_dim3A_21 : f32 to vector<16xf32>
    %swap3A_23 = arith.constant 32 : index
    %swap3A_24 = tpu.vector_load %arg10[%swap3A_23] {strides = array<i32>} : memref<128xf32, #tpu.memory_space<vmem>>, vector<16xf32>,
    %swap3A_25 = vector.shape_cast %swap3A_24 : vector<16xf32> to vector<16xf32>
    %swap3A_26 = vector.shape_cast %broadcast_in_dim3A_22 : vector<16xf32> to vector<16xf32>
    tpu.vector_store %arg10[%swap3A_23], %swap3A_26 {strides = array<i32>} : memref<128xf32, #tpu.memory_space<vmem>>, vector<16xf32>,
    %broadcast_in_dim3A_27 = arith.constant 1.000000e+00 : f32
    %broadcast_in_dim3A_28 = vector.broadcast %broadcast_in_dim3A_27 : f32 to vector<16xf32>
    %swap3A_29 = arith.constant 48 : index
    %swap3A_30 = tpu.vector_load %arg10[%swap3A_29] {strides = array<i32>} : memref<128xf32, #tpu.memory_space<vmem>>, vector<16xf32>,
    %swap3A_31 = vector.shape_cast %swap3A_30 : vector<16xf32> to vector<16xf32>
    %swap3A_32 = vector.shape_cast %broadcast_in_dim3A_28 : vector<16xf32> to vector<16xf32>
    tpu.vector_store %arg10[%swap3A_29], %swap3A_32 {strides = array<i32>} : memref<128xf32, #tpu.memory_space<vmem>>, vector<16xf32>,
    %broadcast_in_dim3A_33 = arith.constant 1.000000e+00 : f32
    %broadcast_in_dim3A_34 = vector.broadcast %broadcast_in_dim3A_33 : f32 to vector<16xf32>
    %swap3A_35 = arith.constant 64 : index
    %swap3A_36 = tpu.vector_load %arg10[%swap3A_35] {strides = array<i32>} : memref<128xf32, #tpu.memory_space<vmem>>, vector<16xf32>,
    %swap3A_37 = vector.shape_cast %swap3A_36 : vector<16xf32> to vector<16xf32>
    %swap3A_38 = vector.shape_cast %broadcast_in_dim3A_34 : vector<16xf32> to vector<16xf32>
    tpu.vector_store %arg10[%swap3A_35], %swap3A_38 {strides = array<i32>} : memref<128xf32, #tpu.memory_space<vmem>>, vector<16xf32>,
    %broadcast_in_dim3A_39 = arith.constant 1.000000e+00 : f32
    %broadcast_in_dim3A_40 = vector.broadcast %broadcast_in_dim3A_39 : f32 to vector<16xf32>
    %swap3A_41 = arith.constant 80 : index
    %swap3A_42 = tpu.vector_load %arg10[%swap3A_41] {strides = array<i32>} : memref<128xf32, #tpu.memory_space<vmem>>, vector<16xf32>,
    %swap3A_43 = vector.shape_cast %swap3A_42 : vector<16xf32> to vector<16xf32>
    %swap3A_44 = vector.shape_cast %broadcast_in_dim3A_40 : vector<16xf32> to vector<16xf32>
    tpu.vector_store %arg10[%swap3A_41], %swap3A_44 {strides = array<i32>} : memref<128xf32, #tpu.memory_space<vmem>>, vector<16xf32>,
    %broadcast_in_dim3A_45 = arith.constant 1.000000e+00 : f32
    %broadcast_in_dim3A_46 = vector.broadcast %broadcast_in_dim3A_45 : f32 to vector<16xf32>
    %swap3A_47 = arith.constant 96 : index
    %swap3A_48 = tpu.vector_load %arg10[%swap3A_47] {strides = array<i32>} : memref<128xf32, #tpu.memory_space<vmem>>, vector<16xf32>,
    %swap3A_49 = vector.shape_cast %swap3A_48 : vector<16xf32> to vector<16xf32>
    %swap3A_50 = vector.shape_cast %broadcast_in_dim3A_46 : vector<16xf32> to vector<16xf32>
    tpu.vector_store %arg10[%swap3A_47], %swap3A_50 {strides = array<i32>} : memref<128xf32, #tpu.memory_space<vmem>>, vector<16xf32>,
    %broadcast_in_dim3A_51 = arith.constant 1.000000e+00 : f32
    %broadcast_in_dim3A_52 = vector.broadcast %broadcast_in_dim3A_51 : f32 to vector<16xf32>
    %swap3A_53 = arith.constant 112 : index
    %swap3A_54 = tpu.vector_load %arg10[%swap3A_53] {strides = array<i32>} : memref<128xf32, #tpu.memory_space<vmem>>, vector<16xf32>,
    %swap3A_55 = vector.shape_cast %swap3A_54 : vector<16xf32> to vector<16xf32>
    %swap3A_56 = vector.shape_cast %broadcast_in_dim3A_52 : vector<16xf32> to vector<16xf32>
    tpu.vector_store %arg10[%swap3A_53], %swap3A_56 {strides = array<i32>} : memref<128xf32, #tpu.memory_space<vmem>>, vector<16xf32>,
    %barrier3A = arith.constant 0 : index
    tpu.barrier barrier_id(%barrier3A)
    %scan3A = arith.constant 0 : i32
    %scan3A_57 = arith.constant 0 : i32
    %scan3A_58 = arith.constant 80 : i32
    %scan3A_59 = arith.addi %scan3A_57, %scan3A_58 : i32
    %scan3A_60 = arith.constant 1 : i32
    scf.for %scan3A_86 = %scan3A_57 to %scan3A_59 step %scan3A_60  : i32 {
      %get3A = arith.index_cast %scan3A_86 : i32 to index
      %get3A_87 = arith.constant 0 : index
      %get3A_88 = tpu.vector_load %arg6[%get3A, %get3A_87] {strides = array<i32>} : memref<80x128xi32, #tpu.memory_space<vmem>>, vector<1x16xi32>,
      %get3A_89 = vector.shape_cast %get3A_88 : vector<1x16xi32> to vector<16xi32>
      %swap3A_90 = arith.constant 0 : index
      %swap3A_91 = tpu.vector_load %arg8[%swap3A_90] {strides = array<i32>} : memref<128xi32, #tpu.memory_space<vmem>>, vector<16xi32>,
      %swap3A_92 = vector.shape_cast %swap3A_91 : vector<16xi32> to vector<16xi32>
      %swap3A_93 = vector.shape_cast %get3A_89 : vector<16xi32> to vector<16xi32>
      tpu.vector_store %arg8[%swap3A_90], %swap3A_93 {strides = array<i32>} : memref<128xi32, #tpu.memory_space<vmem>>, vector<16xi32>,
      %get3A_94 = arith.index_cast %scan3A_86 : i32 to index
      %get3A_95 = arith.constant 16 : index
      %get3A_96 = tpu.vector_load %arg6[%get3A_94, %get3A_95] {strides = array<i32>} : memref<80x128xi32, #tpu.memory_space<vmem>>, vector<1x16xi32>,
      %get3A_97 = vector.shape_cast %get3A_96 : vector<1x16xi32> to vector<16xi32>
      %swap3A_98 = arith.constant 16 : index
      %swap3A_99 = tpu.vector_load %arg8[%swap3A_98] {strides = array<i32>} : memref<128xi32, #tpu.memory_space<vmem>>, vector<16xi32>,
      %swap3A_100 = vector.shape_cast %swap3A_99 : vector<16xi32> to vector<16xi32>
      %swap3A_101 = vector.shape_cast %get3A_97 : vector<16xi32> to vector<16xi32>
      tpu.vector_store %arg8[%swap3A_98], %swap3A_101 {strides = array<i32>} : memref<128xi32, #tpu.memory_space<vmem>>, vector<16xi32>,
      %get3A_102 = arith.index_cast %scan3A_86 : i32 to index
      %get3A_103 = arith.constant 32 : index
      %get3A_104 = tpu.vector_load %arg6[%get3A_102, %get3A_103] {strides = array<i32>} : memref<80x128xi32, #tpu.memory_space<vmem>>, vector<1x16xi32>,
      %get3A_105 = vector.shape_cast %get3A_104 : vector<1x16xi32> to vector<16xi32>
      %swap3A_106 = arith.constant 32 : index
      %swap3A_107 = tpu.vector_load %arg8[%swap3A_106] {strides = array<i32>} : memref<128xi32, #tpu.memory_space<vmem>>, vector<16xi32>,
      %swap3A_108 = vector.shape_cast %swap3A_107 : vector<16xi32> to vector<16xi32>
      %swap3A_109 = vector.shape_cast %get3A_105 : vector<16xi32> to vector<16xi32>
      tpu.vector_store %arg8[%swap3A_106], %swap3A_109 {strides = array<i32>} : memref<128xi32, #tpu.memory_space<vmem>>, vector<16xi32>,
      %get3A_110 = arith.index_cast %scan3A_86 : i32 to index
      %get3A_111 = arith.constant 48 : index
      %get3A_112 = tpu.vector_load %arg6[%get3A_110, %get3A_111] {strides = array<i32>} : memref<80x128xi32, #tpu.memory_space<vmem>>, vector<1x16xi32>,
      %get3A_113 = vector.shape_cast %get3A_112 : vector<1x16xi32> to vector<16xi32>
      %swap3A_114 = arith.constant 48 : index
      %swap3A_115 = tpu.vector_load %arg8[%swap3A_114] {strides = array<i32>} : memref<128xi32, #tpu.memory_space<vmem>>, vector<16xi32>,
      %swap3A_116 = vector.shape_cast %swap3A_115 : vector<16xi32> to vector<16xi32>
      %swap3A_117 = vector.shape_cast %get3A_113 : vector<16xi32> to vector<16xi32>
      tpu.vector_store %arg8[%swap3A_114], %swap3A_117 {strides = array<i32>} : memref<128xi32, #tpu.memory_space<vmem>>, vector<16xi32>,
      %get3A_118 = arith.index_cast %scan3A_86 : i32 to index
      %get3A_119 = arith.constant 64 : index
      %get3A_120 = tpu.vector_load %arg6[%get3A_118, %get3A_119] {strides = array<i32>} : memref<80x128xi32, #tpu.memory_space<vmem>>, vector<1x16xi32>,
      %get3A_121 = vector.shape_cast %get3A_120 : vector<1x16xi32> to vector<16xi32>
      %swap3A_122 = arith.constant 64 : index
      %swap3A_123 = tpu.vector_load %arg8[%swap3A_122] {strides = array<i32>} : memref<128xi32, #tpu.memory_space<vmem>>, vector<16xi32>,
      %swap3A_124 = vector.shape_cast %swap3A_123 : vector<16xi32> to vector<16xi32>
      %swap3A_125 = vector.shape_cast %get3A_121 : vector<16xi32> to vector<16xi32>
      tpu.vector_store %arg8[%swap3A_122], %swap3A_125 {strides = array<i32>} : memref<128xi32, #tpu.memory_space<vmem>>, vector<16xi32>,
      %get3A_126 = arith.index_cast %scan3A_86 : i32 to index
      %get3A_127 = arith.constant 80 : index
      %get3A_128 = tpu.vector_load %arg6[%get3A_126, %get3A_127] {strides = array<i32>} : memref<80x128xi32, #tpu.memory_space<vmem>>, vector<1x16xi32>,
      %get3A_129 = vector.shape_cast %get3A_128 : vector<1x16xi32> to vector<16xi32>
      %swap3A_130 = arith.constant 80 : index
      %swap3A_131 = tpu.vector_load %arg8[%swap3A_130] {strides = array<i32>} : memref<128xi32, #tpu.memory_space<vmem>>, vector<16xi32>,
      %swap3A_132 = vector.shape_cast %swap3A_131 : vector<16xi32> to vector<16xi32>
      %swap3A_133 = vector.shape_cast %get3A_129 : vector<16xi32> to vector<16xi32>
      tpu.vector_store %arg8[%swap3A_130], %swap3A_133 {strides = array<i32>} : memref<128xi32, #tpu.memory_space<vmem>>, vector<16xi32>,
      %get3A_134 = arith.index_cast %scan3A_86 : i32 to index
      %get3A_135 = arith.constant 96 : index
      %get3A_136 = tpu.vector_load %arg6[%get3A_134, %get3A_135] {strides = array<i32>} : memref<80x128xi32, #tpu.memory_space<vmem>>, vector<1x16xi32>,
      %get3A_137 = vector.shape_cast %get3A_136 : vector<1x16xi32> to vector<16xi32>
      %swap3A_138 = arith.constant 96 : index
      %swap3A_139 = tpu.vector_load %arg8[%swap3A_138] {strides = array<i32>} : memref<128xi32, #tpu.memory_space<vmem>>, vector<16xi32>,
      %swap3A_140 = vector.shape_cast %swap3A_139 : vector<16xi32> to vector<16xi32>
      %swap3A_141 = vector.shape_cast %get3A_137 : vector<16xi32> to vector<16xi32>
      tpu.vector_store %arg8[%swap3A_138], %swap3A_141 {strides = array<i32>} : memref<128xi32, #tpu.memory_space<vmem>>, vector<16xi32>,
      %get3A_142 = arith.index_cast %scan3A_86 : i32 to index
      %get3A_143 = arith.constant 112 : index
      %get3A_144 = tpu.vector_load %arg6[%get3A_142, %get3A_143] {strides = array<i32>} : memref<80x128xi32, #tpu.memory_space<vmem>>, vector<1x16xi32>,
      %get3A_145 = vector.shape_cast %get3A_144 : vector<1x16xi32> to vector<16xi32>
      %swap3A_146 = arith.constant 112 : index
      %swap3A_147 = tpu.vector_load %arg8[%swap3A_146] {strides = array<i32>} : memref<128xi32, #tpu.memory_space<vmem>>, vector<16xi32>,
      %swap3A_148 = vector.shape_cast %swap3A_147 : vector<16xi32> to vector<16xi32>
      %swap3A_149 = vector.shape_cast %get3A_145 : vector<16xi32> to vector<16xi32>
      tpu.vector_store %arg8[%swap3A_146], %swap3A_149 {strides = array<i32>} : memref<128xi32, #tpu.memory_space<vmem>>, vector<16xi32>,
      %get3A_150 = arith.index_cast %scan3A_86 : i32 to index
      %get3A_151 = arith.constant 0 : index
      %get3A_152 = tpu.vector_load %arg7[%get3A_150, %get3A_151] {strides = array<i32>} : memref<80x128xi32, #tpu.memory_space<vmem>>, vector<1x16xi32>,
      %get3A_153 = vector.shape_cast %get3A_152 : vector<1x16xi32> to vector<16xi32>
      %swap3A_154 = arith.constant 0 : index
      %swap3A_155 = tpu.vector_load %arg9[%swap3A_154] {strides = array<i32>} : memref<128xi32, #tpu.memory_space<vmem>>, vector<16xi32>,
      %swap3A_156 = vector.shape_cast %swap3A_155 : vector<16xi32> to vector<16xi32>
      %swap3A_157 = vector.shape_cast %get3A_153 : vector<16xi32> to vector<16xi32>
      tpu.vector_store %arg9[%swap3A_154], %swap3A_157 {strides = array<i32>} : memref<128xi32, #tpu.memory_space<vmem>>, vector<16xi32>,
      %get3A_158 = arith.index_cast %scan3A_86 : i32 to index
      %get3A_159 = arith.constant 16 : index
      %get3A_160 = tpu.vector_load %arg7[%get3A_158, %get3A_159] {strides = array<i32>} : memref<80x128xi32, #tpu.memory_space<vmem>>, vector<1x16xi32>,
      %get3A_161 = vector.shape_cast %get3A_160 : vector<1x16xi32> to vector<16xi32>
      %swap3A_162 = arith.constant 16 : index
      %swap3A_163 = tpu.vector_load %arg9[%swap3A_162] {strides = array<i32>} : memref<128xi32, #tpu.memory_space<vmem>>, vector<16xi32>,
      %swap3A_164 = vector.shape_cast %swap3A_163 : vector<16xi32> to vector<16xi32>
      %swap3A_165 = vector.shape_cast %get3A_161 : vector<16xi32> to vector<16xi32>
      tpu.vector_store %arg9[%swap3A_162], %swap3A_165 {strides = array<i32>} : memref<128xi32, #tpu.memory_space<vmem>>, vector<16xi32>,
      %get3A_166 = arith.index_cast %scan3A_86 : i32 to index
      %get3A_167 = arith.constant 32 : index
      %get3A_168 = tpu.vector_load %arg7[%get3A_166, %get3A_167] {strides = array<i32>} : memref<80x128xi32, #tpu.memory_space<vmem>>, vector<1x16xi32>,
      %get3A_169 = vector.shape_cast %get3A_168 : vector<1x16xi32> to vector<16xi32>
      %swap3A_170 = arith.constant 32 : index
      %swap3A_171 = tpu.vector_load %arg9[%swap3A_170] {strides = array<i32>} : memref<128xi32, #tpu.memory_space<vmem>>, vector<16xi32>,
      %swap3A_172 = vector.shape_cast %swap3A_171 : vector<16xi32> to vector<16xi32>
      %swap3A_173 = vector.shape_cast %get3A_169 : vector<16xi32> to vector<16xi32>
      tpu.vector_store %arg9[%swap3A_170], %swap3A_173 {strides = array<i32>} : memref<128xi32, #tpu.memory_space<vmem>>, vector<16xi32>,
      %get3A_174 = arith.index_cast %scan3A_86 : i32 to index
      %get3A_175 = arith.constant 48 : index
      %get3A_176 = tpu.vector_load %arg7[%get3A_174, %get3A_175] {strides = array<i32>} : memref<80x128xi32, #tpu.memory_space<vmem>>, vector<1x16xi32>,
      %get3A_177 = vector.shape_cast %get3A_176 : vector<1x16xi32> to vector<16xi32>
      %swap3A_178 = arith.constant 48 : index
      %swap3A_179 = tpu.vector_load %arg9[%swap3A_178] {strides = array<i32>} : memref<128xi32, #tpu.memory_space<vmem>>, vector<16xi32>,
      %swap3A_180 = vector.shape_cast %swap3A_179 : vector<16xi32> to vector<16xi32>
      %swap3A_181 = vector.shape_cast %get3A_177 : vector<16xi32> to vector<16xi32>
      tpu.vector_store %arg9[%swap3A_178], %swap3A_181 {strides = array<i32>} : memref<128xi32, #tpu.memory_space<vmem>>, vector<16xi32>,
      %get3A_182 = arith.index_cast %scan3A_86 : i32 to index
      %get3A_183 = arith.constant 64 : index
      %get3A_184 = tpu.vector_load %arg7[%get3A_182, %get3A_183] {strides = array<i32>} : memref<80x128xi32, #tpu.memory_space<vmem>>, vector<1x16xi32>,
      %get3A_185 = vector.shape_cast %get3A_184 : vector<1x16xi32> to vector<16xi32>
      %swap3A_186 = arith.constant 64 : index
      %swap3A_187 = tpu.vector_load %arg9[%swap3A_186] {strides = array<i32>} : memref<128xi32, #tpu.memory_space<vmem>>, vector<16xi32>,
      %swap3A_188 = vector.shape_cast %swap3A_187 : vector<16xi32> to vector<16xi32>
      %swap3A_189 = vector.shape_cast %get3A_185 : vector<16xi32> to vector<16xi32>
      tpu.vector_store %arg9[%swap3A_186], %swap3A_189 {strides = array<i32>} : memref<128xi32, #tpu.memory_space<vmem>>, vector<16xi32>,
      %get3A_190 = arith.index_cast %scan3A_86 : i32 to index
      %get3A_191 = arith.constant 80 : index
      %get3A_192 = tpu.vector_load %arg7[%get3A_190, %get3A_191] {strides = array<i32>} : memref<80x128xi32, #tpu.memory_space<vmem>>, vector<1x16xi32>,
      %get3A_193 = vector.shape_cast %get3A_192 : vector<1x16xi32> to vector<16xi32>
      %swap3A_194 = arith.constant 80 : index
      %swap3A_195 = tpu.vector_load %arg9[%swap3A_194] {strides = array<i32>} : memref<128xi32, #tpu.memory_space<vmem>>, vector<16xi32>,
      %swap3A_196 = vector.shape_cast %swap3A_195 : vector<16xi32> to vector<16xi32>
      %swap3A_197 = vector.shape_cast %get3A_193 : vector<16xi32> to vector<16xi32>
      tpu.vector_store %arg9[%swap3A_194], %swap3A_197 {strides = array<i32>} : memref<128xi32, #tpu.memory_space<vmem>>, vector<16xi32>,
      %get3A_198 = arith.index_cast %scan3A_86 : i32 to index
      %get3A_199 = arith.constant 96 : index
      %get3A_200 = tpu.vector_load %arg7[%get3A_198, %get3A_199] {strides = array<i32>} : memref<80x128xi32, #tpu.memory_space<vmem>>, vector<1x16xi32>,
      %get3A_201 = vector.shape_cast %get3A_200 : vector<1x16xi32> to vector<16xi32>
      %swap3A_202 = arith.constant 96 : index
      %swap3A_203 = tpu.vector_load %arg9[%swap3A_202] {strides = array<i32>} : memref<128xi32, #tpu.memory_space<vmem>>, vector<16xi32>,
      %swap3A_204 = vector.shape_cast %swap3A_203 : vector<16xi32> to vector<16xi32>
      %swap3A_205 = vector.shape_cast %get3A_201 : vector<16xi32> to vector<16xi32>
      tpu.vector_store %arg9[%swap3A_202], %swap3A_205 {strides = array<i32>} : memref<128xi32, #tpu.memory_space<vmem>>, vector<16xi32>,
      %get3A_206 = arith.index_cast %scan3A_86 : i32 to index
      %get3A_207 = arith.constant 112 : index
      %get3A_208 = tpu.vector_load %arg7[%get3A_206, %get3A_207] {strides = array<i32>} : memref<80x128xi32, #tpu.memory_space<vmem>>, vector<1x16xi32>,
      %get3A_209 = vector.shape_cast %get3A_208 : vector<1x16xi32> to vector<16xi32>
      %swap3A_210 = arith.constant 112 : index
      %swap3A_211 = tpu.vector_load %arg9[%swap3A_210] {strides = array<i32>} : memref<128xi32, #tpu.memory_space<vmem>>, vector<16xi32>,
      %swap3A_212 = vector.shape_cast %swap3A_211 : vector<16xi32> to vector<16xi32>
      %swap3A_213 = vector.shape_cast %get3A_209 : vector<16xi32> to vector<16xi32>
      tpu.vector_store %arg9[%swap3A_210], %swap3A_213 {strides = array<i32>} : memref<128xi32, #tpu.memory_space<vmem>>, vector<16xi32>,
      "tpu.region"() ({
        %run_scoped3A = tpu.sem_alloc : memref<!tpu.dma_semaphore, #tpu.memory_space<semaphore_mem>>
        %dma_start3A = arith.constant 0 : i32
        %dma_start3A_214 = tpu.memref_slice %arg11[%dma_start3A] : memref<20480xf32, #tpu.memory_space<vmem_shared>> -> memref<20480xf32, #tpu.memory_space<vmem_shared>>
        tpu.enqueue_indirect_dma source(%arg10 : memref<128xf32, #tpu.memory_space<vmem>>) target(%dma_start3A_214 : memref<20480xf32, #tpu.memory_space<vmem_shared>>) offsets(%arg8 : memref<128xi32, #tpu.memory_space<vmem>>) semaphore(%run_scoped3A : memref<!tpu.dma_semaphore, #tpu.memory_space<semaphore_mem>>) {add = true}
        %dma_wait3A = arith.constant 0 : i32
        %dma_wait3A_215 = tpu.memref_slice %arg11[%dma_wait3A] : memref<20480xf32, #tpu.memory_space<vmem_shared>> -> memref<20480xf32, #tpu.memory_space<vmem_shared>>
        tpu.wait_indirect_dma semaphore(%run_scoped3A : memref<!tpu.dma_semaphore, #tpu.memory_space<semaphore_mem>>) src(%arg10 : memref<128xf32, #tpu.memory_space<vmem>>) dst(%dma_wait3A_215 : memref<20480xf32, #tpu.memory_space<vmem_shared>>)
        tpu.yield
      }) : () -> ()
      "tpu.region"() ({
        %run_scoped3A = tpu.sem_alloc : memref<!tpu.dma_semaphore, #tpu.memory_space<semaphore_mem>>
        %dma_start3A = arith.constant 0 : i32
        %dma_start3A_214 = tpu.memref_slice %arg12[%dma_start3A] : memref<10240xf32, #tpu.memory_space<vmem_shared>> -> memref<10240xf32, #tpu.memory_space<vmem_shared>>
        tpu.enqueue_indirect_dma source(%arg10 : memref<128xf32, #tpu.memory_space<vmem>>) target(%dma_start3A_214 : memref<10240xf32, #tpu.memory_space<vmem_shared>>) offsets(%arg9 : memref<128xi32, #tpu.memory_space<vmem>>) semaphore(%run_scoped3A : memref<!tpu.dma_semaphore, #tpu.memory_space<semaphore_mem>>) {add = true}
        %dma_wait3A = arith.constant 0 : i32
        %dma_wait3A_215 = tpu.memref_slice %arg12[%dma_wait3A] : memref<10240xf32, #tpu.memory_space<vmem_shared>> -> memref<10240xf32, #tpu.memory_space<vmem_shared>>
        tpu.wait_indirect_dma semaphore(%run_scoped3A : memref<!tpu.dma_semaphore, #tpu.memory_space<semaphore_mem>>) src(%arg10 : memref<128xf32, #tpu.memory_space<vmem>>) dst(%dma_wait3A_215 : memref<10240xf32, #tpu.memory_space<vmem_shared>>)
        tpu.yield
      }) : () -> ()
    }
    %scan3A_61 = arith.constant 80 : i32
    %barrier3A_62 = arith.constant 0 : index
    tpu.barrier barrier_id(%barrier3A_62)
    %mul3A_63 = arith.constant 10240 : i32
    %mul3A_64 = arith.muli %arg0, %mul3A_63 : i32
    %mul3A_65 = arith.constant 640 : i32
    %mul3A_66 = arith.muli %arg1, %mul3A_65 : i32
    %add3A_67 = arith.addi %mul3A_64, %mul3A_66 : i32
    %mul3A_68 = arith.constant 2 : i32
    %mul3A_69 = arith.muli %mul3A_68, %arg0 : i32
    %mul3A_70 = arith.constant 10240 : i32
    %mul3A_71 = arith.muli %mul3A_69, %mul3A_70 : i32
    %mul3A_72 = arith.constant 640 : i32
    %mul3A_73 = arith.muli %arg1, %mul3A_72 : i32
    %add3A_74 = arith.addi %mul3A_71, %mul3A_73 : i32
    "tpu.region"() ({
      %run_scoped3A = tpu.sem_alloc : memref<!tpu.dma_semaphore, #tpu.memory_space<semaphore_mem>>
      %dma_start3A = tpu.memref_slice %arg5[%add3A_74] : memref<40960xf32, #tpu.memory_space<hbm>> -> memref<640xf32, #tpu.memory_space<hbm>>
      %dma_start3A_86 = tpu.memref_slice %arg11[%add3A_67] : memref<20480xf32, #tpu.memory_space<vmem_shared>> -> memref<640xf32, #tpu.memory_space<vmem_shared>>
      tpu.enqueue_dma source(%dma_start3A_86 : memref<640xf32, #tpu.memory_space<vmem_shared>>) target(%dma_start3A : memref<640xf32, #tpu.memory_space<hbm>>) target_semaphore(%run_scoped3A : memref<!tpu.dma_semaphore, #tpu.memory_space<semaphore_mem>>)
      %dma_wait3A = tpu.memref_slice %arg5[%add3A_74] : memref<40960xf32, #tpu.memory_space<hbm>> -> memref<640xf32, #tpu.memory_space<hbm>>
      %dma_wait3A_87 = tpu.memref_slice %arg11[%add3A_67] : memref<20480xf32, #tpu.memory_space<vmem_shared>> -> memref<640xf32, #tpu.memory_space<vmem_shared>>
      tpu.wait_dma2 semaphore(%run_scoped3A : memref<!tpu.dma_semaphore, #tpu.memory_space<semaphore_mem>>) src(%dma_wait3A_87 : memref<640xf32, #tpu.memory_space<vmem_shared>>) dst(%dma_wait3A : memref<640xf32, #tpu.memory_space<hbm>>)
      tpu.yield
    }) : () -> ()
    %mul3A_75 = arith.constant 640 : i32
    %mul3A_76 = arith.muli %arg1, %mul3A_75 : i32
    %mul3A_77 = arith.constant 2 : i32
    %mul3A_78 = arith.muli %mul3A_77, %arg0 : i32
    %add3A_79 = arith.constant 1 : i32
    %add3A_80 = arith.addi %mul3A_78, %add3A_79 : i32
    %mul3A_81 = arith.constant 10240 : i32
    %mul3A_82 = arith.muli %add3A_80, %mul3A_81 : i32
    %mul3A_83 = arith.constant 640 : i32
    %mul3A_84 = arith.muli %arg1, %mul3A_83 : i32
    %add3A_85 = arith.addi %mul3A_82, %mul3A_84 : i32
    "tpu.region"() ({
      %run_scoped3A = tpu.sem_alloc : memref<!tpu.dma_semaphore, #tpu.memory_space<semaphore_mem>>
      %dma_start3A = tpu.memref_slice %arg5[%add3A_85] : memref<40960xf32, #tpu.memory_space<hbm>> -> memref<640xf32, #tpu.memory_space<hbm>>
      %dma_start3A_86 = tpu.memref_slice %arg12[%mul3A_76] : memref<10240xf32, #tpu.memory_space<vmem_shared>> -> memref<640xf32, #tpu.memory_space<vmem_shared>>
      tpu.enqueue_dma source(%dma_start3A_86 : memref<640xf32, #tpu.memory_space<vmem_shared>>) target(%dma_start3A : memref<640xf32, #tpu.memory_space<hbm>>) target_semaphore(%run_scoped3A : memref<!tpu.dma_semaphore, #tpu.memory_space<semaphore_mem>>)
      %dma_wait3A = tpu.memref_slice %arg5[%add3A_85] : memref<40960xf32, #tpu.memory_space<hbm>> -> memref<640xf32, #tpu.memory_space<hbm>>
      %dma_wait3A_87 = tpu.memref_slice %arg12[%mul3A_76] : memref<10240xf32, #tpu.memory_space<vmem_shared>> -> memref<640xf32, #tpu.memory_space<vmem_shared>>
      tpu.wait_dma2 semaphore(%run_scoped3A : memref<!tpu.dma_semaphore, #tpu.memory_space<semaphore_mem>>) src(%dma_wait3A_87 : memref<640xf32, #tpu.memory_space<vmem_shared>>) dst(%dma_wait3A : memref<640xf32, #tpu.memory_space<hbm>>)
      tpu.yield
    }) : () -> ()
    return
  }
}

#map = affine_map<(d0, d1) -> (0, 0)>
module attributes {stable_mosaic.version = 14 : i64} {
  func.func @_spmm_body(%arg0: i32, %arg1: i32, %arg2: memref<20480x128xf32, #tpu.memory_space<hbm>>, %arg3: memref<2560x128xi32, #tpu.memory_space<hbm>>, %arg4: memref<2560x128xi32, #tpu.memory_space<hbm>>, %arg5: memref<10240x128xf32, #tpu.memory_space<hbm>>, %arg6: memref<20480x128xf32, #tpu.memory_space<hbm>>, %arg7: memref<40x128xi32, #tpu.memory_space<vmem>>, %arg8: memref<40x128xi32, #tpu.memory_space<vmem>>, %arg9: memref<128xi32, #tpu.memory_space<vmem>>, %arg10: memref<128xi32, #tpu.memory_space<vmem>>, %arg11: memref<128x128xf32, #tpu.memory_space<vmem>>, %arg12: memref<128x128xf32, #tpu.memory_space<vmem>>, %arg13: memref<10240x128xf32, #tpu.memory_space<vmem_shared>>, %arg14: memref<!tpu.dma_semaphore, #tpu.memory_space<semaphore_mem>>, %arg15: memref<!tpu.dma_semaphore, #tpu.memory_space<semaphore_mem>>) attributes {dimension_semantics = [#tpu.dimension_semantics<core_parallel>, #tpu.dimension_semantics<subcore_parallel>], iteration_bounds = array<i64: 2, 16>, scalar_prefetch = 0 : i64, scratch_operands = 9 : i64, tpu.core_type = #tpu.core_type<sc_vector_subcore>, window_params = [{transform_indices = #map}, {transform_indices = #map}, {transform_indices = #map}, {transform_indices = #map}, {transform_indices = #map}]} {
    %mul3A = arith.constant 1280 : i32
    %mul3A_0 = arith.muli %arg0, %mul3A : i32
    %mul3A_1 = arith.constant 80 : i32
    %mul3A_2 = arith.muli %arg1, %mul3A_1 : i32
    %add3A = arith.addi %mul3A_0, %mul3A_2 : i32
    %mul3A_3 = arith.constant 640 : i32
    %mul3A_4 = arith.muli %arg1, %mul3A_3 : i32
    %mul3A_5 = arith.constant 640 : i32
    %mul3A_6 = arith.muli %arg1, %mul3A_5 : i32
    "tpu.region"() ({
      %run_scoped3A = tpu.sem_alloc : memref<!tpu.dma_semaphore, #tpu.memory_space<semaphore_mem>>
      %dma_start3A_185 = arith.constant 0 : i32
      %dma_start3A_186 = tpu.memref_slice %arg13[%mul3A_6, %dma_start3A_185] : memref<10240x128xf32, #tpu.memory_space<vmem_shared>> -> memref<640x128xf32, #tpu.memory_space<vmem_shared>>
      %dma_start3A_187 = arith.constant 0 : i32
      %dma_start3A_188 = tpu.memref_slice %arg5[%mul3A_4, %dma_start3A_187] : memref<10240x128xf32, #tpu.memory_space<hbm>> -> memref<640x128xf32, #tpu.memory_space<hbm>>
      tpu.enqueue_dma source(%dma_start3A_188 : memref<640x128xf32, #tpu.memory_space<hbm>>) target(%dma_start3A_186 : memref<640x128xf32, #tpu.memory_space<vmem_shared>>) target_semaphore(%run_scoped3A : memref<!tpu.dma_semaphore, #tpu.memory_space<semaphore_mem>>)
      %dma_wait3A = arith.constant 0 : i32
      %dma_wait3A_189 = tpu.memref_slice %arg13[%mul3A_6, %dma_wait3A] : memref<10240x128xf32, #tpu.memory_space<vmem_shared>> -> memref<640x128xf32, #tpu.memory_space<vmem_shared>>
      %dma_wait3A_190 = arith.constant 0 : i32
      %dma_wait3A_191 = tpu.memref_slice %arg5[%mul3A_4, %dma_wait3A_190] : memref<10240x128xf32, #tpu.memory_space<hbm>> -> memref<640x128xf32, #tpu.memory_space<hbm>>
      tpu.wait_dma2 semaphore(%run_scoped3A : memref<!tpu.dma_semaphore, #tpu.memory_space<semaphore_mem>>) src(%dma_wait3A_191 : memref<640x128xf32, #tpu.memory_space<hbm>>) dst(%dma_wait3A_189 : memref<640x128xf32, #tpu.memory_space<vmem_shared>>)
      tpu.yield
    }) : () -> ()
    %barrier3A = arith.constant 0 : index
    tpu.barrier barrier_id(%barrier3A)
    %add3A_7 = arith.constant 0 : i32
    %add3A_8 = arith.addi %add3A, %add3A_7 : i32
    "tpu.region"() ({
      %run_scoped3A = tpu.sem_alloc : memref<!tpu.dma_semaphore, #tpu.memory_space<semaphore_mem>>
      %dma_start3A_185 = arith.constant 0 : i32
      %dma_start3A_186 = tpu.memref_slice %arg3[%add3A_8, %dma_start3A_185] : memref<2560x128xi32, #tpu.memory_space<hbm>> -> memref<40x128xi32, #tpu.memory_space<hbm>>
      %dma_start3A_187 = arith.constant 0 : i32
      %dma_start3A_188 = tpu.memref_slice %arg3[%add3A_8, %dma_start3A_187] : memref<2560x128xi32, #tpu.memory_space<hbm>> -> memref<40x128xi32, #tpu.memory_space<hbm>>
      tpu.enqueue_dma source(%dma_start3A_188 : memref<40x128xi32, #tpu.memory_space<hbm>>) target(%arg7 : memref<40x128xi32, #tpu.memory_space<vmem>>) target_semaphore(%run_scoped3A : memref<!tpu.dma_semaphore, #tpu.memory_space<semaphore_mem>>)
      %dma_wait3A = arith.constant 0 : i32
      %dma_wait3A_189 = tpu.memref_slice %arg3[%add3A_8, %dma_wait3A] : memref<2560x128xi32, #tpu.memory_space<hbm>> -> memref<40x128xi32, #tpu.memory_space<hbm>>
      %dma_wait3A_190 = arith.constant 0 : i32
      %dma_wait3A_191 = tpu.memref_slice %arg3[%add3A_8, %dma_wait3A_190] : memref<2560x128xi32, #tpu.memory_space<hbm>> -> memref<40x128xi32, #tpu.memory_space<hbm>>
      tpu.wait_dma2 semaphore(%run_scoped3A : memref<!tpu.dma_semaphore, #tpu.memory_space<semaphore_mem>>) src(%dma_wait3A_191 : memref<40x128xi32, #tpu.memory_space<hbm>>) dst(%arg7 : memref<40x128xi32, #tpu.memory_space<vmem>>)
      tpu.yield
    }) : () -> ()
    "tpu.region"() ({
      %run_scoped3A = tpu.sem_alloc : memref<!tpu.dma_semaphore, #tpu.memory_space<semaphore_mem>>
      %dma_start3A_185 = arith.constant 0 : i32
      %dma_start3A_186 = tpu.memref_slice %arg4[%add3A_8, %dma_start3A_185] : memref<2560x128xi32, #tpu.memory_space<hbm>> -> memref<40x128xi32, #tpu.memory_space<hbm>>
      %dma_start3A_187 = arith.constant 0 : i32
      %dma_start3A_188 = tpu.memref_slice %arg4[%add3A_8, %dma_start3A_187] : memref<2560x128xi32, #tpu.memory_space<hbm>> -> memref<40x128xi32, #tpu.memory_space<hbm>>
      tpu.enqueue_dma source(%dma_start3A_188 : memref<40x128xi32, #tpu.memory_space<hbm>>) target(%arg8 : memref<40x128xi32, #tpu.memory_space<vmem>>) target_semaphore(%run_scoped3A : memref<!tpu.dma_semaphore, #tpu.memory_space<semaphore_mem>>)
      %dma_wait3A = arith.constant 0 : i32
      %dma_wait3A_189 = tpu.memref_slice %arg4[%add3A_8, %dma_wait3A] : memref<2560x128xi32, #tpu.memory_space<hbm>> -> memref<40x128xi32, #tpu.memory_space<hbm>>
      %dma_wait3A_190 = arith.constant 0 : i32
      %dma_wait3A_191 = tpu.memref_slice %arg4[%add3A_8, %dma_wait3A_190] : memref<2560x128xi32, #tpu.memory_space<hbm>> -> memref<40x128xi32, #tpu.memory_space<hbm>>
      tpu.wait_dma2 semaphore(%run_scoped3A : memref<!tpu.dma_semaphore, #tpu.memory_space<semaphore_mem>>) src(%dma_wait3A_191 : memref<40x128xi32, #tpu.memory_space<hbm>>) dst(%arg8 : memref<40x128xi32, #tpu.memory_space<vmem>>)
      tpu.yield
    }) : () -> ()
    %dma_start3A = arith.constant 0 : i32
    %dma_start3A_9 = arith.constant 0 : i32
    %dma_start3A_10 = tpu.memref_slice %arg7[%dma_start3A, %dma_start3A_9] : memref<40x128xi32, #tpu.memory_space<vmem>> -> memref<1x128xi32, #tpu.memory_space<vmem>>
    %dma_start3A_11 = tpu.memref_squeeze %dma_start3A_10 : memref<1x128xi32, #tpu.memory_space<vmem>> -> memref<128xi32, #tpu.memory_space<vmem>>
    %dma_start3A_12 = arith.constant 0 : i32
    %dma_start3A_13 = arith.constant 0 : i32
    %dma_start3A_14 = tpu.memref_slice %arg2[%dma_start3A_12, %dma_start3A_13] : memref<20480x128xf32, #tpu.memory_space<hbm>> -> memref<20480x128xf32, #tpu.memory_space<hbm>>
    tpu.enqueue_indirect_dma source(%dma_start3A_14 : memref<20480x128xf32, #tpu.memory_space<hbm>>) target(%arg11 : memref<128x128xf32, #tpu.memory_space<vmem>>) offsets(%dma_start3A_11 : memref<128xi32, #tpu.memory_space<vmem>>) semaphore(%arg14 : memref<!tpu.dma_semaphore, #tpu.memory_space<semaphore_mem>>)
    %get3A = arith.constant 0 : i32
    %get3A_15 = arith.index_cast %get3A : i32 to index
    %get3A_16 = arith.constant 0 : index
    %get3A_17 = tpu.vector_load %arg8[%get3A_15, %get3A_16] {strides = array<i32>} : memref<40x128xi32, #tpu.memory_space<vmem>>, vector<1x16xi32>,
    %get3A_18 = vector.shape_cast %get3A_17 : vector<1x16xi32> to vector<16xi32>
    %swap3A = arith.constant 0 : index
    %swap3A_19 = tpu.vector_load %arg9[%swap3A] {strides = array<i32>} : memref<128xi32, #tpu.memory_space<vmem>>, vector<16xi32>,
    %swap3A_20 = vector.shape_cast %swap3A_19 : vector<16xi32> to vector<16xi32>
    %swap3A_21 = vector.shape_cast %get3A_18 : vector<16xi32> to vector<16xi32>
    tpu.vector_store %arg9[%swap3A], %swap3A_21 {strides = array<i32>} : memref<128xi32, #tpu.memory_space<vmem>>, vector<16xi32>,
    %get3A_22 = arith.constant 0 : i32
    %get3A_23 = arith.index_cast %get3A_22 : i32 to index
    %get3A_24 = arith.constant 16 : index
    %get3A_25 = tpu.vector_load %arg8[%get3A_23, %get3A_24] {strides = array<i32>} : memref<40x128xi32, #tpu.memory_space<vmem>>, vector<1x16xi32>,
    %get3A_26 = vector.shape_cast %get3A_25 : vector<1x16xi32> to vector<16xi32>
    %swap3A_27 = arith.constant 16 : index
    %swap3A_28 = tpu.vector_load %arg9[%swap3A_27] {strides = array<i32>} : memref<128xi32, #tpu.memory_space<vmem>>, vector<16xi32>,
    %swap3A_29 = vector.shape_cast %swap3A_28 : vector<16xi32> to vector<16xi32>
    %swap3A_30 = vector.shape_cast %get3A_26 : vector<16xi32> to vector<16xi32>
    tpu.vector_store %arg9[%swap3A_27], %swap3A_30 {strides = array<i32>} : memref<128xi32, #tpu.memory_space<vmem>>, vector<16xi32>,
    %get3A_31 = arith.constant 0 : i32
    %get3A_32 = arith.index_cast %get3A_31 : i32 to index
    %get3A_33 = arith.constant 32 : index
    %get3A_34 = tpu.vector_load %arg8[%get3A_32, %get3A_33] {strides = array<i32>} : memref<40x128xi32, #tpu.memory_space<vmem>>, vector<1x16xi32>,
    %get3A_35 = vector.shape_cast %get3A_34 : vector<1x16xi32> to vector<16xi32>
    %swap3A_36 = arith.constant 32 : index
    %swap3A_37 = tpu.vector_load %arg9[%swap3A_36] {strides = array<i32>} : memref<128xi32, #tpu.memory_space<vmem>>, vector<16xi32>,
    %swap3A_38 = vector.shape_cast %swap3A_37 : vector<16xi32> to vector<16xi32>
    %swap3A_39 = vector.shape_cast %get3A_35 : vector<16xi32> to vector<16xi32>
    tpu.vector_store %arg9[%swap3A_36], %swap3A_39 {strides = array<i32>} : memref<128xi32, #tpu.memory_space<vmem>>, vector<16xi32>,
    %get3A_40 = arith.constant 0 : i32
    %get3A_41 = arith.index_cast %get3A_40 : i32 to index
    %get3A_42 = arith.constant 48 : index
    %get3A_43 = tpu.vector_load %arg8[%get3A_41, %get3A_42] {strides = array<i32>} : memref<40x128xi32, #tpu.memory_space<vmem>>, vector<1x16xi32>,
    %get3A_44 = vector.shape_cast %get3A_43 : vector<1x16xi32> to vector<16xi32>
    %swap3A_45 = arith.constant 48 : index
    %swap3A_46 = tpu.vector_load %arg9[%swap3A_45] {strides = array<i32>} : memref<128xi32, #tpu.memory_space<vmem>>, vector<16xi32>,
    %swap3A_47 = vector.shape_cast %swap3A_46 : vector<16xi32> to vector<16xi32>
    %swap3A_48 = vector.shape_cast %get3A_44 : vector<16xi32> to vector<16xi32>
    tpu.vector_store %arg9[%swap3A_45], %swap3A_48 {strides = array<i32>} : memref<128xi32, #tpu.memory_space<vmem>>, vector<16xi32>,
    %get3A_49 = arith.constant 0 : i32
    %get3A_50 = arith.index_cast %get3A_49 : i32 to index
    %get3A_51 = arith.constant 64 : index
    %get3A_52 = tpu.vector_load %arg8[%get3A_50, %get3A_51] {strides = array<i32>} : memref<40x128xi32, #tpu.memory_space<vmem>>, vector<1x16xi32>,
    %get3A_53 = vector.shape_cast %get3A_52 : vector<1x16xi32> to vector<16xi32>
    %swap3A_54 = arith.constant 64 : index
    %swap3A_55 = tpu.vector_load %arg9[%swap3A_54] {strides = array<i32>} : memref<128xi32, #tpu.memory_space<vmem>>, vector<16xi32>,
    %swap3A_56 = vector.shape_cast %swap3A_55 : vector<16xi32> to vector<16xi32>
    %swap3A_57 = vector.shape_cast %get3A_53 : vector<16xi32> to vector<16xi32>
    tpu.vector_store %arg9[%swap3A_54], %swap3A_57 {strides = array<i32>} : memref<128xi32, #tpu.memory_space<vmem>>, vector<16xi32>,
    %get3A_58 = arith.constant 0 : i32
    %get3A_59 = arith.index_cast %get3A_58 : i32 to index
    %get3A_60 = arith.constant 80 : index
    %get3A_61 = tpu.vector_load %arg8[%get3A_59, %get3A_60] {strides = array<i32>} : memref<40x128xi32, #tpu.memory_space<vmem>>, vector<1x16xi32>,
    %get3A_62 = vector.shape_cast %get3A_61 : vector<1x16xi32> to vector<16xi32>
    %swap3A_63 = arith.constant 80 : index
    %swap3A_64 = tpu.vector_load %arg9[%swap3A_63] {strides = array<i32>} : memref<128xi32, #tpu.memory_space<vmem>>, vector<16xi32>,
    %swap3A_65 = vector.shape_cast %swap3A_64 : vector<16xi32> to vector<16xi32>
    %swap3A_66 = vector.shape_cast %get3A_62 : vector<16xi32> to vector<16xi32>
    tpu.vector_store %arg9[%swap3A_63], %swap3A_66 {strides = array<i32>} : memref<128xi32, #tpu.memory_space<vmem>>, vector<16xi32>,
    %get3A_67 = arith.constant 0 : i32
    %get3A_68 = arith.index_cast %get3A_67 : i32 to index
    %get3A_69 = arith.constant 96 : index
    %get3A_70 = tpu.vector_load %arg8[%get3A_68, %get3A_69] {strides = array<i32>} : memref<40x128xi32, #tpu.memory_space<vmem>>, vector<1x16xi32>,
    %get3A_71 = vector.shape_cast %get3A_70 : vector<1x16xi32> to vector<16xi32>
    %swap3A_72 = arith.constant 96 : index
    %swap3A_73 = tpu.vector_load %arg9[%swap3A_72] {strides = array<i32>} : memref<128xi32, #tpu.memory_space<vmem>>, vector<16xi32>,
    %swap3A_74 = vector.shape_cast %swap3A_73 : vector<16xi32> to vector<16xi32>
    %swap3A_75 = vector.shape_cast %get3A_71 : vector<16xi32> to vector<16xi32>
    tpu.vector_store %arg9[%swap3A_72], %swap3A_75 {strides = array<i32>} : memref<128xi32, #tpu.memory_space<vmem>>, vector<16xi32>,
    %get3A_76 = arith.constant 0 : i32
    %get3A_77 = arith.index_cast %get3A_76 : i32 to index
    %get3A_78 = arith.constant 112 : index
    %get3A_79 = tpu.vector_load %arg8[%get3A_77, %get3A_78] {strides = array<i32>} : memref<40x128xi32, #tpu.memory_space<vmem>>, vector<1x16xi32>,
    %get3A_80 = vector.shape_cast %get3A_79 : vector<1x16xi32> to vector<16xi32>
    %swap3A_81 = arith.constant 112 : index
    %swap3A_82 = tpu.vector_load %arg9[%swap3A_81] {strides = array<i32>} : memref<128xi32, #tpu.memory_space<vmem>>, vector<16xi32>,
    %swap3A_83 = vector.shape_cast %swap3A_82 : vector<16xi32> to vector<16xi32>
    %swap3A_84 = vector.shape_cast %get3A_80 : vector<16xi32> to vector<16xi32>
    tpu.vector_store %arg9[%swap3A_81], %swap3A_84 {strides = array<i32>} : memref<128xi32, #tpu.memory_space<vmem>>, vector<16xi32>,
    %scan3A = arith.constant 0 : i32
    %scan3A_85 = arith.constant 0 : i32
    %scan3A_86 = arith.constant 20 : i32
    %scan3A_87 = arith.addi %scan3A_85, %scan3A_86 : i32
    %scan3A_88 = arith.constant 1 : i32
    scf.for %scan3A_185 = %scan3A_85 to %scan3A_87 step %scan3A_88  : i32 {
      %mul3A_186 = arith.constant 2 : i32
      %mul3A_187 = arith.muli %mul3A_186, %scan3A_185 : i32
      %add3A_188 = arith.constant 1 : i32
      %add3A_189 = arith.addi %mul3A_187, %add3A_188 : i32
      %dma_start3A_190 = arith.constant 0 : i32
      %dma_start3A_191 = tpu.memref_slice %arg7[%add3A_189, %dma_start3A_190] : memref<40x128xi32, #tpu.memory_space<vmem>> -> memref<1x128xi32, #tpu.memory_space<vmem>>
      %dma_start3A_192 = tpu.memref_squeeze %dma_start3A_191 : memref<1x128xi32, #tpu.memory_space<vmem>> -> memref<128xi32, #tpu.memory_space<vmem>>
      %dma_start3A_193 = arith.constant 0 : i32
      %dma_start3A_194 = arith.constant 0 : i32
      %dma_start3A_195 = tpu.memref_slice %arg2[%dma_start3A_193, %dma_start3A_194] : memref<20480x128xf32, #tpu.memory_space<hbm>> -> memref<20480x128xf32, #tpu.memory_space<hbm>>
      tpu.enqueue_indirect_dma source(%dma_start3A_195 : memref<20480x128xf32, #tpu.memory_space<hbm>>) target(%arg12 : memref<128x128xf32, #tpu.memory_space<vmem>>) offsets(%dma_start3A_192 : memref<128xi32, #tpu.memory_space<vmem>>) semaphore(%arg15 : memref<!tpu.dma_semaphore, #tpu.memory_space<semaphore_mem>>)
      %add3A_196 = arith.constant 1 : i32
      %add3A_197 = arith.addi %mul3A_187, %add3A_196 : i32
      %get3A_198 = arith.index_cast %add3A_197 : i32 to index
      %get3A_199 = arith.constant 0 : index
      %get3A_200 = tpu.vector_load %arg8[%get3A_198, %get3A_199] {strides = array<i32>} : memref<40x128xi32, #tpu.memory_space<vmem>>, vector<1x16xi32>,
      %get3A_201 = vector.shape_cast %get3A_200 : vector<1x16xi32> to vector<16xi32>
      %swap3A_202 = arith.constant 0 : index
      %swap3A_203 = tpu.vector_load %arg10[%swap3A_202] {strides = array<i32>} : memref<128xi32, #tpu.memory_space<vmem>>, vector<16xi32>,
      %swap3A_204 = vector.shape_cast %swap3A_203 : vector<16xi32> to vector<16xi32>
      %swap3A_205 = vector.shape_cast %get3A_201 : vector<16xi32> to vector<16xi32>
      tpu.vector_store %arg10[%swap3A_202], %swap3A_205 {strides = array<i32>} : memref<128xi32, #tpu.memory_space<vmem>>, vector<16xi32>,
      %get3A_206 = arith.index_cast %add3A_197 : i32 to index
      %get3A_207 = arith.constant 16 : index
      %get3A_208 = tpu.vector_load %arg8[%get3A_206, %get3A_207] {strides = array<i32>} : memref<40x128xi32, #tpu.memory_space<vmem>>, vector<1x16xi32>,
      %get3A_209 = vector.shape_cast %get3A_208 : vector<1x16xi32> to vector<16xi32>
      %swap3A_210 = arith.constant 16 : index
      %swap3A_211 = tpu.vector_load %arg10[%swap3A_210] {strides = array<i32>} : memref<128xi32, #tpu.memory_space<vmem>>, vector<16xi32>,
      %swap3A_212 = vector.shape_cast %swap3A_211 : vector<16xi32> to vector<16xi32>
      %swap3A_213 = vector.shape_cast %get3A_209 : vector<16xi32> to vector<16xi32>
      tpu.vector_store %arg10[%swap3A_210], %swap3A_213 {strides = array<i32>} : memref<128xi32, #tpu.memory_space<vmem>>, vector<16xi32>,
      %get3A_214 = arith.index_cast %add3A_197 : i32 to index
      %get3A_215 = arith.constant 32 : index
      %get3A_216 = tpu.vector_load %arg8[%get3A_214, %get3A_215] {strides = array<i32>} : memref<40x128xi32, #tpu.memory_space<vmem>>, vector<1x16xi32>,
      %get3A_217 = vector.shape_cast %get3A_216 : vector<1x16xi32> to vector<16xi32>
      %swap3A_218 = arith.constant 32 : index
      %swap3A_219 = tpu.vector_load %arg10[%swap3A_218] {strides = array<i32>} : memref<128xi32, #tpu.memory_space<vmem>>, vector<16xi32>,
      %swap3A_220 = vector.shape_cast %swap3A_219 : vector<16xi32> to vector<16xi32>
      %swap3A_221 = vector.shape_cast %get3A_217 : vector<16xi32> to vector<16xi32>
      tpu.vector_store %arg10[%swap3A_218], %swap3A_221 {strides = array<i32>} : memref<128xi32, #tpu.memory_space<vmem>>, vector<16xi32>,
      %get3A_222 = arith.index_cast %add3A_197 : i32 to index
      %get3A_223 = arith.constant 48 : index
      %get3A_224 = tpu.vector_load %arg8[%get3A_222, %get3A_223] {strides = array<i32>} : memref<40x128xi32, #tpu.memory_space<vmem>>, vector<1x16xi32>,
      %get3A_225 = vector.shape_cast %get3A_224 : vector<1x16xi32> to vector<16xi32>
      %swap3A_226 = arith.constant 48 : index
      %swap3A_227 = tpu.vector_load %arg10[%swap3A_226] {strides = array<i32>} : memref<128xi32, #tpu.memory_space<vmem>>, vector<16xi32>,
      %swap3A_228 = vector.shape_cast %swap3A_227 : vector<16xi32> to vector<16xi32>
      %swap3A_229 = vector.shape_cast %get3A_225 : vector<16xi32> to vector<16xi32>
      tpu.vector_store %arg10[%swap3A_226], %swap3A_229 {strides = array<i32>} : memref<128xi32, #tpu.memory_space<vmem>>, vector<16xi32>,
      %get3A_230 = arith.index_cast %add3A_197 : i32 to index
      %get3A_231 = arith.constant 64 : index
      %get3A_232 = tpu.vector_load %arg8[%get3A_230, %get3A_231] {strides = array<i32>} : memref<40x128xi32, #tpu.memory_space<vmem>>, vector<1x16xi32>,
      %get3A_233 = vector.shape_cast %get3A_232 : vector<1x16xi32> to vector<16xi32>
      %swap3A_234 = arith.constant 64 : index
      %swap3A_235 = tpu.vector_load %arg10[%swap3A_234] {strides = array<i32>} : memref<128xi32, #tpu.memory_space<vmem>>, vector<16xi32>,
      %swap3A_236 = vector.shape_cast %swap3A_235 : vector<16xi32> to vector<16xi32>
      %swap3A_237 = vector.shape_cast %get3A_233 : vector<16xi32> to vector<16xi32>
      tpu.vector_store %arg10[%swap3A_234], %swap3A_237 {strides = array<i32>} : memref<128xi32, #tpu.memory_space<vmem>>, vector<16xi32>,
      %get3A_238 = arith.index_cast %add3A_197 : i32 to index
      %get3A_239 = arith.constant 80 : index
      %get3A_240 = tpu.vector_load %arg8[%get3A_238, %get3A_239] {strides = array<i32>} : memref<40x128xi32, #tpu.memory_space<vmem>>, vector<1x16xi32>,
      %get3A_241 = vector.shape_cast %get3A_240 : vector<1x16xi32> to vector<16xi32>
      %swap3A_242 = arith.constant 80 : index
      %swap3A_243 = tpu.vector_load %arg10[%swap3A_242] {strides = array<i32>} : memref<128xi32, #tpu.memory_space<vmem>>, vector<16xi32>,
      %swap3A_244 = vector.shape_cast %swap3A_243 : vector<16xi32> to vector<16xi32>
      %swap3A_245 = vector.shape_cast %get3A_241 : vector<16xi32> to vector<16xi32>
      tpu.vector_store %arg10[%swap3A_242], %swap3A_245 {strides = array<i32>} : memref<128xi32, #tpu.memory_space<vmem>>, vector<16xi32>,
      %get3A_246 = arith.index_cast %add3A_197 : i32 to index
      %get3A_247 = arith.constant 96 : index
      %get3A_248 = tpu.vector_load %arg8[%get3A_246, %get3A_247] {strides = array<i32>} : memref<40x128xi32, #tpu.memory_space<vmem>>, vector<1x16xi32>,
      %get3A_249 = vector.shape_cast %get3A_248 : vector<1x16xi32> to vector<16xi32>
      %swap3A_250 = arith.constant 96 : index
      %swap3A_251 = tpu.vector_load %arg10[%swap3A_250] {strides = array<i32>} : memref<128xi32, #tpu.memory_space<vmem>>, vector<16xi32>,
      %swap3A_252 = vector.shape_cast %swap3A_251 : vector<16xi32> to vector<16xi32>
      %swap3A_253 = vector.shape_cast %get3A_249 : vector<16xi32> to vector<16xi32>
      tpu.vector_store %arg10[%swap3A_250], %swap3A_253 {strides = array<i32>} : memref<128xi32, #tpu.memory_space<vmem>>, vector<16xi32>,
      %get3A_254 = arith.index_cast %add3A_197 : i32 to index
      %get3A_255 = arith.constant 112 : index
      %get3A_256 = tpu.vector_load %arg8[%get3A_254, %get3A_255] {strides = array<i32>} : memref<40x128xi32, #tpu.memory_space<vmem>>, vector<1x16xi32>,
      %get3A_257 = vector.shape_cast %get3A_256 : vector<1x16xi32> to vector<16xi32>
      %swap3A_258 = arith.constant 112 : index
      %swap3A_259 = tpu.vector_load %arg10[%swap3A_258] {strides = array<i32>} : memref<128xi32, #tpu.memory_space<vmem>>, vector<16xi32>,
      %swap3A_260 = vector.shape_cast %swap3A_259 : vector<16xi32> to vector<16xi32>
      %swap3A_261 = vector.shape_cast %get3A_257 : vector<16xi32> to vector<16xi32>
      tpu.vector_store %arg10[%swap3A_258], %swap3A_261 {strides = array<i32>} : memref<128xi32, #tpu.memory_space<vmem>>, vector<16xi32>,
      tpu.wait_dma2 semaphore(%arg14 : memref<!tpu.dma_semaphore, #tpu.memory_space<semaphore_mem>>) src(%arg2 : memref<20480x128xf32, #tpu.memory_space<hbm>>) dst(%arg11 : memref<128x128xf32, #tpu.memory_space<vmem>>)
      "tpu.region"() ({
        %run_scoped3A = tpu.sem_alloc : memref<!tpu.dma_semaphore, #tpu.memory_space<semaphore_mem>>
        %dma_start3A_264 = arith.constant 0 : i32
        %dma_start3A_265 = arith.constant 0 : i32
        %dma_start3A_266 = tpu.memref_slice %arg13[%dma_start3A_264, %dma_start3A_265] : memref<10240x128xf32, #tpu.memory_space<vmem_shared>> -> memref<10240x128xf32, #tpu.memory_space<vmem_shared>>
        tpu.enqueue_indirect_dma source(%arg11 : memref<128x128xf32, #tpu.memory_space<vmem>>) target(%dma_start3A_266 : memref<10240x128xf32, #tpu.memory_space<vmem_shared>>) offsets(%arg9 : memref<128xi32, #tpu.memory_space<vmem>>) semaphore(%run_scoped3A : memref<!tpu.dma_semaphore, #tpu.memory_space<semaphore_mem>>) {add = true}
        %dma_wait3A = arith.constant 0 : i32
        %dma_wait3A_267 = arith.constant 0 : i32
        %dma_wait3A_268 = tpu.memref_slice %arg13[%dma_wait3A, %dma_wait3A_267] : memref<10240x128xf32, #tpu.memory_space<vmem_shared>> -> memref<10240x128xf32, #tpu.memory_space<vmem_shared>>
        tpu.wait_indirect_dma semaphore(%run_scoped3A : memref<!tpu.dma_semaphore, #tpu.memory_space<semaphore_mem>>) src(%arg11 : memref<128x128xf32, #tpu.memory_space<vmem>>) dst(%dma_wait3A_268 : memref<10240x128xf32, #tpu.memory_space<vmem_shared>>)
        tpu.yield
      }) : () -> ()
      %lt3A = arith.constant 19 : i32
      %lt3A_262 = arith.cmpi slt, %scan3A_185, %lt3A : i32
      %convert_element_type3A = arith.extui %lt3A_262 : i1 to i32
      %cond3A = arith.constant 0 : i32
      %cond3A_263 = arith.cmpi ne, %convert_element_type3A, %cond3A : i32
      scf.if %cond3A_263 {
        %add3A_264 = arith.constant 2 : i32
        %add3A_265 = arith.addi %mul3A_187, %add3A_264 : i32
        %dma_start3A_266 = arith.constant 0 : i32
        %dma_start3A_267 = tpu.memref_slice %arg7[%add3A_265, %dma_start3A_266] : memref<40x128xi32, #tpu.memory_space<vmem>> -> memref<1x128xi32, #tpu.memory_space<vmem>>
        %dma_start3A_268 = tpu.memref_squeeze %dma_start3A_267 : memref<1x128xi32, #tpu.memory_space<vmem>> -> memref<128xi32, #tpu.memory_space<vmem>>
        %dma_start3A_269 = arith.constant 0 : i32
        %dma_start3A_270 = arith.constant 0 : i32
        %dma_start3A_271 = tpu.memref_slice %arg2[%dma_start3A_269, %dma_start3A_270] : memref<20480x128xf32, #tpu.memory_space<hbm>> -> memref<20480x128xf32, #tpu.memory_space<hbm>>
        tpu.enqueue_indirect_dma source(%dma_start3A_271 : memref<20480x128xf32, #tpu.memory_space<hbm>>) target(%arg11 : memref<128x128xf32, #tpu.memory_space<vmem>>) offsets(%dma_start3A_268 : memref<128xi32, #tpu.memory_space<vmem>>) semaphore(%arg14 : memref<!tpu.dma_semaphore, #tpu.memory_space<semaphore_mem>>)
        %add3A_272 = arith.constant 2 : i32
        %add3A_273 = arith.addi %mul3A_187, %add3A_272 : i32
        %get3A_274 = arith.index_cast %add3A_273 : i32 to index
        %get3A_275 = arith.constant 0 : index
        %get3A_276 = tpu.vector_load %arg8[%get3A_274, %get3A_275] {strides = array<i32>} : memref<40x128xi32, #tpu.memory_space<vmem>>, vector<1x16xi32>,
        %get3A_277 = vector.shape_cast %get3A_276 : vector<1x16xi32> to vector<16xi32>
        %swap3A_278 = arith.constant 0 : index
        %swap3A_279 = tpu.vector_load %arg9[%swap3A_278] {strides = array<i32>} : memref<128xi32, #tpu.memory_space<vmem>>, vector<16xi32>,
        %swap3A_280 = vector.shape_cast %swap3A_279 : vector<16xi32> to vector<16xi32>
        %swap3A_281 = vector.shape_cast %get3A_277 : vector<16xi32> to vector<16xi32>
        tpu.vector_store %arg9[%swap3A_278], %swap3A_281 {strides = array<i32>} : memref<128xi32, #tpu.memory_space<vmem>>, vector<16xi32>,
        %get3A_282 = arith.index_cast %add3A_273 : i32 to index
        %get3A_283 = arith.constant 16 : index
        %get3A_284 = tpu.vector_load %arg8[%get3A_282, %get3A_283] {strides = array<i32>} : memref<40x128xi32, #tpu.memory_space<vmem>>, vector<1x16xi32>,
        %get3A_285 = vector.shape_cast %get3A_284 : vector<1x16xi32> to vector<16xi32>
        %swap3A_286 = arith.constant 16 : index
        %swap3A_287 = tpu.vector_load %arg9[%swap3A_286] {strides = array<i32>} : memref<128xi32, #tpu.memory_space<vmem>>, vector<16xi32>,
        %swap3A_288 = vector.shape_cast %swap3A_287 : vector<16xi32> to vector<16xi32>
        %swap3A_289 = vector.shape_cast %get3A_285 : vector<16xi32> to vector<16xi32>
        tpu.vector_store %arg9[%swap3A_286], %swap3A_289 {strides = array<i32>} : memref<128xi32, #tpu.memory_space<vmem>>, vector<16xi32>,
        %get3A_290 = arith.index_cast %add3A_273 : i32 to index
        %get3A_291 = arith.constant 32 : index
        %get3A_292 = tpu.vector_load %arg8[%get3A_290, %get3A_291] {strides = array<i32>} : memref<40x128xi32, #tpu.memory_space<vmem>>, vector<1x16xi32>,
        %get3A_293 = vector.shape_cast %get3A_292 : vector<1x16xi32> to vector<16xi32>
        %swap3A_294 = arith.constant 32 : index
        %swap3A_295 = tpu.vector_load %arg9[%swap3A_294] {strides = array<i32>} : memref<128xi32, #tpu.memory_space<vmem>>, vector<16xi32>,
        %swap3A_296 = vector.shape_cast %swap3A_295 : vector<16xi32> to vector<16xi32>
        %swap3A_297 = vector.shape_cast %get3A_293 : vector<16xi32> to vector<16xi32>
        tpu.vector_store %arg9[%swap3A_294], %swap3A_297 {strides = array<i32>} : memref<128xi32, #tpu.memory_space<vmem>>, vector<16xi32>,
        %get3A_298 = arith.index_cast %add3A_273 : i32 to index
        %get3A_299 = arith.constant 48 : index
        %get3A_300 = tpu.vector_load %arg8[%get3A_298, %get3A_299] {strides = array<i32>} : memref<40x128xi32, #tpu.memory_space<vmem>>, vector<1x16xi32>,
        %get3A_301 = vector.shape_cast %get3A_300 : vector<1x16xi32> to vector<16xi32>
        %swap3A_302 = arith.constant 48 : index
        %swap3A_303 = tpu.vector_load %arg9[%swap3A_302] {strides = array<i32>} : memref<128xi32, #tpu.memory_space<vmem>>, vector<16xi32>,
        %swap3A_304 = vector.shape_cast %swap3A_303 : vector<16xi32> to vector<16xi32>
        %swap3A_305 = vector.shape_cast %get3A_301 : vector<16xi32> to vector<16xi32>
        tpu.vector_store %arg9[%swap3A_302], %swap3A_305 {strides = array<i32>} : memref<128xi32, #tpu.memory_space<vmem>>, vector<16xi32>,
        %get3A_306 = arith.index_cast %add3A_273 : i32 to index
        %get3A_307 = arith.constant 64 : index
        %get3A_308 = tpu.vector_load %arg8[%get3A_306, %get3A_307] {strides = array<i32>} : memref<40x128xi32, #tpu.memory_space<vmem>>, vector<1x16xi32>,
        %get3A_309 = vector.shape_cast %get3A_308 : vector<1x16xi32> to vector<16xi32>
        %swap3A_310 = arith.constant 64 : index
        %swap3A_311 = tpu.vector_load %arg9[%swap3A_310] {strides = array<i32>} : memref<128xi32, #tpu.memory_space<vmem>>, vector<16xi32>,
        %swap3A_312 = vector.shape_cast %swap3A_311 : vector<16xi32> to vector<16xi32>
        %swap3A_313 = vector.shape_cast %get3A_309 : vector<16xi32> to vector<16xi32>
        tpu.vector_store %arg9[%swap3A_310], %swap3A_313 {strides = array<i32>} : memref<128xi32, #tpu.memory_space<vmem>>, vector<16xi32>,
        %get3A_314 = arith.index_cast %add3A_273 : i32 to index
        %get3A_315 = arith.constant 80 : index
        %get3A_316 = tpu.vector_load %arg8[%get3A_314, %get3A_315] {strides = array<i32>} : memref<40x128xi32, #tpu.memory_space<vmem>>, vector<1x16xi32>,
        %get3A_317 = vector.shape_cast %get3A_316 : vector<1x16xi32> to vector<16xi32>
        %swap3A_318 = arith.constant 80 : index
        %swap3A_319 = tpu.vector_load %arg9[%swap3A_318] {strides = array<i32>} : memref<128xi32, #tpu.memory_space<vmem>>, vector<16xi32>,
        %swap3A_320 = vector.shape_cast %swap3A_319 : vector<16xi32> to vector<16xi32>
        %swap3A_321 = vector.shape_cast %get3A_317 : vector<16xi32> to vector<16xi32>
        tpu.vector_store %arg9[%swap3A_318], %swap3A_321 {strides = array<i32>} : memref<128xi32, #tpu.memory_space<vmem>>, vector<16xi32>,
        %get3A_322 = arith.index_cast %add3A_273 : i32 to index
        %get3A_323 = arith.constant 96 : index
        %get3A_324 = tpu.vector_load %arg8[%get3A_322, %get3A_323] {strides = array<i32>} : memref<40x128xi32, #tpu.memory_space<vmem>>, vector<1x16xi32>,
        %get3A_325 = vector.shape_cast %get3A_324 : vector<1x16xi32> to vector<16xi32>
        %swap3A_326 = arith.constant 96 : index
        %swap3A_327 = tpu.vector_load %arg9[%swap3A_326] {strides = array<i32>} : memref<128xi32, #tpu.memory_space<vmem>>, vector<16xi32>,
        %swap3A_328 = vector.shape_cast %swap3A_327 : vector<16xi32> to vector<16xi32>
        %swap3A_329 = vector.shape_cast %get3A_325 : vector<16xi32> to vector<16xi32>
        tpu.vector_store %arg9[%swap3A_326], %swap3A_329 {strides = array<i32>} : memref<128xi32, #tpu.memory_space<vmem>>, vector<16xi32>,
        %get3A_330 = arith.index_cast %add3A_273 : i32 to index
        %get3A_331 = arith.constant 112 : index
        %get3A_332 = tpu.vector_load %arg8[%get3A_330, %get3A_331] {strides = array<i32>} : memref<40x128xi32, #tpu.memory_space<vmem>>, vector<1x16xi32>,
        %get3A_333 = vector.shape_cast %get3A_332 : vector<1x16xi32> to vector<16xi32>
        %swap3A_334 = arith.constant 112 : index
        %swap3A_335 = tpu.vector_load %arg9[%swap3A_334] {strides = array<i32>} : memref<128xi32, #tpu.memory_space<vmem>>, vector<16xi32>,
        %swap3A_336 = vector.shape_cast %swap3A_335 : vector<16xi32> to vector<16xi32>
        %swap3A_337 = vector.shape_cast %get3A_333 : vector<16xi32> to vector<16xi32>
        tpu.vector_store %arg9[%swap3A_334], %swap3A_337 {strides = array<i32>} : memref<128xi32, #tpu.memory_space<vmem>>, vector<16xi32>,
      } else {
      }
      tpu.wait_dma2 semaphore(%arg15 : memref<!tpu.dma_semaphore, #tpu.memory_space<semaphore_mem>>) src(%arg2 : memref<20480x128xf32, #tpu.memory_space<hbm>>) dst(%arg12 : memref<128x128xf32, #tpu.memory_space<vmem>>)
      "tpu.region"() ({
        %run_scoped3A = tpu.sem_alloc : memref<!tpu.dma_semaphore, #tpu.memory_space<semaphore_mem>>
        %dma_start3A_264 = arith.constant 0 : i32
        %dma_start3A_265 = arith.constant 0 : i32
        %dma_start3A_266 = tpu.memref_slice %arg13[%dma_start3A_264, %dma_start3A_265] : memref<10240x128xf32, #tpu.memory_space<vmem_shared>> -> memref<10240x128xf32, #tpu.memory_space<vmem_shared>>
        tpu.enqueue_indirect_dma source(%arg12 : memref<128x128xf32, #tpu.memory_space<vmem>>) target(%dma_start3A_266 : memref<10240x128xf32, #tpu.memory_space<vmem_shared>>) offsets(%arg10 : memref<128xi32, #tpu.memory_space<vmem>>) semaphore(%run_scoped3A : memref<!tpu.dma_semaphore, #tpu.memory_space<semaphore_mem>>) {add = true}
        %dma_wait3A = arith.constant 0 : i32
        %dma_wait3A_267 = arith.constant 0 : i32
        %dma_wait3A_268 = tpu.memref_slice %arg13[%dma_wait3A, %dma_wait3A_267] : memref<10240x128xf32, #tpu.memory_space<vmem_shared>> -> memref<10240x128xf32, #tpu.memory_space<vmem_shared>>
        tpu.wait_indirect_dma semaphore(%run_scoped3A : memref<!tpu.dma_semaphore, #tpu.memory_space<semaphore_mem>>) src(%arg12 : memref<128x128xf32, #tpu.memory_space<vmem>>) dst(%dma_wait3A_268 : memref<10240x128xf32, #tpu.memory_space<vmem_shared>>)
        tpu.yield
      }) : () -> ()
    }
    %scan3A_89 = arith.constant 20 : i32
    %add3A_90 = arith.constant 40 : i32
    %add3A_91 = arith.addi %add3A, %add3A_90 : i32
    "tpu.region"() ({
      %run_scoped3A = tpu.sem_alloc : memref<!tpu.dma_semaphore, #tpu.memory_space<semaphore_mem>>
      %dma_start3A_185 = arith.constant 0 : i32
      %dma_start3A_186 = tpu.memref_slice %arg3[%add3A_91, %dma_start3A_185] : memref<2560x128xi32, #tpu.memory_space<hbm>> -> memref<40x128xi32, #tpu.memory_space<hbm>>
      %dma_start3A_187 = arith.constant 0 : i32
      %dma_start3A_188 = tpu.memref_slice %arg3[%add3A_91, %dma_start3A_187] : memref<2560x128xi32, #tpu.memory_space<hbm>> -> memref<40x128xi32, #tpu.memory_space<hbm>>
      tpu.enqueue_dma source(%dma_start3A_188 : memref<40x128xi32, #tpu.memory_space<hbm>>) target(%arg7 : memref<40x128xi32, #tpu.memory_space<vmem>>) target_semaphore(%run_scoped3A : memref<!tpu.dma_semaphore, #tpu.memory_space<semaphore_mem>>)
      %dma_wait3A = arith.constant 0 : i32
      %dma_wait3A_189 = tpu.memref_slice %arg3[%add3A_91, %dma_wait3A] : memref<2560x128xi32, #tpu.memory_space<hbm>> -> memref<40x128xi32, #tpu.memory_space<hbm>>
      %dma_wait3A_190 = arith.constant 0 : i32
      %dma_wait3A_191 = tpu.memref_slice %arg3[%add3A_91, %dma_wait3A_190] : memref<2560x128xi32, #tpu.memory_space<hbm>> -> memref<40x128xi32, #tpu.memory_space<hbm>>
      tpu.wait_dma2 semaphore(%run_scoped3A : memref<!tpu.dma_semaphore, #tpu.memory_space<semaphore_mem>>) src(%dma_wait3A_191 : memref<40x128xi32, #tpu.memory_space<hbm>>) dst(%arg7 : memref<40x128xi32, #tpu.memory_space<vmem>>)
      tpu.yield
    }) : () -> ()
    "tpu.region"() ({
      %run_scoped3A = tpu.sem_alloc : memref<!tpu.dma_semaphore, #tpu.memory_space<semaphore_mem>>
      %dma_start3A_185 = arith.constant 0 : i32
      %dma_start3A_186 = tpu.memref_slice %arg4[%add3A_91, %dma_start3A_185] : memref<2560x128xi32, #tpu.memory_space<hbm>> -> memref<40x128xi32, #tpu.memory_space<hbm>>
      %dma_start3A_187 = arith.constant 0 : i32
      %dma_start3A_188 = tpu.memref_slice %arg4[%add3A_91, %dma_start3A_187] : memref<2560x128xi32, #tpu.memory_space<hbm>> -> memref<40x128xi32, #tpu.memory_space<hbm>>
      tpu.enqueue_dma source(%dma_start3A_188 : memref<40x128xi32, #tpu.memory_space<hbm>>) target(%arg8 : memref<40x128xi32, #tpu.memory_space<vmem>>) target_semaphore(%run_scoped3A : memref<!tpu.dma_semaphore, #tpu.memory_space<semaphore_mem>>)
      %dma_wait3A = arith.constant 0 : i32
      %dma_wait3A_189 = tpu.memref_slice %arg4[%add3A_91, %dma_wait3A] : memref<2560x128xi32, #tpu.memory_space<hbm>> -> memref<40x128xi32, #tpu.memory_space<hbm>>
      %dma_wait3A_190 = arith.constant 0 : i32
      %dma_wait3A_191 = tpu.memref_slice %arg4[%add3A_91, %dma_wait3A_190] : memref<2560x128xi32, #tpu.memory_space<hbm>> -> memref<40x128xi32, #tpu.memory_space<hbm>>
      tpu.wait_dma2 semaphore(%run_scoped3A : memref<!tpu.dma_semaphore, #tpu.memory_space<semaphore_mem>>) src(%dma_wait3A_191 : memref<40x128xi32, #tpu.memory_space<hbm>>) dst(%arg8 : memref<40x128xi32, #tpu.memory_space<vmem>>)
      tpu.yield
    }) : () -> ()
    %dma_start3A_92 = arith.constant 0 : i32
    %dma_start3A_93 = arith.constant 0 : i32
    %dma_start3A_94 = tpu.memref_slice %arg7[%dma_start3A_92, %dma_start3A_93] : memref<40x128xi32, #tpu.memory_space<vmem>> -> memref<1x128xi32, #tpu.memory_space<vmem>>
    %dma_start3A_95 = tpu.memref_squeeze %dma_start3A_94 : memref<1x128xi32, #tpu.memory_space<vmem>> -> memref<128xi32, #tpu.memory_space<vmem>>
    %dma_start3A_96 = arith.constant 0 : i32
    %dma_start3A_97 = arith.constant 0 : i32
    %dma_start3A_98 = tpu.memref_slice %arg2[%dma_start3A_96, %dma_start3A_97] : memref<20480x128xf32, #tpu.memory_space<hbm>> -> memref<20480x128xf32, #tpu.memory_space<hbm>>
    tpu.enqueue_indirect_dma source(%dma_start3A_98 : memref<20480x128xf32, #tpu.memory_space<hbm>>) target(%arg11 : memref<128x128xf32, #tpu.memory_space<vmem>>) offsets(%dma_start3A_95 : memref<128xi32, #tpu.memory_space<vmem>>) semaphore(%arg14 : memref<!tpu.dma_semaphore, #tpu.memory_space<semaphore_mem>>)
    %get3A_99 = arith.constant 0 : i32
    %get3A_100 = arith.index_cast %get3A_99 : i32 to index
    %get3A_101 = arith.constant 0 : index
    %get3A_102 = tpu.vector_load %arg8[%get3A_100, %get3A_101] {strides = array<i32>} : memref<40x128xi32, #tpu.memory_space<vmem>>, vector<1x16xi32>,
    %get3A_103 = vector.shape_cast %get3A_102 : vector<1x16xi32> to vector<16xi32>
    %swap3A_104 = arith.constant 0 : index
    %swap3A_105 = tpu.vector_load %arg9[%swap3A_104] {strides = array<i32>} : memref<128xi32, #tpu.memory_space<vmem>>, vector<16xi32>,
    %swap3A_106 = vector.shape_cast %swap3A_105 : vector<16xi32> to vector<16xi32>
    %swap3A_107 = vector.shape_cast %get3A_103 : vector<16xi32> to vector<16xi32>
    tpu.vector_store %arg9[%swap3A_104], %swap3A_107 {strides = array<i32>} : memref<128xi32, #tpu.memory_space<vmem>>, vector<16xi32>,
    %get3A_108 = arith.constant 0 : i32
    %get3A_109 = arith.index_cast %get3A_108 : i32 to index
    %get3A_110 = arith.constant 16 : index
    %get3A_111 = tpu.vector_load %arg8[%get3A_109, %get3A_110] {strides = array<i32>} : memref<40x128xi32, #tpu.memory_space<vmem>>, vector<1x16xi32>,
    %get3A_112 = vector.shape_cast %get3A_111 : vector<1x16xi32> to vector<16xi32>
    %swap3A_113 = arith.constant 16 : index
    %swap3A_114 = tpu.vector_load %arg9[%swap3A_113] {strides = array<i32>} : memref<128xi32, #tpu.memory_space<vmem>>, vector<16xi32>,
    %swap3A_115 = vector.shape_cast %swap3A_114 : vector<16xi32> to vector<16xi32>
    %swap3A_116 = vector.shape_cast %get3A_112 : vector<16xi32> to vector<16xi32>
    tpu.vector_store %arg9[%swap3A_113], %swap3A_116 {strides = array<i32>} : memref<128xi32, #tpu.memory_space<vmem>>, vector<16xi32>,
    %get3A_117 = arith.constant 0 : i32
    %get3A_118 = arith.index_cast %get3A_117 : i32 to index
    %get3A_119 = arith.constant 32 : index
    %get3A_120 = tpu.vector_load %arg8[%get3A_118, %get3A_119] {strides = array<i32>} : memref<40x128xi32, #tpu.memory_space<vmem>>, vector<1x16xi32>,
    %get3A_121 = vector.shape_cast %get3A_120 : vector<1x16xi32> to vector<16xi32>
    %swap3A_122 = arith.constant 32 : index
    %swap3A_123 = tpu.vector_load %arg9[%swap3A_122] {strides = array<i32>} : memref<128xi32, #tpu.memory_space<vmem>>, vector<16xi32>,
    %swap3A_124 = vector.shape_cast %swap3A_123 : vector<16xi32> to vector<16xi32>
    %swap3A_125 = vector.shape_cast %get3A_121 : vector<16xi32> to vector<16xi32>
    tpu.vector_store %arg9[%swap3A_122], %swap3A_125 {strides = array<i32>} : memref<128xi32, #tpu.memory_space<vmem>>, vector<16xi32>,
    %get3A_126 = arith.constant 0 : i32
    %get3A_127 = arith.index_cast %get3A_126 : i32 to index
    %get3A_128 = arith.constant 48 : index
    %get3A_129 = tpu.vector_load %arg8[%get3A_127, %get3A_128] {strides = array<i32>} : memref<40x128xi32, #tpu.memory_space<vmem>>, vector<1x16xi32>,
    %get3A_130 = vector.shape_cast %get3A_129 : vector<1x16xi32> to vector<16xi32>
    %swap3A_131 = arith.constant 48 : index
    %swap3A_132 = tpu.vector_load %arg9[%swap3A_131] {strides = array<i32>} : memref<128xi32, #tpu.memory_space<vmem>>, vector<16xi32>,
    %swap3A_133 = vector.shape_cast %swap3A_132 : vector<16xi32> to vector<16xi32>
    %swap3A_134 = vector.shape_cast %get3A_130 : vector<16xi32> to vector<16xi32>
    tpu.vector_store %arg9[%swap3A_131], %swap3A_134 {strides = array<i32>} : memref<128xi32, #tpu.memory_space<vmem>>, vector<16xi32>,
    %get3A_135 = arith.constant 0 : i32
    %get3A_136 = arith.index_cast %get3A_135 : i32 to index
    %get3A_137 = arith.constant 64 : index
    %get3A_138 = tpu.vector_load %arg8[%get3A_136, %get3A_137] {strides = array<i32>} : memref<40x128xi32, #tpu.memory_space<vmem>>, vector<1x16xi32>,
    %get3A_139 = vector.shape_cast %get3A_138 : vector<1x16xi32> to vector<16xi32>
    %swap3A_140 = arith.constant 64 : index
    %swap3A_141 = tpu.vector_load %arg9[%swap3A_140] {strides = array<i32>} : memref<128xi32, #tpu.memory_space<vmem>>, vector<16xi32>,
    %swap3A_142 = vector.shape_cast %swap3A_141 : vector<16xi32> to vector<16xi32>
    %swap3A_143 = vector.shape_cast %get3A_139 : vector<16xi32> to vector<16xi32>
    tpu.vector_store %arg9[%swap3A_140], %swap3A_143 {strides = array<i32>} : memref<128xi32, #tpu.memory_space<vmem>>, vector<16xi32>,
    %get3A_144 = arith.constant 0 : i32
    %get3A_145 = arith.index_cast %get3A_144 : i32 to index
    %get3A_146 = arith.constant 80 : index
    %get3A_147 = tpu.vector_load %arg8[%get3A_145, %get3A_146] {strides = array<i32>} : memref<40x128xi32, #tpu.memory_space<vmem>>, vector<1x16xi32>,
    %get3A_148 = vector.shape_cast %get3A_147 : vector<1x16xi32> to vector<16xi32>
    %swap3A_149 = arith.constant 80 : index
    %swap3A_150 = tpu.vector_load %arg9[%swap3A_149] {strides = array<i32>} : memref<128xi32, #tpu.memory_space<vmem>>, vector<16xi32>,
    %swap3A_151 = vector.shape_cast %swap3A_150 : vector<16xi32> to vector<16xi32>
    %swap3A_152 = vector.shape_cast %get3A_148 : vector<16xi32> to vector<16xi32>
    tpu.vector_store %arg9[%swap3A_149], %swap3A_152 {strides = array<i32>} : memref<128xi32, #tpu.memory_space<vmem>>, vector<16xi32>,
    %get3A_153 = arith.constant 0 : i32
    %get3A_154 = arith.index_cast %get3A_153 : i32 to index
    %get3A_155 = arith.constant 96 : index
    %get3A_156 = tpu.vector_load %arg8[%get3A_154, %get3A_155] {strides = array<i32>} : memref<40x128xi32, #tpu.memory_space<vmem>>, vector<1x16xi32>,
    %get3A_157 = vector.shape_cast %get3A_156 : vector<1x16xi32> to vector<16xi32>
    %swap3A_158 = arith.constant 96 : index
    %swap3A_159 = tpu.vector_load %arg9[%swap3A_158] {strides = array<i32>} : memref<128xi32, #tpu.memory_space<vmem>>, vector<16xi32>,
    %swap3A_160 = vector.shape_cast %swap3A_159 : vector<16xi32> to vector<16xi32>
    %swap3A_161 = vector.shape_cast %get3A_157 : vector<16xi32> to vector<16xi32>
    tpu.vector_store %arg9[%swap3A_158], %swap3A_161 {strides = array<i32>} : memref<128xi32, #tpu.memory_space<vmem>>, vector<16xi32>,
    %get3A_162 = arith.constant 0 : i32
    %get3A_163 = arith.index_cast %get3A_162 : i32 to index
    %get3A_164 = arith.constant 112 : index
    %get3A_165 = tpu.vector_load %arg8[%get3A_163, %get3A_164] {strides = array<i32>} : memref<40x128xi32, #tpu.memory_space<vmem>>, vector<1x16xi32>,
    %get3A_166 = vector.shape_cast %get3A_165 : vector<1x16xi32> to vector<16xi32>
    %swap3A_167 = arith.constant 112 : index
    %swap3A_168 = tpu.vector_load %arg9[%swap3A_167] {strides = array<i32>} : memref<128xi32, #tpu.memory_space<vmem>>, vector<16xi32>,
    %swap3A_169 = vector.shape_cast %swap3A_168 : vector<16xi32> to vector<16xi32>
    %swap3A_170 = vector.shape_cast %get3A_166 : vector<16xi32> to vector<16xi32>
    tpu.vector_store %arg9[%swap3A_167], %swap3A_170 {strides = array<i32>} : memref<128xi32, #tpu.memory_space<vmem>>, vector<16xi32>,
    %scan3A_171 = arith.constant 0 : i32
    %scan3A_172 = arith.constant 0 : i32
    %scan3A_173 = arith.constant 20 : i32
    %scan3A_174 = arith.addi %scan3A_172, %scan3A_173 : i32
    %scan3A_175 = arith.constant 1 : i32
    scf.for %scan3A_185 = %scan3A_172 to %scan3A_174 step %scan3A_175  : i32 {
      %mul3A_186 = arith.constant 2 : i32
      %mul3A_187 = arith.muli %mul3A_186, %scan3A_185 : i32
      %add3A_188 = arith.constant 1 : i32
      %add3A_189 = arith.addi %mul3A_187, %add3A_188 : i32
      %dma_start3A_190 = arith.constant 0 : i32
      %dma_start3A_191 = tpu.memref_slice %arg7[%add3A_189, %dma_start3A_190] : memref<40x128xi32, #tpu.memory_space<vmem>> -> memref<1x128xi32, #tpu.memory_space<vmem>>
      %dma_start3A_192 = tpu.memref_squeeze %dma_start3A_191 : memref<1x128xi32, #tpu.memory_space<vmem>> -> memref<128xi32, #tpu.memory_space<vmem>>
      %dma_start3A_193 = arith.constant 0 : i32
      %dma_start3A_194 = arith.constant 0 : i32
      %dma_start3A_195 = tpu.memref_slice %arg2[%dma_start3A_193, %dma_start3A_194] : memref<20480x128xf32, #tpu.memory_space<hbm>> -> memref<20480x128xf32, #tpu.memory_space<hbm>>
      tpu.enqueue_indirect_dma source(%dma_start3A_195 : memref<20480x128xf32, #tpu.memory_space<hbm>>) target(%arg12 : memref<128x128xf32, #tpu.memory_space<vmem>>) offsets(%dma_start3A_192 : memref<128xi32, #tpu.memory_space<vmem>>) semaphore(%arg15 : memref<!tpu.dma_semaphore, #tpu.memory_space<semaphore_mem>>)
      %add3A_196 = arith.constant 1 : i32
      %add3A_197 = arith.addi %mul3A_187, %add3A_196 : i32
      %get3A_198 = arith.index_cast %add3A_197 : i32 to index
      %get3A_199 = arith.constant 0 : index
      %get3A_200 = tpu.vector_load %arg8[%get3A_198, %get3A_199] {strides = array<i32>} : memref<40x128xi32, #tpu.memory_space<vmem>>, vector<1x16xi32>,
      %get3A_201 = vector.shape_cast %get3A_200 : vector<1x16xi32> to vector<16xi32>
      %swap3A_202 = arith.constant 0 : index
      %swap3A_203 = tpu.vector_load %arg10[%swap3A_202] {strides = array<i32>} : memref<128xi32, #tpu.memory_space<vmem>>, vector<16xi32>,
      %swap3A_204 = vector.shape_cast %swap3A_203 : vector<16xi32> to vector<16xi32>
      %swap3A_205 = vector.shape_cast %get3A_201 : vector<16xi32> to vector<16xi32>
      tpu.vector_store %arg10[%swap3A_202], %swap3A_205 {strides = array<i32>} : memref<128xi32, #tpu.memory_space<vmem>>, vector<16xi32>,
      %get3A_206 = arith.index_cast %add3A_197 : i32 to index
      %get3A_207 = arith.constant 16 : index
      %get3A_208 = tpu.vector_load %arg8[%get3A_206, %get3A_207] {strides = array<i32>} : memref<40x128xi32, #tpu.memory_space<vmem>>, vector<1x16xi32>,
      %get3A_209 = vector.shape_cast %get3A_208 : vector<1x16xi32> to vector<16xi32>
      %swap3A_210 = arith.constant 16 : index
      %swap3A_211 = tpu.vector_load %arg10[%swap3A_210] {strides = array<i32>} : memref<128xi32, #tpu.memory_space<vmem>>, vector<16xi32>,
      %swap3A_212 = vector.shape_cast %swap3A_211 : vector<16xi32> to vector<16xi32>
      %swap3A_213 = vector.shape_cast %get3A_209 : vector<16xi32> to vector<16xi32>
      tpu.vector_store %arg10[%swap3A_210], %swap3A_213 {strides = array<i32>} : memref<128xi32, #tpu.memory_space<vmem>>, vector<16xi32>,
      %get3A_214 = arith.index_cast %add3A_197 : i32 to index
      %get3A_215 = arith.constant 32 : index
      %get3A_216 = tpu.vector_load %arg8[%get3A_214, %get3A_215] {strides = array<i32>} : memref<40x128xi32, #tpu.memory_space<vmem>>, vector<1x16xi32>,
      %get3A_217 = vector.shape_cast %get3A_216 : vector<1x16xi32> to vector<16xi32>
      %swap3A_218 = arith.constant 32 : index
      %swap3A_219 = tpu.vector_load %arg10[%swap3A_218] {strides = array<i32>} : memref<128xi32, #tpu.memory_space<vmem>>, vector<16xi32>,
      %swap3A_220 = vector.shape_cast %swap3A_219 : vector<16xi32> to vector<16xi32>
      %swap3A_221 = vector.shape_cast %get3A_217 : vector<16xi32> to vector<16xi32>
      tpu.vector_store %arg10[%swap3A_218], %swap3A_221 {strides = array<i32>} : memref<128xi32, #tpu.memory_space<vmem>>, vector<16xi32>,
      %get3A_222 = arith.index_cast %add3A_197 : i32 to index
      %get3A_223 = arith.constant 48 : index
      %get3A_224 = tpu.vector_load %arg8[%get3A_222, %get3A_223] {strides = array<i32>} : memref<40x128xi32, #tpu.memory_space<vmem>>, vector<1x16xi32>,
      %get3A_225 = vector.shape_cast %get3A_224 : vector<1x16xi32> to vector<16xi32>
      %swap3A_226 = arith.constant 48 : index
      %swap3A_227 = tpu.vector_load %arg10[%swap3A_226] {strides = array<i32>} : memref<128xi32, #tpu.memory_space<vmem>>, vector<16xi32>,
      %swap3A_228 = vector.shape_cast %swap3A_227 : vector<16xi32> to vector<16xi32>
      %swap3A_229 = vector.shape_cast %get3A_225 : vector<16xi32> to vector<16xi32>
      tpu.vector_store %arg10[%swap3A_226], %swap3A_229 {strides = array<i32>} : memref<128xi32, #tpu.memory_space<vmem>>, vector<16xi32>,
      %get3A_230 = arith.index_cast %add3A_197 : i32 to index
      %get3A_231 = arith.constant 64 : index
      %get3A_232 = tpu.vector_load %arg8[%get3A_230, %get3A_231] {strides = array<i32>} : memref<40x128xi32, #tpu.memory_space<vmem>>, vector<1x16xi32>,
      %get3A_233 = vector.shape_cast %get3A_232 : vector<1x16xi32> to vector<16xi32>
      %swap3A_234 = arith.constant 64 : index
      %swap3A_235 = tpu.vector_load %arg10[%swap3A_234] {strides = array<i32>} : memref<128xi32, #tpu.memory_space<vmem>>, vector<16xi32>,
      %swap3A_236 = vector.shape_cast %swap3A_235 : vector<16xi32> to vector<16xi32>
      %swap3A_237 = vector.shape_cast %get3A_233 : vector<16xi32> to vector<16xi32>
      tpu.vector_store %arg10[%swap3A_234], %swap3A_237 {strides = array<i32>} : memref<128xi32, #tpu.memory_space<vmem>>, vector<16xi32>,
      %get3A_238 = arith.index_cast %add3A_197 : i32 to index
      %get3A_239 = arith.constant 80 : index
      %get3A_240 = tpu.vector_load %arg8[%get3A_238, %get3A_239] {strides = array<i32>} : memref<40x128xi32, #tpu.memory_space<vmem>>, vector<1x16xi32>,
      %get3A_241 = vector.shape_cast %get3A_240 : vector<1x16xi32> to vector<16xi32>
      %swap3A_242 = arith.constant 80 : index
      %swap3A_243 = tpu.vector_load %arg10[%swap3A_242] {strides = array<i32>} : memref<128xi32, #tpu.memory_space<vmem>>, vector<16xi32>,
      %swap3A_244 = vector.shape_cast %swap3A_243 : vector<16xi32> to vector<16xi32>
      %swap3A_245 = vector.shape_cast %get3A_241 : vector<16xi32> to vector<16xi32>
      tpu.vector_store %arg10[%swap3A_242], %swap3A_245 {strides = array<i32>} : memref<128xi32, #tpu.memory_space<vmem>>, vector<16xi32>,
      %get3A_246 = arith.index_cast %add3A_197 : i32 to index
      %get3A_247 = arith.constant 96 : index
      %get3A_248 = tpu.vector_load %arg8[%get3A_246, %get3A_247] {strides = array<i32>} : memref<40x128xi32, #tpu.memory_space<vmem>>, vector<1x16xi32>,
      %get3A_249 = vector.shape_cast %get3A_248 : vector<1x16xi32> to vector<16xi32>
      %swap3A_250 = arith.constant 96 : index
      %swap3A_251 = tpu.vector_load %arg10[%swap3A_250] {strides = array<i32>} : memref<128xi32, #tpu.memory_space<vmem>>, vector<16xi32>,
      %swap3A_252 = vector.shape_cast %swap3A_251 : vector<16xi32> to vector<16xi32>
      %swap3A_253 = vector.shape_cast %get3A_249 : vector<16xi32> to vector<16xi32>
      tpu.vector_store %arg10[%swap3A_250], %swap3A_253 {strides = array<i32>} : memref<128xi32, #tpu.memory_space<vmem>>, vector<16xi32>,
      %get3A_254 = arith.index_cast %add3A_197 : i32 to index
      %get3A_255 = arith.constant 112 : index
      %get3A_256 = tpu.vector_load %arg8[%get3A_254, %get3A_255] {strides = array<i32>} : memref<40x128xi32, #tpu.memory_space<vmem>>, vector<1x16xi32>,
      %get3A_257 = vector.shape_cast %get3A_256 : vector<1x16xi32> to vector<16xi32>
      %swap3A_258 = arith.constant 112 : index
      %swap3A_259 = tpu.vector_load %arg10[%swap3A_258] {strides = array<i32>} : memref<128xi32, #tpu.memory_space<vmem>>, vector<16xi32>,
      %swap3A_260 = vector.shape_cast %swap3A_259 : vector<16xi32> to vector<16xi32>
      %swap3A_261 = vector.shape_cast %get3A_257 : vector<16xi32> to vector<16xi32>
      tpu.vector_store %arg10[%swap3A_258], %swap3A_261 {strides = array<i32>} : memref<128xi32, #tpu.memory_space<vmem>>, vector<16xi32>,
      tpu.wait_dma2 semaphore(%arg14 : memref<!tpu.dma_semaphore, #tpu.memory_space<semaphore_mem>>) src(%arg2 : memref<20480x128xf32, #tpu.memory_space<hbm>>) dst(%arg11 : memref<128x128xf32, #tpu.memory_space<vmem>>)
      "tpu.region"() ({
        %run_scoped3A = tpu.sem_alloc : memref<!tpu.dma_semaphore, #tpu.memory_space<semaphore_mem>>
        %dma_start3A_264 = arith.constant 0 : i32
        %dma_start3A_265 = arith.constant 0 : i32
        %dma_start3A_266 = tpu.memref_slice %arg13[%dma_start3A_264, %dma_start3A_265] : memref<10240x128xf32, #tpu.memory_space<vmem_shared>> -> memref<10240x128xf32, #tpu.memory_space<vmem_shared>>
        tpu.enqueue_indirect_dma source(%arg11 : memref<128x128xf32, #tpu.memory_space<vmem>>) target(%dma_start3A_266 : memref<10240x128xf32, #tpu.memory_space<vmem_shared>>) offsets(%arg9 : memref<128xi32, #tpu.memory_space<vmem>>) semaphore(%run_scoped3A : memref<!tpu.dma_semaphore, #tpu.memory_space<semaphore_mem>>) {add = true}
        %dma_wait3A = arith.constant 0 : i32
        %dma_wait3A_267 = arith.constant 0 : i32
        %dma_wait3A_268 = tpu.memref_slice %arg13[%dma_wait3A, %dma_wait3A_267] : memref<10240x128xf32, #tpu.memory_space<vmem_shared>> -> memref<10240x128xf32, #tpu.memory_space<vmem_shared>>
        tpu.wait_indirect_dma semaphore(%run_scoped3A : memref<!tpu.dma_semaphore, #tpu.memory_space<semaphore_mem>>) src(%arg11 : memref<128x128xf32, #tpu.memory_space<vmem>>) dst(%dma_wait3A_268 : memref<10240x128xf32, #tpu.memory_space<vmem_shared>>)
        tpu.yield
      }) : () -> ()
      %lt3A = arith.constant 19 : i32
      %lt3A_262 = arith.cmpi slt, %scan3A_185, %lt3A : i32
      %convert_element_type3A = arith.extui %lt3A_262 : i1 to i32
      %cond3A = arith.constant 0 : i32
      %cond3A_263 = arith.cmpi ne, %convert_element_type3A, %cond3A : i32
      scf.if %cond3A_263 {
        %add3A_264 = arith.constant 2 : i32
        %add3A_265 = arith.addi %mul3A_187, %add3A_264 : i32
        %dma_start3A_266 = arith.constant 0 : i32
        %dma_start3A_267 = tpu.memref_slice %arg7[%add3A_265, %dma_start3A_266] : memref<40x128xi32, #tpu.memory_space<vmem>> -> memref<1x128xi32, #tpu.memory_space<vmem>>
        %dma_start3A_268 = tpu.memref_squeeze %dma_start3A_267 : memref<1x128xi32, #tpu.memory_space<vmem>> -> memref<128xi32, #tpu.memory_space<vmem>>
        %dma_start3A_269 = arith.constant 0 : i32
        %dma_start3A_270 = arith.constant 0 : i32
        %dma_start3A_271 = tpu.memref_slice %arg2[%dma_start3A_269, %dma_start3A_270] : memref<20480x128xf32, #tpu.memory_space<hbm>> -> memref<20480x128xf32, #tpu.memory_space<hbm>>
        tpu.enqueue_indirect_dma source(%dma_start3A_271 : memref<20480x128xf32, #tpu.memory_space<hbm>>) target(%arg11 : memref<128x128xf32, #tpu.memory_space<vmem>>) offsets(%dma_start3A_268 : memref<128xi32, #tpu.memory_space<vmem>>) semaphore(%arg14 : memref<!tpu.dma_semaphore, #tpu.memory_space<semaphore_mem>>)
        %add3A_272 = arith.constant 2 : i32
        %add3A_273 = arith.addi %mul3A_187, %add3A_272 : i32
        %get3A_274 = arith.index_cast %add3A_273 : i32 to index
        %get3A_275 = arith.constant 0 : index
        %get3A_276 = tpu.vector_load %arg8[%get3A_274, %get3A_275] {strides = array<i32>} : memref<40x128xi32, #tpu.memory_space<vmem>>, vector<1x16xi32>,
        %get3A_277 = vector.shape_cast %get3A_276 : vector<1x16xi32> to vector<16xi32>
        %swap3A_278 = arith.constant 0 : index
        %swap3A_279 = tpu.vector_load %arg9[%swap3A_278] {strides = array<i32>} : memref<128xi32, #tpu.memory_space<vmem>>, vector<16xi32>,
        %swap3A_280 = vector.shape_cast %swap3A_279 : vector<16xi32> to vector<16xi32>
        %swap3A_281 = vector.shape_cast %get3A_277 : vector<16xi32> to vector<16xi32>
        tpu.vector_store %arg9[%swap3A_278], %swap3A_281 {strides = array<i32>} : memref<128xi32, #tpu.memory_space<vmem>>, vector<16xi32>,
        %get3A_282 = arith.index_cast %add3A_273 : i32 to index
        %get3A_283 = arith.constant 16 : index
        %get3A_284 = tpu.vector_load %arg8[%get3A_282, %get3A_283] {strides = array<i32>} : memref<40x128xi32, #tpu.memory_space<vmem>>, vector<1x16xi32>,
        %get3A_285 = vector.shape_cast %get3A_284 : vector<1x16xi32> to vector<16xi32>
        %swap3A_286 = arith.constant 16 : index
        %swap3A_287 = tpu.vector_load %arg9[%swap3A_286] {strides = array<i32>} : memref<128xi32, #tpu.memory_space<vmem>>, vector<16xi32>,
        %swap3A_288 = vector.shape_cast %swap3A_287 : vector<16xi32> to vector<16xi32>
        %swap3A_289 = vector.shape_cast %get3A_285 : vector<16xi32> to vector<16xi32>
        tpu.vector_store %arg9[%swap3A_286], %swap3A_289 {strides = array<i32>} : memref<128xi32, #tpu.memory_space<vmem>>, vector<16xi32>,
        %get3A_290 = arith.index_cast %add3A_273 : i32 to index
        %get3A_291 = arith.constant 32 : index
        %get3A_292 = tpu.vector_load %arg8[%get3A_290, %get3A_291] {strides = array<i32>} : memref<40x128xi32, #tpu.memory_space<vmem>>, vector<1x16xi32>,
        %get3A_293 = vector.shape_cast %get3A_292 : vector<1x16xi32> to vector<16xi32>
        %swap3A_294 = arith.constant 32 : index
        %swap3A_295 = tpu.vector_load %arg9[%swap3A_294] {strides = array<i32>} : memref<128xi32, #tpu.memory_space<vmem>>, vector<16xi32>,
        %swap3A_296 = vector.shape_cast %swap3A_295 : vector<16xi32> to vector<16xi32>
        %swap3A_297 = vector.shape_cast %get3A_293 : vector<16xi32> to vector<16xi32>
        tpu.vector_store %arg9[%swap3A_294], %swap3A_297 {strides = array<i32>} : memref<128xi32, #tpu.memory_space<vmem>>, vector<16xi32>,
        %get3A_298 = arith.index_cast %add3A_273 : i32 to index
        %get3A_299 = arith.constant 48 : index
        %get3A_300 = tpu.vector_load %arg8[%get3A_298, %get3A_299] {strides = array<i32>} : memref<40x128xi32, #tpu.memory_space<vmem>>, vector<1x16xi32>,
        %get3A_301 = vector.shape_cast %get3A_300 : vector<1x16xi32> to vector<16xi32>
        %swap3A_302 = arith.constant 48 : index
        %swap3A_303 = tpu.vector_load %arg9[%swap3A_302] {strides = array<i32>} : memref<128xi32, #tpu.memory_space<vmem>>, vector<16xi32>,
        %swap3A_304 = vector.shape_cast %swap3A_303 : vector<16xi32> to vector<16xi32>
        %swap3A_305 = vector.shape_cast %get3A_301 : vector<16xi32> to vector<16xi32>
        tpu.vector_store %arg9[%swap3A_302], %swap3A_305 {strides = array<i32>} : memref<128xi32, #tpu.memory_space<vmem>>, vector<16xi32>,
        %get3A_306 = arith.index_cast %add3A_273 : i32 to index
        %get3A_307 = arith.constant 64 : index
        %get3A_308 = tpu.vector_load %arg8[%get3A_306, %get3A_307] {strides = array<i32>} : memref<40x128xi32, #tpu.memory_space<vmem>>, vector<1x16xi32>,
        %get3A_309 = vector.shape_cast %get3A_308 : vector<1x16xi32> to vector<16xi32>
        %swap3A_310 = arith.constant 64 : index
        %swap3A_311 = tpu.vector_load %arg9[%swap3A_310] {strides = array<i32>} : memref<128xi32, #tpu.memory_space<vmem>>, vector<16xi32>,
        %swap3A_312 = vector.shape_cast %swap3A_311 : vector<16xi32> to vector<16xi32>
        %swap3A_313 = vector.shape_cast %get3A_309 : vector<16xi32> to vector<16xi32>
        tpu.vector_store %arg9[%swap3A_310], %swap3A_313 {strides = array<i32>} : memref<128xi32, #tpu.memory_space<vmem>>, vector<16xi32>,
        %get3A_314 = arith.index_cast %add3A_273 : i32 to index
        %get3A_315 = arith.constant 80 : index
        %get3A_316 = tpu.vector_load %arg8[%get3A_314, %get3A_315] {strides = array<i32>} : memref<40x128xi32, #tpu.memory_space<vmem>>, vector<1x16xi32>,
        %get3A_317 = vector.shape_cast %get3A_316 : vector<1x16xi32> to vector<16xi32>
        %swap3A_318 = arith.constant 80 : index
        %swap3A_319 = tpu.vector_load %arg9[%swap3A_318] {strides = array<i32>} : memref<128xi32, #tpu.memory_space<vmem>>, vector<16xi32>,
        %swap3A_320 = vector.shape_cast %swap3A_319 : vector<16xi32> to vector<16xi32>
        %swap3A_321 = vector.shape_cast %get3A_317 : vector<16xi32> to vector<16xi32>
        tpu.vector_store %arg9[%swap3A_318], %swap3A_321 {strides = array<i32>} : memref<128xi32, #tpu.memory_space<vmem>>, vector<16xi32>,
        %get3A_322 = arith.index_cast %add3A_273 : i32 to index
        %get3A_323 = arith.constant 96 : index
        %get3A_324 = tpu.vector_load %arg8[%get3A_322, %get3A_323] {strides = array<i32>} : memref<40x128xi32, #tpu.memory_space<vmem>>, vector<1x16xi32>,
        %get3A_325 = vector.shape_cast %get3A_324 : vector<1x16xi32> to vector<16xi32>
        %swap3A_326 = arith.constant 96 : index
        %swap3A_327 = tpu.vector_load %arg9[%swap3A_326] {strides = array<i32>} : memref<128xi32, #tpu.memory_space<vmem>>, vector<16xi32>,
        %swap3A_328 = vector.shape_cast %swap3A_327 : vector<16xi32> to vector<16xi32>
        %swap3A_329 = vector.shape_cast %get3A_325 : vector<16xi32> to vector<16xi32>
        tpu.vector_store %arg9[%swap3A_326], %swap3A_329 {strides = array<i32>} : memref<128xi32, #tpu.memory_space<vmem>>, vector<16xi32>,
        %get3A_330 = arith.index_cast %add3A_273 : i32 to index
        %get3A_331 = arith.constant 112 : index
        %get3A_332 = tpu.vector_load %arg8[%get3A_330, %get3A_331] {strides = array<i32>} : memref<40x128xi32, #tpu.memory_space<vmem>>, vector<1x16xi32>,
        %get3A_333 = vector.shape_cast %get3A_332 : vector<1x16xi32> to vector<16xi32>
        %swap3A_334 = arith.constant 112 : index
        %swap3A_335 = tpu.vector_load %arg9[%swap3A_334] {strides = array<i32>} : memref<128xi32, #tpu.memory_space<vmem>>, vector<16xi32>,
        %swap3A_336 = vector.shape_cast %swap3A_335 : vector<16xi32> to vector<16xi32>
        %swap3A_337 = vector.shape_cast %get3A_333 : vector<16xi32> to vector<16xi32>
        tpu.vector_store %arg9[%swap3A_334], %swap3A_337 {strides = array<i32>} : memref<128xi32, #tpu.memory_space<vmem>>, vector<16xi32>,
      } else {
      }
      tpu.wait_dma2 semaphore(%arg15 : memref<!tpu.dma_semaphore, #tpu.memory_space<semaphore_mem>>) src(%arg2 : memref<20480x128xf32, #tpu.memory_space<hbm>>) dst(%arg12 : memref<128x128xf32, #tpu.memory_space<vmem>>)
      "tpu.region"() ({
        %run_scoped3A = tpu.sem_alloc : memref<!tpu.dma_semaphore, #tpu.memory_space<semaphore_mem>>
        %dma_start3A_264 = arith.constant 0 : i32
        %dma_start3A_265 = arith.constant 0 : i32
        %dma_start3A_266 = tpu.memref_slice %arg13[%dma_start3A_264, %dma_start3A_265] : memref<10240x128xf32, #tpu.memory_space<vmem_shared>> -> memref<10240x128xf32, #tpu.memory_space<vmem_shared>>
        tpu.enqueue_indirect_dma source(%arg12 : memref<128x128xf32, #tpu.memory_space<vmem>>) target(%dma_start3A_266 : memref<10240x128xf32, #tpu.memory_space<vmem_shared>>) offsets(%arg10 : memref<128xi32, #tpu.memory_space<vmem>>) semaphore(%run_scoped3A : memref<!tpu.dma_semaphore, #tpu.memory_space<semaphore_mem>>) {add = true}
        %dma_wait3A = arith.constant 0 : i32
        %dma_wait3A_267 = arith.constant 0 : i32
        %dma_wait3A_268 = tpu.memref_slice %arg13[%dma_wait3A, %dma_wait3A_267] : memref<10240x128xf32, #tpu.memory_space<vmem_shared>> -> memref<10240x128xf32, #tpu.memory_space<vmem_shared>>
        tpu.wait_indirect_dma semaphore(%run_scoped3A : memref<!tpu.dma_semaphore, #tpu.memory_space<semaphore_mem>>) src(%arg12 : memref<128x128xf32, #tpu.memory_space<vmem>>) dst(%dma_wait3A_268 : memref<10240x128xf32, #tpu.memory_space<vmem_shared>>)
        tpu.yield
      }) : () -> ()
    }
    %scan3A_176 = arith.constant 20 : i32
    %barrier3A_177 = arith.constant 0 : index
    tpu.barrier barrier_id(%barrier3A_177)
    %mul3A_178 = arith.constant 640 : i32
    %mul3A_179 = arith.muli %arg1, %mul3A_178 : i32
    %mul3A_180 = arith.constant 10240 : i32
    %mul3A_181 = arith.muli %arg0, %mul3A_180 : i32
    %mul3A_182 = arith.constant 640 : i32
    %mul3A_183 = arith.muli %arg1, %mul3A_182 : i32
    %add3A_184 = arith.addi %mul3A_181, %mul3A_183 : i32
    "tpu.region"() ({
      %run_scoped3A = tpu.sem_alloc : memref<!tpu.dma_semaphore, #tpu.memory_space<semaphore_mem>>
      %dma_start3A_185 = arith.constant 0 : i32
      %dma_start3A_186 = tpu.memref_slice %arg6[%add3A_184, %dma_start3A_185] : memref<20480x128xf32, #tpu.memory_space<hbm>> -> memref<640x128xf32, #tpu.memory_space<hbm>>
      %dma_start3A_187 = arith.constant 0 : i32
      %dma_start3A_188 = tpu.memref_slice %arg13[%mul3A_179, %dma_start3A_187] : memref<10240x128xf32, #tpu.memory_space<vmem_shared>> -> memref<640x128xf32, #tpu.memory_space<vmem_shared>>
      tpu.enqueue_dma source(%dma_start3A_188 : memref<640x128xf32, #tpu.memory_space<vmem_shared>>) target(%dma_start3A_186 : memref<640x128xf32, #tpu.memory_space<hbm>>) target_semaphore(%run_scoped3A : memref<!tpu.dma_semaphore, #tpu.memory_space<semaphore_mem>>)
      %dma_wait3A = arith.constant 0 : i32
      %dma_wait3A_189 = tpu.memref_slice %arg6[%add3A_184, %dma_wait3A] : memref<20480x128xf32, #tpu.memory_space<hbm>> -> memref<640x128xf32, #tpu.memory_space<hbm>>
      %dma_wait3A_190 = arith.constant 0 : i32
      %dma_wait3A_191 = tpu.memref_slice %arg13[%mul3A_179, %dma_wait3A_190] : memref<10240x128xf32, #tpu.memory_space<vmem_shared>> -> memref<640x128xf32, #tpu.memory_space<vmem_shared>>
      tpu.wait_dma2 semaphore(%run_scoped3A : memref<!tpu.dma_semaphore, #tpu.memory_space<semaphore_mem>>) src(%dma_wait3A_191 : memref<640x128xf32, #tpu.memory_space<vmem_shared>>) dst(%dma_wait3A_189 : memref<640x128xf32, #tpu.memory_space<hbm>>)
      tpu.yield
    }) : () -> ()
    return
  }
}

#map = affine_map<(d0, d1) -> (0, 0)>
module attributes {stable_mosaic.version = 14 : i64} {
  func.func @_spmm_body(%arg0: i32, %arg1: i32, %arg2: memref<20480x128xf32, #tpu.memory_space<hbm>>, %arg3: memref<2560x128xi32, #tpu.memory_space<hbm>>, %arg4: memref<2560x128xi32, #tpu.memory_space<hbm>>, %arg5: memref<10240x128xf32, #tpu.memory_space<hbm>>, %arg6: memref<20480x128xf32, #tpu.memory_space<hbm>>, %arg7: memref<40x128xi32, #tpu.memory_space<vmem>>, %arg8: memref<40x128xi32, #tpu.memory_space<vmem>>, %arg9: memref<128xi32, #tpu.memory_space<vmem>>, %arg10: memref<128xi32, #tpu.memory_space<vmem>>, %arg11: memref<128x128xf32, #tpu.memory_space<vmem>>, %arg12: memref<128x128xf32, #tpu.memory_space<vmem>>, %arg13: memref<10240x128xf32, #tpu.memory_space<vmem_shared>>, %arg14: memref<!tpu.dma_semaphore, #tpu.memory_space<semaphore_mem>>, %arg15: memref<!tpu.dma_semaphore, #tpu.memory_space<semaphore_mem>>) attributes {dimension_semantics = [#tpu.dimension_semantics<core_parallel>, #tpu.dimension_semantics<subcore_parallel>], iteration_bounds = array<i64: 2, 16>, scalar_prefetch = 0 : i64, scratch_operands = 9 : i64, tpu.core_type = #tpu.core_type<sc_vector_subcore>, window_params = [{transform_indices = #map}, {transform_indices = #map}, {transform_indices = #map}, {transform_indices = #map}, {transform_indices = #map}]} {
    %mul3A = arith.constant 1280 : i32
    %mul3A_0 = arith.muli %arg0, %mul3A : i32
    %mul3A_1 = arith.constant 80 : i32
    %mul3A_2 = arith.muli %arg1, %mul3A_1 : i32
    %add3A = arith.addi %mul3A_0, %mul3A_2 : i32
    %mul3A_3 = arith.constant 640 : i32
    %mul3A_4 = arith.muli %arg1, %mul3A_3 : i32
    %mul3A_5 = arith.constant 640 : i32
    %mul3A_6 = arith.muli %arg1, %mul3A_5 : i32
    "tpu.region"() ({
      %run_scoped3A = tpu.sem_alloc : memref<!tpu.dma_semaphore, #tpu.memory_space<semaphore_mem>>
      %dma_start3A_185 = arith.constant 0 : i32
      %dma_start3A_186 = tpu.memref_slice %arg13[%mul3A_6, %dma_start3A_185] : memref<10240x128xf32, #tpu.memory_space<vmem_shared>> -> memref<640x128xf32, #tpu.memory_space<vmem_shared>>
      %dma_start3A_187 = arith.constant 0 : i32
      %dma_start3A_188 = tpu.memref_slice %arg5[%mul3A_4, %dma_start3A_187] : memref<10240x128xf32, #tpu.memory_space<hbm>> -> memref<640x128xf32, #tpu.memory_space<hbm>>
      tpu.enqueue_dma source(%dma_start3A_188 : memref<640x128xf32, #tpu.memory_space<hbm>>) target(%dma_start3A_186 : memref<640x128xf32, #tpu.memory_space<vmem_shared>>) target_semaphore(%run_scoped3A : memref<!tpu.dma_semaphore, #tpu.memory_space<semaphore_mem>>)
      %dma_wait3A = arith.constant 0 : i32
      %dma_wait3A_189 = tpu.memref_slice %arg13[%mul3A_6, %dma_wait3A] : memref<10240x128xf32, #tpu.memory_space<vmem_shared>> -> memref<640x128xf32, #tpu.memory_space<vmem_shared>>
      %dma_wait3A_190 = arith.constant 0 : i32
      %dma_wait3A_191 = tpu.memref_slice %arg5[%mul3A_4, %dma_wait3A_190] : memref<10240x128xf32, #tpu.memory_space<hbm>> -> memref<640x128xf32, #tpu.memory_space<hbm>>
      tpu.wait_dma2 semaphore(%run_scoped3A : memref<!tpu.dma_semaphore, #tpu.memory_space<semaphore_mem>>) src(%dma_wait3A_191 : memref<640x128xf32, #tpu.memory_space<hbm>>) dst(%dma_wait3A_189 : memref<640x128xf32, #tpu.memory_space<vmem_shared>>)
      tpu.yield
    }) : () -> ()
    %barrier3A = arith.constant 0 : index
    tpu.barrier barrier_id(%barrier3A)
    %add3A_7 = arith.constant 0 : i32
    %add3A_8 = arith.addi %add3A, %add3A_7 : i32
    "tpu.region"() ({
      %run_scoped3A = tpu.sem_alloc : memref<!tpu.dma_semaphore, #tpu.memory_space<semaphore_mem>>
      %dma_start3A_185 = arith.constant 0 : i32
      %dma_start3A_186 = tpu.memref_slice %arg3[%add3A_8, %dma_start3A_185] : memref<2560x128xi32, #tpu.memory_space<hbm>> -> memref<40x128xi32, #tpu.memory_space<hbm>>
      %dma_start3A_187 = arith.constant 0 : i32
      %dma_start3A_188 = tpu.memref_slice %arg3[%add3A_8, %dma_start3A_187] : memref<2560x128xi32, #tpu.memory_space<hbm>> -> memref<40x128xi32, #tpu.memory_space<hbm>>
      tpu.enqueue_dma source(%dma_start3A_188 : memref<40x128xi32, #tpu.memory_space<hbm>>) target(%arg7 : memref<40x128xi32, #tpu.memory_space<vmem>>) target_semaphore(%run_scoped3A : memref<!tpu.dma_semaphore, #tpu.memory_space<semaphore_mem>>)
      %dma_wait3A = arith.constant 0 : i32
      %dma_wait3A_189 = tpu.memref_slice %arg3[%add3A_8, %dma_wait3A] : memref<2560x128xi32, #tpu.memory_space<hbm>> -> memref<40x128xi32, #tpu.memory_space<hbm>>
      %dma_wait3A_190 = arith.constant 0 : i32
      %dma_wait3A_191 = tpu.memref_slice %arg3[%add3A_8, %dma_wait3A_190] : memref<2560x128xi32, #tpu.memory_space<hbm>> -> memref<40x128xi32, #tpu.memory_space<hbm>>
      tpu.wait_dma2 semaphore(%run_scoped3A : memref<!tpu.dma_semaphore, #tpu.memory_space<semaphore_mem>>) src(%dma_wait3A_191 : memref<40x128xi32, #tpu.memory_space<hbm>>) dst(%arg7 : memref<40x128xi32, #tpu.memory_space<vmem>>)
      tpu.yield
    }) : () -> ()
    "tpu.region"() ({
      %run_scoped3A = tpu.sem_alloc : memref<!tpu.dma_semaphore, #tpu.memory_space<semaphore_mem>>
      %dma_start3A_185 = arith.constant 0 : i32
      %dma_start3A_186 = tpu.memref_slice %arg4[%add3A_8, %dma_start3A_185] : memref<2560x128xi32, #tpu.memory_space<hbm>> -> memref<40x128xi32, #tpu.memory_space<hbm>>
      %dma_start3A_187 = arith.constant 0 : i32
      %dma_start3A_188 = tpu.memref_slice %arg4[%add3A_8, %dma_start3A_187] : memref<2560x128xi32, #tpu.memory_space<hbm>> -> memref<40x128xi32, #tpu.memory_space<hbm>>
      tpu.enqueue_dma source(%dma_start3A_188 : memref<40x128xi32, #tpu.memory_space<hbm>>) target(%arg8 : memref<40x128xi32, #tpu.memory_space<vmem>>) target_semaphore(%run_scoped3A : memref<!tpu.dma_semaphore, #tpu.memory_space<semaphore_mem>>)
      %dma_wait3A = arith.constant 0 : i32
      %dma_wait3A_189 = tpu.memref_slice %arg4[%add3A_8, %dma_wait3A] : memref<2560x128xi32, #tpu.memory_space<hbm>> -> memref<40x128xi32, #tpu.memory_space<hbm>>
      %dma_wait3A_190 = arith.constant 0 : i32
      %dma_wait3A_191 = tpu.memref_slice %arg4[%add3A_8, %dma_wait3A_190] : memref<2560x128xi32, #tpu.memory_space<hbm>> -> memref<40x128xi32, #tpu.memory_space<hbm>>
      tpu.wait_dma2 semaphore(%run_scoped3A : memref<!tpu.dma_semaphore, #tpu.memory_space<semaphore_mem>>) src(%dma_wait3A_191 : memref<40x128xi32, #tpu.memory_space<hbm>>) dst(%arg8 : memref<40x128xi32, #tpu.memory_space<vmem>>)
      tpu.yield
    }) : () -> ()
    %dma_start3A = arith.constant 0 : i32
    %dma_start3A_9 = arith.constant 0 : i32
    %dma_start3A_10 = tpu.memref_slice %arg7[%dma_start3A, %dma_start3A_9] : memref<40x128xi32, #tpu.memory_space<vmem>> -> memref<1x128xi32, #tpu.memory_space<vmem>>
    %dma_start3A_11 = tpu.memref_squeeze %dma_start3A_10 : memref<1x128xi32, #tpu.memory_space<vmem>> -> memref<128xi32, #tpu.memory_space<vmem>>
    %dma_start3A_12 = arith.constant 0 : i32
    %dma_start3A_13 = arith.constant 0 : i32
    %dma_start3A_14 = tpu.memref_slice %arg2[%dma_start3A_12, %dma_start3A_13] : memref<20480x128xf32, #tpu.memory_space<hbm>> -> memref<20480x128xf32, #tpu.memory_space<hbm>>
    tpu.enqueue_indirect_dma source(%dma_start3A_14 : memref<20480x128xf32, #tpu.memory_space<hbm>>) target(%arg11 : memref<128x128xf32, #tpu.memory_space<vmem>>) offsets(%dma_start3A_11 : memref<128xi32, #tpu.memory_space<vmem>>) semaphore(%arg14 : memref<!tpu.dma_semaphore, #tpu.memory_space<semaphore_mem>>)
    %get3A = arith.constant 0 : i32
    %get3A_15 = arith.index_cast %get3A : i32 to index
    %get3A_16 = arith.constant 0 : index
    %get3A_17 = tpu.vector_load %arg8[%get3A_15, %get3A_16] {strides = array<i32>} : memref<40x128xi32, #tpu.memory_space<vmem>>, vector<1x16xi32>,
    %get3A_18 = vector.shape_cast %get3A_17 : vector<1x16xi32> to vector<16xi32>
    %swap3A = arith.constant 0 : index
    %swap3A_19 = tpu.vector_load %arg9[%swap3A] {strides = array<i32>} : memref<128xi32, #tpu.memory_space<vmem>>, vector<16xi32>,
    %swap3A_20 = vector.shape_cast %swap3A_19 : vector<16xi32> to vector<16xi32>
    %swap3A_21 = vector.shape_cast %get3A_18 : vector<16xi32> to vector<16xi32>
    tpu.vector_store %arg9[%swap3A], %swap3A_21 {strides = array<i32>} : memref<128xi32, #tpu.memory_space<vmem>>, vector<16xi32>,
    %get3A_22 = arith.constant 0 : i32
    %get3A_23 = arith.index_cast %get3A_22 : i32 to index
    %get3A_24 = arith.constant 16 : index
    %get3A_25 = tpu.vector_load %arg8[%get3A_23, %get3A_24] {strides = array<i32>} : memref<40x128xi32, #tpu.memory_space<vmem>>, vector<1x16xi32>,
    %get3A_26 = vector.shape_cast %get3A_25 : vector<1x16xi32> to vector<16xi32>
    %swap3A_27 = arith.constant 16 : index
    %swap3A_28 = tpu.vector_load %arg9[%swap3A_27] {strides = array<i32>} : memref<128xi32, #tpu.memory_space<vmem>>, vector<16xi32>,
    %swap3A_29 = vector.shape_cast %swap3A_28 : vector<16xi32> to vector<16xi32>
    %swap3A_30 = vector.shape_cast %get3A_26 : vector<16xi32> to vector<16xi32>
    tpu.vector_store %arg9[%swap3A_27], %swap3A_30 {strides = array<i32>} : memref<128xi32, #tpu.memory_space<vmem>>, vector<16xi32>,
    %get3A_31 = arith.constant 0 : i32
    %get3A_32 = arith.index_cast %get3A_31 : i32 to index
    %get3A_33 = arith.constant 32 : index
    %get3A_34 = tpu.vector_load %arg8[%get3A_32, %get3A_33] {strides = array<i32>} : memref<40x128xi32, #tpu.memory_space<vmem>>, vector<1x16xi32>,
    %get3A_35 = vector.shape_cast %get3A_34 : vector<1x16xi32> to vector<16xi32>
    %swap3A_36 = arith.constant 32 : index
    %swap3A_37 = tpu.vector_load %arg9[%swap3A_36] {strides = array<i32>} : memref<128xi32, #tpu.memory_space<vmem>>, vector<16xi32>,
    %swap3A_38 = vector.shape_cast %swap3A_37 : vector<16xi32> to vector<16xi32>
    %swap3A_39 = vector.shape_cast %get3A_35 : vector<16xi32> to vector<16xi32>
    tpu.vector_store %arg9[%swap3A_36], %swap3A_39 {strides = array<i32>} : memref<128xi32, #tpu.memory_space<vmem>>, vector<16xi32>,
    %get3A_40 = arith.constant 0 : i32
    %get3A_41 = arith.index_cast %get3A_40 : i32 to index
    %get3A_42 = arith.constant 48 : index
    %get3A_43 = tpu.vector_load %arg8[%get3A_41, %get3A_42] {strides = array<i32>} : memref<40x128xi32, #tpu.memory_space<vmem>>, vector<1x16xi32>,
    %get3A_44 = vector.shape_cast %get3A_43 : vector<1x16xi32> to vector<16xi32>
    %swap3A_45 = arith.constant 48 : index
    %swap3A_46 = tpu.vector_load %arg9[%swap3A_45] {strides = array<i32>} : memref<128xi32, #tpu.memory_space<vmem>>, vector<16xi32>,
    %swap3A_47 = vector.shape_cast %swap3A_46 : vector<16xi32> to vector<16xi32>
    %swap3A_48 = vector.shape_cast %get3A_44 : vector<16xi32> to vector<16xi32>
    tpu.vector_store %arg9[%swap3A_45], %swap3A_48 {strides = array<i32>} : memref<128xi32, #tpu.memory_space<vmem>>, vector<16xi32>,
    %get3A_49 = arith.constant 0 : i32
    %get3A_50 = arith.index_cast %get3A_49 : i32 to index
    %get3A_51 = arith.constant 64 : index
    %get3A_52 = tpu.vector_load %arg8[%get3A_50, %get3A_51] {strides = array<i32>} : memref<40x128xi32, #tpu.memory_space<vmem>>, vector<1x16xi32>,
    %get3A_53 = vector.shape_cast %get3A_52 : vector<1x16xi32> to vector<16xi32>
    %swap3A_54 = arith.constant 64 : index
    %swap3A_55 = tpu.vector_load %arg9[%swap3A_54] {strides = array<i32>} : memref<128xi32, #tpu.memory_space<vmem>>, vector<16xi32>,
    %swap3A_56 = vector.shape_cast %swap3A_55 : vector<16xi32> to vector<16xi32>
    %swap3A_57 = vector.shape_cast %get3A_53 : vector<16xi32> to vector<16xi32>
    tpu.vector_store %arg9[%swap3A_54], %swap3A_57 {strides = array<i32>} : memref<128xi32, #tpu.memory_space<vmem>>, vector<16xi32>,
    %get3A_58 = arith.constant 0 : i32
    %get3A_59 = arith.index_cast %get3A_58 : i32 to index
    %get3A_60 = arith.constant 80 : index
    %get3A_61 = tpu.vector_load %arg8[%get3A_59, %get3A_60] {strides = array<i32>} : memref<40x128xi32, #tpu.memory_space<vmem>>, vector<1x16xi32>,
    %get3A_62 = vector.shape_cast %get3A_61 : vector<1x16xi32> to vector<16xi32>
    %swap3A_63 = arith.constant 80 : index
    %swap3A_64 = tpu.vector_load %arg9[%swap3A_63] {strides = array<i32>} : memref<128xi32, #tpu.memory_space<vmem>>, vector<16xi32>,
    %swap3A_65 = vector.shape_cast %swap3A_64 : vector<16xi32> to vector<16xi32>
    %swap3A_66 = vector.shape_cast %get3A_62 : vector<16xi32> to vector<16xi32>
    tpu.vector_store %arg9[%swap3A_63], %swap3A_66 {strides = array<i32>} : memref<128xi32, #tpu.memory_space<vmem>>, vector<16xi32>,
    %get3A_67 = arith.constant 0 : i32
    %get3A_68 = arith.index_cast %get3A_67 : i32 to index
    %get3A_69 = arith.constant 96 : index
    %get3A_70 = tpu.vector_load %arg8[%get3A_68, %get3A_69] {strides = array<i32>} : memref<40x128xi32, #tpu.memory_space<vmem>>, vector<1x16xi32>,
    %get3A_71 = vector.shape_cast %get3A_70 : vector<1x16xi32> to vector<16xi32>
    %swap3A_72 = arith.constant 96 : index
    %swap3A_73 = tpu.vector_load %arg9[%swap3A_72] {strides = array<i32>} : memref<128xi32, #tpu.memory_space<vmem>>, vector<16xi32>,
    %swap3A_74 = vector.shape_cast %swap3A_73 : vector<16xi32> to vector<16xi32>
    %swap3A_75 = vector.shape_cast %get3A_71 : vector<16xi32> to vector<16xi32>
    tpu.vector_store %arg9[%swap3A_72], %swap3A_75 {strides = array<i32>} : memref<128xi32, #tpu.memory_space<vmem>>, vector<16xi32>,
    %get3A_76 = arith.constant 0 : i32
    %get3A_77 = arith.index_cast %get3A_76 : i32 to index
    %get3A_78 = arith.constant 112 : index
    %get3A_79 = tpu.vector_load %arg8[%get3A_77, %get3A_78] {strides = array<i32>} : memref<40x128xi32, #tpu.memory_space<vmem>>, vector<1x16xi32>,
    %get3A_80 = vector.shape_cast %get3A_79 : vector<1x16xi32> to vector<16xi32>
    %swap3A_81 = arith.constant 112 : index
    %swap3A_82 = tpu.vector_load %arg9[%swap3A_81] {strides = array<i32>} : memref<128xi32, #tpu.memory_space<vmem>>, vector<16xi32>,
    %swap3A_83 = vector.shape_cast %swap3A_82 : vector<16xi32> to vector<16xi32>
    %swap3A_84 = vector.shape_cast %get3A_80 : vector<16xi32> to vector<16xi32>
    tpu.vector_store %arg9[%swap3A_81], %swap3A_84 {strides = array<i32>} : memref<128xi32, #tpu.memory_space<vmem>>, vector<16xi32>,
    %scan3A = arith.constant 0 : i32
    %scan3A_85 = arith.constant 0 : i32
    %scan3A_86 = arith.constant 20 : i32
    %scan3A_87 = arith.addi %scan3A_85, %scan3A_86 : i32
    %scan3A_88 = arith.constant 1 : i32
    scf.for %scan3A_185 = %scan3A_85 to %scan3A_87 step %scan3A_88  : i32 {
      %mul3A_186 = arith.constant 2 : i32
      %mul3A_187 = arith.muli %mul3A_186, %scan3A_185 : i32
      %add3A_188 = arith.constant 1 : i32
      %add3A_189 = arith.addi %mul3A_187, %add3A_188 : i32
      %dma_start3A_190 = arith.constant 0 : i32
      %dma_start3A_191 = tpu.memref_slice %arg7[%add3A_189, %dma_start3A_190] : memref<40x128xi32, #tpu.memory_space<vmem>> -> memref<1x128xi32, #tpu.memory_space<vmem>>
      %dma_start3A_192 = tpu.memref_squeeze %dma_start3A_191 : memref<1x128xi32, #tpu.memory_space<vmem>> -> memref<128xi32, #tpu.memory_space<vmem>>
      %dma_start3A_193 = arith.constant 0 : i32
      %dma_start3A_194 = arith.constant 0 : i32
      %dma_start3A_195 = tpu.memref_slice %arg2[%dma_start3A_193, %dma_start3A_194] : memref<20480x128xf32, #tpu.memory_space<hbm>> -> memref<20480x128xf32, #tpu.memory_space<hbm>>
      tpu.enqueue_indirect_dma source(%dma_start3A_195 : memref<20480x128xf32, #tpu.memory_space<hbm>>) target(%arg12 : memref<128x128xf32, #tpu.memory_space<vmem>>) offsets(%dma_start3A_192 : memref<128xi32, #tpu.memory_space<vmem>>) semaphore(%arg15 : memref<!tpu.dma_semaphore, #tpu.memory_space<semaphore_mem>>)
      %add3A_196 = arith.constant 1 : i32
      %add3A_197 = arith.addi %mul3A_187, %add3A_196 : i32
      %get3A_198 = arith.index_cast %add3A_197 : i32 to index
      %get3A_199 = arith.constant 0 : index
      %get3A_200 = tpu.vector_load %arg8[%get3A_198, %get3A_199] {strides = array<i32>} : memref<40x128xi32, #tpu.memory_space<vmem>>, vector<1x16xi32>,
      %get3A_201 = vector.shape_cast %get3A_200 : vector<1x16xi32> to vector<16xi32>
      %swap3A_202 = arith.constant 0 : index
      %swap3A_203 = tpu.vector_load %arg10[%swap3A_202] {strides = array<i32>} : memref<128xi32, #tpu.memory_space<vmem>>, vector<16xi32>,
      %swap3A_204 = vector.shape_cast %swap3A_203 : vector<16xi32> to vector<16xi32>
      %swap3A_205 = vector.shape_cast %get3A_201 : vector<16xi32> to vector<16xi32>
      tpu.vector_store %arg10[%swap3A_202], %swap3A_205 {strides = array<i32>} : memref<128xi32, #tpu.memory_space<vmem>>, vector<16xi32>,
      %get3A_206 = arith.index_cast %add3A_197 : i32 to index
      %get3A_207 = arith.constant 16 : index
      %get3A_208 = tpu.vector_load %arg8[%get3A_206, %get3A_207] {strides = array<i32>} : memref<40x128xi32, #tpu.memory_space<vmem>>, vector<1x16xi32>,
      %get3A_209 = vector.shape_cast %get3A_208 : vector<1x16xi32> to vector<16xi32>
      %swap3A_210 = arith.constant 16 : index
      %swap3A_211 = tpu.vector_load %arg10[%swap3A_210] {strides = array<i32>} : memref<128xi32, #tpu.memory_space<vmem>>, vector<16xi32>,
      %swap3A_212 = vector.shape_cast %swap3A_211 : vector<16xi32> to vector<16xi32>
      %swap3A_213 = vector.shape_cast %get3A_209 : vector<16xi32> to vector<16xi32>
      tpu.vector_store %arg10[%swap3A_210], %swap3A_213 {strides = array<i32>} : memref<128xi32, #tpu.memory_space<vmem>>, vector<16xi32>,
      %get3A_214 = arith.index_cast %add3A_197 : i32 to index
      %get3A_215 = arith.constant 32 : index
      %get3A_216 = tpu.vector_load %arg8[%get3A_214, %get3A_215] {strides = array<i32>} : memref<40x128xi32, #tpu.memory_space<vmem>>, vector<1x16xi32>,
      %get3A_217 = vector.shape_cast %get3A_216 : vector<1x16xi32> to vector<16xi32>
      %swap3A_218 = arith.constant 32 : index
      %swap3A_219 = tpu.vector_load %arg10[%swap3A_218] {strides = array<i32>} : memref<128xi32, #tpu.memory_space<vmem>>, vector<16xi32>,
      %swap3A_220 = vector.shape_cast %swap3A_219 : vector<16xi32> to vector<16xi32>
      %swap3A_221 = vector.shape_cast %get3A_217 : vector<16xi32> to vector<16xi32>
      tpu.vector_store %arg10[%swap3A_218], %swap3A_221 {strides = array<i32>} : memref<128xi32, #tpu.memory_space<vmem>>, vector<16xi32>,
      %get3A_222 = arith.index_cast %add3A_197 : i32 to index
      %get3A_223 = arith.constant 48 : index
      %get3A_224 = tpu.vector_load %arg8[%get3A_222, %get3A_223] {strides = array<i32>} : memref<40x128xi32, #tpu.memory_space<vmem>>, vector<1x16xi32>,
      %get3A_225 = vector.shape_cast %get3A_224 : vector<1x16xi32> to vector<16xi32>
      %swap3A_226 = arith.constant 48 : index
      %swap3A_227 = tpu.vector_load %arg10[%swap3A_226] {strides = array<i32>} : memref<128xi32, #tpu.memory_space<vmem>>, vector<16xi32>,
      %swap3A_228 = vector.shape_cast %swap3A_227 : vector<16xi32> to vector<16xi32>
      %swap3A_229 = vector.shape_cast %get3A_225 : vector<16xi32> to vector<16xi32>
      tpu.vector_store %arg10[%swap3A_226], %swap3A_229 {strides = array<i32>} : memref<128xi32, #tpu.memory_space<vmem>>, vector<16xi32>,
      %get3A_230 = arith.index_cast %add3A_197 : i32 to index
      %get3A_231 = arith.constant 64 : index
      %get3A_232 = tpu.vector_load %arg8[%get3A_230, %get3A_231] {strides = array<i32>} : memref<40x128xi32, #tpu.memory_space<vmem>>, vector<1x16xi32>,
      %get3A_233 = vector.shape_cast %get3A_232 : vector<1x16xi32> to vector<16xi32>
      %swap3A_234 = arith.constant 64 : index
      %swap3A_235 = tpu.vector_load %arg10[%swap3A_234] {strides = array<i32>} : memref<128xi32, #tpu.memory_space<vmem>>, vector<16xi32>,
      %swap3A_236 = vector.shape_cast %swap3A_235 : vector<16xi32> to vector<16xi32>
      %swap3A_237 = vector.shape_cast %get3A_233 : vector<16xi32> to vector<16xi32>
      tpu.vector_store %arg10[%swap3A_234], %swap3A_237 {strides = array<i32>} : memref<128xi32, #tpu.memory_space<vmem>>, vector<16xi32>,
      %get3A_238 = arith.index_cast %add3A_197 : i32 to index
      %get3A_239 = arith.constant 80 : index
      %get3A_240 = tpu.vector_load %arg8[%get3A_238, %get3A_239] {strides = array<i32>} : memref<40x128xi32, #tpu.memory_space<vmem>>, vector<1x16xi32>,
      %get3A_241 = vector.shape_cast %get3A_240 : vector<1x16xi32> to vector<16xi32>
      %swap3A_242 = arith.constant 80 : index
      %swap3A_243 = tpu.vector_load %arg10[%swap3A_242] {strides = array<i32>} : memref<128xi32, #tpu.memory_space<vmem>>, vector<16xi32>,
      %swap3A_244 = vector.shape_cast %swap3A_243 : vector<16xi32> to vector<16xi32>
      %swap3A_245 = vector.shape_cast %get3A_241 : vector<16xi32> to vector<16xi32>
      tpu.vector_store %arg10[%swap3A_242], %swap3A_245 {strides = array<i32>} : memref<128xi32, #tpu.memory_space<vmem>>, vector<16xi32>,
      %get3A_246 = arith.index_cast %add3A_197 : i32 to index
      %get3A_247 = arith.constant 96 : index
      %get3A_248 = tpu.vector_load %arg8[%get3A_246, %get3A_247] {strides = array<i32>} : memref<40x128xi32, #tpu.memory_space<vmem>>, vector<1x16xi32>,
      %get3A_249 = vector.shape_cast %get3A_248 : vector<1x16xi32> to vector<16xi32>
      %swap3A_250 = arith.constant 96 : index
      %swap3A_251 = tpu.vector_load %arg10[%swap3A_250] {strides = array<i32>} : memref<128xi32, #tpu.memory_space<vmem>>, vector<16xi32>,
      %swap3A_252 = vector.shape_cast %swap3A_251 : vector<16xi32> to vector<16xi32>
      %swap3A_253 = vector.shape_cast %get3A_249 : vector<16xi32> to vector<16xi32>
      tpu.vector_store %arg10[%swap3A_250], %swap3A_253 {strides = array<i32>} : memref<128xi32, #tpu.memory_space<vmem>>, vector<16xi32>,
      %get3A_254 = arith.index_cast %add3A_197 : i32 to index
      %get3A_255 = arith.constant 112 : index
      %get3A_256 = tpu.vector_load %arg8[%get3A_254, %get3A_255] {strides = array<i32>} : memref<40x128xi32, #tpu.memory_space<vmem>>, vector<1x16xi32>,
      %get3A_257 = vector.shape_cast %get3A_256 : vector<1x16xi32> to vector<16xi32>
      %swap3A_258 = arith.constant 112 : index
      %swap3A_259 = tpu.vector_load %arg10[%swap3A_258] {strides = array<i32>} : memref<128xi32, #tpu.memory_space<vmem>>, vector<16xi32>,
      %swap3A_260 = vector.shape_cast %swap3A_259 : vector<16xi32> to vector<16xi32>
      %swap3A_261 = vector.shape_cast %get3A_257 : vector<16xi32> to vector<16xi32>
      tpu.vector_store %arg10[%swap3A_258], %swap3A_261 {strides = array<i32>} : memref<128xi32, #tpu.memory_space<vmem>>, vector<16xi32>,
      tpu.wait_dma2 semaphore(%arg14 : memref<!tpu.dma_semaphore, #tpu.memory_space<semaphore_mem>>) src(%arg2 : memref<20480x128xf32, #tpu.memory_space<hbm>>) dst(%arg11 : memref<128x128xf32, #tpu.memory_space<vmem>>)
      "tpu.region"() ({
        %run_scoped3A = tpu.sem_alloc : memref<!tpu.dma_semaphore, #tpu.memory_space<semaphore_mem>>
        %dma_start3A_264 = arith.constant 0 : i32
        %dma_start3A_265 = arith.constant 0 : i32
        %dma_start3A_266 = tpu.memref_slice %arg13[%dma_start3A_264, %dma_start3A_265] : memref<10240x128xf32, #tpu.memory_space<vmem_shared>> -> memref<10240x128xf32, #tpu.memory_space<vmem_shared>>
        tpu.enqueue_indirect_dma source(%arg11 : memref<128x128xf32, #tpu.memory_space<vmem>>) target(%dma_start3A_266 : memref<10240x128xf32, #tpu.memory_space<vmem_shared>>) offsets(%arg9 : memref<128xi32, #tpu.memory_space<vmem>>) semaphore(%run_scoped3A : memref<!tpu.dma_semaphore, #tpu.memory_space<semaphore_mem>>) {add = true}
        %dma_wait3A = arith.constant 0 : i32
        %dma_wait3A_267 = arith.constant 0 : i32
        %dma_wait3A_268 = tpu.memref_slice %arg13[%dma_wait3A, %dma_wait3A_267] : memref<10240x128xf32, #tpu.memory_space<vmem_shared>> -> memref<10240x128xf32, #tpu.memory_space<vmem_shared>>
        tpu.wait_indirect_dma semaphore(%run_scoped3A : memref<!tpu.dma_semaphore, #tpu.memory_space<semaphore_mem>>) src(%arg11 : memref<128x128xf32, #tpu.memory_space<vmem>>) dst(%dma_wait3A_268 : memref<10240x128xf32, #tpu.memory_space<vmem_shared>>)
        tpu.yield
      }) : () -> ()
      %lt3A = arith.constant 19 : i32
      %lt3A_262 = arith.cmpi slt, %scan3A_185, %lt3A : i32
      %convert_element_type3A = arith.extui %lt3A_262 : i1 to i32
      %cond3A = arith.constant 0 : i32
      %cond3A_263 = arith.cmpi ne, %convert_element_type3A, %cond3A : i32
      scf.if %cond3A_263 {
        %add3A_264 = arith.constant 2 : i32
        %add3A_265 = arith.addi %mul3A_187, %add3A_264 : i32
        %dma_start3A_266 = arith.constant 0 : i32
        %dma_start3A_267 = tpu.memref_slice %arg7[%add3A_265, %dma_start3A_266] : memref<40x128xi32, #tpu.memory_space<vmem>> -> memref<1x128xi32, #tpu.memory_space<vmem>>
        %dma_start3A_268 = tpu.memref_squeeze %dma_start3A_267 : memref<1x128xi32, #tpu.memory_space<vmem>> -> memref<128xi32, #tpu.memory_space<vmem>>
        %dma_start3A_269 = arith.constant 0 : i32
        %dma_start3A_270 = arith.constant 0 : i32
        %dma_start3A_271 = tpu.memref_slice %arg2[%dma_start3A_269, %dma_start3A_270] : memref<20480x128xf32, #tpu.memory_space<hbm>> -> memref<20480x128xf32, #tpu.memory_space<hbm>>
        tpu.enqueue_indirect_dma source(%dma_start3A_271 : memref<20480x128xf32, #tpu.memory_space<hbm>>) target(%arg11 : memref<128x128xf32, #tpu.memory_space<vmem>>) offsets(%dma_start3A_268 : memref<128xi32, #tpu.memory_space<vmem>>) semaphore(%arg14 : memref<!tpu.dma_semaphore, #tpu.memory_space<semaphore_mem>>)
        %add3A_272 = arith.constant 2 : i32
        %add3A_273 = arith.addi %mul3A_187, %add3A_272 : i32
        %get3A_274 = arith.index_cast %add3A_273 : i32 to index
        %get3A_275 = arith.constant 0 : index
        %get3A_276 = tpu.vector_load %arg8[%get3A_274, %get3A_275] {strides = array<i32>} : memref<40x128xi32, #tpu.memory_space<vmem>>, vector<1x16xi32>,
        %get3A_277 = vector.shape_cast %get3A_276 : vector<1x16xi32> to vector<16xi32>
        %swap3A_278 = arith.constant 0 : index
        %swap3A_279 = tpu.vector_load %arg9[%swap3A_278] {strides = array<i32>} : memref<128xi32, #tpu.memory_space<vmem>>, vector<16xi32>,
        %swap3A_280 = vector.shape_cast %swap3A_279 : vector<16xi32> to vector<16xi32>
        %swap3A_281 = vector.shape_cast %get3A_277 : vector<16xi32> to vector<16xi32>
        tpu.vector_store %arg9[%swap3A_278], %swap3A_281 {strides = array<i32>} : memref<128xi32, #tpu.memory_space<vmem>>, vector<16xi32>,
        %get3A_282 = arith.index_cast %add3A_273 : i32 to index
        %get3A_283 = arith.constant 16 : index
        %get3A_284 = tpu.vector_load %arg8[%get3A_282, %get3A_283] {strides = array<i32>} : memref<40x128xi32, #tpu.memory_space<vmem>>, vector<1x16xi32>,
        %get3A_285 = vector.shape_cast %get3A_284 : vector<1x16xi32> to vector<16xi32>
        %swap3A_286 = arith.constant 16 : index
        %swap3A_287 = tpu.vector_load %arg9[%swap3A_286] {strides = array<i32>} : memref<128xi32, #tpu.memory_space<vmem>>, vector<16xi32>,
        %swap3A_288 = vector.shape_cast %swap3A_287 : vector<16xi32> to vector<16xi32>
        %swap3A_289 = vector.shape_cast %get3A_285 : vector<16xi32> to vector<16xi32>
        tpu.vector_store %arg9[%swap3A_286], %swap3A_289 {strides = array<i32>} : memref<128xi32, #tpu.memory_space<vmem>>, vector<16xi32>,
        %get3A_290 = arith.index_cast %add3A_273 : i32 to index
        %get3A_291 = arith.constant 32 : index
        %get3A_292 = tpu.vector_load %arg8[%get3A_290, %get3A_291] {strides = array<i32>} : memref<40x128xi32, #tpu.memory_space<vmem>>, vector<1x16xi32>,
        %get3A_293 = vector.shape_cast %get3A_292 : vector<1x16xi32> to vector<16xi32>
        %swap3A_294 = arith.constant 32 : index
        %swap3A_295 = tpu.vector_load %arg9[%swap3A_294] {strides = array<i32>} : memref<128xi32, #tpu.memory_space<vmem>>, vector<16xi32>,
        %swap3A_296 = vector.shape_cast %swap3A_295 : vector<16xi32> to vector<16xi32>
        %swap3A_297 = vector.shape_cast %get3A_293 : vector<16xi32> to vector<16xi32>
        tpu.vector_store %arg9[%swap3A_294], %swap3A_297 {strides = array<i32>} : memref<128xi32, #tpu.memory_space<vmem>>, vector<16xi32>,
        %get3A_298 = arith.index_cast %add3A_273 : i32 to index
        %get3A_299 = arith.constant 48 : index
        %get3A_300 = tpu.vector_load %arg8[%get3A_298, %get3A_299] {strides = array<i32>} : memref<40x128xi32, #tpu.memory_space<vmem>>, vector<1x16xi32>,
        %get3A_301 = vector.shape_cast %get3A_300 : vector<1x16xi32> to vector<16xi32>
        %swap3A_302 = arith.constant 48 : index
        %swap3A_303 = tpu.vector_load %arg9[%swap3A_302] {strides = array<i32>} : memref<128xi32, #tpu.memory_space<vmem>>, vector<16xi32>,
        %swap3A_304 = vector.shape_cast %swap3A_303 : vector<16xi32> to vector<16xi32>
        %swap3A_305 = vector.shape_cast %get3A_301 : vector<16xi32> to vector<16xi32>
        tpu.vector_store %arg9[%swap3A_302], %swap3A_305 {strides = array<i32>} : memref<128xi32, #tpu.memory_space<vmem>>, vector<16xi32>,
        %get3A_306 = arith.index_cast %add3A_273 : i32 to index
        %get3A_307 = arith.constant 64 : index
        %get3A_308 = tpu.vector_load %arg8[%get3A_306, %get3A_307] {strides = array<i32>} : memref<40x128xi32, #tpu.memory_space<vmem>>, vector<1x16xi32>,
        %get3A_309 = vector.shape_cast %get3A_308 : vector<1x16xi32> to vector<16xi32>
        %swap3A_310 = arith.constant 64 : index
        %swap3A_311 = tpu.vector_load %arg9[%swap3A_310] {strides = array<i32>} : memref<128xi32, #tpu.memory_space<vmem>>, vector<16xi32>,
        %swap3A_312 = vector.shape_cast %swap3A_311 : vector<16xi32> to vector<16xi32>
        %swap3A_313 = vector.shape_cast %get3A_309 : vector<16xi32> to vector<16xi32>
        tpu.vector_store %arg9[%swap3A_310], %swap3A_313 {strides = array<i32>} : memref<128xi32, #tpu.memory_space<vmem>>, vector<16xi32>,
        %get3A_314 = arith.index_cast %add3A_273 : i32 to index
        %get3A_315 = arith.constant 80 : index
        %get3A_316 = tpu.vector_load %arg8[%get3A_314, %get3A_315] {strides = array<i32>} : memref<40x128xi32, #tpu.memory_space<vmem>>, vector<1x16xi32>,
        %get3A_317 = vector.shape_cast %get3A_316 : vector<1x16xi32> to vector<16xi32>
        %swap3A_318 = arith.constant 80 : index
        %swap3A_319 = tpu.vector_load %arg9[%swap3A_318] {strides = array<i32>} : memref<128xi32, #tpu.memory_space<vmem>>, vector<16xi32>,
        %swap3A_320 = vector.shape_cast %swap3A_319 : vector<16xi32> to vector<16xi32>
        %swap3A_321 = vector.shape_cast %get3A_317 : vector<16xi32> to vector<16xi32>
        tpu.vector_store %arg9[%swap3A_318], %swap3A_321 {strides = array<i32>} : memref<128xi32, #tpu.memory_space<vmem>>, vector<16xi32>,
        %get3A_322 = arith.index_cast %add3A_273 : i32 to index
        %get3A_323 = arith.constant 96 : index
        %get3A_324 = tpu.vector_load %arg8[%get3A_322, %get3A_323] {strides = array<i32>} : memref<40x128xi32, #tpu.memory_space<vmem>>, vector<1x16xi32>,
        %get3A_325 = vector.shape_cast %get3A_324 : vector<1x16xi32> to vector<16xi32>
        %swap3A_326 = arith.constant 96 : index
        %swap3A_327 = tpu.vector_load %arg9[%swap3A_326] {strides = array<i32>} : memref<128xi32, #tpu.memory_space<vmem>>, vector<16xi32>,
        %swap3A_328 = vector.shape_cast %swap3A_327 : vector<16xi32> to vector<16xi32>
        %swap3A_329 = vector.shape_cast %get3A_325 : vector<16xi32> to vector<16xi32>
        tpu.vector_store %arg9[%swap3A_326], %swap3A_329 {strides = array<i32>} : memref<128xi32, #tpu.memory_space<vmem>>, vector<16xi32>,
        %get3A_330 = arith.index_cast %add3A_273 : i32 to index
        %get3A_331 = arith.constant 112 : index
        %get3A_332 = tpu.vector_load %arg8[%get3A_330, %get3A_331] {strides = array<i32>} : memref<40x128xi32, #tpu.memory_space<vmem>>, vector<1x16xi32>,
        %get3A_333 = vector.shape_cast %get3A_332 : vector<1x16xi32> to vector<16xi32>
        %swap3A_334 = arith.constant 112 : index
        %swap3A_335 = tpu.vector_load %arg9[%swap3A_334] {strides = array<i32>} : memref<128xi32, #tpu.memory_space<vmem>>, vector<16xi32>,
        %swap3A_336 = vector.shape_cast %swap3A_335 : vector<16xi32> to vector<16xi32>
        %swap3A_337 = vector.shape_cast %get3A_333 : vector<16xi32> to vector<16xi32>
        tpu.vector_store %arg9[%swap3A_334], %swap3A_337 {strides = array<i32>} : memref<128xi32, #tpu.memory_space<vmem>>, vector<16xi32>,
      } else {
      }
      tpu.wait_dma2 semaphore(%arg15 : memref<!tpu.dma_semaphore, #tpu.memory_space<semaphore_mem>>) src(%arg2 : memref<20480x128xf32, #tpu.memory_space<hbm>>) dst(%arg12 : memref<128x128xf32, #tpu.memory_space<vmem>>)
      "tpu.region"() ({
        %run_scoped3A = tpu.sem_alloc : memref<!tpu.dma_semaphore, #tpu.memory_space<semaphore_mem>>
        %dma_start3A_264 = arith.constant 0 : i32
        %dma_start3A_265 = arith.constant 0 : i32
        %dma_start3A_266 = tpu.memref_slice %arg13[%dma_start3A_264, %dma_start3A_265] : memref<10240x128xf32, #tpu.memory_space<vmem_shared>> -> memref<10240x128xf32, #tpu.memory_space<vmem_shared>>
        tpu.enqueue_indirect_dma source(%arg12 : memref<128x128xf32, #tpu.memory_space<vmem>>) target(%dma_start3A_266 : memref<10240x128xf32, #tpu.memory_space<vmem_shared>>) offsets(%arg10 : memref<128xi32, #tpu.memory_space<vmem>>) semaphore(%run_scoped3A : memref<!tpu.dma_semaphore, #tpu.memory_space<semaphore_mem>>) {add = true}
        %dma_wait3A = arith.constant 0 : i32
        %dma_wait3A_267 = arith.constant 0 : i32
        %dma_wait3A_268 = tpu.memref_slice %arg13[%dma_wait3A, %dma_wait3A_267] : memref<10240x128xf32, #tpu.memory_space<vmem_shared>> -> memref<10240x128xf32, #tpu.memory_space<vmem_shared>>
        tpu.wait_indirect_dma semaphore(%run_scoped3A : memref<!tpu.dma_semaphore, #tpu.memory_space<semaphore_mem>>) src(%arg12 : memref<128x128xf32, #tpu.memory_space<vmem>>) dst(%dma_wait3A_268 : memref<10240x128xf32, #tpu.memory_space<vmem_shared>>)
        tpu.yield
      }) : () -> ()
    }
    %scan3A_89 = arith.constant 20 : i32
    %add3A_90 = arith.constant 40 : i32
    %add3A_91 = arith.addi %add3A, %add3A_90 : i32
    "tpu.region"() ({
      %run_scoped3A = tpu.sem_alloc : memref<!tpu.dma_semaphore, #tpu.memory_space<semaphore_mem>>
      %dma_start3A_185 = arith.constant 0 : i32
      %dma_start3A_186 = tpu.memref_slice %arg3[%add3A_91, %dma_start3A_185] : memref<2560x128xi32, #tpu.memory_space<hbm>> -> memref<40x128xi32, #tpu.memory_space<hbm>>
      %dma_start3A_187 = arith.constant 0 : i32
      %dma_start3A_188 = tpu.memref_slice %arg3[%add3A_91, %dma_start3A_187] : memref<2560x128xi32, #tpu.memory_space<hbm>> -> memref<40x128xi32, #tpu.memory_space<hbm>>
      tpu.enqueue_dma source(%dma_start3A_188 : memref<40x128xi32, #tpu.memory_space<hbm>>) target(%arg7 : memref<40x128xi32, #tpu.memory_space<vmem>>) target_semaphore(%run_scoped3A : memref<!tpu.dma_semaphore, #tpu.memory_space<semaphore_mem>>)
      %dma_wait3A = arith.constant 0 : i32
      %dma_wait3A_189 = tpu.memref_slice %arg3[%add3A_91, %dma_wait3A] : memref<2560x128xi32, #tpu.memory_space<hbm>> -> memref<40x128xi32, #tpu.memory_space<hbm>>
      %dma_wait3A_190 = arith.constant 0 : i32
      %dma_wait3A_191 = tpu.memref_slice %arg3[%add3A_91, %dma_wait3A_190] : memref<2560x128xi32, #tpu.memory_space<hbm>> -> memref<40x128xi32, #tpu.memory_space<hbm>>
      tpu.wait_dma2 semaphore(%run_scoped3A : memref<!tpu.dma_semaphore, #tpu.memory_space<semaphore_mem>>) src(%dma_wait3A_191 : memref<40x128xi32, #tpu.memory_space<hbm>>) dst(%arg7 : memref<40x128xi32, #tpu.memory_space<vmem>>)
      tpu.yield
    }) : () -> ()
    "tpu.region"() ({
      %run_scoped3A = tpu.sem_alloc : memref<!tpu.dma_semaphore, #tpu.memory_space<semaphore_mem>>
      %dma_start3A_185 = arith.constant 0 : i32
      %dma_start3A_186 = tpu.memref_slice %arg4[%add3A_91, %dma_start3A_185] : memref<2560x128xi32, #tpu.memory_space<hbm>> -> memref<40x128xi32, #tpu.memory_space<hbm>>
      %dma_start3A_187 = arith.constant 0 : i32
      %dma_start3A_188 = tpu.memref_slice %arg4[%add3A_91, %dma_start3A_187] : memref<2560x128xi32, #tpu.memory_space<hbm>> -> memref<40x128xi32, #tpu.memory_space<hbm>>
      tpu.enqueue_dma source(%dma_start3A_188 : memref<40x128xi32, #tpu.memory_space<hbm>>) target(%arg8 : memref<40x128xi32, #tpu.memory_space<vmem>>) target_semaphore(%run_scoped3A : memref<!tpu.dma_semaphore, #tpu.memory_space<semaphore_mem>>)
      %dma_wait3A = arith.constant 0 : i32
      %dma_wait3A_189 = tpu.memref_slice %arg4[%add3A_91, %dma_wait3A] : memref<2560x128xi32, #tpu.memory_space<hbm>> -> memref<40x128xi32, #tpu.memory_space<hbm>>
      %dma_wait3A_190 = arith.constant 0 : i32
      %dma_wait3A_191 = tpu.memref_slice %arg4[%add3A_91, %dma_wait3A_190] : memref<2560x128xi32, #tpu.memory_space<hbm>> -> memref<40x128xi32, #tpu.memory_space<hbm>>
      tpu.wait_dma2 semaphore(%run_scoped3A : memref<!tpu.dma_semaphore, #tpu.memory_space<semaphore_mem>>) src(%dma_wait3A_191 : memref<40x128xi32, #tpu.memory_space<hbm>>) dst(%arg8 : memref<40x128xi32, #tpu.memory_space<vmem>>)
      tpu.yield
    }) : () -> ()
    %dma_start3A_92 = arith.constant 0 : i32
    %dma_start3A_93 = arith.constant 0 : i32
    %dma_start3A_94 = tpu.memref_slice %arg7[%dma_start3A_92, %dma_start3A_93] : memref<40x128xi32, #tpu.memory_space<vmem>> -> memref<1x128xi32, #tpu.memory_space<vmem>>
    %dma_start3A_95 = tpu.memref_squeeze %dma_start3A_94 : memref<1x128xi32, #tpu.memory_space<vmem>> -> memref<128xi32, #tpu.memory_space<vmem>>
    %dma_start3A_96 = arith.constant 0 : i32
    %dma_start3A_97 = arith.constant 0 : i32
    %dma_start3A_98 = tpu.memref_slice %arg2[%dma_start3A_96, %dma_start3A_97] : memref<20480x128xf32, #tpu.memory_space<hbm>> -> memref<20480x128xf32, #tpu.memory_space<hbm>>
    tpu.enqueue_indirect_dma source(%dma_start3A_98 : memref<20480x128xf32, #tpu.memory_space<hbm>>) target(%arg11 : memref<128x128xf32, #tpu.memory_space<vmem>>) offsets(%dma_start3A_95 : memref<128xi32, #tpu.memory_space<vmem>>) semaphore(%arg14 : memref<!tpu.dma_semaphore, #tpu.memory_space<semaphore_mem>>)
    %get3A_99 = arith.constant 0 : i32
    %get3A_100 = arith.index_cast %get3A_99 : i32 to index
    %get3A_101 = arith.constant 0 : index
    %get3A_102 = tpu.vector_load %arg8[%get3A_100, %get3A_101] {strides = array<i32>} : memref<40x128xi32, #tpu.memory_space<vmem>>, vector<1x16xi32>,
    %get3A_103 = vector.shape_cast %get3A_102 : vector<1x16xi32> to vector<16xi32>
    %swap3A_104 = arith.constant 0 : index
    %swap3A_105 = tpu.vector_load %arg9[%swap3A_104] {strides = array<i32>} : memref<128xi32, #tpu.memory_space<vmem>>, vector<16xi32>,
    %swap3A_106 = vector.shape_cast %swap3A_105 : vector<16xi32> to vector<16xi32>
    %swap3A_107 = vector.shape_cast %get3A_103 : vector<16xi32> to vector<16xi32>
    tpu.vector_store %arg9[%swap3A_104], %swap3A_107 {strides = array<i32>} : memref<128xi32, #tpu.memory_space<vmem>>, vector<16xi32>,
    %get3A_108 = arith.constant 0 : i32
    %get3A_109 = arith.index_cast %get3A_108 : i32 to index
    %get3A_110 = arith.constant 16 : index
    %get3A_111 = tpu.vector_load %arg8[%get3A_109, %get3A_110] {strides = array<i32>} : memref<40x128xi32, #tpu.memory_space<vmem>>, vector<1x16xi32>,
    %get3A_112 = vector.shape_cast %get3A_111 : vector<1x16xi32> to vector<16xi32>
    %swap3A_113 = arith.constant 16 : index
    %swap3A_114 = tpu.vector_load %arg9[%swap3A_113] {strides = array<i32>} : memref<128xi32, #tpu.memory_space<vmem>>, vector<16xi32>,
    %swap3A_115 = vector.shape_cast %swap3A_114 : vector<16xi32> to vector<16xi32>
    %swap3A_116 = vector.shape_cast %get3A_112 : vector<16xi32> to vector<16xi32>
    tpu.vector_store %arg9[%swap3A_113], %swap3A_116 {strides = array<i32>} : memref<128xi32, #tpu.memory_space<vmem>>, vector<16xi32>,
    %get3A_117 = arith.constant 0 : i32
    %get3A_118 = arith.index_cast %get3A_117 : i32 to index
    %get3A_119 = arith.constant 32 : index
    %get3A_120 = tpu.vector_load %arg8[%get3A_118, %get3A_119] {strides = array<i32>} : memref<40x128xi32, #tpu.memory_space<vmem>>, vector<1x16xi32>,
    %get3A_121 = vector.shape_cast %get3A_120 : vector<1x16xi32> to vector<16xi32>
    %swap3A_122 = arith.constant 32 : index
    %swap3A_123 = tpu.vector_load %arg9[%swap3A_122] {strides = array<i32>} : memref<128xi32, #tpu.memory_space<vmem>>, vector<16xi32>,
    %swap3A_124 = vector.shape_cast %swap3A_123 : vector<16xi32> to vector<16xi32>
    %swap3A_125 = vector.shape_cast %get3A_121 : vector<16xi32> to vector<16xi32>
    tpu.vector_store %arg9[%swap3A_122], %swap3A_125 {strides = array<i32>} : memref<128xi32, #tpu.memory_space<vmem>>, vector<16xi32>,
    %get3A_126 = arith.constant 0 : i32
    %get3A_127 = arith.index_cast %get3A_126 : i32 to index
    %get3A_128 = arith.constant 48 : index
    %get3A_129 = tpu.vector_load %arg8[%get3A_127, %get3A_128] {strides = array<i32>} : memref<40x128xi32, #tpu.memory_space<vmem>>, vector<1x16xi32>,
    %get3A_130 = vector.shape_cast %get3A_129 : vector<1x16xi32> to vector<16xi32>
    %swap3A_131 = arith.constant 48 : index
    %swap3A_132 = tpu.vector_load %arg9[%swap3A_131] {strides = array<i32>} : memref<128xi32, #tpu.memory_space<vmem>>, vector<16xi32>,
    %swap3A_133 = vector.shape_cast %swap3A_132 : vector<16xi32> to vector<16xi32>
    %swap3A_134 = vector.shape_cast %get3A_130 : vector<16xi32> to vector<16xi32>
    tpu.vector_store %arg9[%swap3A_131], %swap3A_134 {strides = array<i32>} : memref<128xi32, #tpu.memory_space<vmem>>, vector<16xi32>,
    %get3A_135 = arith.constant 0 : i32
    %get3A_136 = arith.index_cast %get3A_135 : i32 to index
    %get3A_137 = arith.constant 64 : index
    %get3A_138 = tpu.vector_load %arg8[%get3A_136, %get3A_137] {strides = array<i32>} : memref<40x128xi32, #tpu.memory_space<vmem>>, vector<1x16xi32>,
    %get3A_139 = vector.shape_cast %get3A_138 : vector<1x16xi32> to vector<16xi32>
    %swap3A_140 = arith.constant 64 : index
    %swap3A_141 = tpu.vector_load %arg9[%swap3A_140] {strides = array<i32>} : memref<128xi32, #tpu.memory_space<vmem>>, vector<16xi32>,
    %swap3A_142 = vector.shape_cast %swap3A_141 : vector<16xi32> to vector<16xi32>
    %swap3A_143 = vector.shape_cast %get3A_139 : vector<16xi32> to vector<16xi32>
    tpu.vector_store %arg9[%swap3A_140], %swap3A_143 {strides = array<i32>} : memref<128xi32, #tpu.memory_space<vmem>>, vector<16xi32>,
    %get3A_144 = arith.constant 0 : i32
    %get3A_145 = arith.index_cast %get3A_144 : i32 to index
    %get3A_146 = arith.constant 80 : index
    %get3A_147 = tpu.vector_load %arg8[%get3A_145, %get3A_146] {strides = array<i32>} : memref<40x128xi32, #tpu.memory_space<vmem>>, vector<1x16xi32>,
    %get3A_148 = vector.shape_cast %get3A_147 : vector<1x16xi32> to vector<16xi32>
    %swap3A_149 = arith.constant 80 : index
    %swap3A_150 = tpu.vector_load %arg9[%swap3A_149] {strides = array<i32>} : memref<128xi32, #tpu.memory_space<vmem>>, vector<16xi32>,
    %swap3A_151 = vector.shape_cast %swap3A_150 : vector<16xi32> to vector<16xi32>
    %swap3A_152 = vector.shape_cast %get3A_148 : vector<16xi32> to vector<16xi32>
    tpu.vector_store %arg9[%swap3A_149], %swap3A_152 {strides = array<i32>} : memref<128xi32, #tpu.memory_space<vmem>>, vector<16xi32>,
    %get3A_153 = arith.constant 0 : i32
    %get3A_154 = arith.index_cast %get3A_153 : i32 to index
    %get3A_155 = arith.constant 96 : index
    %get3A_156 = tpu.vector_load %arg8[%get3A_154, %get3A_155] {strides = array<i32>} : memref<40x128xi32, #tpu.memory_space<vmem>>, vector<1x16xi32>,
    %get3A_157 = vector.shape_cast %get3A_156 : vector<1x16xi32> to vector<16xi32>
    %swap3A_158 = arith.constant 96 : index
    %swap3A_159 = tpu.vector_load %arg9[%swap3A_158] {strides = array<i32>} : memref<128xi32, #tpu.memory_space<vmem>>, vector<16xi32>,
    %swap3A_160 = vector.shape_cast %swap3A_159 : vector<16xi32> to vector<16xi32>
    %swap3A_161 = vector.shape_cast %get3A_157 : vector<16xi32> to vector<16xi32>
    tpu.vector_store %arg9[%swap3A_158], %swap3A_161 {strides = array<i32>} : memref<128xi32, #tpu.memory_space<vmem>>, vector<16xi32>,
    %get3A_162 = arith.constant 0 : i32
    %get3A_163 = arith.index_cast %get3A_162 : i32 to index
    %get3A_164 = arith.constant 112 : index
    %get3A_165 = tpu.vector_load %arg8[%get3A_163, %get3A_164] {strides = array<i32>} : memref<40x128xi32, #tpu.memory_space<vmem>>, vector<1x16xi32>,
    %get3A_166 = vector.shape_cast %get3A_165 : vector<1x16xi32> to vector<16xi32>
    %swap3A_167 = arith.constant 112 : index
    %swap3A_168 = tpu.vector_load %arg9[%swap3A_167] {strides = array<i32>} : memref<128xi32, #tpu.memory_space<vmem>>, vector<16xi32>,
    %swap3A_169 = vector.shape_cast %swap3A_168 : vector<16xi32> to vector<16xi32>
    %swap3A_170 = vector.shape_cast %get3A_166 : vector<16xi32> to vector<16xi32>
    tpu.vector_store %arg9[%swap3A_167], %swap3A_170 {strides = array<i32>} : memref<128xi32, #tpu.memory_space<vmem>>, vector<16xi32>,
    %scan3A_171 = arith.constant 0 : i32
    %scan3A_172 = arith.constant 0 : i32
    %scan3A_173 = arith.constant 20 : i32
    %scan3A_174 = arith.addi %scan3A_172, %scan3A_173 : i32
    %scan3A_175 = arith.constant 1 : i32
    scf.for %scan3A_185 = %scan3A_172 to %scan3A_174 step %scan3A_175  : i32 {
      %mul3A_186 = arith.constant 2 : i32
      %mul3A_187 = arith.muli %mul3A_186, %scan3A_185 : i32
      %add3A_188 = arith.constant 1 : i32
      %add3A_189 = arith.addi %mul3A_187, %add3A_188 : i32
      %dma_start3A_190 = arith.constant 0 : i32
      %dma_start3A_191 = tpu.memref_slice %arg7[%add3A_189, %dma_start3A_190] : memref<40x128xi32, #tpu.memory_space<vmem>> -> memref<1x128xi32, #tpu.memory_space<vmem>>
      %dma_start3A_192 = tpu.memref_squeeze %dma_start3A_191 : memref<1x128xi32, #tpu.memory_space<vmem>> -> memref<128xi32, #tpu.memory_space<vmem>>
      %dma_start3A_193 = arith.constant 0 : i32
      %dma_start3A_194 = arith.constant 0 : i32
      %dma_start3A_195 = tpu.memref_slice %arg2[%dma_start3A_193, %dma_start3A_194] : memref<20480x128xf32, #tpu.memory_space<hbm>> -> memref<20480x128xf32, #tpu.memory_space<hbm>>
      tpu.enqueue_indirect_dma source(%dma_start3A_195 : memref<20480x128xf32, #tpu.memory_space<hbm>>) target(%arg12 : memref<128x128xf32, #tpu.memory_space<vmem>>) offsets(%dma_start3A_192 : memref<128xi32, #tpu.memory_space<vmem>>) semaphore(%arg15 : memref<!tpu.dma_semaphore, #tpu.memory_space<semaphore_mem>>)
      %add3A_196 = arith.constant 1 : i32
      %add3A_197 = arith.addi %mul3A_187, %add3A_196 : i32
      %get3A_198 = arith.index_cast %add3A_197 : i32 to index
      %get3A_199 = arith.constant 0 : index
      %get3A_200 = tpu.vector_load %arg8[%get3A_198, %get3A_199] {strides = array<i32>} : memref<40x128xi32, #tpu.memory_space<vmem>>, vector<1x16xi32>,
      %get3A_201 = vector.shape_cast %get3A_200 : vector<1x16xi32> to vector<16xi32>
      %swap3A_202 = arith.constant 0 : index
      %swap3A_203 = tpu.vector_load %arg10[%swap3A_202] {strides = array<i32>} : memref<128xi32, #tpu.memory_space<vmem>>, vector<16xi32>,
      %swap3A_204 = vector.shape_cast %swap3A_203 : vector<16xi32> to vector<16xi32>
      %swap3A_205 = vector.shape_cast %get3A_201 : vector<16xi32> to vector<16xi32>
      tpu.vector_store %arg10[%swap3A_202], %swap3A_205 {strides = array<i32>} : memref<128xi32, #tpu.memory_space<vmem>>, vector<16xi32>,
      %get3A_206 = arith.index_cast %add3A_197 : i32 to index
      %get3A_207 = arith.constant 16 : index
      %get3A_208 = tpu.vector_load %arg8[%get3A_206, %get3A_207] {strides = array<i32>} : memref<40x128xi32, #tpu.memory_space<vmem>>, vector<1x16xi32>,
      %get3A_209 = vector.shape_cast %get3A_208 : vector<1x16xi32> to vector<16xi32>
      %swap3A_210 = arith.constant 16 : index
      %swap3A_211 = tpu.vector_load %arg10[%swap3A_210] {strides = array<i32>} : memref<128xi32, #tpu.memory_space<vmem>>, vector<16xi32>,
      %swap3A_212 = vector.shape_cast %swap3A_211 : vector<16xi32> to vector<16xi32>
      %swap3A_213 = vector.shape_cast %get3A_209 : vector<16xi32> to vector<16xi32>
      tpu.vector_store %arg10[%swap3A_210], %swap3A_213 {strides = array<i32>} : memref<128xi32, #tpu.memory_space<vmem>>, vector<16xi32>,
      %get3A_214 = arith.index_cast %add3A_197 : i32 to index
      %get3A_215 = arith.constant 32 : index
      %get3A_216 = tpu.vector_load %arg8[%get3A_214, %get3A_215] {strides = array<i32>} : memref<40x128xi32, #tpu.memory_space<vmem>>, vector<1x16xi32>,
      %get3A_217 = vector.shape_cast %get3A_216 : vector<1x16xi32> to vector<16xi32>
      %swap3A_218 = arith.constant 32 : index
      %swap3A_219 = tpu.vector_load %arg10[%swap3A_218] {strides = array<i32>} : memref<128xi32, #tpu.memory_space<vmem>>, vector<16xi32>,
      %swap3A_220 = vector.shape_cast %swap3A_219 : vector<16xi32> to vector<16xi32>
      %swap3A_221 = vector.shape_cast %get3A_217 : vector<16xi32> to vector<16xi32>
      tpu.vector_store %arg10[%swap3A_218], %swap3A_221 {strides = array<i32>} : memref<128xi32, #tpu.memory_space<vmem>>, vector<16xi32>,
      %get3A_222 = arith.index_cast %add3A_197 : i32 to index
      %get3A_223 = arith.constant 48 : index
      %get3A_224 = tpu.vector_load %arg8[%get3A_222, %get3A_223] {strides = array<i32>} : memref<40x128xi32, #tpu.memory_space<vmem>>, vector<1x16xi32>,
      %get3A_225 = vector.shape_cast %get3A_224 : vector<1x16xi32> to vector<16xi32>
      %swap3A_226 = arith.constant 48 : index
      %swap3A_227 = tpu.vector_load %arg10[%swap3A_226] {strides = array<i32>} : memref<128xi32, #tpu.memory_space<vmem>>, vector<16xi32>,
      %swap3A_228 = vector.shape_cast %swap3A_227 : vector<16xi32> to vector<16xi32>
      %swap3A_229 = vector.shape_cast %get3A_225 : vector<16xi32> to vector<16xi32>
      tpu.vector_store %arg10[%swap3A_226], %swap3A_229 {strides = array<i32>} : memref<128xi32, #tpu.memory_space<vmem>>, vector<16xi32>,
      %get3A_230 = arith.index_cast %add3A_197 : i32 to index
      %get3A_231 = arith.constant 64 : index
      %get3A_232 = tpu.vector_load %arg8[%get3A_230, %get3A_231] {strides = array<i32>} : memref<40x128xi32, #tpu.memory_space<vmem>>, vector<1x16xi32>,
      %get3A_233 = vector.shape_cast %get3A_232 : vector<1x16xi32> to vector<16xi32>
      %swap3A_234 = arith.constant 64 : index
      %swap3A_235 = tpu.vector_load %arg10[%swap3A_234] {strides = array<i32>} : memref<128xi32, #tpu.memory_space<vmem>>, vector<16xi32>,
      %swap3A_236 = vector.shape_cast %swap3A_235 : vector<16xi32> to vector<16xi32>
      %swap3A_237 = vector.shape_cast %get3A_233 : vector<16xi32> to vector<16xi32>
      tpu.vector_store %arg10[%swap3A_234], %swap3A_237 {strides = array<i32>} : memref<128xi32, #tpu.memory_space<vmem>>, vector<16xi32>,
      %get3A_238 = arith.index_cast %add3A_197 : i32 to index
      %get3A_239 = arith.constant 80 : index
      %get3A_240 = tpu.vector_load %arg8[%get3A_238, %get3A_239] {strides = array<i32>} : memref<40x128xi32, #tpu.memory_space<vmem>>, vector<1x16xi32>,
      %get3A_241 = vector.shape_cast %get3A_240 : vector<1x16xi32> to vector<16xi32>
      %swap3A_242 = arith.constant 80 : index
      %swap3A_243 = tpu.vector_load %arg10[%swap3A_242] {strides = array<i32>} : memref<128xi32, #tpu.memory_space<vmem>>, vector<16xi32>,
      %swap3A_244 = vector.shape_cast %swap3A_243 : vector<16xi32> to vector<16xi32>
      %swap3A_245 = vector.shape_cast %get3A_241 : vector<16xi32> to vector<16xi32>
      tpu.vector_store %arg10[%swap3A_242], %swap3A_245 {strides = array<i32>} : memref<128xi32, #tpu.memory_space<vmem>>, vector<16xi32>,
      %get3A_246 = arith.index_cast %add3A_197 : i32 to index
      %get3A_247 = arith.constant 96 : index
      %get3A_248 = tpu.vector_load %arg8[%get3A_246, %get3A_247] {strides = array<i32>} : memref<40x128xi32, #tpu.memory_space<vmem>>, vector<1x16xi32>,
      %get3A_249 = vector.shape_cast %get3A_248 : vector<1x16xi32> to vector<16xi32>
      %swap3A_250 = arith.constant 96 : index
      %swap3A_251 = tpu.vector_load %arg10[%swap3A_250] {strides = array<i32>} : memref<128xi32, #tpu.memory_space<vmem>>, vector<16xi32>,
      %swap3A_252 = vector.shape_cast %swap3A_251 : vector<16xi32> to vector<16xi32>
      %swap3A_253 = vector.shape_cast %get3A_249 : vector<16xi32> to vector<16xi32>
      tpu.vector_store %arg10[%swap3A_250], %swap3A_253 {strides = array<i32>} : memref<128xi32, #tpu.memory_space<vmem>>, vector<16xi32>,
      %get3A_254 = arith.index_cast %add3A_197 : i32 to index
      %get3A_255 = arith.constant 112 : index
      %get3A_256 = tpu.vector_load %arg8[%get3A_254, %get3A_255] {strides = array<i32>} : memref<40x128xi32, #tpu.memory_space<vmem>>, vector<1x16xi32>,
      %get3A_257 = vector.shape_cast %get3A_256 : vector<1x16xi32> to vector<16xi32>
      %swap3A_258 = arith.constant 112 : index
      %swap3A_259 = tpu.vector_load %arg10[%swap3A_258] {strides = array<i32>} : memref<128xi32, #tpu.memory_space<vmem>>, vector<16xi32>,
      %swap3A_260 = vector.shape_cast %swap3A_259 : vector<16xi32> to vector<16xi32>
      %swap3A_261 = vector.shape_cast %get3A_257 : vector<16xi32> to vector<16xi32>
      tpu.vector_store %arg10[%swap3A_258], %swap3A_261 {strides = array<i32>} : memref<128xi32, #tpu.memory_space<vmem>>, vector<16xi32>,
      tpu.wait_dma2 semaphore(%arg14 : memref<!tpu.dma_semaphore, #tpu.memory_space<semaphore_mem>>) src(%arg2 : memref<20480x128xf32, #tpu.memory_space<hbm>>) dst(%arg11 : memref<128x128xf32, #tpu.memory_space<vmem>>)
      "tpu.region"() ({
        %run_scoped3A = tpu.sem_alloc : memref<!tpu.dma_semaphore, #tpu.memory_space<semaphore_mem>>
        %dma_start3A_264 = arith.constant 0 : i32
        %dma_start3A_265 = arith.constant 0 : i32
        %dma_start3A_266 = tpu.memref_slice %arg13[%dma_start3A_264, %dma_start3A_265] : memref<10240x128xf32, #tpu.memory_space<vmem_shared>> -> memref<10240x128xf32, #tpu.memory_space<vmem_shared>>
        tpu.enqueue_indirect_dma source(%arg11 : memref<128x128xf32, #tpu.memory_space<vmem>>) target(%dma_start3A_266 : memref<10240x128xf32, #tpu.memory_space<vmem_shared>>) offsets(%arg9 : memref<128xi32, #tpu.memory_space<vmem>>) semaphore(%run_scoped3A : memref<!tpu.dma_semaphore, #tpu.memory_space<semaphore_mem>>) {add = true}
        %dma_wait3A = arith.constant 0 : i32
        %dma_wait3A_267 = arith.constant 0 : i32
        %dma_wait3A_268 = tpu.memref_slice %arg13[%dma_wait3A, %dma_wait3A_267] : memref<10240x128xf32, #tpu.memory_space<vmem_shared>> -> memref<10240x128xf32, #tpu.memory_space<vmem_shared>>
        tpu.wait_indirect_dma semaphore(%run_scoped3A : memref<!tpu.dma_semaphore, #tpu.memory_space<semaphore_mem>>) src(%arg11 : memref<128x128xf32, #tpu.memory_space<vmem>>) dst(%dma_wait3A_268 : memref<10240x128xf32, #tpu.memory_space<vmem_shared>>)
        tpu.yield
      }) : () -> ()
      %lt3A = arith.constant 19 : i32
      %lt3A_262 = arith.cmpi slt, %scan3A_185, %lt3A : i32
      %convert_element_type3A = arith.extui %lt3A_262 : i1 to i32
      %cond3A = arith.constant 0 : i32
      %cond3A_263 = arith.cmpi ne, %convert_element_type3A, %cond3A : i32
      scf.if %cond3A_263 {
        %add3A_264 = arith.constant 2 : i32
        %add3A_265 = arith.addi %mul3A_187, %add3A_264 : i32
        %dma_start3A_266 = arith.constant 0 : i32
        %dma_start3A_267 = tpu.memref_slice %arg7[%add3A_265, %dma_start3A_266] : memref<40x128xi32, #tpu.memory_space<vmem>> -> memref<1x128xi32, #tpu.memory_space<vmem>>
        %dma_start3A_268 = tpu.memref_squeeze %dma_start3A_267 : memref<1x128xi32, #tpu.memory_space<vmem>> -> memref<128xi32, #tpu.memory_space<vmem>>
        %dma_start3A_269 = arith.constant 0 : i32
        %dma_start3A_270 = arith.constant 0 : i32
        %dma_start3A_271 = tpu.memref_slice %arg2[%dma_start3A_269, %dma_start3A_270] : memref<20480x128xf32, #tpu.memory_space<hbm>> -> memref<20480x128xf32, #tpu.memory_space<hbm>>
        tpu.enqueue_indirect_dma source(%dma_start3A_271 : memref<20480x128xf32, #tpu.memory_space<hbm>>) target(%arg11 : memref<128x128xf32, #tpu.memory_space<vmem>>) offsets(%dma_start3A_268 : memref<128xi32, #tpu.memory_space<vmem>>) semaphore(%arg14 : memref<!tpu.dma_semaphore, #tpu.memory_space<semaphore_mem>>)
        %add3A_272 = arith.constant 2 : i32
        %add3A_273 = arith.addi %mul3A_187, %add3A_272 : i32
        %get3A_274 = arith.index_cast %add3A_273 : i32 to index
        %get3A_275 = arith.constant 0 : index
        %get3A_276 = tpu.vector_load %arg8[%get3A_274, %get3A_275] {strides = array<i32>} : memref<40x128xi32, #tpu.memory_space<vmem>>, vector<1x16xi32>,
        %get3A_277 = vector.shape_cast %get3A_276 : vector<1x16xi32> to vector<16xi32>
        %swap3A_278 = arith.constant 0 : index
        %swap3A_279 = tpu.vector_load %arg9[%swap3A_278] {strides = array<i32>} : memref<128xi32, #tpu.memory_space<vmem>>, vector<16xi32>,
        %swap3A_280 = vector.shape_cast %swap3A_279 : vector<16xi32> to vector<16xi32>
        %swap3A_281 = vector.shape_cast %get3A_277 : vector<16xi32> to vector<16xi32>
        tpu.vector_store %arg9[%swap3A_278], %swap3A_281 {strides = array<i32>} : memref<128xi32, #tpu.memory_space<vmem>>, vector<16xi32>,
        %get3A_282 = arith.index_cast %add3A_273 : i32 to index
        %get3A_283 = arith.constant 16 : index
        %get3A_284 = tpu.vector_load %arg8[%get3A_282, %get3A_283] {strides = array<i32>} : memref<40x128xi32, #tpu.memory_space<vmem>>, vector<1x16xi32>,
        %get3A_285 = vector.shape_cast %get3A_284 : vector<1x16xi32> to vector<16xi32>
        %swap3A_286 = arith.constant 16 : index
        %swap3A_287 = tpu.vector_load %arg9[%swap3A_286] {strides = array<i32>} : memref<128xi32, #tpu.memory_space<vmem>>, vector<16xi32>,
        %swap3A_288 = vector.shape_cast %swap3A_287 : vector<16xi32> to vector<16xi32>
        %swap3A_289 = vector.shape_cast %get3A_285 : vector<16xi32> to vector<16xi32>
        tpu.vector_store %arg9[%swap3A_286], %swap3A_289 {strides = array<i32>} : memref<128xi32, #tpu.memory_space<vmem>>, vector<16xi32>,
        %get3A_290 = arith.index_cast %add3A_273 : i32 to index
        %get3A_291 = arith.constant 32 : index
        %get3A_292 = tpu.vector_load %arg8[%get3A_290, %get3A_291] {strides = array<i32>} : memref<40x128xi32, #tpu.memory_space<vmem>>, vector<1x16xi32>,
        %get3A_293 = vector.shape_cast %get3A_292 : vector<1x16xi32> to vector<16xi32>
        %swap3A_294 = arith.constant 32 : index
        %swap3A_295 = tpu.vector_load %arg9[%swap3A_294] {strides = array<i32>} : memref<128xi32, #tpu.memory_space<vmem>>, vector<16xi32>,
        %swap3A_296 = vector.shape_cast %swap3A_295 : vector<16xi32> to vector<16xi32>
        %swap3A_297 = vector.shape_cast %get3A_293 : vector<16xi32> to vector<16xi32>
        tpu.vector_store %arg9[%swap3A_294], %swap3A_297 {strides = array<i32>} : memref<128xi32, #tpu.memory_space<vmem>>, vector<16xi32>,
        %get3A_298 = arith.index_cast %add3A_273 : i32 to index
        %get3A_299 = arith.constant 48 : index
        %get3A_300 = tpu.vector_load %arg8[%get3A_298, %get3A_299] {strides = array<i32>} : memref<40x128xi32, #tpu.memory_space<vmem>>, vector<1x16xi32>,
        %get3A_301 = vector.shape_cast %get3A_300 : vector<1x16xi32> to vector<16xi32>
        %swap3A_302 = arith.constant 48 : index
        %swap3A_303 = tpu.vector_load %arg9[%swap3A_302] {strides = array<i32>} : memref<128xi32, #tpu.memory_space<vmem>>, vector<16xi32>,
        %swap3A_304 = vector.shape_cast %swap3A_303 : vector<16xi32> to vector<16xi32>
        %swap3A_305 = vector.shape_cast %get3A_301 : vector<16xi32> to vector<16xi32>
        tpu.vector_store %arg9[%swap3A_302], %swap3A_305 {strides = array<i32>} : memref<128xi32, #tpu.memory_space<vmem>>, vector<16xi32>,
        %get3A_306 = arith.index_cast %add3A_273 : i32 to index
        %get3A_307 = arith.constant 64 : index
        %get3A_308 = tpu.vector_load %arg8[%get3A_306, %get3A_307] {strides = array<i32>} : memref<40x128xi32, #tpu.memory_space<vmem>>, vector<1x16xi32>,
        %get3A_309 = vector.shape_cast %get3A_308 : vector<1x16xi32> to vector<16xi32>
        %swap3A_310 = arith.constant 64 : index
        %swap3A_311 = tpu.vector_load %arg9[%swap3A_310] {strides = array<i32>} : memref<128xi32, #tpu.memory_space<vmem>>, vector<16xi32>,
        %swap3A_312 = vector.shape_cast %swap3A_311 : vector<16xi32> to vector<16xi32>
        %swap3A_313 = vector.shape_cast %get3A_309 : vector<16xi32> to vector<16xi32>
        tpu.vector_store %arg9[%swap3A_310], %swap3A_313 {strides = array<i32>} : memref<128xi32, #tpu.memory_space<vmem>>, vector<16xi32>,
        %get3A_314 = arith.index_cast %add3A_273 : i32 to index
        %get3A_315 = arith.constant 80 : index
        %get3A_316 = tpu.vector_load %arg8[%get3A_314, %get3A_315] {strides = array<i32>} : memref<40x128xi32, #tpu.memory_space<vmem>>, vector<1x16xi32>,
        %get3A_317 = vector.shape_cast %get3A_316 : vector<1x16xi32> to vector<16xi32>
        %swap3A_318 = arith.constant 80 : index
        %swap3A_319 = tpu.vector_load %arg9[%swap3A_318] {strides = array<i32>} : memref<128xi32, #tpu.memory_space<vmem>>, vector<16xi32>,
        %swap3A_320 = vector.shape_cast %swap3A_319 : vector<16xi32> to vector<16xi32>
        %swap3A_321 = vector.shape_cast %get3A_317 : vector<16xi32> to vector<16xi32>
        tpu.vector_store %arg9[%swap3A_318], %swap3A_321 {strides = array<i32>} : memref<128xi32, #tpu.memory_space<vmem>>, vector<16xi32>,
        %get3A_322 = arith.index_cast %add3A_273 : i32 to index
        %get3A_323 = arith.constant 96 : index
        %get3A_324 = tpu.vector_load %arg8[%get3A_322, %get3A_323] {strides = array<i32>} : memref<40x128xi32, #tpu.memory_space<vmem>>, vector<1x16xi32>,
        %get3A_325 = vector.shape_cast %get3A_324 : vector<1x16xi32> to vector<16xi32>
        %swap3A_326 = arith.constant 96 : index
        %swap3A_327 = tpu.vector_load %arg9[%swap3A_326] {strides = array<i32>} : memref<128xi32, #tpu.memory_space<vmem>>, vector<16xi32>,
        %swap3A_328 = vector.shape_cast %swap3A_327 : vector<16xi32> to vector<16xi32>
        %swap3A_329 = vector.shape_cast %get3A_325 : vector<16xi32> to vector<16xi32>
        tpu.vector_store %arg9[%swap3A_326], %swap3A_329 {strides = array<i32>} : memref<128xi32, #tpu.memory_space<vmem>>, vector<16xi32>,
        %get3A_330 = arith.index_cast %add3A_273 : i32 to index
        %get3A_331 = arith.constant 112 : index
        %get3A_332 = tpu.vector_load %arg8[%get3A_330, %get3A_331] {strides = array<i32>} : memref<40x128xi32, #tpu.memory_space<vmem>>, vector<1x16xi32>,
        %get3A_333 = vector.shape_cast %get3A_332 : vector<1x16xi32> to vector<16xi32>
        %swap3A_334 = arith.constant 112 : index
        %swap3A_335 = tpu.vector_load %arg9[%swap3A_334] {strides = array<i32>} : memref<128xi32, #tpu.memory_space<vmem>>, vector<16xi32>,
        %swap3A_336 = vector.shape_cast %swap3A_335 : vector<16xi32> to vector<16xi32>
        %swap3A_337 = vector.shape_cast %get3A_333 : vector<16xi32> to vector<16xi32>
        tpu.vector_store %arg9[%swap3A_334], %swap3A_337 {strides = array<i32>} : memref<128xi32, #tpu.memory_space<vmem>>, vector<16xi32>,
      } else {
      }
      tpu.wait_dma2 semaphore(%arg15 : memref<!tpu.dma_semaphore, #tpu.memory_space<semaphore_mem>>) src(%arg2 : memref<20480x128xf32, #tpu.memory_space<hbm>>) dst(%arg12 : memref<128x128xf32, #tpu.memory_space<vmem>>)
      "tpu.region"() ({
        %run_scoped3A = tpu.sem_alloc : memref<!tpu.dma_semaphore, #tpu.memory_space<semaphore_mem>>
        %dma_start3A_264 = arith.constant 0 : i32
        %dma_start3A_265 = arith.constant 0 : i32
        %dma_start3A_266 = tpu.memref_slice %arg13[%dma_start3A_264, %dma_start3A_265] : memref<10240x128xf32, #tpu.memory_space<vmem_shared>> -> memref<10240x128xf32, #tpu.memory_space<vmem_shared>>
        tpu.enqueue_indirect_dma source(%arg12 : memref<128x128xf32, #tpu.memory_space<vmem>>) target(%dma_start3A_266 : memref<10240x128xf32, #tpu.memory_space<vmem_shared>>) offsets(%arg10 : memref<128xi32, #tpu.memory_space<vmem>>) semaphore(%run_scoped3A : memref<!tpu.dma_semaphore, #tpu.memory_space<semaphore_mem>>) {add = true}
        %dma_wait3A = arith.constant 0 : i32
        %dma_wait3A_267 = arith.constant 0 : i32
        %dma_wait3A_268 = tpu.memref_slice %arg13[%dma_wait3A, %dma_wait3A_267] : memref<10240x128xf32, #tpu.memory_space<vmem_shared>> -> memref<10240x128xf32, #tpu.memory_space<vmem_shared>>
        tpu.wait_indirect_dma semaphore(%run_scoped3A : memref<!tpu.dma_semaphore, #tpu.memory_space<semaphore_mem>>) src(%arg12 : memref<128x128xf32, #tpu.memory_space<vmem>>) dst(%dma_wait3A_268 : memref<10240x128xf32, #tpu.memory_space<vmem_shared>>)
        tpu.yield
      }) : () -> ()
    }
    %scan3A_176 = arith.constant 20 : i32
    %barrier3A_177 = arith.constant 0 : index
    tpu.barrier barrier_id(%barrier3A_177)
    %mul3A_178 = arith.constant 640 : i32
    %mul3A_179 = arith.muli %arg1, %mul3A_178 : i32
    %mul3A_180 = arith.constant 10240 : i32
    %mul3A_181 = arith.muli %arg0, %mul3A_180 : i32
    %mul3A_182 = arith.constant 640 : i32
    %mul3A_183 = arith.muli %arg1, %mul3A_182 : i32
    %add3A_184 = arith.addi %mul3A_181, %mul3A_183 : i32
    "tpu.region"() ({
      %run_scoped3A = tpu.sem_alloc : memref<!tpu.dma_semaphore, #tpu.memory_space<semaphore_mem>>
      %dma_start3A_185 = arith.constant 0 : i32
      %dma_start3A_186 = tpu.memref_slice %arg6[%add3A_184, %dma_start3A_185] : memref<20480x128xf32, #tpu.memory_space<hbm>> -> memref<640x128xf32, #tpu.memory_space<hbm>>
      %dma_start3A_187 = arith.constant 0 : i32
      %dma_start3A_188 = tpu.memref_slice %arg13[%mul3A_179, %dma_start3A_187] : memref<10240x128xf32, #tpu.memory_space<vmem_shared>> -> memref<640x128xf32, #tpu.memory_space<vmem_shared>>
      tpu.enqueue_dma source(%dma_start3A_188 : memref<640x128xf32, #tpu.memory_space<vmem_shared>>) target(%dma_start3A_186 : memref<640x128xf32, #tpu.memory_space<hbm>>) target_semaphore(%run_scoped3A : memref<!tpu.dma_semaphore, #tpu.memory_space<semaphore_mem>>)
      %dma_wait3A = arith.constant 0 : i32
      %dma_wait3A_189 = tpu.memref_slice %arg6[%add3A_184, %dma_wait3A] : memref<20480x128xf32, #tpu.memory_space<hbm>> -> memref<640x128xf32, #tpu.memory_space<hbm>>
      %dma_wait3A_190 = arith.constant 0 : i32
      %dma_wait3A_191 = tpu.memref_slice %arg13[%mul3A_179, %dma_wait3A_190] : memref<10240x128xf32, #tpu.memory_space<vmem_shared>> -> memref<640x128xf32, #tpu.memory_space<vmem_shared>>
      tpu.wait_dma2 semaphore(%run_scoped3A : memref<!tpu.dma_semaphore, #tpu.memory_space<semaphore_mem>>) src(%dma_wait3A_191 : memref<640x128xf32, #tpu.memory_space<vmem_shared>>) dst(%dma_wait3A_189 : memref<640x128xf32, #tpu.memory_space<hbm>>)
      tpu.yield
    }) : () -> ()
    return
  }
}

module attributes {stable_mosaic.version = 14 : i64} {
  func.func @_prep_body(%arg0: memref<10240x128xf32, #tpu.memory_space<vmem>>, %arg1: memref<10240x4xf32, #tpu.memory_space<vmem>>, %arg2: memref<20480x128xf32, #tpu.memory_space<vmem>>, %arg3: memref<10240x4xf32, #tpu.memory_space<vmem>>) attributes {dimension_semantics = [], scalar_prefetch = 0 : i64, scratch_operands = 0 : i64, tpu.core_type = #tpu.core_type<tc>} {
    %iota3A = tpu.iota {dimensions = array<i32: 0>} : vector<10240x1xi32>
    %get3A = arith.constant 0 : index
    %get3A_0 = arith.constant 0 : index
    %get3A_1 = vector.load %arg1[%get3A, %get3A_0] : memref<10240x4xf32, #tpu.memory_space<vmem>>, vector<10240x4xf32>
    %gt3A = arith.constant 0.000000e+00 : f32
    %gt3A_2 = vector.broadcast %gt3A : f32 to vector<10240x4xf32>
    %gt3A_3 = arith.cmpf ogt, %get3A_1, %gt3A_2 : vector<10240x4xf32>
    %lt3A = arith.constant 10000 : i32
    %lt3A_4 = vector.broadcast %lt3A : i32 to vector<10240x1xi32>
    %lt3A_5 = arith.cmpi slt, %iota3A, %lt3A_4 : vector<10240x1xi32>
    %and3A = vector.broadcast %lt3A_5 : vector<10240x1xi1> to vector<10240x4xi1>
    %and3A_6 = arith.andi %gt3A_3, %and3A : vector<10240x4xi1>
    %max3A = arith.constant 1.000000e+00 : f32
    %max3A_7 = vector.broadcast %max3A : f32 to vector<10240x4xf32>
    %max3A_8 = arith.maximumf %get3A_1, %max3A_7 : vector<10240x4xf32>
    %rsqrt3A = math.rsqrt %max3A_8 : vector<10240x4xf32>
    %jit3A = arith.constant 0.000000e+00 : f32
    %broadcast_in_dim3A = vector.broadcast %jit3A : f32 to vector<10240x4xf32>
    %select_n3A = arith.select %and3A_6, %rsqrt3A, %broadcast_in_dim3A : vector<10240x4xi1>, vector<10240x4xf32>
    %swap3A = arith.constant 0 : index
    %swap3A_9 = arith.constant 0 : index
    %swap3A_10 = vector.load %arg3[%swap3A, %swap3A_9] : memref<10240x4xf32, #tpu.memory_space<vmem>>, vector<10240x4xf32>
    tpu.vector_store %arg3[%swap3A, %swap3A_9], %select_n3A {strides = array<i32>} : memref<10240x4xf32, #tpu.memory_space<vmem>>, vector<10240x4xf32>,
    %get3A_11 = arith.constant 0 : index
    %get3A_12 = arith.constant 0 : index
    %get3A_13 = vector.load %arg0[%get3A_11, %get3A_12] : memref<10240x128xf32, #tpu.memory_space<vmem>>, vector<10240x128xf32>
    %slice3A = vector.extract_strided_slice %select_n3A {offsets = [0, 0], sizes = [10240, 1], strides = [1, 1]} : vector<10240x4xf32> to vector<10240x1xf32>
    %mul3A = vector.broadcast %slice3A : vector<10240x1xf32> to vector<10240x128xf32>
    %mul3A_14 = arith.mulf %get3A_13, %mul3A : vector<10240x128xf32>
    %swap3A_15 = arith.constant 0 : index
    %swap3A_16 = arith.constant 0 : index
    %swap3A_17 = vector.load %arg2[%swap3A_15, %swap3A_16] : memref<20480x128xf32, #tpu.memory_space<vmem>>, vector<10240x128xf32>
    tpu.vector_store %arg2[%swap3A_15, %swap3A_16], %mul3A_14 {strides = array<i32>} : memref<20480x128xf32, #tpu.memory_space<vmem>>, vector<10240x128xf32>,
    %slice3A_18 = vector.extract_strided_slice %select_n3A {offsets = [0, 2], sizes = [10240, 1], strides = [1, 1]} : vector<10240x4xf32> to vector<10240x1xf32>
    %mul3A_19 = vector.broadcast %slice3A_18 : vector<10240x1xf32> to vector<10240x128xf32>
    %mul3A_20 = arith.mulf %get3A_13, %mul3A_19 : vector<10240x128xf32>
    %swap3A_21 = arith.constant 10240 : index
    %swap3A_22 = arith.constant 0 : index
    %swap3A_23 = vector.load %arg2[%swap3A_21, %swap3A_22] : memref<20480x128xf32, #tpu.memory_space<vmem>>, vector<10240x128xf32>
    tpu.vector_store %arg2[%swap3A_21, %swap3A_22], %mul3A_20 {strides = array<i32>} : memref<20480x128xf32, #tpu.memory_space<vmem>>, vector<10240x128xf32>,
    return
  }
}

module attributes {stable_mosaic.version = 14 : i64} {
  func.func @_dense_mid_body(%arg0: memref<20480x128xf32, #tpu.memory_space<vmem>>, %arg1: memref<10240x4xf32, #tpu.memory_space<vmem>>, %arg2: memref<2x128x128xf32, #tpu.memory_space<vmem>>, %arg3: memref<2x128xf32, #tpu.memory_space<vmem>>, %arg4: memref<20480x128xf32, #tpu.memory_space<vmem>>) attributes {dimension_semantics = [], scalar_prefetch = 0 : i64, scratch_operands = 0 : i64, tpu.core_type = #tpu.core_type<tc>} {
    %get3A = arith.constant 0 : index
    %get3A_0 = arith.constant 0 : index
    %get3A_1 = vector.load %arg0[%get3A, %get3A_0] : memref<20480x128xf32, #tpu.memory_space<vmem>>, vector<10000x128xf32>
    %get3A_2 = arith.constant 0 : index
    %get3A_3 = arith.constant 1 : index
    %get3A_4 = vector.load %arg1[%get3A_2, %get3A_3] : memref<10240x4xf32, #tpu.memory_space<vmem>>, vector<10000x1xf32>
    %mul3A = vector.broadcast %get3A_4 : vector<10000x1xf32> to vector<10000x128xf32>
    %mul3A_5 = arith.mulf %get3A_1, %mul3A : vector<10000x128xf32>
    %get3A_6 = arith.constant 10240 : index
    %get3A_7 = arith.constant 0 : index
    %get3A_8 = vector.load %arg0[%get3A_6, %get3A_7] : memref<20480x128xf32, #tpu.memory_space<vmem>>, vector<10000x128xf32>
    %get3A_9 = arith.constant 0 : index
    %get3A_10 = arith.constant 3 : index
    %get3A_11 = vector.load %arg1[%get3A_9, %get3A_10] : memref<10240x4xf32, #tpu.memory_space<vmem>>, vector<10000x1xf32>
    %mul3A_12 = vector.broadcast %get3A_11 : vector<10000x1xf32> to vector<10000x128xf32>
    %mul3A_13 = arith.mulf %get3A_8, %mul3A_12 : vector<10000x128xf32>
    %get3A_14 = arith.constant 0 : index
    %get3A_15 = arith.constant 0 : index
    %get3A_16 = arith.constant 0 : index
    %get3A_17 = vector.load %arg2[%get3A_14, %get3A_15, %get3A_16] : memref<2x128x128xf32, #tpu.memory_space<vmem>>, vector<1x128x128xf32>
    %get3A_18 = vector.shape_cast %get3A_17 : vector<1x128x128xf32> to vector<128x128xf32>
    %dot_general3A = arith.constant dense<0.000000e+00> : vector<10000x128xf32>
    %dot_general3A_19 = tpu.matmul %mul3A_5, %get3A_18, %dot_general3A {dimension_numbers = #tpu.dot_dimension_numbers<[1], [0], [0], [1], [0, 0, 1, 1], [], []>, transpose_lhs_hint = false} : vector<10000x128xf32>, vector<128x128xf32>, vector<10000x128xf32> -> vector<10000x128xf32>
    %get3A_20 = arith.constant 1 : index
    %get3A_21 = arith.constant 0 : index
    %get3A_22 = arith.constant 0 : index
    %get3A_23 = vector.load %arg2[%get3A_20, %get3A_21, %get3A_22] : memref<2x128x128xf32, #tpu.memory_space<vmem>>, vector<1x128x128xf32>
    %get3A_24 = vector.shape_cast %get3A_23 : vector<1x128x128xf32> to vector<128x128xf32>
    %dot_general3A_25 = arith.constant dense<0.000000e+00> : vector<10000x128xf32>
    %dot_general3A_26 = tpu.matmul %mul3A_13, %get3A_24, %dot_general3A_25 {dimension_numbers = #tpu.dot_dimension_numbers<[1], [0], [0], [1], [0, 0, 1, 1], [], []>, transpose_lhs_hint = false} : vector<10000x128xf32>, vector<128x128xf32>, vector<10000x128xf32> -> vector<10000x128xf32>
    %add3A = arith.addf %dot_general3A_19, %dot_general3A_26 : vector<10000x128xf32>
    %get3A_27 = arith.constant 0 : index
    %get3A_28 = arith.constant 0 : index
    %get3A_29 = vector.load %arg3[%get3A_27, %get3A_28] : memref<2x128xf32, #tpu.memory_space<vmem>>, vector<1x128xf32>
    %add3A_30 = vector.broadcast %get3A_29 : vector<1x128xf32> to vector<10000x128xf32>
    %add3A_31 = arith.addf %add3A, %add3A_30 : vector<10000x128xf32>
    %get3A_32 = arith.constant 1 : index
    %get3A_33 = arith.constant 0 : index
    %get3A_34 = vector.load %arg3[%get3A_32, %get3A_33] : memref<2x128xf32, #tpu.memory_space<vmem>>, vector<1x128xf32>
    %add3A_35 = vector.broadcast %get3A_34 : vector<1x128xf32> to vector<10000x128xf32>
    %add3A_36 = arith.addf %add3A_31, %add3A_35 : vector<10000x128xf32>
    %gt3A = arith.constant 0.000000e+00 : f32
    %gt3A_37 = vector.broadcast %gt3A : f32 to vector<10000x128xf32>
    %gt3A_38 = arith.cmpf ogt, %add3A_36, %gt3A_37 : vector<10000x128xf32>
    %mul3A_39 = arith.constant 2.500000e-01 : f32
    %mul3A_40 = vector.broadcast %mul3A_39 : f32 to vector<10000x128xf32>
    %mul3A_41 = arith.mulf %mul3A_40, %add3A_36 : vector<10000x128xf32>
    %select_n3A = arith.select %gt3A_38, %add3A_36, %mul3A_41 : vector<10000x128xi1>, vector<10000x128xf32>
    %get3A_42 = arith.constant 0 : index
    %get3A_43 = arith.constant 0 : index
    %get3A_44 = vector.load %arg1[%get3A_42, %get3A_43] : memref<10240x4xf32, #tpu.memory_space<vmem>>, vector<10000x1xf32>
    %mul3A_45 = vector.broadcast %get3A_44 : vector<10000x1xf32> to vector<10000x128xf32>
    %mul3A_46 = arith.mulf %select_n3A, %mul3A_45 : vector<10000x128xf32>
    %swap3A = arith.constant 0 : index
    %swap3A_47 = arith.constant 0 : index
    %swap3A_48 = vector.load %arg4[%swap3A, %swap3A_47] : memref<20480x128xf32, #tpu.memory_space<vmem>>, vector<10000x128xf32>
    tpu.vector_store %arg4[%swap3A, %swap3A_47], %mul3A_46 {strides = array<i32>} : memref<20480x128xf32, #tpu.memory_space<vmem>>, vector<10000x128xf32>,
    %broadcast_in_dim3A = arith.constant 0.000000e+00 : f32
    %broadcast_in_dim3A_49 = vector.broadcast %broadcast_in_dim3A : f32 to vector<240x128xf32>
    %swap3A_50 = arith.constant 10000 : index
    %swap3A_51 = arith.constant 0 : index
    %swap3A_52 = vector.load %arg4[%swap3A_50, %swap3A_51] : memref<20480x128xf32, #tpu.memory_space<vmem>>, vector<240x128xf32>
    tpu.vector_store %arg4[%swap3A_50, %swap3A_51], %broadcast_in_dim3A_49 {strides = array<i32>} : memref<20480x128xf32, #tpu.memory_space<vmem>>, vector<240x128xf32>,
    %get3A_53 = arith.constant 0 : index
    %get3A_54 = arith.constant 2 : index
    %get3A_55 = vector.load %arg1[%get3A_53, %get3A_54] : memref<10240x4xf32, #tpu.memory_space<vmem>>, vector<10000x1xf32>
    %mul3A_56 = vector.broadcast %get3A_55 : vector<10000x1xf32> to vector<10000x128xf32>
    %mul3A_57 = arith.mulf %select_n3A, %mul3A_56 : vector<10000x128xf32>
    %swap3A_58 = arith.constant 10240 : index
    %swap3A_59 = arith.constant 0 : index
    %swap3A_60 = vector.load %arg4[%swap3A_58, %swap3A_59] : memref<20480x128xf32, #tpu.memory_space<vmem>>, vector<10000x128xf32>
    tpu.vector_store %arg4[%swap3A_58, %swap3A_59], %mul3A_57 {strides = array<i32>} : memref<20480x128xf32, #tpu.memory_space<vmem>>, vector<10000x128xf32>,
    %broadcast_in_dim3A_61 = arith.constant 0.000000e+00 : f32
    %broadcast_in_dim3A_62 = vector.broadcast %broadcast_in_dim3A_61 : f32 to vector<240x128xf32>
    %swap3A_63 = arith.constant 20240 : index
    %swap3A_64 = arith.constant 0 : index
    %swap3A_65 = vector.load %arg4[%swap3A_63, %swap3A_64] : memref<20480x128xf32, #tpu.memory_space<vmem>>, vector<240x128xf32>
    tpu.vector_store %arg4[%swap3A_63, %swap3A_64], %broadcast_in_dim3A_62 {strides = array<i32>} : memref<20480x128xf32, #tpu.memory_space<vmem>>, vector<240x128xf32>,
    return
  }
}

module attributes {stable_mosaic.version = 14 : i64} {
  func.func @_dense_last_body(%arg0: memref<20480x128xf32, #tpu.memory_space<vmem>>, %arg1: memref<10240x4xf32, #tpu.memory_space<vmem>>, %arg2: memref<2x128x128xf32, #tpu.memory_space<vmem>>, %arg3: memref<2x128xf32, #tpu.memory_space<vmem>>, %arg4: memref<10000x128xf32, #tpu.memory_space<vmem>>) attributes {dimension_semantics = [], scalar_prefetch = 0 : i64, scratch_operands = 0 : i64, tpu.core_type = #tpu.core_type<tc>} {
    %get3A = arith.constant 0 : index
    %get3A_0 = arith.constant 0 : index
    %get3A_1 = vector.load %arg0[%get3A, %get3A_0] : memref<20480x128xf32, #tpu.memory_space<vmem>>, vector<10000x128xf32>
    %get3A_2 = arith.constant 0 : index
    %get3A_3 = arith.constant 1 : index
    %get3A_4 = vector.load %arg1[%get3A_2, %get3A_3] : memref<10240x4xf32, #tpu.memory_space<vmem>>, vector<10000x1xf32>
    %mul3A = vector.broadcast %get3A_4 : vector<10000x1xf32> to vector<10000x128xf32>
    %mul3A_5 = arith.mulf %get3A_1, %mul3A : vector<10000x128xf32>
    %get3A_6 = arith.constant 10240 : index
    %get3A_7 = arith.constant 0 : index
    %get3A_8 = vector.load %arg0[%get3A_6, %get3A_7] : memref<20480x128xf32, #tpu.memory_space<vmem>>, vector<10000x128xf32>
    %get3A_9 = arith.constant 0 : index
    %get3A_10 = arith.constant 3 : index
    %get3A_11 = vector.load %arg1[%get3A_9, %get3A_10] : memref<10240x4xf32, #tpu.memory_space<vmem>>, vector<10000x1xf32>
    %mul3A_12 = vector.broadcast %get3A_11 : vector<10000x1xf32> to vector<10000x128xf32>
    %mul3A_13 = arith.mulf %get3A_8, %mul3A_12 : vector<10000x128xf32>
    %get3A_14 = arith.constant 0 : index
    %get3A_15 = arith.constant 0 : index
    %get3A_16 = arith.constant 0 : index
    %get3A_17 = vector.load %arg2[%get3A_14, %get3A_15, %get3A_16] : memref<2x128x128xf32, #tpu.memory_space<vmem>>, vector<1x128x128xf32>
    %get3A_18 = vector.shape_cast %get3A_17 : vector<1x128x128xf32> to vector<128x128xf32>
    %dot_general3A = arith.constant dense<0.000000e+00> : vector<10000x128xf32>
    %dot_general3A_19 = tpu.matmul %mul3A_5, %get3A_18, %dot_general3A {dimension_numbers = #tpu.dot_dimension_numbers<[1], [0], [0], [1], [0, 0, 1, 1], [], []>, transpose_lhs_hint = false} : vector<10000x128xf32>, vector<128x128xf32>, vector<10000x128xf32> -> vector<10000x128xf32>
    %get3A_20 = arith.constant 1 : index
    %get3A_21 = arith.constant 0 : index
    %get3A_22 = arith.constant 0 : index
    %get3A_23 = vector.load %arg2[%get3A_20, %get3A_21, %get3A_22] : memref<2x128x128xf32, #tpu.memory_space<vmem>>, vector<1x128x128xf32>
    %get3A_24 = vector.shape_cast %get3A_23 : vector<1x128x128xf32> to vector<128x128xf32>
    %dot_general3A_25 = arith.constant dense<0.000000e+00> : vector<10000x128xf32>
    %dot_general3A_26 = tpu.matmul %mul3A_13, %get3A_24, %dot_general3A_25 {dimension_numbers = #tpu.dot_dimension_numbers<[1], [0], [0], [1], [0, 0, 1, 1], [], []>, transpose_lhs_hint = false} : vector<10000x128xf32>, vector<128x128xf32>, vector<10000x128xf32> -> vector<10000x128xf32>
    %add3A = arith.addf %dot_general3A_19, %dot_general3A_26 : vector<10000x128xf32>
    %get3A_27 = arith.constant 0 : index
    %get3A_28 = arith.constant 0 : index
    %get3A_29 = vector.load %arg3[%get3A_27, %get3A_28] : memref<2x128xf32, #tpu.memory_space<vmem>>, vector<1x128xf32>
    %add3A_30 = vector.broadcast %get3A_29 : vector<1x128xf32> to vector<10000x128xf32>
    %add3A_31 = arith.addf %add3A, %add3A_30 : vector<10000x128xf32>
    %get3A_32 = arith.constant 1 : index
    %get3A_33 = arith.constant 0 : index
    %get3A_34 = vector.load %arg3[%get3A_32, %get3A_33] : memref<2x128xf32, #tpu.memory_space<vmem>>, vector<1x128xf32>
    %add3A_35 = vector.broadcast %get3A_34 : vector<1x128xf32> to vector<10000x128xf32>
    %add3A_36 = arith.addf %add3A_31, %add3A_35 : vector<10000x128xf32>
    %gt3A = arith.constant 0.000000e+00 : f32
    %gt3A_37 = vector.broadcast %gt3A : f32 to vector<10000x128xf32>
    %gt3A_38 = arith.cmpf ogt, %add3A_36, %gt3A_37 : vector<10000x128xf32>
    %mul3A_39 = arith.constant 2.500000e-01 : f32
    %mul3A_40 = vector.broadcast %mul3A_39 : f32 to vector<10000x128xf32>
    %mul3A_41 = arith.mulf %mul3A_40, %add3A_36 : vector<10000x128xf32>
    %select_n3A = arith.select %gt3A_38, %add3A_36, %mul3A_41 : vector<10000x128xi1>, vector<10000x128xf32>
    %swap3A = arith.constant 0 : index
    %swap3A_42 = arith.constant 0 : index
    %swap3A_43 = vector.load %arg4[%swap3A, %swap3A_42] : memref<10000x128xf32, #tpu.memory_space<vmem>>, vector<10000x128xf32>
    tpu.vector_store %arg4[%swap3A, %swap3A_42], %select_n3A {strides = array<i32>} : memref<10000x128xf32, #tpu.memory_space<vmem>>, vector<10000x128xf32>,
    return
  }
}

</mosaic_0001>

<sc_bundles>
// kernel: kernel.10.cloned.1.call-start
scs
__scs_entry_jumppad:
0x0: {  	(pc) =	sbr.rel $0x88, $3  }
0x1: {  	(tag) =	ssettag $0x0;
	lr =	simm.s32 $0x1  }
0x2: {  	[smem:$0x3F98] =	sst lr;
	_ =	strace $0xD0000000  }
0x3: {  	_ = 	snop  }
0x4: {  	_ = 	snop  }
0x5: {  	_ = 	snop  }
0x6: {  	_ = 	snop  }
0x7: {  	_ = 	snop  }
__scs_overlays_trampoline_lowered:
0x8: {  	[smem:$0x3FA7] =	sst s0  }
0x9: {  	[smem:$0x3FA8] =	sst s1  }
0xa: {  	[smem:$0x3FA9] =	sst s2  }
0xb: {  	[smem:$0x3FAA] =	sst s3  }
0xc: {  	[smem:$0x3FAB] =	sst s4  }
0xd: {  	[smem:$0x3FAC] =	sst s5  }
0xe: {  	[smem:$0x3FAD] =	sst s6  }
0xf: {  	[smem:$0x3FAE] =	sst s7  }
0x10: {  	[smem:$0x3FAF] =	sst s8  }
0x11: {  	[smem:$0x3FB0] =	sst s9;
	s0 =	simm.s32 @!p0 $0x0  }
0x12: {  	s1 =	sld [smem:$0x3F96];
	s0 =	simm.s32 @p0 $0x1  }
0x13: {  	[smem:$0x3FB1] =	sst s0;
	s0 =	simm.s32 @!p1 $0x0  }
0x14: {  	s2 =	sld [smem:$0x3F95];
	s0 =	simm.s32 @p1 $0x1  }
0x15: {  	[smem:$0x3FB2] =	sst s0;
	s0 =	simm.s32 @!p2 $0x0  }
0x16: {  	s3 =	sld [smem:$0x3FDB];
	s0 =	simm.s32 @p2 $0x1  }
0x17: {  	s4 =	simm.s32 $0x1BF5;
	[smem:$0x3FB4] =	sst s0  }
0x18: {  	s0 =	sld [smem:$0x3F97];
	_ =	swait.ge [sflag:s4], $0x0  }
0x19: {  	s7 =	sld [smem:$0x3F98]  }
0x1a: {  	s8 =	sadd.s32 $0xFFFFE003, lr  }
0x1b: {  	s9 =	sadd.s32 $0xFFFFFEF7, lr;
	s5 =	simm.s32 $0xFFFFFFFF;
	p2 =	slt.u32 s8, $0xFFFFF086  }
0x1c: {  	p1 =	slt.u32 s9, $0xF7A;
	s5 =	simm.s32 @!p2 $0x0  }
0x1d: {  	s5 =	simm.s32 @p1 $0x1;
	p0 =	seq.s32 s7, s2  }
0x1e: {  	s7 =	smul.u32 @!p0 $0xF7A, s2;
	p2 =	seq.s32 @!p0 s5, $0x0  }
0x1f: {  	s9 =	smul.u32 $0xF7A, s1;
	s8 =	simm.s32 @!p0 $0x1BF5;
	p2 =	por !p2, p0  }
0x20: {  	[sflag:s8] =	ssyncset.s32 @!p0 $0xFFFFF086;
	s6 =	sadd.s32 @!p0 s3, s7;
	s7 =	simm.s32 @!p0 $0x108  }
0x21: {  	s3 =	sadd.s32 s3, s9;
	s6 =	sadd.s32 @!p0 $0x88, s6;
	s7 =	simm.s32 @p2 $0x1082  }
0x22: {  	[simem:s7], [sflag:s8] =	dma.local @!p0 [hbm:s6], $0xF7A  }
0x23: {  	s9 =	sor.u32 $0xD0000000, s2;
	s6 =	simm.s32 $0x108;
	_ =	swait.ge @!p0 [sflag:s8], $0x0  }
0x24: {  	s3 =	sadd.s32 $0x88, s3;
	s6 =	simm.s32 @!p1 $0x1082;
	[sflag:s4] =	ssyncset.s32 $0xFFFFF086  }
0x25: {  	[simem:s6], [sflag:s4] =	dma.local [hbm:s3], $0xF7A  }
0x26: {  	[smem:$0x3F98] =	sst s1;
	(tag) =	ssettag s2;
	_ =	strace s9  }
0x27: {  	s1 =	sld [smem:$0x3FA8]  }
0x28: {  	s2 =	sld [smem:$0x3FA9]  }
0x29: {  	s4 =	sld [smem:$0x3FAB]  }
0x2a: {  	p0 =	seq.s32 s5, $0x0;
	s5 =	sld [smem:$0x3FAC]  }
0x2b: {  	s6 =	sld [smem:$0x3FAD]  }
0x2c: {  	s7 =	sld [smem:$0x3FAE]  }
0x2d: {  	s3 =	simm.s32 $0x108;
	s8 =	sld [smem:$0x3FAF]  }
0x2e: {  	s3 =	simm.s32 @!p0 $0x1082;
	s9 =	sld [smem:$0x3FB0]  }
0x2f: {  	lr =	sadd.s32 s0, s3;
	s0 =	sld [smem:$0x3FA7]  }
0x30: {  	s3 =	sld [smem:$0x3FAA]  }
0x31: {  	[smem:$0x3FB3] =	sst s10  }
0x32: {  	s10 =	sld [smem:$0x3FB1];
	_ =	sdelay $0x3  }
0x33: {  	p0 =	seq.s32 s10, $0x1;
	s10 =	sld [smem:$0x3FB3];
	_ =	sdelay $0x3  }
0x34: {  	[smem:$0x3FB3] =	sst s10  }
0x35: {  	s10 =	sld [smem:$0x3FB2];
	_ =	sdelay $0x3  }
0x36: {  	p1 =	seq.s32 s10, $0x1;
	s10 =	sld [smem:$0x3FB3];
	_ =	sdelay $0x3  }
0x37: {  	[smem:$0x3FB3] =	sst s10  }
0x38: {  	s10 =	sld [smem:$0x3FB4]  }
0x39: {  	_ = 	snop;
	(pc) =	sbr.ind lr, $3  }
0x3a: {  	_ = 	snop  }
0x3b: {  	_ = 	snop  }
0x3c: {  	p2 =	seq.s32 s10, $0x1;
	s10 =	sld [smem:$0x3FB3]  }
0x3d: {  	_ =	shalt  }
0x3e: {  	_ =	shalt  }
0x3f: {  	_ =	shalt  }
0x40: {  	_ =	shalt  }
0x41: {  	_ =	shalt  }
0x42: {  	_ =	shalt  }
0x43: {  	_ =	shalt  }
0x44: {  	_ =	shalt  }
0x45: {  	_ =	shalt  }
0x46: {  	_ =	shalt  }
0x47: {  	_ =	shalt  }
0x48: {  	_ =	shalt  }
0x49: {  	_ =	shalt  }
0x4a: {  	_ =	shalt  }
0x4b: {  	_ =	shalt  }
0x4c: {  	_ =	shalt  }
0x4d: {  	_ =	shalt  }
0x4e: {  	_ =	shalt  }
0x4f: {  	_ =	shalt  }
0x50: {  	_ =	shalt  }
0x51: {  	_ =	shalt  }
0x52: {  	_ =	shalt  }
0x53: {  	_ =	shalt  }
0x54: {  	_ =	shalt  }
0x55: {  	_ =	shalt  }
0x56: {  	_ =	shalt  }
0x57: {  	_ =	shalt  }
0x58: {  	_ =	shalt  }
0x59: {  	_ =	shalt  }
0x5a: {  	_ =	shalt  }
0x5b: {  	_ =	shalt  }
0x5c: {  	_ =	shalt  }
0x5d: {  	_ =	shalt  }
0x5e: {  	_ =	shalt  }
0x5f: {  	_ =	shalt  }
0x60: {  	_ =	shalt  }
0x61: {  	_ =	shalt  }
0x62: {  	_ =	shalt  }
0x63: {  	_ =	shalt  }
0x64: {  	_ =	shalt  }
0x65: {  	_ =	shalt  }
0x66: {  	_ =	shalt  }
0x67: {  	_ =	shalt  }
0x68: {  	_ =	shalt  }
0x69: {  	_ =	shalt  }
0x6a: {  	_ =	shalt  }
0x6b: {  	_ =	shalt  }
0x6c: {  	_ =	shalt  }
0x6d: {  	_ =	shalt  }
0x6e: {  	_ =	shalt  }
0x6f: {  	_ =	shalt  }
0x70: {  	_ =	shalt  }
0x71: {  	_ =	shalt  }
0x72: {  	_ =	shalt  }
0x73: {  	_ =	shalt  }
0x74: {  	_ =	shalt  }
0x75: {  	_ =	shalt  }
0x76: {  	_ =	shalt  }
0x77: {  	_ =	shalt  }
0x78: {  	_ =	shalt  }
0x79: {  	_ =	shalt  }
0x7a: {  	_ =	shalt  }
0x7b: {  	_ =	shalt  }
0x7c: {  	_ =	shalt  }
0x7d: {  	_ =	shalt  }
0x7e: {  	_ =	shalt  }
0x7f: {  	_ =	shalt  }
0x80: {  	_ =	shalt  }
0x81: {  	_ =	shalt  }
0x82: {  	_ =	shalt  }
0x83: {  	_ =	shalt  }
0x84: {  	_ =	shalt  }
0x85: {  	_ =	shalt  }
0x86: {  	_ =	shalt  }
0x87: {  	_ =	shalt  }
.Lfunc_end0:
.L_simem_size_0:
called_computation_lowered:
.L_overlay_start_0:
0x88: {  	s2 =	sld [smem:$0x3FD9]  }
0x89: {  	s3 =	sld [smem:$0x3FFE];
	_ =	sdelay $0x1  }
0x8a: {  	s1 =	srdreg.scid  }
0x8b: {  	s0 =	sand.u32 $0x1, s1  }
0x8c: {  	s17 =	sshll.u32 s0, $0xA;
	s2 =	sadd.s32 s3, s2  }
0x8d: {  	s2 =	sadd.s32 s2, s17  }
0x8e: {  	[smem:$0x3FBF] =	sst s2  }
0x8f: {  	_ = 	snop  }
0x90: {  	s2 =	sld [smem:$0x3FD0];
	(tm) =	ssettm $0x1  }
0x91: {  	s18 =	sld [smem:$0x3FFB];
	_ =	sdelay $0x3  }
0x92: {  	_ =	strace s18  }
0x93: {  	s3 =	sld [smem:$0x3FFC];
	_ =	sdelay $0x3  }
0x94: {  	_ =	strace s3  }
0x95: {  	s3 =	sld [smem:$0x3FFD];
	_ =	sdelay $0x3  }
0x96: {  	_ =	strace s3  }
0x97: {  	_ =	strace $0x8FFFFFFF  }
0x98: {  	s19 =	sld [smem:$0x3FDB];
	_ =	sdelay $0x1  }
0x99: {  	s4 =	simm.s32 $_scs_section_size  }
0x9a: {  	s5 =	simm.s32 $_size__tile_overlayer_lowered;
	s6 =	simm.s32 $_tile_overlayer_lowered  }
0x9b: {  	s22 =	simm.s32 $0x1BFF;
	s21 =	sshll.u32 s6, $0x1;
	s3 =	sadd.s32 s4, s19  }
0x9c: {  	s7 =	simm.s32 $0x0;
	s20 =	sshll.u32 s5, $0x1;
	s5 =	sadd.s32 s21, s3  }
0x9d: {  	[timem:s7], [sflag:s22] =	dma.local [hbm:s5], s20  }
0x9e: {  	_ =	swait.ge [sflag:s22], s20  }
0x9f: {  	s4 =	ssub.s32 $0x0, s20;
	[sflag:s22] =	ssyncset.done $0x0  }
0xa0: {  	[sflag:s22] =	ssyncadd.s32 s4;
	_ =	sdelay $0x1  }
0xa1: {  	s23 =	simm.s32 $0x1B8B  }
0xa2: {  	_ =	swait.ge [sflag:s23], $0x1  }
0xa3: {  	[sflag:s23] =	ssyncset.done $0x0  }
0xa4: {  	s25 =	simm.s32 $0x1B8E;
	s24 =	sld [smem:$0x3FFE];
	[sflag:s23] =	ssyncadd.s32 $0xFFFFFFFF  }
0xa5: {  	s26 =	simm.s32 $execute0_lowered;
	[smem:$0x3FD2] =	sst s25  }
0xa6: {  	s5 =	sshll.u32 s26, $0x1;
	_ =	strace $0x80000046;
	[dreg:$0x1] =	wrdreg $0xFFFFFFFF  }
0xa7: {  	s28 =	simm.s32 $_size_execute0_lowered;
	s3 =	sadd.s32 s3, s5;
	[dreg:$0x0] =	wrdreg $0x0  }
0xa8: {  	s5 =	sshll.u32 s28, $0x1;
	[dreg:$0x2] =	wrdreg s3  }
0xa9: {  	[dreg:$0x3] =	wrdreg s5  }
0xaa: {  	[dreg:$0x4] =	wrdreg $0xC0  }
0xab: {  	_ =	task [dreg:s7], $0x5FFFF  }
0xac: {  	[dreg:$0x1] =	wrdreg $0xFFFFFFFF  }
0xad: {  	[dreg:$0x0] =	wrdreg $0x60  }
0xae: {  	[dreg:$0x2] =	wrdreg s2  }
0xaf: {  	[dreg:$0x3] =	wrdreg s24  }
0xb0: {  	[dreg:$0x4] =	wrdreg $0x51800  }
0xb1: {  	[dreg:$0x5] =	wrdreg $0x56800  }
0xb2: {  	[dreg:$0x6] =	wrdreg $0x9  }
0xb3: {  	_ =	task.clear_ibuf [dreg:s7], $0x7FFFF;
	_ =	strace $0x90000046  }
0xb4: {  	s29 =	simm.s32 $0x9;
	_ =	strace $0x80000048  }
0xb5: {  	_ =	swait.ge [sflag:s29], $0x1  }
0xb6: {  	[sflag:s29] =	ssyncadd.s32 $0xFFFFFFFF  }
0xb7: {  	_ =	strace $0x90000048  }
0xb8: {  	_ =	sfence  }
0xb9: {  	s30 =	sld [smem:$0x0];
	_ =	sdelay $0x2  }
0xba: {  	s31 =	sshll.u32 s1, $0xD;
	s1 =	sshrl.u32 s1, $0x2  }
0xbb: {  	s3 =	sand.u32 $0x4000, s31;
	s1 =	sadd.s32 s1, s30  }
0xbc: {  	s0 =	sor.u32 s3, s0;
	s1 =	sshll.u32 s1, $0x11  }
0xbd: {  	s0 =	sor.u32 s1, s0  }
0xbe: {  	s0 =	sadd.s32 $0x8F2B, s0  }
0xbf: {  	[sflag:s0] =	ssyncadd.remote.s32 $0x1  }
0xc0: {  	_ =	sfence.sel $0xFFFF  }
0xc1: {  	[dreg:$0x0] =	wrdreg $0xFFFFFFFF;
	(pc) =	sbr.abs _section_cstart, $3  }
0xc2: {  	[dreg:$0x1] =	wrdreg $0xFFFFFFFF  }
0xc3: {  	_ =	task.clear_ibuf [dreg:s7], $0x2FFFF;
	_ =	strace $0x9FFFFFFF  }
0xc4: {  	(tm) =	ssettm $0x7FFFFFFF  }
0xc5: {  	_ =	shalt  }
tec
execute0_lowered:
.L_overlay_start_1:
0x0: {  	(tag) =	ssettag $0x1  }
0x1: {  	s5 =	rddreg [dreg:$0x0]  }
0x2: {  	s6 =	rddreg [dreg:$0x1]  }
0x3: {  	s0 =	srdreg.scid;
	s2 =	rddreg [dreg:$0x2]  }
0x4: {  	s3 =	rddreg [dreg:$0x3];
	s7 =	sand.u32 $0x1, s0  }
0x5: {  	s0 =	stileid.u32;
	s8 =	smul.u32 $0x500, s7  }
0x6: {  	s1 =	rddreg [dreg:$0x4];
	s4 =	simm.s32 $0x0;
	s9 =	smul.u32 $0x50, s0  }
0x7: {  	s19 =	simm.s32 $0x5100;
	s20 =	simm.s32 $0x5080;
	s10 =	smul.u32 $0x280, s0  }
0x8: {  	s22 =	simm.s32 $0x0;
	[smem:$0x7FF] =	sst s4;
	s25 =	smul.u32 $0x5000, s7  }
0x9: {  	s15 =	sadd.s32 $0xD400, s6;
	_ =	strace $0x80000047;
	s14 =	smul.u32 $0x500, s0  }
0xa: {  	s12 =	ssub.s32 $0x2, s7;
	s28 =	smul.u32 $0xA000, s7;
	s31 =	sshll.u32 s0, $0x6  }
0xb: {  	s13 =	sshrl.u32 s12, $0x1;
	s8 =	sadd.s32 s9, s8;
	s9 =	sadd.s32 s10, s25  }
0xc: {  	s12 =	ssub.s32 s12, s13;
	s26 =	sshrl.u32 s14, $0x3;
	s17 =	sadd.s32 s14, s2  }
0xd: {  	s18 =	sadd.s32 s10, s3;
	s29 =	sshrl.u32 s10, $0x3;
	s30 =	sshrl.u32 s28, $0x2  }
0xe: {  	s13 =	simm.s32 $0x2800;
	s14 =	sor.u32 $0x1C01, s31;
	s8 =	sshll.u32 s8, $0x4  }
0xf: {  	s9 =	sshrl.u32 s9, $0x3;
	s7 =	sadd.s32 s15, s26;
	s11 =	sadd.s32 s8, s6  }
0x10: {  	s16 =	sadd.s32 s9, s6;
	s5 =	sadd.s32 s5, s8;
	s8 =	sadd.s32 s15, s29  }
0x11: {  	s15 =	sshrl.u32 s17, $0x3;
	s6 =	sadd.s32 $0x3400, s11;
	s11 =	sadd.s32 s30, s2  }
0x12: {  	s17 =	simm.s32 $0x80;
	s9 =	sadd.s32 $0xDE00, s16;
	s21 =	sadd.s32 s10, s11  }
0x13: {  	s10 =	sadd.s32 $0xE300, s16;
	s11 =	smax.u32 s12, $0x1;
	s12 =	simm.s32 $0x1  }
0x14: {  	v0 =	vimm.f32 $1.000000000e+00;
	s16 =	sshrl.u32 s18, $0x3;
	s18 =	simm.s32 $0x5000;
	s21 =	sshrl.u32 s21, $0x3  }
.LBB2_1:
0x15: {  	[tilespmem:s4], [sflag:$0x1] =	stream.linear.gather [hbm4b:s5+s4], $0x2800, $0x38;
	[tilespmem:$0x5900] =	vst v63  }
0x16: {  	_ =	swait.ge [sflag:s12], $0x2800  }
0x17: {  	[sflag:s12] =	ssyncset.done $0x0  }
0x18: {  	[sflag:s12] =	ssyncadd.s32 $0xFFFFD800  }
0x19: {  	[tilespmem:s13], [sflag:$0x1] =	stream.linear.gather [hbm4b:s6+s4], $0x2800, $0x38;
	[tilespmem:$0x5900] =	vst v63  }
0x1a: {  	_ =	swait.ge [sflag:s12], $0x2800  }
0x1b: {  	[sflag:s12] =	ssyncset.done $0x0  }
0x1c: {  	[sflag:s12] =	ssyncadd.s32 $0xFFFFD800  }
0x1d: {  	[spmem:s15], [sflag:s14] =	dma.local [hbm:s7], $0xA0  }
0x1e: {  	_ =	swait.ge [sflag:s12], $0xA0  }
0x1f: {  	[sflag:s12] =	ssyncset.done $0x0  }
0x20: {  	[sflag:s12] =	ssyncadd.s32 $0xFFFFFF60  }
0x21: {  	[spmem:s16], [sflag:s14] =	dma.local [hbm:s8], $0x50  }
0x22: {  	_ =	swait.ge [sflag:s12], $0x50  }
0x23: {  	[sflag:s12] =	ssyncset.done $0x0  }
0x24: {  	[sflag:s12] =	ssyncadd.s32 $0xFFFFFFB0  }
0x25: {  	[tilespmem:$0x5100] =	vst v0  }
0x26: {  	[tilespmem:$0x5110] =	vst v0  }
0x27: {  	[tilespmem:$0x5120] =	vst v0  }
0x28: {  	[tilespmem:$0x5130] =	vst v0  }
0x29: {  	[tilespmem:$0x5140] =	vst v0  }
0x2a: {  	[tilespmem:$0x5150] =	vst v0  }
0x2b: {  	[tilespmem:$0x5160] =	vst v0  }
0x2c: {  	[tilespmem:$0x5170] =	vst v0  }
0x2d: {  	s23 =	simm.s32 $0x0;
	[bflag:$0x0] =	sbarrier.arrive $0xFFFF  }
0x2e: {  	v1 =	vld [tilespmem:s23+$0x0];
	_ =	sdelay $0x4  }
0x2f: {  	[tilespmem:$0x5000] =	vst v1  }
0x30: {  	v1 =	vld [tilespmem:s23+$0x10];
	_ =	sdelay $0x4  }
0x31: {  	[tilespmem:$0x5010] =	vst v1  }
0x32: {  	v1 =	vld [tilespmem:s23+$0x20];
	_ =	sdelay $0x4  }
0x33: {  	[tilespmem:$0x5020] =	vst v1  }
0x34: {  	v1 =	vld [tilespmem:s23+$0x30];
	_ =	sdelay $0x4  }
0x35: {  	[tilespmem:$0x5030] =	vst v1  }
0x36: {  	v1 =	vld [tilespmem:s23+$0x40];
	_ =	sdelay $0x4  }
0x37: {  	[tilespmem:$0x5040] =	vst v1  }
0x38: {  	v1 =	vld [tilespmem:s23+$0x50];
	_ =	sdelay $0x4  }
0x39: {  	[tilespmem:$0x5050] =	vst v1  }
0x3a: {  	v1 =	vld [tilespmem:s23+$0x60];
	_ =	sdelay $0x4  }
0x3b: {  	[tilespmem:$0x5060] =	vst v1  }
0x3c: {  	v1 =	vld [tilespmem:s23+$0x70];
	_ =	sdelay $0x4  }
0x3d: {  	[tilespmem:$0x5070] =	vst v1  }
0x3e: {  	v1 =	vld [tilespmem:s23+$0x2800];
	_ =	sdelay $0x4  }
0x3f: {  	[tilespmem:$0x5080] =	vst v1  }
0x40: {  	v1 =	vld [tilespmem:s23+$0x2810];
	_ =	sdelay $0x4  }
0x41: {  	[tilespmem:$0x5090] =	vst v1  }
0x42: {  	v1 =	vld [tilespmem:s23+$0x2820];
	_ =	sdelay $0x4  }
0x43: {  	[tilespmem:$0x50A0] =	vst v1  }
0x44: {  	v1 =	vld [tilespmem:s23+$0x2830];
	_ =	sdelay $0x4  }
0x45: {  	[tilespmem:$0x50B0] =	vst v1  }
0x46: {  	v1 =	vld [tilespmem:s23+$0x2840];
	_ =	sdelay $0x4  }
0x47: {  	[tilespmem:$0x50C0] =	vst v1  }
0x48: {  	v1 =	vld [tilespmem:s23+$0x2850];
	_ =	sdelay $0x4  }
0x49: {  	[tilespmem:$0x50D0] =	vst v1  }
0x4a: {  	v1 =	vld [tilespmem:s23+$0x2860];
	_ =	sdelay $0x4  }
0x4b: {  	[tilespmem:$0x50E0] =	vst v1  }
0x4c: {  	v1 =	vld [tilespmem:s23+$0x2870];
	_ =	sdelay $0x4  }
0x4d: {  	[tilespmem:$0x50F0] =	vst v1  }
0x4e: {  	[spmem:s2] =	stream.indirect.scatter.add.f32 [tilespmem:s19], [sflag:$0x1], $0x1, s18, s17, $0xb8;
	[tilespmem:$0x5900] =	vst v63  }
0x4f: {  	_ =	swait.ge [sflag:s12], $0x80  }
0x50: {  	[sflag:s12] =	ssyncset.done $0x0  }
0x51: {  	[sflag:s12] =	ssyncadd.s32 $0xFFFFFF80  }
0x52: {  	[spmem:s3] =	stream.indirect.scatter.add.f32 [tilespmem:s19], [sflag:$0x1], $0x1, s20, s17, $0xb8;
	[tilespmem:$0x5900] =	vst v63  }
0x53: {  	_ =	swait.ge [sflag:s12], $0x80  }
0x54: {  	s26 =	simm.s32 $0x400;
	s23 =	simm.s32 $0x200;
	[sflag:s12] =	ssyncset.done $0x0  }
.LBB2_2:
0x55: {  	s25 =	sshra.s32 s23, $0x2  }
0x56: {  	[sflag:s12] =	ssyncadd.s32 $0xFFFFFF80;
	s23 =	smov.u32 s26;
	s24 =	sadd.s32 $0x200, s26  }
0x57: {  	p0 =	sne.s32 s26, $0x9E00;
	v1 =	vld [tilespmem:s25+$0x0];
	_ =	sdelay $0x4  }
0x58: {  	[tilespmem:$0x5000] =	vst v1  }
0x59: {  	v1 =	vld [tilespmem:s25+$0x10];
	_ =	sdelay $0x4  }
0x5a: {  	[tilespmem:$0x5010] =	vst v1  }
0x5b: {  	v1 =	vld [tilespmem:s25+$0x20];
	_ =	sdelay $0x4  }
0x5c: {  	[tilespmem:$0x5020] =	vst v1  }
0x5d: {  	v1 =	vld [tilespmem:s25+$0x30];
	_ =	sdelay $0x4  }
0x5e: {  	[tilespmem:$0x5030] =	vst v1  }
0x5f: {  	v1 =	vld [tilespmem:s25+$0x40];
	_ =	sdelay $0x4  }
0x60: {  	[tilespmem:$0x5040] =	vst v1  }
0x61: {  	v1 =	vld [tilespmem:s25+$0x50];
	_ =	sdelay $0x4  }
0x62: {  	[tilespmem:$0x5050] =	vst v1  }
0x63: {  	v1 =	vld [tilespmem:s25+$0x60];
	_ =	sdelay $0x4  }
0x64: {  	[tilespmem:$0x5060] =	vst v1  }
0x65: {  	v1 =	vld [tilespmem:s25+$0x70];
	_ =	sdelay $0x4  }
0x66: {  	[tilespmem:$0x5070] =	vst v1  }
0x67: {  	v1 =	vld [tilespmem:s25+$0x2800];
	_ =	sdelay $0x4  }
0x68: {  	[tilespmem:$0x5080] =	vst v1  }
0x69: {  	v1 =	vld [tilespmem:s25+$0x2810];
	_ =	sdelay $0x4  }
0x6a: {  	[tilespmem:$0x5090] =	vst v1  }
0x6b: {  	v1 =	vld [tilespmem:s25+$0x2820];
	_ =	sdelay $0x4  }
0x6c: {  	[tilespmem:$0x50A0] =	vst v1  }
0x6d: {  	v1 =	vld [tilespmem:s25+$0x2830];
	_ =	sdelay $0x4  }
0x6e: {  	[tilespmem:$0x50B0] =	vst v1  }
0x6f: {  	v1 =	vld [tilespmem:s25+$0x2840];
	_ =	sdelay $0x4  }
0x70: {  	[tilespmem:$0x50C0] =	vst v1  }
0x71: {  	v1 =	vld [tilespmem:s25+$0x2850];
	_ =	sdelay $0x4  }
0x72: {  	[tilespmem:$0x50D0] =	vst v1  }
0x73: {  	v1 =	vld [tilespmem:s25+$0x2860];
	_ =	sdelay $0x4  }
0x74: {  	[tilespmem:$0x50E0] =	vst v1  }
0x75: {  	v1 =	vld [tilespmem:s25+$0x2870];
	_ =	sdelay $0x4  }
0x76: {  	[tilespmem:$0x50F0] =	vst v1  }
0x77: {  	[spmem:s2] =	stream.indirect.scatter.add.f32 [tilespmem:s19], [sflag:$0x1], $0x1, s18, s17, $0xb8;
	[tilespmem:$0x5900] =	vst v63  }
0x78: {  	_ =	swait.ge [sflag:s12], $0x80  }
.Ltmp0:
0x79: {  	[sflag:s12] =	ssyncset.done $0x0;
	(pc) =	sbr.rel @p0 .LBB2_2-.Ltmp0, $4  }
0x7a: {  	[sflag:s12] =	ssyncadd.s32 $0xFFFFFF80  }
0x7b: {  	[spmem:s3] =	stream.indirect.scatter.add.f32 [tilespmem:s19], [sflag:$0x1], $0x1, s20, s17, $0xb8;
	[tilespmem:$0x5900] =	vst v63  }
0x7c: {  	_ =	swait.ge [sflag:s12], $0x80  }
0x7d: {  	s26 =	smov.u32 s24;
	[sflag:s12] =	ssyncset.done $0x0  }
0x7e: {  	s23 =	sshra.s32 s23, $0x2;
	[sflag:s12] =	ssyncadd.s32 $0xFFFFFF80  }
0x7f: {  	v1 =	vld [tilespmem:s23+$0x0];
	_ =	sdelay $0x4  }
0x80: {  	[tilespmem:$0x5000] =	vst v1  }
0x81: {  	v1 =	vld [tilespmem:s23+$0x10];
	_ =	sdelay $0x4  }
0x82: {  	[tilespmem:$0x5010] =	vst v1  }
0x83: {  	v1 =	vld [tilespmem:s23+$0x20];
	_ =	sdelay $0x4  }
0x84: {  	[tilespmem:$0x5020] =	vst v1  }
0x85: {  	v1 =	vld [tilespmem:s23+$0x30];
	_ =	sdelay $0x4  }
0x86: {  	[tilespmem:$0x5030] =	vst v1  }
0x87: {  	v1 =	vld [tilespmem:s23+$0x40];
	_ =	sdelay $0x4  }
0x88: {  	[tilespmem:$0x5040] =	vst v1  }
0x89: {  	v1 =	vld [tilespmem:s23+$0x50];
	_ =	sdelay $0x4  }
0x8a: {  	[tilespmem:$0x5050] =	vst v1  }
0x8b: {  	v1 =	vld [tilespmem:s23+$0x60];
	_ =	sdelay $0x4  }
0x8c: {  	[tilespmem:$0x5060] =	vst v1  }
0x8d: {  	v1 =	vld [tilespmem:s23+$0x70];
	_ =	sdelay $0x4  }
0x8e: {  	[tilespmem:$0x5070] =	vst v1  }
0x8f: {  	v1 =	vld [tilespmem:s23+$0x2800];
	_ =	sdelay $0x4  }
0x90: {  	[tilespmem:$0x5080] =	vst v1  }
0x91: {  	v1 =	vld [tilespmem:s23+$0x2810];
	_ =	sdelay $0x4  }
0x92: {  	[tilespmem:$0x5090] =	vst v1  }
0x93: {  	v1 =	vld [tilespmem:s23+$0x2820];
	_ =	sdelay $0x4  }
0x94: {  	[tilespmem:$0x50A0] =	vst v1  }
0x95: {  	v1 =	vld [tilespmem:s23+$0x2830];
	_ =	sdelay $0x4  }
0x96: {  	[tilespmem:$0x50B0] =	vst v1  }
0x97: {  	v1 =	vld [tilespmem:s23+$0x2840];
	_ =	sdelay $0x4  }
0x98: {  	[tilespmem:$0x50C0] =	vst v1  }
0x99: {  	v1 =	vld [tilespmem:s23+$0x2850];
	_ =	sdelay $0x4  }
0x9a: {  	[tilespmem:$0x50D0] =	vst v1  }
0x9b: {  	v1 =	vld [tilespmem:s23+$0x2860];
	_ =	sdelay $0x4  }
0x9c: {  	[tilespmem:$0x50E0] =	vst v1  }
0x9d: {  	v1 =	vld [tilespmem:s23+$0x2870];
	_ =	sdelay $0x4  }
0x9e: {  	[tilespmem:$0x50F0] =	vst v1  }
0x9f: {  	[spmem:s2] =	stream.indirect.scatter.add.f32 [tilespmem:s19], [sflag:$0x1], $0x1, s18, s17, $0xb8;
	[tilespmem:$0x5900] =	vst v63  }
0xa0: {  	_ =	swait.ge [sflag:s12], $0x80  }
0xa1: {  	[sflag:s12] =	ssyncset.done $0x0  }
0xa2: {  	[sflag:s12] =	ssyncadd.s32 $0xFFFFFF80  }
0xa3: {  	[spmem:s3] =	stream.indirect.scatter.add.f32 [tilespmem:s19], [sflag:$0x1], $0x1, s20, s17, $0xb8;
	[tilespmem:$0x5900] =	vst v63  }
0xa4: {  	_ =	swait.ge [sflag:s12], $0x80  }
0xa5: {  	[sflag:s12] =	ssyncset.done $0x0  }
0xa6: {  	[sflag:s12] =	ssyncadd.s32 $0xFFFFFF80  }
0xa7: {  	[bflag:$0x0] =	sbarrier.arrive $0xFFFF  }
0xa8: {  	[hbm:s9], [sflag:s14] =	dma.local [spmem:s21], $0x50  }
0xa9: {  	s22 =	sadd.s32 $0x1, s22;
	_ =	swait.ge [sflag:s12], $0x50  }
0xaa: {  	p0 =	sne.s32 s22, s11;
	[sflag:s12] =	ssyncset.done $0x0  }
.Ltmp1:
0xab: {  	[sflag:s12] =	ssyncadd.s32 $0xFFFFFFB0;
	(pc) =	sbr.rel @p0 .LBB2_1-.Ltmp1, $4  }
0xac: {  	[hbm:s10], [sflag:s14] =	dma.local [spmem:s16], $0x50  }
0xad: {  	_ =	swait.ge [sflag:s12], $0x50  }
0xae: {  	[sflag:s12] =	ssyncset.done $0x0  }
0xaf: {  	[sflag:s12] =	ssyncadd.s32 $0xFFFFFFB0  }
0xb0: {  	_ =	sfence.sel $0x180000  }
0xb1: {  	[bflag:$0x0] =	sbarrier.arrive $0xFFFF  }
0xb2: {  	p0 =	sne.s32 s0, $0x0;
	_ =	strace $0x90000047  }
0xb3: {  	s0 =	sadd.s32 @!p0 $0x100000, s1;
	[bflag:$0x2] =	sbarrier.arrive $0xFFFF  }
0xb4: {  	[sflag:s0] =	ssyncadd.tile.s32 @!p0 $0x1;
	_ =	shalt  }
.Lfunc_end2:
_tile_overlayer_lowered:
.L_overlay_start_2:
0xb5: {  	(tag) =	ssettag $0x2  }
0xb6: {  	s0 =	rddreg [dreg:$0x0];
	s2 =	stileid.u32  }
0xb7: {  	s1 =	rddreg [dreg:$0x1];
	p0 =	sne.s32 s2, $0x0  }
0xb8: {  	s3 =	rddreg [dreg:$0x2];
	[bflag:$0x3] =	sbarrier.arrive $0xFFFF;
	s2 =	simm.s32 @!p0 $0x1C01  }
0xb9: {  	[timem:s3], [sflag:s2] =	dma.local @!p0 [hbm:s0], s1  }
0xba: {  	s0 =	simm.s32 @!p0 $0x1  }
0xbb: {  	_ =	swait.ge @!p0 [sflag:s0], s1  }
0xbc: {  	s1 =	ssub.s32 @!p0 $0x0, s1;
	[sflag:s0] =	ssyncset.done @!p0 $0x0  }
0xbd: {  	[sflag:s0] =	ssyncadd.s32 @!p0 s1  }
0xbe: {  	[bflag:$0x3] =	sbarrier.arrive $0xFFFF  }
0xbf: {  	_ =	shalt  }

// kernel: kernel.13.cloned.1.call-start
scs
__scs_entry_jumppad:
0x0: {  	(pc) =	sbr.rel $0x88, $3  }
0x1: {  	(tag) =	ssettag $0x0;
	lr =	simm.s32 $0x1  }
0x2: {  	[smem:$0x3F98] =	sst lr;
	_ =	strace $0xD0000000  }
0x3: {  	_ = 	snop  }
0x4: {  	_ = 	snop  }
0x5: {  	_ = 	snop  }
0x6: {  	_ = 	snop  }
0x7: {  	_ = 	snop  }
__scs_overlays_trampoline_lowered:
0x8: {  	[smem:$0x3FA7] =	sst s0  }
0x9: {  	[smem:$0x3FA8] =	sst s1  }
0xa: {  	[smem:$0x3FA9] =	sst s2  }
0xb: {  	[smem:$0x3FAA] =	sst s3  }
0xc: {  	[smem:$0x3FAB] =	sst s4  }
0xd: {  	[smem:$0x3FAC] =	sst s5  }
0xe: {  	[smem:$0x3FAD] =	sst s6  }
0xf: {  	[smem:$0x3FAE] =	sst s7  }
0x10: {  	[smem:$0x3FAF] =	sst s8  }
0x11: {  	[smem:$0x3FB0] =	sst s9;
	s0 =	simm.s32 @!p0 $0x0  }
0x12: {  	s1 =	sld [smem:$0x3F96];
	s0 =	simm.s32 @p0 $0x1  }
0x13: {  	[smem:$0x3FB1] =	sst s0;
	s0 =	simm.s32 @!p1 $0x0  }
0x14: {  	s2 =	sld [smem:$0x3F95];
	s0 =	simm.s32 @p1 $0x1  }
0x15: {  	[smem:$0x3FB2] =	sst s0;
	s0 =	simm.s32 @!p2 $0x0  }
0x16: {  	s3 =	sld [smem:$0x3FDB];
	s0 =	simm.s32 @p2 $0x1  }
0x17: {  	s4 =	simm.s32 $0x1BF5;
	[smem:$0x3FB4] =	sst s0  }
0x18: {  	s0 =	sld [smem:$0x3F97];
	_ =	swait.ge [sflag:s4], $0x0  }
0x19: {  	s7 =	sld [smem:$0x3F98]  }
0x1a: {  	s8 =	sadd.s32 $0xFFFFE003, lr  }
0x1b: {  	s9 =	sadd.s32 $0xFFFFFEF7, lr;
	s5 =	simm.s32 $0xFFFFFFFF;
	p2 =	slt.u32 s8, $0xFFFFF086  }
0x1c: {  	p1 =	slt.u32 s9, $0xF7A;
	s5 =	simm.s32 @!p2 $0x0  }
0x1d: {  	s5 =	simm.s32 @p1 $0x1;
	p0 =	seq.s32 s7, s2  }
0x1e: {  	s7 =	smul.u32 @!p0 $0xF7A, s2;
	p2 =	seq.s32 @!p0 s5, $0x0  }
0x1f: {  	s9 =	smul.u32 $0xF7A, s1;
	s8 =	simm.s32 @!p0 $0x1BF5;
	p2 =	por !p2, p0  }
0x20: {  	[sflag:s8] =	ssyncset.s32 @!p0 $0xFFFFF086;
	s6 =	sadd.s32 @!p0 s3, s7;
	s7 =	simm.s32 @!p0 $0x108  }
0x21: {  	s3 =	sadd.s32 s3, s9;
	s6 =	sadd.s32 @!p0 $0x88, s6;
	s7 =	simm.s32 @p2 $0x1082  }
0x22: {  	[simem:s7], [sflag:s8] =	dma.local @!p0 [hbm:s6], $0xF7A  }
0x23: {  	s9 =	sor.u32 $0xD0000000, s2;
	s6 =	simm.s32 $0x108;
	_ =	swait.ge @!p0 [sflag:s8], $0x0  }
0x24: {  	s3 =	sadd.s32 $0x88, s3;
	s6 =	simm.s32 @!p1 $0x1082;
	[sflag:s4] =	ssyncset.s32 $0xFFFFF086  }
0x25: {  	[simem:s6], [sflag:s4] =	dma.local [hbm:s3], $0xF7A  }
0x26: {  	[smem:$0x3F98] =	sst s1;
	(tag) =	ssettag s2;
	_ =	strace s9  }
0x27: {  	s1 =	sld [smem:$0x3FA8]  }
0x28: {  	s2 =	sld [smem:$0x3FA9]  }
0x29: {  	s4 =	sld [smem:$0x3FAB]  }
0x2a: {  	p0 =	seq.s32 s5, $0x0;
	s5 =	sld [smem:$0x3FAC]  }
0x2b: {  	s6 =	sld [smem:$0x3FAD]  }
0x2c: {  	s7 =	sld [smem:$0x3FAE]  }
0x2d: {  	s3 =	simm.s32 $0x108;
	s8 =	sld [smem:$0x3FAF]  }
0x2e: {  	s3 =	simm.s32 @!p0 $0x1082;
	s9 =	sld [smem:$0x3FB0]  }
0x2f: {  	lr =	sadd.s32 s0, s3;
	s0 =	sld [smem:$0x3FA7]  }
0x30: {  	s3 =	sld [smem:$0x3FAA]  }
0x31: {  	[smem:$0x3FB3] =	sst s10  }
0x32: {  	s10 =	sld [smem:$0x3FB1];
	_ =	sdelay $0x3  }
0x33: {  	p0 =	seq.s32 s10, $0x1;
	s10 =	sld [smem:$0x3FB3];
	_ =	sdelay $0x3  }
0x34: {  	[smem:$0x3FB3] =	sst s10  }
0x35: {  	s10 =	sld [smem:$0x3FB2];
	_ =	sdelay $0x3  }
0x36: {  	p1 =	seq.s32 s10, $0x1;
	s10 =	sld [smem:$0x3FB3];
	_ =	sdelay $0x3  }
0x37: {  	[smem:$0x3FB3] =	sst s10  }
0x38: {  	s10 =	sld [smem:$0x3FB4]  }
0x39: {  	_ = 	snop;
	(pc) =	sbr.ind lr, $3  }
0x3a: {  	_ = 	snop  }
0x3b: {  	_ = 	snop  }
0x3c: {  	p2 =	seq.s32 s10, $0x1;
	s10 =	sld [smem:$0x3FB3]  }
0x3d: {  	_ =	shalt  }
0x3e: {  	_ =	shalt  }
0x3f: {  	_ =	shalt  }
0x40: {  	_ =	shalt  }
0x41: {  	_ =	shalt  }
0x42: {  	_ =	shalt  }
0x43: {  	_ =	shalt  }
0x44: {  	_ =	shalt  }
0x45: {  	_ =	shalt  }
0x46: {  	_ =	shalt  }
0x47: {  	_ =	shalt  }
0x48: {  	_ =	shalt  }
0x49: {  	_ =	shalt  }
0x4a: {  	_ =	shalt  }
0x4b: {  	_ =	shalt  }
0x4c: {  	_ =	shalt  }
0x4d: {  	_ =	shalt  }
0x4e: {  	_ =	shalt  }
0x4f: {  	_ =	shalt  }
0x50: {  	_ =	shalt  }
0x51: {  	_ =	shalt  }
0x52: {  	_ =	shalt  }
0x53: {  	_ =	shalt  }
0x54: {  	_ =	shalt  }
0x55: {  	_ =	shalt  }
0x56: {  	_ =	shalt  }
0x57: {  	_ =	shalt  }
0x58: {  	_ =	shalt  }
0x59: {  	_ =	shalt  }
0x5a: {  	_ =	shalt  }
0x5b: {  	_ =	shalt  }
0x5c: {  	_ =	shalt  }
0x5d: {  	_ =	shalt  }
0x5e: {  	_ =	shalt  }
0x5f: {  	_ =	shalt  }
0x60: {  	_ =	shalt  }
0x61: {  	_ =	shalt  }
0x62: {  	_ =	shalt  }
0x63: {  	_ =	shalt  }
0x64: {  	_ =	shalt  }
0x65: {  	_ =	shalt  }
0x66: {  	_ =	shalt  }
0x67: {  	_ =	shalt  }
0x68: {  	_ =	shalt  }
0x69: {  	_ =	shalt  }
0x6a: {  	_ =	shalt  }
0x6b: {  	_ =	shalt  }
0x6c: {  	_ =	shalt  }
0x6d: {  	_ =	shalt  }
0x6e: {  	_ =	shalt  }
0x6f: {  	_ =	shalt  }
0x70: {  	_ =	shalt  }
0x71: {  	_ =	shalt  }
0x72: {  	_ =	shalt  }
0x73: {  	_ =	shalt  }
0x74: {  	_ =	shalt  }
0x75: {  	_ =	shalt  }
0x76: {  	_ =	shalt  }
0x77: {  	_ =	shalt  }
0x78: {  	_ =	shalt  }
0x79: {  	_ =	shalt  }
0x7a: {  	_ =	shalt  }
0x7b: {  	_ =	shalt  }
0x7c: {  	_ =	shalt  }
0x7d: {  	_ =	shalt  }
0x7e: {  	_ =	shalt  }
0x7f: {  	_ =	shalt  }
0x80: {  	_ =	shalt  }
0x81: {  	_ =	shalt  }
0x82: {  	_ =	shalt  }
0x83: {  	_ =	shalt  }
0x84: {  	_ =	shalt  }
0x85: {  	_ =	shalt  }
0x86: {  	_ =	shalt  }
0x87: {  	_ =	shalt  }
.Lfunc_end0:
.L_simem_size_0:
called_computation.1_lowered:
.L_overlay_start_0:
0x88: {  	s2 =	sld [smem:$0x3FD9]  }
0x89: {  	s3 =	sld [smem:$0x3FFE];
	_ =	sdelay $0x1  }
0x8a: {  	s1 =	srdreg.scid  }
0x8b: {  	s0 =	sand.u32 $0x1, s1  }
0x8c: {  	s17 =	sshll.u32 s0, $0xA;
	s2 =	sadd.s32 s3, s2  }
0x8d: {  	s2 =	sadd.s32 s2, s17  }
0x8e: {  	[smem:$0x3FBF] =	sst s2  }
0x8f: {  	_ = 	snop  }
0x90: {  	s2 =	sld [smem:$0x3FD0];
	(tm) =	ssettm $0x1  }
0x91: {  	s18 =	sld [smem:$0x3FFB];
	_ =	sdelay $0x3  }
0x92: {  	_ =	strace s18  }
0x93: {  	s3 =	sld [smem:$0x3FFC];
	_ =	sdelay $0x3  }
0x94: {  	_ =	strace s3  }
0x95: {  	s3 =	sld [smem:$0x3FFD];
	_ =	sdelay $0x3  }
0x96: {  	_ =	strace s3  }
0x97: {  	_ =	strace $0x8FFFFFFF  }
0x98: {  	s19 =	sld [smem:$0x3FDB];
	_ =	sdelay $0x1  }
0x99: {  	s4 =	simm.s32 $_scs_section_size  }
0x9a: {  	s5 =	simm.s32 $_size__tile_overlayer_lowered;
	s6 =	simm.s32 $_tile_overlayer_lowered  }
0x9b: {  	s22 =	simm.s32 $0x1BFF;
	s21 =	sshll.u32 s6, $0x1;
	s3 =	sadd.s32 s4, s19  }
0x9c: {  	s7 =	simm.s32 $0x0;
	s20 =	sshll.u32 s5, $0x1;
	s5 =	sadd.s32 s21, s3  }
0x9d: {  	[timem:s7], [sflag:s22] =	dma.local [hbm:s5], s20  }
0x9e: {  	_ =	swait.ge [sflag:s22], s20  }
0x9f: {  	s4 =	ssub.s32 $0x0, s20;
	[sflag:s22] =	ssyncset.done $0x0  }
0xa0: {  	[sflag:s22] =	ssyncadd.s32 s4;
	_ =	sdelay $0x1  }
0xa1: {  	s23 =	simm.s32 $0x1B8B  }
0xa2: {  	_ =	swait.ge [sflag:s23], $0x1  }
0xa3: {  	[sflag:s23] =	ssyncset.done $0x0  }
0xa4: {  	s25 =	simm.s32 $0x1B8E;
	s24 =	sld [smem:$0x3FFE];
	[sflag:s23] =	ssyncadd.s32 $0xFFFFFFFF  }
0xa5: {  	s26 =	simm.s32 $execute0_lowered;
	[smem:$0x3FD2] =	sst s25  }
0xa6: {  	s5 =	sshll.u32 s26, $0x1;
	_ =	strace $0x80000049;
	[dreg:$0x1] =	wrdreg $0xFFFFFFFF  }
0xa7: {  	s28 =	simm.s32 $_size_execute0_lowered;
	s3 =	sadd.s32 s3, s5;
	[dreg:$0x0] =	wrdreg $0x0  }
0xa8: {  	s5 =	sshll.u32 s28, $0x1;
	[dreg:$0x2] =	wrdreg s3  }
0xa9: {  	[dreg:$0x3] =	wrdreg s5  }
0xaa: {  	[dreg:$0x4] =	wrdreg $0xC0  }
0xab: {  	_ =	task [dreg:s7], $0x5FFFF  }
0xac: {  	[dreg:$0x1] =	wrdreg $0xFFFFFFFF  }
0xad: {  	[dreg:$0x0] =	wrdreg $0x60  }
0xae: {  	[dreg:$0x2] =	wrdreg s24  }
0xaf: {  	[dreg:$0x3] =	wrdreg s2  }
0xb0: {  	[dreg:$0x4] =	wrdreg $0xA9000  }
0xb1: {  	[dreg:$0x5] =	wrdreg $0x9  }
0xb2: {  	_ =	task.clear_ibuf [dreg:s7], $0x6FFFF;
	_ =	strace $0x90000049  }
0xb3: {  	s29 =	simm.s32 $0x9;
	_ =	strace $0x8000004B  }
0xb4: {  	_ =	swait.ge [sflag:s29], $0x1  }
0xb5: {  	[sflag:s29] =	ssyncadd.s32 $0xFFFFFFFF  }
0xb6: {  	_ =	strace $0x9000004B  }
0xb7: {  	_ =	sfence  }
0xb8: {  	s30 =	sld [smem:$0x0];
	_ =	sdelay $0x2  }
0xb9: {  	s31 =	sshll.u32 s1, $0xD;
	s1 =	sshrl.u32 s1, $0x2  }
0xba: {  	s3 =	sand.u32 $0x4000, s31;
	s1 =	sadd.s32 s1, s30  }
0xbb: {  	s0 =	sor.u32 s3, s0;
	s1 =	sshll.u32 s1, $0x11  }
0xbc: {  	s0 =	sor.u32 s1, s0  }
0xbd: {  	s0 =	sadd.s32 $0x8F2B, s0  }
0xbe: {  	[sflag:s0] =	ssyncadd.remote.s32 $0x1  }
0xbf: {  	_ =	sfence.sel $0xFFFF  }
0xc0: {  	[dreg:$0x0] =	wrdreg $0xFFFFFFFF;
	(pc) =	sbr.abs _section_cstart, $3  }
0xc1: {  	[dreg:$0x1] =	wrdreg $0xFFFFFFFF  }
0xc2: {  	_ =	task.clear_ibuf [dreg:s7], $0x2FFFF;
	_ =	strace $0x9FFFFFFF  }
0xc3: {  	(tm) =	ssettm $0x7FFFFFFF  }
tec
execute0_lowered:
.L_overlay_start_1:
0x0: {  	(tag) =	ssettag $0x1  }
0x1: {  	s5 =	rddreg [dreg:$0x0]  }
0x2: {  	s9 =	rddreg [dreg:$0x1]  }
0x3: {  	s2 =	rddreg [dreg:$0x2]  }
0x4: {  	s0 =	rddreg [dreg:$0x3]  }
0x5: {  	s1 =	stileid.u32;
	s4 =	srdreg.scid;
	s3 =	simm.s32 $0x0  }
0x6: {  	s16 =	simm.s32 $0x80;
	s17 =	simm.s32 $0x2900;
	s18 =	simm.s32 $0x6900  }
0x7: {  	s19 =	simm.s32 $0x1;
	s20 =	simm.s32 $0x2800;
	s21 =	simm.s32 $0x2  }
0x8: {  	s22 =	simm.s32 $0x2880;
	s23 =	simm.s32 $0x1380;
	s6 =	smul.u32 $0x2800, s1  }
0x9: {  	s24 =	simm.s32 $0x0;
	s7 =	sand.u32 $0x1, s4;
	s12 =	smul.u32 $0x50, s1  }
0xa: {  	[smem:$0x7FF] =	sst s3;
	s4 =	sadd.s32 $0xD400, s5;
	s13 =	smul.u32 $0x50000, s1  }
0xb: {  	s11 =	sadd.s32 $0x3400, s5;
	s29 =	sshll.u32 s1, $0x6;
	s8 =	smul.u32 $0x28000, s7  }
0xc: {  	_ =	strace $0x8000004A;
	s10 =	smul.u32 $0x500, s7;
	s7 =	ssub.s32 $0x2, s7  }
0xd: {  	s25 =	sshrl.u32 s7, $0x1;
	s28 =	sshrl.u32 s13, $0x2;
	s8 =	sadd.s32 s6, s8  }
0xe: {  	s6 =	sadd.s32 s6, s5;
	s15 =	ssub.s32 s7, s25;
	s26 =	sadd.s32 s12, s10  }
0xf: {  	s13 =	sadd.s32 s28, s2;
	s14 =	sadd.s32 s8, s5;
	s30 =	sshll.u32 s26, $0x4  }
0x10: {  	s5 =	sadd.s32 $0x5D400, s6;
	s6 =	sor.u32 $0x1C03, s29;
	s12 =	smax.u32 s15, $0x1  }
0x11: {  	s13 =	sshrl.u32 s13, $0x3;
	s15 =	simm.s32 $0x1400;
	s31 =	sadd.s32 $0x280, s30  }
0x12: {  	s7 =	sadd.s32 s9, s30;
	s8 =	sadd.s32 s11, s30;
	s9 =	sadd.s32 s9, s31  }
0x13: {  	s10 =	sadd.s32 s11, s31;
	s11 =	sadd.s32 $0x85400, s14;
	s14 =	simm.s32 $0x3  }
.LBB2_1:
0x14: {  	[spmem:s13], [sflag:s6] =	dma.local [hbm:s5], $0x2800  }
0x15: {  	_ =	swait.ge [sflag:s14], $0x2800  }
0x16: {  	[sflag:s14] =	ssyncset.done $0x0  }
0x17: {  	[sflag:s14] =	ssyncadd.s32 $0xFFFFD800  }
0x18: {  	[bflag:$0x0] =	sbarrier.arrive $0xFFFF  }
0x19: {  	[tilespmem:s3], [sflag:$0x3] =	stream.linear.gather [hbm4b:s7+s3], $0x1400, $0x38;
	[tilespmem:$0x1E900] =	vst v63  }
0x1a: {  	_ =	swait.ge [sflag:s14], $0x1400  }
0x1b: {  	[sflag:s14] =	ssyncset.done $0x0  }
0x1c: {  	[sflag:s14] =	ssyncadd.s32 $0xFFFFEC00  }
0x1d: {  	[tilespmem:s15], [sflag:$0x3] =	stream.linear.gather [hbm4b:s8+s3], $0x1400, $0x38;
	[tilespmem:$0x1E900] =	vst v63  }
0x1e: {  	_ =	swait.ge [sflag:s14], $0x1400  }
0x1f: {  	[sflag:s14] =	ssyncset.done $0x0  }
0x20: {  	[sflag:s14] =	ssyncadd.s32 $0xFFFFEC00  }
0x21: {  	[tilespmem:s17], [sflag:$0x1] =	stream.indirect.gather [hbm4b:s4+s16], $0x80, s3, s16, $0xb8;
	[tilespmem:$0x1E900] =	vst v63  }
0x22: {  	v0 =	vld [tilespmem:$0x1400]  }
0x23: {  	v1 =	vld [tilespmem:$0x1410]  }
0x24: {  	v2 =	vld [tilespmem:$0x1420]  }
0x25: {  	v3 =	vld [tilespmem:$0x1430]  }
0x26: {  	v4 =	vld [tilespmem:$0x1440]  }
0x27: {  	v60 =	vld [tilespmem:$0x1450];
	[tilespmem:$0x2800] =	vst v0  }
0x28: {  	v61 =	vld [tilespmem:$0x1460];
	[tilespmem:$0x2810] =	vst v1  }
0x29: {  	v62 =	vld [tilespmem:$0x1470];
	[tilespmem:$0x2820] =	vst v2  }
0x2a: {  	[tilespmem:$0x2830] =	vst v3  }
0x2b: {  	[tilespmem:$0x2840] =	vst v4  }
0x2c: {  	[tilespmem:$0x2850] =	vst v60  }
0x2d: {  	[tilespmem:$0x2860] =	vst v61  }
0x2e: {  	s25 =	simm.s32 $0x0;
	s26 =	simm.s32 $0x80;
	[tilespmem:$0x2870] =	vst v62  }
0x2f: {  	[tilespmem:s18], [sflag:$0x2] =	stream.indirect.gather [hbm4b:s4+s16], $0x80, s26, s16, $0xb8;
	[tilespmem:$0x1E900] =	vst v63  }
0x30: {  	v0 =	vld [tilespmem:s25+$0x1480];
	_ =	sdelay $0x4  }
0x31: {  	[tilespmem:$0x2880] =	vst v0  }
0x32: {  	v0 =	vld [tilespmem:s25+$0x1490];
	_ =	sdelay $0x4  }
0x33: {  	[tilespmem:$0x2890] =	vst v0  }
0x34: {  	v0 =	vld [tilespmem:s25+$0x14A0];
	_ =	sdelay $0x4  }
0x35: {  	[tilespmem:$0x28A0] =	vst v0  }
0x36: {  	v0 =	vld [tilespmem:s25+$0x14B0];
	_ =	sdelay $0x4  }
0x37: {  	[tilespmem:$0x28B0] =	vst v0  }
0x38: {  	v0 =	vld [tilespmem:s25+$0x14C0];
	_ =	sdelay $0x4  }
0x39: {  	[tilespmem:$0x28C0] =	vst v0  }
0x3a: {  	v0 =	vld [tilespmem:s25+$0x14D0];
	_ =	sdelay $0x4  }
0x3b: {  	[tilespmem:$0x28D0] =	vst v0  }
0x3c: {  	v0 =	vld [tilespmem:s25+$0x14E0];
	_ =	sdelay $0x4  }
0x3d: {  	[tilespmem:$0x28E0] =	vst v0  }
0x3e: {  	v0 =	vld [tilespmem:s25+$0x14F0];
	_ =	sdelay $0x4  }
0x3f: {  	[tilespmem:$0x28F0] =	vst v0  }
0x40: {  	_ =	swait.ge [sflag:s19], $0x4000  }
0x41: {  	[sflag:s19] =	ssyncset.done $0x0  }
0x42: {  	[sflag:s19] =	ssyncadd.s32 $0xFFFFC000  }
0x43: {  	[spmem:s2] =	stream.indirect.scatter.add.f32 [tilespmem:s17], [sflag:$0x3], $0x80, s20, s16, $0xb8;
	[tilespmem:$0x1E900] =	vst v63  }
0x44: {  	_ =	swait.ge [sflag:s14], $0x4000  }
0x45: {  	[sflag:s14] =	ssyncset.done $0x0  }
0x46: {  	s31 =	simm.s32 $0x100;
	[sflag:s14] =	ssyncadd.s32 $0xFFFFC000  }
0x47: {  	[tilespmem:s17], [sflag:$0x1] =	stream.indirect.gather [hbm4b:s4+s16], $0x80, s31, s16, $0xb8;
	[tilespmem:$0x1E900] =	vst v63  }
0x48: {  	v63 =	vld [tilespmem:s25+$0x1500];
	_ =	sdelay $0x4  }
0x49: {  	[tilespmem:$0x2800] =	vst v63  }
0x4a: {  	v0 =	vld [tilespmem:s25+$0x1510];
	_ =	sdelay $0x4  }
0x4b: {  	[tilespmem:$0x2810] =	vst v0  }
0x4c: {  	v0 =	vld [tilespmem:s25+$0x1520];
	_ =	sdelay $0x4  }
0x4d: {  	[tilespmem:$0x2820] =	vst v0  }
0x4e: {  	v0 =	vld [tilespmem:s25+$0x1530];
	_ =	sdelay $0x4  }
0x4f: {  	[tilespmem:$0x2830] =	vst v0  }
0x50: {  	v0 =	vld [tilespmem:s25+$0x1540];
	_ =	sdelay $0x4  }
0x51: {  	[tilespmem:$0x2840] =	vst v0  }
0x52: {  	v0 =	vld [tilespmem:s25+$0x1550];
	_ =	sdelay $0x4  }
0x53: {  	[tilespmem:$0x2850] =	vst v0  }
0x54: {  	v0 =	vld [tilespmem:s25+$0x1560];
	_ =	sdelay $0x4  }
0x55: {  	[tilespmem:$0x2860] =	vst v0  }
0x56: {  	v0 =	vld [tilespmem:s25+$0x1570];
	_ =	sdelay $0x4  }
0x57: {  	[tilespmem:$0x2870] =	vst v0  }
0x58: {  	_ =	swait.ge [sflag:s21], $0x4000  }
0x59: {  	[sflag:s21] =	ssyncset.done $0x0  }
0x5a: {  	[sflag:s21] =	ssyncadd.s32 $0xFFFFC000  }
0x5b: {  	[spmem:s2] =	stream.indirect.scatter.add.f32 [tilespmem:s18], [sflag:$0x3], $0x80, s22, s16, $0xb8;
	[tilespmem:$0x1E900] =	vst v63  }
0x5c: {  	_ =	swait.ge [sflag:s14], $0x4000  }
0x5d: {  	s29 =	simm.s32 $0x800;
	s25 =	simm.s32 $0x100;
	[sflag:s14] =	ssyncset.done $0x0  }
.LBB2_2:
0x5e: {  	s30 =	sadd.s32 $0x80, s25  }
0x5f: {  	[sflag:s14] =	ssyncadd.s32 $0xFFFFC000;
	s28 =	smov.u32 s29;
	s26 =	sadd.s32 $0x400, s29  }
0x60: {  	[tilespmem:s18], [sflag:$0x2] =	stream.indirect.gather [hbm4b:s4+s16], $0x80, s30, s16, $0xb8;
	[tilespmem:$0x1E900] =	vst v63  }
0x61: {  	p0 =	sne.s32 s29, $0x4800;
	v0 =	vld [tilespmem:s25+$0x1480];
	_ =	sdelay $0x4  }
0x62: {  	[tilespmem:$0x2880] =	vst v0  }
0x63: {  	v0 =	vld [tilespmem:s25+$0x1490];
	_ =	sdelay $0x4  }
0x64: {  	[tilespmem:$0x2890] =	vst v0  }
0x65: {  	v0 =	vld [tilespmem:s25+$0x14A0];
	_ =	sdelay $0x4  }
0x66: {  	[tilespmem:$0x28A0] =	vst v0  }
0x67: {  	v0 =	vld [tilespmem:s25+$0x14B0];
	_ =	sdelay $0x4  }
0x68: {  	[tilespmem:$0x28B0] =	vst v0  }
0x69: {  	v0 =	vld [tilespmem:s25+$0x14C0];
	_ =	sdelay $0x4  }
0x6a: {  	[tilespmem:$0x28C0] =	vst v0  }
0x6b: {  	v0 =	vld [tilespmem:s25+$0x14D0];
	_ =	sdelay $0x4  }
0x6c: {  	[tilespmem:$0x28D0] =	vst v0  }
0x6d: {  	v0 =	vld [tilespmem:s25+$0x14E0];
	_ =	sdelay $0x4  }
0x6e: {  	[tilespmem:$0x28E0] =	vst v0  }
0x6f: {  	v0 =	vld [tilespmem:s25+$0x14F0];
	_ =	sdelay $0x4  }
0x70: {  	[tilespmem:$0x28F0] =	vst v0  }
0x71: {  	_ =	swait.ge [sflag:s19], $0x4000  }
0x72: {  	[sflag:s19] =	ssyncset.done $0x0  }
0x73: {  	[sflag:s19] =	ssyncadd.s32 $0xFFFFC000  }
0x74: {  	[spmem:s2] =	stream.indirect.scatter.add.f32 [tilespmem:s17], [sflag:$0x3], $0x80, s20, s16, $0xb8;
	[tilespmem:$0x1E900] =	vst v63  }
0x75: {  	_ =	swait.ge [sflag:s14], $0x4000  }
0x76: {  	[sflag:s14] =	ssyncset.done $0x0  }
0x77: {  	s29 =	sadd.s32 $0x100, s25;
	[sflag:s14] =	ssyncadd.s32 $0xFFFFC000  }
0x78: {  	[tilespmem:s17], [sflag:$0x1] =	stream.indirect.gather [hbm4b:s4+s16], $0x80, s29, s16, $0xb8;
	[tilespmem:$0x1E900] =	vst v63  }
0x79: {  	v0 =	vld [tilespmem:s25+$0x1500];
	_ =	sdelay $0x4  }
0x7a: {  	[tilespmem:$0x2800] =	vst v0  }
0x7b: {  	v0 =	vld [tilespmem:s25+$0x1510];
	_ =	sdelay $0x4  }
0x7c: {  	[tilespmem:$0x2810] =	vst v0  }
0x7d: {  	v0 =	vld [tilespmem:s25+$0x1520];
	_ =	sdelay $0x4  }
0x7e: {  	[tilespmem:$0x2820] =	vst v0  }
0x7f: {  	v0 =	vld [tilespmem:s25+$0x1530];
	_ =	sdelay $0x4  }
0x80: {  	[tilespmem:$0x2830] =	vst v0  }
0x81: {  	v0 =	vld [tilespmem:s25+$0x1540];
	_ =	sdelay $0x4  }
0x82: {  	[tilespmem:$0x2840] =	vst v0  }
0x83: {  	v0 =	vld [tilespmem:s25+$0x1550];
	_ =	sdelay $0x4  }
0x84: {  	[tilespmem:$0x2850] =	vst v0  }
0x85: {  	v0 =	vld [tilespmem:s25+$0x1560];
	_ =	sdelay $0x4  }
0x86: {  	[tilespmem:$0x2860] =	vst v0  }
0x87: {  	v0 =	vld [tilespmem:s25+$0x1570];
	_ =	sdelay $0x4  }
0x88: {  	[tilespmem:$0x2870] =	vst v0  }
0x89: {  	_ =	swait.ge [sflag:s21], $0x4000  }
.Ltmp0:
0x8a: {  	[sflag:s21] =	ssyncset.done $0x0;
	(pc) =	sbr.rel @p0 .LBB2_2-.Ltmp0, $4  }
0x8b: {  	[sflag:s21] =	ssyncadd.s32 $0xFFFFC000  }
0x8c: {  	[spmem:s2] =	stream.indirect.scatter.add.f32 [tilespmem:s18], [sflag:$0x3], $0x80, s22, s16, $0xb8;
	[tilespmem:$0x1E900] =	vst v63  }
0x8d: {  	_ =	swait.ge [sflag:s14], $0x4000  }
0x8e: {  	s29 =	smov.u32 s26;
	s25 =	sshra.s32 s28, $0x2;
	[sflag:s14] =	ssyncset.done $0x0  }
0x8f: {  	s26 =	sadd.s32 $0x80, s25;
	[sflag:s14] =	ssyncadd.s32 $0xFFFFC000  }
0x90: {  	[tilespmem:s18], [sflag:$0x2] =	stream.indirect.gather [hbm4b:s4+s16], $0x80, s26, s16, $0xb8;
	[tilespmem:$0x1E900] =	vst v63  }
0x91: {  	v0 =	vld [tilespmem:s25+$0x1480];
	_ =	sdelay $0x4  }
0x92: {  	[tilespmem:$0x2880] =	vst v0  }
0x93: {  	v0 =	vld [tilespmem:s25+$0x1490];
	_ =	sdelay $0x4  }
0x94: {  	[tilespmem:$0x2890] =	vst v0  }
0x95: {  	v0 =	vld [tilespmem:s25+$0x14A0];
	_ =	sdelay $0x4  }
0x96: {  	[tilespmem:$0x28A0] =	vst v0  }
0x97: {  	v0 =	vld [tilespmem:s25+$0x14B0];
	_ =	sdelay $0x4  }
0x98: {  	[tilespmem:$0x28B0] =	vst v0  }
0x99: {  	v0 =	vld [tilespmem:s25+$0x14C0];
	_ =	sdelay $0x4  }
0x9a: {  	[tilespmem:$0x28C0] =	vst v0  }
0x9b: {  	v0 =	vld [tilespmem:s25+$0x14D0];
	_ =	sdelay $0x4  }
0x9c: {  	[tilespmem:$0x28D0] =	vst v0  }
0x9d: {  	v0 =	vld [tilespmem:s25+$0x14E0];
	_ =	sdelay $0x4  }
0x9e: {  	[tilespmem:$0x28E0] =	vst v0  }
0x9f: {  	v0 =	vld [tilespmem:s25+$0x14F0];
	_ =	sdelay $0x4  }
0xa0: {  	[tilespmem:$0x28F0] =	vst v0  }
0xa1: {  	_ =	swait.ge [sflag:s19], $0x4000  }
0xa2: {  	[sflag:s19] =	ssyncset.done $0x0  }
0xa3: {  	[sflag:s19] =	ssyncadd.s32 $0xFFFFC000  }
0xa4: {  	[spmem:s2] =	stream.indirect.scatter.add.f32 [tilespmem:s17], [sflag:$0x3], $0x80, s20, s16, $0xb8;
	[tilespmem:$0x1E900] =	vst v63  }
0xa5: {  	_ =	swait.ge [sflag:s14], $0x4000  }
0xa6: {  	[sflag:s14] =	ssyncset.done $0x0  }
0xa7: {  	s31 =	sadd.s32 $0x100, s25;
	[sflag:s14] =	ssyncadd.s32 $0xFFFFC000  }
0xa8: {  	[tilespmem:s17], [sflag:$0x1] =	stream.indirect.gather [hbm4b:s4+s16], $0x80, s31, s16, $0xb8;
	[tilespmem:$0x1E900] =	vst v63  }
0xa9: {  	v50 =	vld [tilespmem:s25+$0x1500];
	_ =	sdelay $0x4  }
0xaa: {  	[tilespmem:$0x2800] =	vst v50  }
0xab: {  	v0 =	vld [tilespmem:s25+$0x1510];
	_ =	sdelay $0x4  }
0xac: {  	[tilespmem:$0x2810] =	vst v0  }
0xad: {  	v0 =	vld [tilespmem:s25+$0x1520];
	_ =	sdelay $0x4  }
0xae: {  	[tilespmem:$0x2820] =	vst v0  }
0xaf: {  	v0 =	vld [tilespmem:s25+$0x1530];
	_ =	sdelay $0x4  }
0xb0: {  	[tilespmem:$0x2830] =	vst v0  }
0xb1: {  	v0 =	vld [tilespmem:s25+$0x1540];
	_ =	sdelay $0x4  }
0xb2: {  	[tilespmem:$0x2840] =	vst v0  }
0xb3: {  	v0 =	vld [tilespmem:s25+$0x1550];
	_ =	sdelay $0x4  }
0xb4: {  	[tilespmem:$0x2850] =	vst v0  }
0xb5: {  	v0 =	vld [tilespmem:s25+$0x1560];
	_ =	sdelay $0x4  }
0xb6: {  	[tilespmem:$0x2860] =	vst v0  }
0xb7: {  	v0 =	vld [tilespmem:s25+$0x1570];
	_ =	sdelay $0x4  }
0xb8: {  	[tilespmem:$0x2870] =	vst v0  }
0xb9: {  	_ =	swait.ge [sflag:s21], $0x4000  }
0xba: {  	[sflag:s21] =	ssyncset.done $0x0  }
0xbb: {  	[sflag:s21] =	ssyncadd.s32 $0xFFFFC000  }
0xbc: {  	[spmem:s2] =	stream.indirect.scatter.add.f32 [tilespmem:s18], [sflag:$0x3], $0x80, s22, s16, $0xb8;
	[tilespmem:$0x1E900] =	vst v63  }
0xbd: {  	_ =	swait.ge [sflag:s14], $0x4000  }
0xbe: {  	[sflag:s14] =	ssyncset.done $0x0  }
0xbf: {  	[sflag:s14] =	ssyncadd.s32 $0xFFFFC000  }
0xc0: {  	[tilespmem:s18], [sflag:$0x2] =	stream.indirect.gather [hbm4b:s4+s16], $0x80, s23, s16, $0xb8;
	[tilespmem:$0x1E900] =	vst v63  }
0xc1: {  	v51 =	vld [tilespmem:$0x2780]  }
0xc2: {  	v1 =	vld [tilespmem:$0x2790]  }
0xc3: {  	v2 =	vld [tilespmem:$0x27A0]  }
0xc4: {  	v3 =	vld [tilespmem:$0x27B0]  }
0xc5: {  	v4 =	vld [tilespmem:$0x27C0]  }
0xc6: {  	v52 =	vld [tilespmem:$0x27D0];
	[tilespmem:$0x2880] =	vst v51  }
0xc7: {  	v53 =	vld [tilespmem:$0x27E0];
	[tilespmem:$0x2890] =	vst v1  }
0xc8: {  	v54 =	vld [tilespmem:$0x27F0];
	[tilespmem:$0x28A0] =	vst v2  }
0xc9: {  	[tilespmem:$0x28B0] =	vst v3  }
0xca: {  	[tilespmem:$0x28C0] =	vst v4  }
0xcb: {  	[tilespmem:$0x28D0] =	vst v52  }
0xcc: {  	[tilespmem:$0x28E0] =	vst v53  }
0xcd: {  	[tilespmem:$0x28F0] =	vst v54  }
0xce: {  	_ =	swait.ge [sflag:s19], $0x4000  }
0xcf: {  	[sflag:s19] =	ssyncset.done $0x0  }
0xd0: {  	[sflag:s19] =	ssyncadd.s32 $0xFFFFC000  }
0xd1: {  	[spmem:s2] =	stream.indirect.scatter.add.f32 [tilespmem:s17], [sflag:$0x3], $0x80, s20, s16, $0xb8;
	[tilespmem:$0x1E900] =	vst v63  }
0xd2: {  	_ =	swait.ge [sflag:s14], $0x4000  }
0xd3: {  	[sflag:s14] =	ssyncset.done $0x0  }
0xd4: {  	[sflag:s14] =	ssyncadd.s32 $0xFFFFC000  }
0xd5: {  	_ =	swait.ge [sflag:s21], $0x4000  }
0xd6: {  	[sflag:s21] =	ssyncset.done $0x0  }
0xd7: {  	[sflag:s21] =	ssyncadd.s32 $0xFFFFC000  }
0xd8: {  	[spmem:s2] =	stream.indirect.scatter.add.f32 [tilespmem:s18], [sflag:$0x3], $0x80, s22, s16, $0xb8;
	[tilespmem:$0x1E900] =	vst v63  }
0xd9: {  	_ =	swait.ge [sflag:s14], $0x4000  }
0xda: {  	[sflag:s14] =	ssyncset.done $0x0  }
0xdb: {  	s26 =	simm.s32 $0x0;
	[sflag:s14] =	ssyncadd.s32 $0xFFFFC000  }
0xdc: {  	[tilespmem:s26], [sflag:$0x3] =	stream.linear.gather [hbm4b:s9+s26], $0x1400, $0x38;
	[tilespmem:$0x1E900] =	vst v63  }
0xdd: {  	_ =	swait.ge [sflag:s14], $0x1400  }
0xde: {  	[sflag:s14] =	ssyncset.done $0x0  }
0xdf: {  	[sflag:s14] =	ssyncadd.s32 $0xFFFFEC00  }
0xe0: {  	[tilespmem:s15], [sflag:$0x3] =	stream.linear.gather [hbm4b:s10+s26], $0x1400, $0x38;
	[tilespmem:$0x1E900] =	vst v63  }
0xe1: {  	_ =	swait.ge [sflag:s14], $0x1400  }
0xe2: {  	[sflag:s14] =	ssyncset.done $0x0  }
0xe3: {  	[sflag:s14] =	ssyncadd.s32 $0xFFFFEC00  }
0xe4: {  	[tilespmem:s17], [sflag:$0x1] =	stream.indirect.gather [hbm4b:s4+s16], $0x80, s26, s16, $0xb8;
	[tilespmem:$0x1E900] =	vst v63  }
0xe5: {  	v55 =	vld [tilespmem:$0x1400]  }
0xe6: {  	v56 =	vld [tilespmem:$0x1410]  }
0xe7: {  	v57 =	vld [tilespmem:$0x1420]  }
0xe8: {  	v58 =	vld [tilespmem:$0x1430]  }
0xe9: {  	v59 =	vld [tilespmem:$0x1440]  }
0xea: {  	v60 =	vld [tilespmem:$0x1450];
	[tilespmem:$0x2800] =	vst v55  }
0xeb: {  	v61 =	vld [tilespmem:$0x1460];
	[tilespmem:$0x2810] =	vst v56  }
0xec: {  	v62 =	vld [tilespmem:$0x1470];
	[tilespmem:$0x2820] =	vst v57  }
0xed: {  	[tilespmem:$0x2830] =	vst v58  }
0xee: {  	[tilespmem:$0x2840] =	vst v59  }
0xef: {  	[tilespmem:$0x2850] =	vst v60  }
0xf0: {  	[tilespmem:$0x2860] =	vst v61  }
0xf1: {  	s28 =	simm.s32 $0x0;
	s30 =	simm.s32 $0x80;
	[tilespmem:$0x2870] =	vst v62  }
0xf2: {  	[tilespmem:s18], [sflag:$0x2] =	stream.indirect.gather [hbm4b:s4+s16], $0x80, s30, s16, $0xb8;
	[tilespmem:$0x1E900] =	vst v63  }
0xf3: {  	v0 =	vld [tilespmem:s28+$0x1480];
	_ =	sdelay $0x4  }
0xf4: {  	[tilespmem:$0x2880] =	vst v0  }
0xf5: {  	v0 =	vld [tilespmem:s28+$0x1490];
	_ =	sdelay $0x4  }
0xf6: {  	[tilespmem:$0x2890] =	vst v0  }
0xf7: {  	v0 =	vld [tilespmem:s28+$0x14A0];
	_ =	sdelay $0x4  }
0xf8: {  	[tilespmem:$0x28A0] =	vst v0  }
0xf9: {  	v0 =	vld [tilespmem:s28+$0x14B0];
	_ =	sdelay $0x4  }
0xfa: {  	[tilespmem:$0x28B0] =	vst v0  }
0xfb: {  	v0 =	vld [tilespmem:s28+$0x14C0];
	_ =	sdelay $0x4  }
0xfc: {  	[tilespmem:$0x28C0] =	vst v0  }
0xfd: {  	v0 =	vld [tilespmem:s28+$0x14D0];
	_ =	sdelay $0x4  }
0xfe: {  	[tilespmem:$0x28D0] =	vst v0  }
0xff: {  	v0 =	vld [tilespmem:s28+$0x14E0];
	_ =	sdelay $0x4  }
0x100: {  	[tilespmem:$0x28E0] =	vst v0  }
0x101: {  	v0 =	vld [tilespmem:s28+$0x14F0];
	_ =	sdelay $0x4  }
0x102: {  	[tilespmem:$0x28F0] =	vst v0  }
0x103: {  	_ =	swait.ge [sflag:s19], $0x4000  }
0x104: {  	[sflag:s19] =	ssyncset.done $0x0  }
0x105: {  	[sflag:s19] =	ssyncadd.s32 $0xFFFFC000  }
0x106: {  	[spmem:s2] =	stream.indirect.scatter.add.f32 [tilespmem:s17], [sflag:$0x3], $0x80, s20, s16, $0xb8;
	[tilespmem:$0x1E900] =	vst v63  }
0x107: {  	_ =	swait.ge [sflag:s14], $0x4000  }
0x108: {  	[sflag:s14] =	ssyncset.done $0x0  }
0x109: {  	s31 =	simm.s32 $0x100;
	[sflag:s14] =	ssyncadd.s32 $0xFFFFC000  }
0x10a: {  	[tilespmem:s17], [sflag:$0x1] =	stream.indirect.gather [hbm4b:s4+s16], $0x80, s31, s16, $0xb8;
	[tilespmem:$0x1E900] =	vst v63  }
0x10b: {  	v63 =	vld [tilespmem:s28+$0x1500];
	_ =	sdelay $0x4  }
0x10c: {  	[tilespmem:$0x2800] =	vst v63  }
0x10d: {  	v0 =	vld [tilespmem:s28+$0x1510];
	_ =	sdelay $0x4  }
0x10e: {  	[tilespmem:$0x2810] =	vst v0  }
0x10f: {  	v0 =	vld [tilespmem:s28+$0x1520];
	_ =	sdelay $0x4  }
0x110: {  	[tilespmem:$0x2820] =	vst v0  }
0x111: {  	v0 =	vld [tilespmem:s28+$0x1530];
	_ =	sdelay $0x4  }
0x112: {  	[tilespmem:$0x2830] =	vst v0  }
0x113: {  	v0 =	vld [tilespmem:s28+$0x1540];
	_ =	sdelay $0x4  }
0x114: {  	[tilespmem:$0x2840] =	vst v0  }
0x115: {  	v0 =	vld [tilespmem:s28+$0x1550];
	_ =	sdelay $0x4  }
0x116: {  	[tilespmem:$0x2850] =	vst v0  }
0x117: {  	v0 =	vld [tilespmem:s28+$0x1560];
	_ =	sdelay $0x4  }
0x118: {  	[tilespmem:$0x2860] =	vst v0  }
0x119: {  	v0 =	vld [tilespmem:s28+$0x1570];
	_ =	sdelay $0x4  }
0x11a: {  	[tilespmem:$0x2870] =	vst v0  }
0x11b: {  	_ =	swait.ge [sflag:s21], $0x4000  }
0x11c: {  	[sflag:s21] =	ssyncset.done $0x0  }
0x11d: {  	[sflag:s21] =	ssyncadd.s32 $0xFFFFC000  }
0x11e: {  	[spmem:s2] =	stream.indirect.scatter.add.f32 [tilespmem:s18], [sflag:$0x3], $0x80, s22, s16, $0xb8;
	[tilespmem:$0x1E900] =	vst v63  }
0x11f: {  	_ =	swait.ge [sflag:s14], $0x4000  }
0x120: {  	s29 =	simm.s32 $0x800;
	s25 =	simm.s32 $0x100;
	[sflag:s14] =	ssyncset.done $0x0  }
.LBB2_4:
0x121: {  	s30 =	sadd.s32 $0x80, s25  }
0x122: {  	[sflag:s14] =	ssyncadd.s32 $0xFFFFC000;
	s28 =	smov.u32 s29;
	s26 =	sadd.s32 $0x400, s29  }
0x123: {  	[tilespmem:s18], [sflag:$0x2] =	stream.indirect.gather [hbm4b:s4+s16], $0x80, s30, s16, $0xb8;
	[tilespmem:$0x1E900] =	vst v63  }
0x124: {  	p0 =	sne.s32 s29, $0x4800;
	v0 =	vld [tilespmem:s25+$0x1480];
	_ =	sdelay $0x4  }
0x125: {  	[tilespmem:$0x2880] =	vst v0  }
0x126: {  	v0 =	vld [tilespmem:s25+$0x1490];
	_ =	sdelay $0x4  }
0x127: {  	[tilespmem:$0x2890] =	vst v0  }
0x128: {  	v0 =	vld [tilespmem:s25+$0x14A0];
	_ =	sdelay $0x4  }
0x129: {  	[tilespmem:$0x28A0] =	vst v0  }
0x12a: {  	v0 =	vld [tilespmem:s25+$0x14B0];
	_ =	sdelay $0x4  }
0x12b: {  	[tilespmem:$0x28B0] =	vst v0  }
0x12c: {  	v0 =	vld [tilespmem:s25+$0x14C0];
	_ =	sdelay $0x4  }
0x12d: {  	[tilespmem:$0x28C0] =	vst v0  }
0x12e: {  	v0 =	vld [tilespmem:s25+$0x14D0];
	_ =	sdelay $0x4  }
0x12f: {  	[tilespmem:$0x28D0] =	vst v0  }
0x130: {  	v0 =	vld [tilespmem:s25+$0x14E0];
	_ =	sdelay $0x4  }
0x131: {  	[tilespmem:$0x28E0] =	vst v0  }
0x132: {  	v0 =	vld [tilespmem:s25+$0x14F0];
	_ =	sdelay $0x4  }
0x133: {  	[tilespmem:$0x28F0] =	vst v0  }
0x134: {  	_ =	swait.ge [sflag:s19], $0x4000  }
0x135: {  	[sflag:s19] =	ssyncset.done $0x0  }
0x136: {  	[sflag:s19] =	ssyncadd.s32 $0xFFFFC000  }
0x137: {  	[spmem:s2] =	stream.indirect.scatter.add.f32 [tilespmem:s17], [sflag:$0x3], $0x80, s20, s16, $0xb8;
	[tilespmem:$0x1E900] =	vst v63  }
0x138: {  	_ =	swait.ge [sflag:s14], $0x4000  }
0x139: {  	[sflag:s14] =	ssyncset.done $0x0  }
0x13a: {  	s29 =	sadd.s32 $0x100, s25;
	[sflag:s14] =	ssyncadd.s32 $0xFFFFC000  }
0x13b: {  	[tilespmem:s17], [sflag:$0x1] =	stream.indirect.gather [hbm4b:s4+s16], $0x80, s29, s16, $0xb8;
	[tilespmem:$0x1E900] =	vst v63  }
0x13c: {  	v0 =	vld [tilespmem:s25+$0x1500];
	_ =	sdelay $0x4  }
0x13d: {  	[tilespmem:$0x2800] =	vst v0  }
0x13e: {  	v0 =	vld [tilespmem:s25+$0x1510];
	_ =	sdelay $0x4  }
0x13f: {  	[tilespmem:$0x2810] =	vst v0  }
0x140: {  	v0 =	vld [tilespmem:s25+$0x1520];
	_ =	sdelay $0x4  }
0x141: {  	[tilespmem:$0x2820] =	vst v0  }
0x142: {  	v0 =	vld [tilespmem:s25+$0x1530];
	_ =	sdelay $0x4  }
0x143: {  	[tilespmem:$0x2830] =	vst v0  }
0x144: {  	v0 =	vld [tilespmem:s25+$0x1540];
	_ =	sdelay $0x4  }
0x145: {  	[tilespmem:$0x2840] =	vst v0  }
0x146: {  	v0 =	vld [tilespmem:s25+$0x1550];
	_ =	sdelay $0x4  }
0x147: {  	[tilespmem:$0x2850] =	vst v0  }
0x148: {  	v0 =	vld [tilespmem:s25+$0x1560];
	_ =	sdelay $0x4  }
0x149: {  	[tilespmem:$0x2860] =	vst v0  }
0x14a: {  	v0 =	vld [tilespmem:s25+$0x1570];
	_ =	sdelay $0x4  }
0x14b: {  	[tilespmem:$0x2870] =	vst v0  }
0x14c: {  	_ =	swait.ge [sflag:s21], $0x4000  }
.Ltmp1:
0x14d: {  	[sflag:s21] =	ssyncset.done $0x0;
	(pc) =	sbr.rel @p0 .LBB2_4-.Ltmp1, $4  }
0x14e: {  	[sflag:s21] =	ssyncadd.s32 $0xFFFFC000  }
0x14f: {  	[spmem:s2] =	stream.indirect.scatter.add.f32 [tilespmem:s18], [sflag:$0x3], $0x80, s22, s16, $0xb8;
	[tilespmem:$0x1E900] =	vst v63  }
0x150: {  	_ =	swait.ge [sflag:s14], $0x4000  }
0x151: {  	s29 =	smov.u32 s26;
	s25 =	sshra.s32 s28, $0x2;
	[sflag:s14] =	ssyncset.done $0x0  }
0x152: {  	s26 =	sadd.s32 $0x80, s25;
	[sflag:s14] =	ssyncadd.s32 $0xFFFFC000  }
0x153: {  	[tilespmem:s18], [sflag:$0x2] =	stream.indirect.gather [hbm4b:s4+s16], $0x80, s26, s16, $0xb8;
	[tilespmem:$0x1E900] =	vst v63  }
0x154: {  	v0 =	vld [tilespmem:s25+$0x1480];
	_ =	sdelay $0x4  }
0x155: {  	[tilespmem:$0x2880] =	vst v0  }
0x156: {  	v0 =	vld [tilespmem:s25+$0x1490];
	_ =	sdelay $0x4  }
0x157: {  	[tilespmem:$0x2890] =	vst v0  }
0x158: {  	v0 =	vld [tilespmem:s25+$0x14A0];
	_ =	sdelay $0x4  }
0x159: {  	[tilespmem:$0x28A0] =	vst v0  }
0x15a: {  	v0 =	vld [tilespmem:s25+$0x14B0];
	_ =	sdelay $0x4  }
0x15b: {  	[tilespmem:$0x28B0] =	vst v0  }
0x15c: {  	v0 =	vld [tilespmem:s25+$0x14C0];
	_ =	sdelay $0x4  }
0x15d: {  	[tilespmem:$0x28C0] =	vst v0  }
0x15e: {  	v0 =	vld [tilespmem:s25+$0x14D0];
	_ =	sdelay $0x4  }
0x15f: {  	[tilespmem:$0x28D0] =	vst v0  }
0x160: {  	v0 =	vld [tilespmem:s25+$0x14E0];
	_ =	sdelay $0x4  }
0x161: {  	[tilespmem:$0x28E0] =	vst v0  }
0x162: {  	v0 =	vld [tilespmem:s25+$0x14F0];
	_ =	sdelay $0x4  }
0x163: {  	[tilespmem:$0x28F0] =	vst v0  }
0x164: {  	_ =	swait.ge [sflag:s19], $0x4000  }
0x165: {  	[sflag:s19] =	ssyncset.done $0x0  }
0x166: {  	[sflag:s19] =	ssyncadd.s32 $0xFFFFC000  }
0x167: {  	[spmem:s2] =	stream.indirect.scatter.add.f32 [tilespmem:s17], [sflag:$0x3], $0x80, s20, s16, $0xb8;
	[tilespmem:$0x1E900] =	vst v63  }
0x168: {  	_ =	swait.ge [sflag:s14], $0x4000  }
0x169: {  	[sflag:s14] =	ssyncset.done $0x0  }
0x16a: {  	s31 =	sadd.s32 $0x100, s25;
	[sflag:s14] =	ssyncadd.s32 $0xFFFFC000  }
0x16b: {  	[tilespmem:s17], [sflag:$0x1] =	stream.indirect.gather [hbm4b:s4+s16], $0x80, s31, s16, $0xb8;
	[tilespmem:$0x1E900] =	vst v63  }
0x16c: {  	v59 =	vld [tilespmem:s25+$0x1500];
	_ =	sdelay $0x4  }
0x16d: {  	[tilespmem:$0x2800] =	vst v59  }
0x16e: {  	v0 =	vld [tilespmem:s25+$0x1510];
	_ =	sdelay $0x4  }
0x16f: {  	[tilespmem:$0x2810] =	vst v0  }
0x170: {  	v0 =	vld [tilespmem:s25+$0x1520];
	_ =	sdelay $0x4  }
0x171: {  	[tilespmem:$0x2820] =	vst v0  }
0x172: {  	v0 =	vld [tilespmem:s25+$0x1530];
	_ =	sdelay $0x4  }
0x173: {  	[tilespmem:$0x2830] =	vst v0  }
0x174: {  	v0 =	vld [tilespmem:s25+$0x1540];
	_ =	sdelay $0x4  }
0x175: {  	[tilespmem:$0x2840] =	vst v0  }
0x176: {  	v0 =	vld [tilespmem:s25+$0x1550];
	_ =	sdelay $0x4  }
0x177: {  	[tilespmem:$0x2850] =	vst v0  }
0x178: {  	v0 =	vld [tilespmem:s25+$0x1560];
	_ =	sdelay $0x4  }
0x179: {  	[tilespmem:$0x2860] =	vst v0  }
0x17a: {  	v0 =	vld [tilespmem:s25+$0x1570];
	_ =	sdelay $0x4  }
0x17b: {  	[tilespmem:$0x2870] =	vst v0  }
0x17c: {  	_ =	swait.ge [sflag:s21], $0x4000  }
0x17d: {  	[sflag:s21] =	ssyncset.done $0x0  }
0x17e: {  	[sflag:s21] =	ssyncadd.s32 $0xFFFFC000  }
0x17f: {  	[spmem:s2] =	stream.indirect.scatter.add.f32 [tilespmem:s18], [sflag:$0x3], $0x80, s22, s16, $0xb8;
	[tilespmem:$0x1E900] =	vst v63  }
0x180: {  	_ =	swait.ge [sflag:s14], $0x4000  }
0x181: {  	[sflag:s14] =	ssyncset.done $0x0  }
0x182: {  	[sflag:s14] =	ssyncadd.s32 $0xFFFFC000  }
0x183: {  	[tilespmem:s18], [sflag:$0x2] =	stream.indirect.gather [hbm4b:s4+s16], $0x80, s23, s16, $0xb8;
	[tilespmem:$0x1E900] =	vst v63  }
0x184: {  	v60 =	vld [tilespmem:$0x2780]  }
0x185: {  	v1 =	vld [tilespmem:$0x2790]  }
0x186: {  	v2 =	vld [tilespmem:$0x27A0]  }
0x187: {  	v3 =	vld [tilespmem:$0x27B0]  }
0x188: {  	v4 =	vld [tilespmem:$0x27C0]  }
0x189: {  	v61 =	vld [tilespmem:$0x27D0];
	[tilespmem:$0x2880] =	vst v60  }
0x18a: {  	v62 =	vld [tilespmem:$0x27E0];
	[tilespmem:$0x2890] =	vst v1  }
0x18b: {  	v63 =	vld [tilespmem:$0x27F0];
	[tilespmem:$0x28A0] =	vst v2  }
0x18c: {  	[tilespmem:$0x28B0] =	vst v3  }
0x18d: {  	[tilespmem:$0x28C0] =	vst v4  }
0x18e: {  	[tilespmem:$0x28D0] =	vst v61  }
0x18f: {  	[tilespmem:$0x28E0] =	vst v62  }
0x190: {  	[tilespmem:$0x28F0] =	vst v63  }
0x191: {  	_ =	swait.ge [sflag:s19], $0x4000  }
0x192: {  	[sflag:s19] =	ssyncset.done $0x0  }
0x193: {  	[sflag:s19] =	ssyncadd.s32 $0xFFFFC000  }
0x194: {  	[spmem:s2] =	stream.indirect.scatter.add.f32 [tilespmem:s17], [sflag:$0x3], $0x80, s20, s16, $0xb8;
	[tilespmem:$0x1E900] =	vst v63  }
0x195: {  	_ =	swait.ge [sflag:s14], $0x4000  }
0x196: {  	[sflag:s14] =	ssyncset.done $0x0  }
0x197: {  	[sflag:s14] =	ssyncadd.s32 $0xFFFFC000  }
0x198: {  	_ =	swait.ge [sflag:s21], $0x4000  }
0x199: {  	[sflag:s21] =	ssyncset.done $0x0  }
0x19a: {  	[sflag:s21] =	ssyncadd.s32 $0xFFFFC000  }
0x19b: {  	[spmem:s2] =	stream.indirect.scatter.add.f32 [tilespmem:s18], [sflag:$0x3], $0x80, s22, s16, $0xb8;
	[tilespmem:$0x1E900] =	vst v63  }
0x19c: {  	_ =	swait.ge [sflag:s14], $0x4000  }
0x19d: {  	s24 =	sadd.s32 $0x1, s24;
	[sflag:s14] =	ssyncset.done $0x0  }
0x19e: {  	p0 =	sne.s32 s24, s12;
	[sflag:s14] =	ssyncadd.s32 $0xFFFFC000  }
.Ltmp2:
0x19f: {  	[bflag:$0x0] =	sbarrier.arrive $0xFFFF;
	(pc) =	sbr.rel @p0 .LBB2_1-.Ltmp2, $4  }
0x1a0: {  	[hbm:s11], [sflag:s6] =	dma.local [spmem:s13], $0x2800  }
0x1a1: {  	_ =	swait.ge [sflag:s14], $0x2800  }
0x1a2: {  	[sflag:s14] =	ssyncset.done $0x0  }
0x1a3: {  	[sflag:s14] =	ssyncadd.s32 $0xFFFFD800  }
0x1a4: {  	_ =	sfence.sel $0x180000  }
0x1a5: {  	[bflag:$0x0] =	sbarrier.arrive $0xFFFF  }
0x1a6: {  	p0 =	sne.s32 s1, $0x0;
	_ =	strace $0x9000004A  }
0x1a7: {  	s0 =	sadd.s32 @!p0 $0x100000, s0;
	[bflag:$0x2] =	sbarrier.arrive $0xFFFF  }
0x1a8: {  	[sflag:s0] =	ssyncadd.tile.s32 @!p0 $0x1;
	_ =	shalt  }
.Lfunc_end2:
_tile_overlayer_lowered:
.L_overlay_start_2:
0x1a9: {  	(tag) =	ssettag $0x2  }
0x1aa: {  	s0 =	rddreg [dreg:$0x0];
	s2 =	stileid.u32  }
0x1ab: {  	s1 =	rddreg [dreg:$0x1];
	p0 =	sne.s32 s2, $0x0  }
0x1ac: {  	s3 =	rddreg [dreg:$0x2];
	[bflag:$0x3] =	sbarrier.arrive $0xFFFF;
	s2 =	simm.s32 @!p0 $0x1C03  }
0x1ad: {  	[timem:s3], [sflag:s2] =	dma.local @!p0 [hbm:s0], s1  }
0x1ae: {  	s0 =	simm.s32 @!p0 $0x3  }
0x1af: {  	_ =	swait.ge @!p0 [sflag:s0], s1  }
0x1b0: {  	s1 =	ssub.s32 @!p0 $0x0, s1;
	[sflag:s0] =	ssyncset.done @!p0 $0x0  }
0x1b1: {  	[sflag:s0] =	ssyncadd.s32 @!p0 s1  }
0x1b2: {  	[bflag:$0x3] =	sbarrier.arrive $0xFFFF  }
0x1b3: {  	_ =	shalt  }

// kernel: kernel.16.cloned.1.call-start
scs
__scs_entry_jumppad:
0x0: {  	(pc) =	sbr.rel $0x88, $3  }
0x1: {  	(tag) =	ssettag $0x0;
	lr =	simm.s32 $0x1  }
0x2: {  	[smem:$0x3F98] =	sst lr;
	_ =	strace $0xD0000000  }
0x3: {  	_ = 	snop  }
0x4: {  	_ = 	snop  }
0x5: {  	_ = 	snop  }
0x6: {  	_ = 	snop  }
0x7: {  	_ = 	snop  }
__scs_overlays_trampoline_lowered:
0x8: {  	[smem:$0x3FA7] =	sst s0  }
0x9: {  	[smem:$0x3FA8] =	sst s1  }
0xa: {  	[smem:$0x3FA9] =	sst s2  }
0xb: {  	[smem:$0x3FAA] =	sst s3  }
0xc: {  	[smem:$0x3FAB] =	sst s4  }
0xd: {  	[smem:$0x3FAC] =	sst s5  }
0xe: {  	[smem:$0x3FAD] =	sst s6  }
0xf: {  	[smem:$0x3FAE] =	sst s7  }
0x10: {  	[smem:$0x3FAF] =	sst s8  }
0x11: {  	[smem:$0x3FB0] =	sst s9;
	s0 =	simm.s32 @!p0 $0x0  }
0x12: {  	s1 =	sld [smem:$0x3F96];
	s0 =	simm.s32 @p0 $0x1  }
0x13: {  	[smem:$0x3FB1] =	sst s0;
	s0 =	simm.s32 @!p1 $0x0  }
0x14: {  	s2 =	sld [smem:$0x3F95];
	s0 =	simm.s32 @p1 $0x1  }
0x15: {  	[smem:$0x3FB2] =	sst s0;
	s0 =	simm.s32 @!p2 $0x0  }
0x16: {  	s3 =	sld [smem:$0x3FDB];
	s0 =	simm.s32 @p2 $0x1  }
0x17: {  	s4 =	simm.s32 $0x1BF5;
	[smem:$0x3FB4] =	sst s0  }
0x18: {  	s0 =	sld [smem:$0x3F97];
	_ =	swait.ge [sflag:s4], $0x0  }
0x19: {  	s7 =	sld [smem:$0x3F98]  }
0x1a: {  	s8 =	sadd.s32 $0xFFFFE003, lr  }
0x1b: {  	s9 =	sadd.s32 $0xFFFFFEF7, lr;
	s5 =	simm.s32 $0xFFFFFFFF;
	p2 =	slt.u32 s8, $0xFFFFF086  }
0x1c: {  	p1 =	slt.u32 s9, $0xF7A;
	s5 =	simm.s32 @!p2 $0x0  }
0x1d: {  	s5 =	simm.s32 @p1 $0x1;
	p0 =	seq.s32 s7, s2  }
0x1e: {  	s7 =	smul.u32 @!p0 $0xF7A, s2;
	p2 =	seq.s32 @!p0 s5, $0x0  }
0x1f: {  	s9 =	smul.u32 $0xF7A, s1;
	s8 =	simm.s32 @!p0 $0x1BF5;
	p2 =	por !p2, p0  }
0x20: {  	[sflag:s8] =	ssyncset.s32 @!p0 $0xFFFFF086;
	s6 =	sadd.s32 @!p0 s3, s7;
	s7 =	simm.s32 @!p0 $0x108  }
0x21: {  	s3 =	sadd.s32 s3, s9;
	s6 =	sadd.s32 @!p0 $0x88, s6;
	s7 =	simm.s32 @p2 $0x1082  }
0x22: {  	[simem:s7], [sflag:s8] =	dma.local @!p0 [hbm:s6], $0xF7A  }
0x23: {  	s9 =	sor.u32 $0xD0000000, s2;
	s6 =	simm.s32 $0x108;
	_ =	swait.ge @!p0 [sflag:s8], $0x0  }
0x24: {  	s3 =	sadd.s32 $0x88, s3;
	s6 =	simm.s32 @!p1 $0x1082;
	[sflag:s4] =	ssyncset.s32 $0xFFFFF086  }
0x25: {  	[simem:s6], [sflag:s4] =	dma.local [hbm:s3], $0xF7A  }
0x26: {  	[smem:$0x3F98] =	sst s1;
	(tag) =	ssettag s2;
	_ =	strace s9  }
0x27: {  	s1 =	sld [smem:$0x3FA8]  }
0x28: {  	s2 =	sld [smem:$0x3FA9]  }
0x29: {  	s4 =	sld [smem:$0x3FAB]  }
0x2a: {  	p0 =	seq.s32 s5, $0x0;
	s5 =	sld [smem:$0x3FAC]  }
0x2b: {  	s6 =	sld [smem:$0x3FAD]  }
0x2c: {  	s7 =	sld [smem:$0x3FAE]  }
0x2d: {  	s3 =	simm.s32 $0x108;
	s8 =	sld [smem:$0x3FAF]  }
0x2e: {  	s3 =	simm.s32 @!p0 $0x1082;
	s9 =	sld [smem:$0x3FB0]  }
0x2f: {  	lr =	sadd.s32 s0, s3;
	s0 =	sld [smem:$0x3FA7]  }
0x30: {  	s3 =	sld [smem:$0x3FAA]  }
0x31: {  	[smem:$0x3FB3] =	sst s10  }
0x32: {  	s10 =	sld [smem:$0x3FB1];
	_ =	sdelay $0x3  }
0x33: {  	p0 =	seq.s32 s10, $0x1;
	s10 =	sld [smem:$0x3FB3];
	_ =	sdelay $0x3  }
0x34: {  	[smem:$0x3FB3] =	sst s10  }
0x35: {  	s10 =	sld [smem:$0x3FB2];
	_ =	sdelay $0x3  }
0x36: {  	p1 =	seq.s32 s10, $0x1;
	s10 =	sld [smem:$0x3FB3];
	_ =	sdelay $0x3  }
0x37: {  	[smem:$0x3FB3] =	sst s10  }
0x38: {  	s10 =	sld [smem:$0x3FB4]  }
0x39: {  	_ = 	snop;
	(pc) =	sbr.ind lr, $3  }
0x3a: {  	_ = 	snop  }
0x3b: {  	_ = 	snop  }
0x3c: {  	p2 =	seq.s32 s10, $0x1;
	s10 =	sld [smem:$0x3FB3]  }
0x3d: {  	_ =	shalt  }
0x3e: {  	_ =	shalt  }
0x3f: {  	_ =	shalt  }
0x40: {  	_ =	shalt  }
0x41: {  	_ =	shalt  }
0x42: {  	_ =	shalt  }
0x43: {  	_ =	shalt  }
0x44: {  	_ =	shalt  }
0x45: {  	_ =	shalt  }
0x46: {  	_ =	shalt  }
0x47: {  	_ =	shalt  }
0x48: {  	_ =	shalt  }
0x49: {  	_ =	shalt  }
0x4a: {  	_ =	shalt  }
0x4b: {  	_ =	shalt  }
0x4c: {  	_ =	shalt  }
0x4d: {  	_ =	shalt  }
0x4e: {  	_ =	shalt  }
0x4f: {  	_ =	shalt  }
0x50: {  	_ =	shalt  }
0x51: {  	_ =	shalt  }
0x52: {  	_ =	shalt  }
0x53: {  	_ =	shalt  }
0x54: {  	_ =	shalt  }
0x55: {  	_ =	shalt  }
0x56: {  	_ =	shalt  }
0x57: {  	_ =	shalt  }
0x58: {  	_ =	shalt  }
0x59: {  	_ =	shalt  }
0x5a: {  	_ =	shalt  }
0x5b: {  	_ =	shalt  }
0x5c: {  	_ =	shalt  }
0x5d: {  	_ =	shalt  }
0x5e: {  	_ =	shalt  }
0x5f: {  	_ =	shalt  }
0x60: {  	_ =	shalt  }
0x61: {  	_ =	shalt  }
0x62: {  	_ =	shalt  }
0x63: {  	_ =	shalt  }
0x64: {  	_ =	shalt  }
0x65: {  	_ =	shalt  }
0x66: {  	_ =	shalt  }
0x67: {  	_ =	shalt  }
0x68: {  	_ =	shalt  }
0x69: {  	_ =	shalt  }
0x6a: {  	_ =	shalt  }
0x6b: {  	_ =	shalt  }
0x6c: {  	_ =	shalt  }
0x6d: {  	_ =	shalt  }
0x6e: {  	_ =	shalt  }
0x6f: {  	_ =	shalt  }
0x70: {  	_ =	shalt  }
0x71: {  	_ =	shalt  }
0x72: {  	_ =	shalt  }
0x73: {  	_ =	shalt  }
0x74: {  	_ =	shalt  }
0x75: {  	_ =	shalt  }
0x76: {  	_ =	shalt  }
0x77: {  	_ =	shalt  }
0x78: {  	_ =	shalt  }
0x79: {  	_ =	shalt  }
0x7a: {  	_ =	shalt  }
0x7b: {  	_ =	shalt  }
0x7c: {  	_ =	shalt  }
0x7d: {  	_ =	shalt  }
0x7e: {  	_ =	shalt  }
0x7f: {  	_ =	shalt  }
0x80: {  	_ =	shalt  }
0x81: {  	_ =	shalt  }
0x82: {  	_ =	shalt  }
0x83: {  	_ =	shalt  }
0x84: {  	_ =	shalt  }
0x85: {  	_ =	shalt  }
0x86: {  	_ =	shalt  }
0x87: {  	_ =	shalt  }
.Lfunc_end0:
.L_simem_size_0:
called_computation.2_lowered:
.L_overlay_start_0:
0x88: {  	s2 =	sld [smem:$0x3FD9]  }
0x89: {  	s3 =	sld [smem:$0x3FFE];
	_ =	sdelay $0x1  }
0x8a: {  	s1 =	srdreg.scid  }
0x8b: {  	s0 =	sand.u32 $0x1, s1  }
0x8c: {  	s17 =	sshll.u32 s0, $0xA;
	s2 =	sadd.s32 s3, s2  }
0x8d: {  	s2 =	sadd.s32 s2, s17  }
0x8e: {  	[smem:$0x3FBF] =	sst s2  }
0x8f: {  	_ = 	snop  }
0x90: {  	s2 =	sld [smem:$0x3FD0];
	(tm) =	ssettm $0x1  }
0x91: {  	s18 =	sld [smem:$0x3FFB];
	_ =	sdelay $0x3  }
0x92: {  	_ =	strace s18  }
0x93: {  	s3 =	sld [smem:$0x3FFC];
	_ =	sdelay $0x3  }
0x94: {  	_ =	strace s3  }
0x95: {  	s3 =	sld [smem:$0x3FFD];
	_ =	sdelay $0x3  }
0x96: {  	_ =	strace s3  }
0x97: {  	_ =	strace $0x8FFFFFFF  }
0x98: {  	s19 =	sld [smem:$0x3FDB];
	_ =	sdelay $0x1  }
0x99: {  	s4 =	simm.s32 $_scs_section_size  }
0x9a: {  	s5 =	simm.s32 $_size__tile_overlayer_lowered;
	s6 =	simm.s32 $_tile_overlayer_lowered  }
0x9b: {  	s22 =	simm.s32 $0x1BFF;
	s21 =	sshll.u32 s6, $0x1;
	s3 =	sadd.s32 s4, s19  }
0x9c: {  	s7 =	simm.s32 $0x0;
	s20 =	sshll.u32 s5, $0x1;
	s5 =	sadd.s32 s21, s3  }
0x9d: {  	[timem:s7], [sflag:s22] =	dma.local [hbm:s5], s20  }
0x9e: {  	_ =	swait.ge [sflag:s22], s20  }
0x9f: {  	s4 =	ssub.s32 $0x0, s20;
	[sflag:s22] =	ssyncset.done $0x0  }
0xa0: {  	[sflag:s22] =	ssyncadd.s32 s4;
	_ =	sdelay $0x1  }
0xa1: {  	s23 =	simm.s32 $0x1B8B  }
0xa2: {  	_ =	swait.ge [sflag:s23], $0x1  }
0xa3: {  	[sflag:s23] =	ssyncset.done $0x0  }
0xa4: {  	s25 =	simm.s32 $0x1B8E;
	s24 =	sld [smem:$0x3FFE];
	[sflag:s23] =	ssyncadd.s32 $0xFFFFFFFF  }
0xa5: {  	s26 =	simm.s32 $execute0_lowered;
	[smem:$0x3FD2] =	sst s25  }
0xa6: {  	s5 =	sshll.u32 s26, $0x1;
	_ =	strace $0x8000004C;
	[dreg:$0x1] =	wrdreg $0xFFFFFFFF  }
0xa7: {  	s28 =	simm.s32 $_size_execute0_lowered;
	s3 =	sadd.s32 s3, s5;
	[dreg:$0x0] =	wrdreg $0x0  }
0xa8: {  	s5 =	sshll.u32 s28, $0x1;
	[dreg:$0x2] =	wrdreg s3  }
0xa9: {  	[dreg:$0x3] =	wrdreg s5  }
0xaa: {  	[dreg:$0x4] =	wrdreg $0xC0  }
0xab: {  	_ =	task [dreg:s7], $0x5FFFF  }
0xac: {  	[dreg:$0x1] =	wrdreg $0xFFFFFFFF  }
0xad: {  	[dreg:$0x0] =	wrdreg $0x60  }
0xae: {  	[dreg:$0x2] =	wrdreg s24  }
0xaf: {  	[dreg:$0x3] =	wrdreg s2  }
0xb0: {  	[dreg:$0x4] =	wrdreg $0xA9000  }
0xb1: {  	[dreg:$0x5] =	wrdreg $0x9  }
0xb2: {  	_ =	task.clear_ibuf [dreg:s7], $0x6FFFF;
	_ =	strace $0x9000004C  }
0xb3: {  	s29 =	simm.s32 $0x9;
	_ =	strace $0x8000004E  }
0xb4: {  	_ =	swait.ge [sflag:s29], $0x1  }
0xb5: {  	[sflag:s29] =	ssyncadd.s32 $0xFFFFFFFF  }
0xb6: {  	_ =	strace $0x9000004E  }
0xb7: {  	_ =	sfence  }
0xb8: {  	s30 =	sld [smem:$0x0];
	_ =	sdelay $0x2  }
0xb9: {  	s31 =	sshll.u32 s1, $0xD;
	s1 =	sshrl.u32 s1, $0x2  }
0xba: {  	s3 =	sand.u32 $0x4000, s31;
	s1 =	sadd.s32 s1, s30  }
0xbb: {  	s0 =	sor.u32 s3, s0;
	s1 =	sshll.u32 s1, $0x11  }
0xbc: {  	s0 =	sor.u32 s1, s0  }
0xbd: {  	s0 =	sadd.s32 $0x8F2B, s0  }
0xbe: {  	[sflag:s0] =	ssyncadd.remote.s32 $0x1  }
0xbf: {  	_ =	sfence.sel $0xFFFF  }
0xc0: {  	[dreg:$0x0] =	wrdreg $0xFFFFFFFF;
	(pc) =	sbr.abs _section_cstart, $3  }
0xc1: {  	[dreg:$0x1] =	wrdreg $0xFFFFFFFF  }
0xc2: {  	_ =	task.clear_ibuf [dreg:s7], $0x2FFFF;
	_ =	strace $0x9FFFFFFF  }
0xc3: {  	(tm) =	ssettm $0x7FFFFFFF  }
tec
execute0_lowered:
.L_overlay_start_1:
0x0: {  	(tag) =	ssettag $0x1  }
0x1: {  	s5 =	rddreg [dreg:$0x0]  }
0x2: {  	s9 =	rddreg [dreg:$0x1]  }
0x3: {  	s2 =	rddreg [dreg:$0x2]  }
0x4: {  	s0 =	rddreg [dreg:$0x3]  }
0x5: {  	s1 =	stileid.u32;
	s4 =	srdreg.scid;
	s3 =	simm.s32 $0x0  }
0x6: {  	s16 =	simm.s32 $0x80;
	s17 =	simm.s32 $0x2900;
	s18 =	simm.s32 $0x6900  }
0x7: {  	s19 =	simm.s32 $0x1;
	s20 =	simm.s32 $0x2800;
	s21 =	simm.s32 $0x2  }
0x8: {  	s22 =	simm.s32 $0x2880;
	s23 =	simm.s32 $0x1380;
	s6 =	smul.u32 $0x2800, s1  }
0x9: {  	s24 =	simm.s32 $0x0;
	s7 =	sand.u32 $0x1, s4;
	s12 =	smul.u32 $0x50, s1  }
0xa: {  	[smem:$0x7FF] =	sst s3;
	s4 =	sadd.s32 $0xD400, s5;
	s13 =	smul.u32 $0x50000, s1  }
0xb: {  	s11 =	sadd.s32 $0x3400, s5;
	s29 =	sshll.u32 s1, $0x6;
	s8 =	smul.u32 $0x28000, s7  }
0xc: {  	_ =	strace $0x8000004D;
	s10 =	smul.u32 $0x500, s7;
	s7 =	ssub.s32 $0x2, s7  }
0xd: {  	s25 =	sshrl.u32 s7, $0x1;
	s28 =	sshrl.u32 s13, $0x2;
	s8 =	sadd.s32 s6, s8  }
0xe: {  	s6 =	sadd.s32 s6, s5;
	s15 =	ssub.s32 s7, s25;
	s26 =	sadd.s32 s12, s10  }
0xf: {  	s13 =	sadd.s32 s28, s2;
	s14 =	sadd.s32 s8, s5;
	s30 =	sshll.u32 s26, $0x4  }
0x10: {  	s5 =	sadd.s32 $0x5D400, s6;
	s6 =	sor.u32 $0x1C03, s29;
	s12 =	smax.u32 s15, $0x1  }
0x11: {  	s13 =	sshrl.u32 s13, $0x3;
	s15 =	simm.s32 $0x1400;
	s31 =	sadd.s32 $0x280, s30  }
0x12: {  	s7 =	sadd.s32 s9, s30;
	s8 =	sadd.s32 s11, s30;
	s9 =	sadd.s32 s9, s31  }
0x13: {  	s10 =	sadd.s32 s11, s31;
	s11 =	sadd.s32 $0x85400, s14;
	s14 =	simm.s32 $0x3  }
.LBB2_1:
0x14: {  	[spmem:s13], [sflag:s6] =	dma.local [hbm:s5], $0x2800  }
0x15: {  	_ =	swait.ge [sflag:s14], $0x2800  }
0x16: {  	[sflag:s14] =	ssyncset.done $0x0  }
0x17: {  	[sflag:s14] =	ssyncadd.s32 $0xFFFFD800  }
0x18: {  	[bflag:$0x0] =	sbarrier.arrive $0xFFFF  }
0x19: {  	[tilespmem:s3], [sflag:$0x3] =	stream.linear.gather [hbm4b:s7+s3], $0x1400, $0x38;
	[tilespmem:$0x1E900] =	vst v63  }
0x1a: {  	_ =	swait.ge [sflag:s14], $0x1400  }
0x1b: {  	[sflag:s14] =	ssyncset.done $0x0  }
0x1c: {  	[sflag:s14] =	ssyncadd.s32 $0xFFFFEC00  }
0x1d: {  	[tilespmem:s15], [sflag:$0x3] =	stream.linear.gather [hbm4b:s8+s3], $0x1400, $0x38;
	[tilespmem:$0x1E900] =	vst v63  }
0x1e: {  	_ =	swait.ge [sflag:s14], $0x1400  }
0x1f: {  	[sflag:s14] =	ssyncset.done $0x0  }
0x20: {  	[sflag:s14] =	ssyncadd.s32 $0xFFFFEC00  }
0x21: {  	[tilespmem:s17], [sflag:$0x1] =	stream.indirect.gather [hbm4b:s4+s16], $0x80, s3, s16, $0xb8;
	[tilespmem:$0x1E900] =	vst v63  }
0x22: {  	v0 =	vld [tilespmem:$0x1400]  }
0x23: {  	v1 =	vld [tilespmem:$0x1410]  }
0x24: {  	v2 =	vld [tilespmem:$0x1420]  }
0x25: {  	v3 =	vld [tilespmem:$0x1430]  }
0x26: {  	v4 =	vld [tilespmem:$0x1440]  }
0x27: {  	v60 =	vld [tilespmem:$0x1450];
	[tilespmem:$0x2800] =	vst v0  }
0x28: {  	v61 =	vld [tilespmem:$0x1460];
	[tilespmem:$0x2810] =	vst v1  }
0x29: {  	v62 =	vld [tilespmem:$0x1470];
	[tilespmem:$0x2820] =	vst v2  }
0x2a: {  	[tilespmem:$0x2830] =	vst v3  }
0x2b: {  	[tilespmem:$0x2840] =	vst v4  }
0x2c: {  	[tilespmem:$0x2850] =	vst v60  }
0x2d: {  	[tilespmem:$0x2860] =	vst v61  }
0x2e: {  	s25 =	simm.s32 $0x0;
	s26 =	simm.s32 $0x80;
	[tilespmem:$0x2870] =	vst v62  }
0x2f: {  	[tilespmem:s18], [sflag:$0x2] =	stream.indirect.gather [hbm4b:s4+s16], $0x80, s26, s16, $0xb8;
	[tilespmem:$0x1E900] =	vst v63  }
0x30: {  	v0 =	vld [tilespmem:s25+$0x1480];
	_ =	sdelay $0x4  }
0x31: {  	[tilespmem:$0x2880] =	vst v0  }
0x32: {  	v0 =	vld [tilespmem:s25+$0x1490];
	_ =	sdelay $0x4  }
0x33: {  	[tilespmem:$0x2890] =	vst v0  }
0x34: {  	v0 =	vld [tilespmem:s25+$0x14A0];
	_ =	sdelay $0x4  }
0x35: {  	[tilespmem:$0x28A0] =	vst v0  }
0x36: {  	v0 =	vld [tilespmem:s25+$0x14B0];
	_ =	sdelay $0x4  }
0x37: {  	[tilespmem:$0x28B0] =	vst v0  }
0x38: {  	v0 =	vld [tilespmem:s25+$0x14C0];
	_ =	sdelay $0x4  }
0x39: {  	[tilespmem:$0x28C0] =	vst v0  }
0x3a: {  	v0 =	vld [tilespmem:s25+$0x14D0];
	_ =	sdelay $0x4  }
0x3b: {  	[tilespmem:$0x28D0] =	vst v0  }
0x3c: {  	v0 =	vld [tilespmem:s25+$0x14E0];
	_ =	sdelay $0x4  }
0x3d: {  	[tilespmem:$0x28E0] =	vst v0  }
0x3e: {  	v0 =	vld [tilespmem:s25+$0x14F0];
	_ =	sdelay $0x4  }
0x3f: {  	[tilespmem:$0x28F0] =	vst v0  }
0x40: {  	_ =	swait.ge [sflag:s19], $0x4000  }
0x41: {  	[sflag:s19] =	ssyncset.done $0x0  }
0x42: {  	[sflag:s19] =	ssyncadd.s32 $0xFFFFC000  }
0x43: {  	[spmem:s2] =	stream.indirect.scatter.add.f32 [tilespmem:s17], [sflag:$0x3], $0x80, s20, s16, $0xb8;
	[tilespmem:$0x1E900] =	vst v63  }
0x44: {  	_ =	swait.ge [sflag:s14], $0x4000  }
0x45: {  	[sflag:s14] =	ssyncset.done $0x0  }
0x46: {  	s31 =	simm.s32 $0x100;
	[sflag:s14] =	ssyncadd.s32 $0xFFFFC000  }
0x47: {  	[tilespmem:s17], [sflag:$0x1] =	stream.indirect.gather [hbm4b:s4+s16], $0x80, s31, s16, $0xb8;
	[tilespmem:$0x1E900] =	vst v63  }
0x48: {  	v63 =	vld [tilespmem:s25+$0x1500];
	_ =	sdelay $0x4  }
0x49: {  	[tilespmem:$0x2800] =	vst v63  }
0x4a: {  	v0 =	vld [tilespmem:s25+$0x1510];
	_ =	sdelay $0x4  }
0x4b: {  	[tilespmem:$0x2810] =	vst v0  }
0x4c: {  	v0 =	vld [tilespmem:s25+$0x1520];
	_ =	sdelay $0x4  }
0x4d: {  	[tilespmem:$0x2820] =	vst v0  }
0x4e: {  	v0 =	vld [tilespmem:s25+$0x1530];
	_ =	sdelay $0x4  }
0x4f: {  	[tilespmem:$0x2830] =	vst v0  }
0x50: {  	v0 =	vld [tilespmem:s25+$0x1540];
	_ =	sdelay $0x4  }
0x51: {  	[tilespmem:$0x2840] =	vst v0  }
0x52: {  	v0 =	vld [tilespmem:s25+$0x1550];
	_ =	sdelay $0x4  }
0x53: {  	[tilespmem:$0x2850] =	vst v0  }
0x54: {  	v0 =	vld [tilespmem:s25+$0x1560];
	_ =	sdelay $0x4  }
0x55: {  	[tilespmem:$0x2860] =	vst v0  }
0x56: {  	v0 =	vld [tilespmem:s25+$0x1570];
	_ =	sdelay $0x4  }
0x57: {  	[tilespmem:$0x2870] =	vst v0  }
0x58: {  	_ =	swait.ge [sflag:s21], $0x4000  }
0x59: {  	[sflag:s21] =	ssyncset.done $0x0  }
0x5a: {  	[sflag:s21] =	ssyncadd.s32 $0xFFFFC000  }
0x5b: {  	[spmem:s2] =	stream.indirect.scatter.add.f32 [tilespmem:s18], [sflag:$0x3], $0x80, s22, s16, $0xb8;
	[tilespmem:$0x1E900] =	vst v63  }
0x5c: {  	_ =	swait.ge [sflag:s14], $0x4000  }
0x5d: {  	s29 =	simm.s32 $0x800;
	s25 =	simm.s32 $0x100;
	[sflag:s14] =	ssyncset.done $0x0  }
.LBB2_2:
0x5e: {  	s30 =	sadd.s32 $0x80, s25  }
0x5f: {  	[sflag:s14] =	ssyncadd.s32 $0xFFFFC000;
	s28 =	smov.u32 s29;
	s26 =	sadd.s32 $0x400, s29  }
0x60: {  	[tilespmem:s18], [sflag:$0x2] =	stream.indirect.gather [hbm4b:s4+s16], $0x80, s30, s16, $0xb8;
	[tilespmem:$0x1E900] =	vst v63  }
0x61: {  	p0 =	sne.s32 s29, $0x4800;
	v0 =	vld [tilespmem:s25+$0x1480];
	_ =	sdelay $0x4  }
0x62: {  	[tilespmem:$0x2880] =	vst v0  }
0x63: {  	v0 =	vld [tilespmem:s25+$0x1490];
	_ =	sdelay $0x4  }
0x64: {  	[tilespmem:$0x2890] =	vst v0  }
0x65: {  	v0 =	vld [tilespmem:s25+$0x14A0];
	_ =	sdelay $0x4  }
0x66: {  	[tilespmem:$0x28A0] =	vst v0  }
0x67: {  	v0 =	vld [tilespmem:s25+$0x14B0];
	_ =	sdelay $0x4  }
0x68: {  	[tilespmem:$0x28B0] =	vst v0  }
0x69: {  	v0 =	vld [tilespmem:s25+$0x14C0];
	_ =	sdelay $0x4  }
0x6a: {  	[tilespmem:$0x28C0] =	vst v0  }
0x6b: {  	v0 =	vld [tilespmem:s25+$0x14D0];
	_ =	sdelay $0x4  }
0x6c: {  	[tilespmem:$0x28D0] =	vst v0  }
0x6d: {  	v0 =	vld [tilespmem:s25+$0x14E0];
	_ =	sdelay $0x4  }
0x6e: {  	[tilespmem:$0x28E0] =	vst v0  }
0x6f: {  	v0 =	vld [tilespmem:s25+$0x14F0];
	_ =	sdelay $0x4  }
0x70: {  	[tilespmem:$0x28F0] =	vst v0  }
0x71: {  	_ =	swait.ge [sflag:s19], $0x4000  }
0x72: {  	[sflag:s19] =	ssyncset.done $0x0  }
0x73: {  	[sflag:s19] =	ssyncadd.s32 $0xFFFFC000  }
0x74: {  	[spmem:s2] =	stream.indirect.scatter.add.f32 [tilespmem:s17], [sflag:$0x3], $0x80, s20, s16, $0xb8;
	[tilespmem:$0x1E900] =	vst v63  }
0x75: {  	_ =	swait.ge [sflag:s14], $0x4000  }
0x76: {  	[sflag:s14] =	ssyncset.done $0x0  }
0x77: {  	s29 =	sadd.s32 $0x100, s25;
	[sflag:s14] =	ssyncadd.s32 $0xFFFFC000  }
0x78: {  	[tilespmem:s17], [sflag:$0x1] =	stream.indirect.gather [hbm4b:s4+s16], $0x80, s29, s16, $0xb8;
	[tilespmem:$0x1E900] =	vst v63  }
0x79: {  	v0 =	vld [tilespmem:s25+$0x1500];
	_ =	sdelay $0x4  }
0x7a: {  	[tilespmem:$0x2800] =	vst v0  }
0x7b: {  	v0 =	vld [tilespmem:s25+$0x1510];
	_ =	sdelay $0x4  }
0x7c: {  	[tilespmem:$0x2810] =	vst v0  }
0x7d: {  	v0 =	vld [tilespmem:s25+$0x1520];
	_ =	sdelay $0x4  }
0x7e: {  	[tilespmem:$0x2820] =	vst v0  }
0x7f: {  	v0 =	vld [tilespmem:s25+$0x1530];
	_ =	sdelay $0x4  }
0x80: {  	[tilespmem:$0x2830] =	vst v0  }
0x81: {  	v0 =	vld [tilespmem:s25+$0x1540];
	_ =	sdelay $0x4  }
0x82: {  	[tilespmem:$0x2840] =	vst v0  }
0x83: {  	v0 =	vld [tilespmem:s25+$0x1550];
	_ =	sdelay $0x4  }
0x84: {  	[tilespmem:$0x2850] =	vst v0  }
0x85: {  	v0 =	vld [tilespmem:s25+$0x1560];
	_ =	sdelay $0x4  }
0x86: {  	[tilespmem:$0x2860] =	vst v0  }
0x87: {  	v0 =	vld [tilespmem:s25+$0x1570];
	_ =	sdelay $0x4  }
0x88: {  	[tilespmem:$0x2870] =	vst v0  }
0x89: {  	_ =	swait.ge [sflag:s21], $0x4000  }
.Ltmp0:
0x8a: {  	[sflag:s21] =	ssyncset.done $0x0;
	(pc) =	sbr.rel @p0 .LBB2_2-.Ltmp0, $4  }
0x8b: {  	[sflag:s21] =	ssyncadd.s32 $0xFFFFC000  }
0x8c: {  	[spmem:s2] =	stream.indirect.scatter.add.f32 [tilespmem:s18], [sflag:$0x3], $0x80, s22, s16, $0xb8;
	[tilespmem:$0x1E900] =	vst v63  }
0x8d: {  	_ =	swait.ge [sflag:s14], $0x4000  }
0x8e: {  	s29 =	smov.u32 s26;
	s25 =	sshra.s32 s28, $0x2;
	[sflag:s14] =	ssyncset.done $0x0  }
0x8f: {  	s26 =	sadd.s32 $0x80, s25;
	[sflag:s14] =	ssyncadd.s32 $0xFFFFC000  }
0x90: {  	[tilespmem:s18], [sflag:$0x2] =	stream.indirect.gather [hbm4b:s4+s16], $0x80, s26, s16, $0xb8;
	[tilespmem:$0x1E900] =	vst v63  }
0x91: {  	v0 =	vld [tilespmem:s25+$0x1480];
	_ =	sdelay $0x4  }
0x92: {  	[tilespmem:$0x2880] =	vst v0  }
0x93: {  	v0 =	vld [tilespmem:s25+$0x1490];
	_ =	sdelay $0x4  }
0x94: {  	[tilespmem:$0x2890] =	vst v0  }
0x95: {  	v0 =	vld [tilespmem:s25+$0x14A0];
	_ =	sdelay $0x4  }
0x96: {  	[tilespmem:$0x28A0] =	vst v0  }
0x97: {  	v0 =	vld [tilespmem:s25+$0x14B0];
	_ =	sdelay $0x4  }
0x98: {  	[tilespmem:$0x28B0] =	vst v0  }
0x99: {  	v0 =	vld [tilespmem:s25+$0x14C0];
	_ =	sdelay $0x4  }
0x9a: {  	[tilespmem:$0x28C0] =	vst v0  }
0x9b: {  	v0 =	vld [tilespmem:s25+$0x14D0];
	_ =	sdelay $0x4  }
0x9c: {  	[tilespmem:$0x28D0] =	vst v0  }
0x9d: {  	v0 =	vld [tilespmem:s25+$0x14E0];
	_ =	sdelay $0x4  }
0x9e: {  	[tilespmem:$0x28E0] =	vst v0  }
0x9f: {  	v0 =	vld [tilespmem:s25+$0x14F0];
	_ =	sdelay $0x4  }
0xa0: {  	[tilespmem:$0x28F0] =	vst v0  }
0xa1: {  	_ =	swait.ge [sflag:s19], $0x4000  }
0xa2: {  	[sflag:s19] =	ssyncset.done $0x0  }
0xa3: {  	[sflag:s19] =	ssyncadd.s32 $0xFFFFC000  }
0xa4: {  	[spmem:s2] =	stream.indirect.scatter.add.f32 [tilespmem:s17], [sflag:$0x3], $0x80, s20, s16, $0xb8;
	[tilespmem:$0x1E900] =	vst v63  }
0xa5: {  	_ =	swait.ge [sflag:s14], $0x4000  }
0xa6: {  	[sflag:s14] =	ssyncset.done $0x0  }
0xa7: {  	s31 =	sadd.s32 $0x100, s25;
	[sflag:s14] =	ssyncadd.s32 $0xFFFFC000  }
0xa8: {  	[tilespmem:s17], [sflag:$0x1] =	stream.indirect.gather [hbm4b:s4+s16], $0x80, s31, s16, $0xb8;
	[tilespmem:$0x1E900] =	vst v63  }
0xa9: {  	v50 =	vld [tilespmem:s25+$0x1500];
	_ =	sdelay $0x4  }
0xaa: {  	[tilespmem:$0x2800] =	vst v50  }
0xab: {  	v0 =	vld [tilespmem:s25+$0x1510];
	_ =	sdelay $0x4  }
0xac: {  	[tilespmem:$0x2810] =	vst v0  }
0xad: {  	v0 =	vld [tilespmem:s25+$0x1520];
	_ =	sdelay $0x4  }
0xae: {  	[tilespmem:$0x2820] =	vst v0  }
0xaf: {  	v0 =	vld [tilespmem:s25+$0x1530];
	_ =	sdelay $0x4  }
0xb0: {  	[tilespmem:$0x2830] =	vst v0  }
0xb1: {  	v0 =	vld [tilespmem:s25+$0x1540];
	_ =	sdelay $0x4  }
0xb2: {  	[tilespmem:$0x2840] =	vst v0  }
0xb3: {  	v0 =	vld [tilespmem:s25+$0x1550];
	_ =	sdelay $0x4  }
0xb4: {  	[tilespmem:$0x2850] =	vst v0  }
0xb5: {  	v0 =	vld [tilespmem:s25+$0x1560];
	_ =	sdelay $0x4  }
0xb6: {  	[tilespmem:$0x2860] =	vst v0  }
0xb7: {  	v0 =	vld [tilespmem:s25+$0x1570];
	_ =	sdelay $0x4  }
0xb8: {  	[tilespmem:$0x2870] =	vst v0  }
0xb9: {  	_ =	swait.ge [sflag:s21], $0x4000  }
0xba: {  	[sflag:s21] =	ssyncset.done $0x0  }
0xbb: {  	[sflag:s21] =	ssyncadd.s32 $0xFFFFC000  }
0xbc: {  	[spmem:s2] =	stream.indirect.scatter.add.f32 [tilespmem:s18], [sflag:$0x3], $0x80, s22, s16, $0xb8;
	[tilespmem:$0x1E900] =	vst v63  }
0xbd: {  	_ =	swait.ge [sflag:s14], $0x4000  }
0xbe: {  	[sflag:s14] =	ssyncset.done $0x0  }
0xbf: {  	[sflag:s14] =	ssyncadd.s32 $0xFFFFC000  }
0xc0: {  	[tilespmem:s18], [sflag:$0x2] =	stream.indirect.gather [hbm4b:s4+s16], $0x80, s23, s16, $0xb8;
	[tilespmem:$0x1E900] =	vst v63  }
0xc1: {  	v51 =	vld [tilespmem:$0x2780]  }
0xc2: {  	v1 =	vld [tilespmem:$0x2790]  }
0xc3: {  	v2 =	vld [tilespmem:$0x27A0]  }
0xc4: {  	v3 =	vld [tilespmem:$0x27B0]  }
0xc5: {  	v4 =	vld [tilespmem:$0x27C0]  }
0xc6: {  	v52 =	vld [tilespmem:$0x27D0];
	[tilespmem:$0x2880] =	vst v51  }
0xc7: {  	v53 =	vld [tilespmem:$0x27E0];
	[tilespmem:$0x2890] =	vst v1  }
0xc8: {  	v54 =	vld [tilespmem:$0x27F0];
	[tilespmem:$0x28A0] =	vst v2  }
0xc9: {  	[tilespmem:$0x28B0] =	vst v3  }
0xca: {  	[tilespmem:$0x28C0] =	vst v4  }
0xcb: {  	[tilespmem:$0x28D0] =	vst v52  }
0xcc: {  	[tilespmem:$0x28E0] =	vst v53  }
0xcd: {  	[tilespmem:$0x28F0] =	vst v54  }
0xce: {  	_ =	swait.ge [sflag:s19], $0x4000  }
0xcf: {  	[sflag:s19] =	ssyncset.done $0x0  }
0xd0: {  	[sflag:s19] =	ssyncadd.s32 $0xFFFFC000  }
0xd1: {  	[spmem:s2] =	stream.indirect.scatter.add.f32 [tilespmem:s17], [sflag:$0x3], $0x80, s20, s16, $0xb8;
	[tilespmem:$0x1E900] =	vst v63  }
0xd2: {  	_ =	swait.ge [sflag:s14], $0x4000  }
0xd3: {  	[sflag:s14] =	ssyncset.done $0x0  }
0xd4: {  	[sflag:s14] =	ssyncadd.s32 $0xFFFFC000  }
0xd5: {  	_ =	swait.ge [sflag:s21], $0x4000  }
0xd6: {  	[sflag:s21] =	ssyncset.done $0x0  }
0xd7: {  	[sflag:s21] =	ssyncadd.s32 $0xFFFFC000  }
0xd8: {  	[spmem:s2] =	stream.indirect.scatter.add.f32 [tilespmem:s18], [sflag:$0x3], $0x80, s22, s16, $0xb8;
	[tilespmem:$0x1E900] =	vst v63  }
0xd9: {  	_ =	swait.ge [sflag:s14], $0x4000  }
0xda: {  	[sflag:s14] =	ssyncset.done $0x0  }
0xdb: {  	s26 =	simm.s32 $0x0;
	[sflag:s14] =	ssyncadd.s32 $0xFFFFC000  }
0xdc: {  	[tilespmem:s26], [sflag:$0x3] =	stream.linear.gather [hbm4b:s9+s26], $0x1400, $0x38;
	[tilespmem:$0x1E900] =	vst v63  }
0xdd: {  	_ =	swait.ge [sflag:s14], $0x1400  }
0xde: {  	[sflag:s14] =	ssyncset.done $0x0  }
0xdf: {  	[sflag:s14] =	ssyncadd.s32 $0xFFFFEC00  }
0xe0: {  	[tilespmem:s15], [sflag:$0x3] =	stream.linear.gather [hbm4b:s10+s26], $0x1400, $0x38;
	[tilespmem:$0x1E900] =	vst v63  }
0xe1: {  	_ =	swait.ge [sflag:s14], $0x1400  }
0xe2: {  	[sflag:s14] =	ssyncset.done $0x0  }
0xe3: {  	[sflag:s14] =	ssyncadd.s32 $0xFFFFEC00  }
0xe4: {  	[tilespmem:s17], [sflag:$0x1] =	stream.indirect.gather [hbm4b:s4+s16], $0x80, s26, s16, $0xb8;
	[tilespmem:$0x1E900] =	vst v63  }
0xe5: {  	v55 =	vld [tilespmem:$0x1400]  }
0xe6: {  	v56 =	vld [tilespmem:$0x1410]  }
0xe7: {  	v57 =	vld [tilespmem:$0x1420]  }
0xe8: {  	v58 =	vld [tilespmem:$0x1430]  }
0xe9: {  	v59 =	vld [tilespmem:$0x1440]  }
0xea: {  	v60 =	vld [tilespmem:$0x1450];
	[tilespmem:$0x2800] =	vst v55  }
0xeb: {  	v61 =	vld [tilespmem:$0x1460];
	[tilespmem:$0x2810] =	vst v56  }
0xec: {  	v62 =	vld [tilespmem:$0x1470];
	[tilespmem:$0x2820] =	vst v57  }
0xed: {  	[tilespmem:$0x2830] =	vst v58  }
0xee: {  	[tilespmem:$0x2840] =	vst v59  }
0xef: {  	[tilespmem:$0x2850] =	vst v60  }
0xf0: {  	[tilespmem:$0x2860] =	vst v61  }
0xf1: {  	s28 =	simm.s32 $0x0;
	s30 =	simm.s32 $0x80;
	[tilespmem:$0x2870] =	vst v62  }
0xf2: {  	[tilespmem:s18], [sflag:$0x2] =	stream.indirect.gather [hbm4b:s4+s16], $0x80, s30, s16, $0xb8;
	[tilespmem:$0x1E900] =	vst v63  }
0xf3: {  	v0 =	vld [tilespmem:s28+$0x1480];
	_ =	sdelay $0x4  }
0xf4: {  	[tilespmem:$0x2880] =	vst v0  }
0xf5: {  	v0 =	vld [tilespmem:s28+$0x1490];
	_ =	sdelay $0x4  }
0xf6: {  	[tilespmem:$0x2890] =	vst v0  }
0xf7: {  	v0 =	vld [tilespmem:s28+$0x14A0];
	_ =	sdelay $0x4  }
0xf8: {  	[tilespmem:$0x28A0] =	vst v0  }
0xf9: {  	v0 =	vld [tilespmem:s28+$0x14B0];
	_ =	sdelay $0x4  }
0xfa: {  	[tilespmem:$0x28B0] =	vst v0  }
0xfb: {  	v0 =	vld [tilespmem:s28+$0x14C0];
	_ =	sdelay $0x4  }
0xfc: {  	[tilespmem:$0x28C0] =	vst v0  }
0xfd: {  	v0 =	vld [tilespmem:s28+$0x14D0];
	_ =	sdelay $0x4  }
0xfe: {  	[tilespmem:$0x28D0] =	vst v0  }
0xff: {  	v0 =	vld [tilespmem:s28+$0x14E0];
	_ =	sdelay $0x4  }
0x100: {  	[tilespmem:$0x28E0] =	vst v0  }
0x101: {  	v0 =	vld [tilespmem:s28+$0x14F0];
	_ =	sdelay $0x4  }
0x102: {  	[tilespmem:$0x28F0] =	vst v0  }
0x103: {  	_ =	swait.ge [sflag:s19], $0x4000  }
0x104: {  	[sflag:s19] =	ssyncset.done $0x0  }
0x105: {  	[sflag:s19] =	ssyncadd.s32 $0xFFFFC000  }
0x106: {  	[spmem:s2] =	stream.indirect.scatter.add.f32 [tilespmem:s17], [sflag:$0x3], $0x80, s20, s16, $0xb8;
	[tilespmem:$0x1E900] =	vst v63  }
0x107: {  	_ =	swait.ge [sflag:s14], $0x4000  }
0x108: {  	[sflag:s14] =	ssyncset.done $0x0  }
0x109: {  	s31 =	simm.s32 $0x100;
	[sflag:s14] =	ssyncadd.s32 $0xFFFFC000  }
0x10a: {  	[tilespmem:s17], [sflag:$0x1] =	stream.indirect.gather [hbm4b:s4+s16], $0x80, s31, s16, $0xb8;
	[tilespmem:$0x1E900] =	vst v63  }
0x10b: {  	v63 =	vld [tilespmem:s28+$0x1500];
	_ =	sdelay $0x4  }
0x10c: {  	[tilespmem:$0x2800] =	vst v63  }
0x10d: {  	v0 =	vld [tilespmem:s28+$0x1510];
	_ =	sdelay $0x4  }
0x10e: {  	[tilespmem:$0x2810] =	vst v0  }
0x10f: {  	v0 =	vld [tilespmem:s28+$0x1520];
	_ =	sdelay $0x4  }
0x110: {  	[tilespmem:$0x2820] =	vst v0  }
0x111: {  	v0 =	vld [tilespmem:s28+$0x1530];
	_ =	sdelay $0x4  }
0x112: {  	[tilespmem:$0x2830] =	vst v0  }
0x113: {  	v0 =	vld [tilespmem:s28+$0x1540];
	_ =	sdelay $0x4  }
0x114: {  	[tilespmem:$0x2840] =	vst v0  }
0x115: {  	v0 =	vld [tilespmem:s28+$0x1550];
	_ =	sdelay $0x4  }
0x116: {  	[tilespmem:$0x2850] =	vst v0  }
0x117: {  	v0 =	vld [tilespmem:s28+$0x1560];
	_ =	sdelay $0x4  }
0x118: {  	[tilespmem:$0x2860] =	vst v0  }
0x119: {  	v0 =	vld [tilespmem:s28+$0x1570];
	_ =	sdelay $0x4  }
0x11a: {  	[tilespmem:$0x2870] =	vst v0  }
0x11b: {  	_ =	swait.ge [sflag:s21], $0x4000  }
0x11c: {  	[sflag:s21] =	ssyncset.done $0x0  }
0x11d: {  	[sflag:s21] =	ssyncadd.s32 $0xFFFFC000  }
0x11e: {  	[spmem:s2] =	stream.indirect.scatter.add.f32 [tilespmem:s18], [sflag:$0x3], $0x80, s22, s16, $0xb8;
	[tilespmem:$0x1E900] =	vst v63  }
0x11f: {  	_ =	swait.ge [sflag:s14], $0x4000  }
0x120: {  	s29 =	simm.s32 $0x800;
	s25 =	simm.s32 $0x100;
	[sflag:s14] =	ssyncset.done $0x0  }
.LBB2_4:
0x121: {  	s30 =	sadd.s32 $0x80, s25  }
0x122: {  	[sflag:s14] =	ssyncadd.s32 $0xFFFFC000;
	s28 =	smov.u32 s29;
	s26 =	sadd.s32 $0x400, s29  }
0x123: {  	[tilespmem:s18], [sflag:$0x2] =	stream.indirect.gather [hbm4b:s4+s16], $0x80, s30, s16, $0xb8;
	[tilespmem:$0x1E900] =	vst v63  }
0x124: {  	p0 =	sne.s32 s29, $0x4800;
	v0 =	vld [tilespmem:s25+$0x1480];
	_ =	sdelay $0x4  }
0x125: {  	[tilespmem:$0x2880] =	vst v0  }
0x126: {  	v0 =	vld [tilespmem:s25+$0x1490];
	_ =	sdelay $0x4  }
0x127: {  	[tilespmem:$0x2890] =	vst v0  }
0x128: {  	v0 =	vld [tilespmem:s25+$0x14A0];
	_ =	sdelay $0x4  }
0x129: {  	[tilespmem:$0x28A0] =	vst v0  }
0x12a: {  	v0 =	vld [tilespmem:s25+$0x14B0];
	_ =	sdelay $0x4  }
0x12b: {  	[tilespmem:$0x28B0] =	vst v0  }
0x12c: {  	v0 =	vld [tilespmem:s25+$0x14C0];
	_ =	sdelay $0x4  }
0x12d: {  	[tilespmem:$0x28C0] =	vst v0  }
0x12e: {  	v0 =	vld [tilespmem:s25+$0x14D0];
	_ =	sdelay $0x4  }
0x12f: {  	[tilespmem:$0x28D0] =	vst v0  }
0x130: {  	v0 =	vld [tilespmem:s25+$0x14E0];
	_ =	sdelay $0x4  }
0x131: {  	[tilespmem:$0x28E0] =	vst v0  }
0x132: {  	v0 =	vld [tilespmem:s25+$0x14F0];
	_ =	sdelay $0x4  }
0x133: {  	[tilespmem:$0x28F0] =	vst v0  }
0x134: {  	_ =	swait.ge [sflag:s19], $0x4000  }
0x135: {  	[sflag:s19] =	ssyncset.done $0x0  }
0x136: {  	[sflag:s19] =	ssyncadd.s32 $0xFFFFC000  }
0x137: {  	[spmem:s2] =	stream.indirect.scatter.add.f32 [tilespmem:s17], [sflag:$0x3], $0x80, s20, s16, $0xb8;
	[tilespmem:$0x1E900] =	vst v63  }
0x138: {  	_ =	swait.ge [sflag:s14], $0x4000  }
0x139: {  	[sflag:s14] =	ssyncset.done $0x0  }
0x13a: {  	s29 =	sadd.s32 $0x100, s25;
	[sflag:s14] =	ssyncadd.s32 $0xFFFFC000  }
0x13b: {  	[tilespmem:s17], [sflag:$0x1] =	stream.indirect.gather [hbm4b:s4+s16], $0x80, s29, s16, $0xb8;
	[tilespmem:$0x1E900] =	vst v63  }
0x13c: {  	v0 =	vld [tilespmem:s25+$0x1500];
	_ =	sdelay $0x4  }
0x13d: {  	[tilespmem:$0x2800] =	vst v0  }
0x13e: {  	v0 =	vld [tilespmem:s25+$0x1510];
	_ =	sdelay $0x4  }
0x13f: {  	[tilespmem:$0x2810] =	vst v0  }
0x140: {  	v0 =	vld [tilespmem:s25+$0x1520];
	_ =	sdelay $0x4  }
0x141: {  	[tilespmem:$0x2820] =	vst v0  }
0x142: {  	v0 =	vld [tilespmem:s25+$0x1530];
	_ =	sdelay $0x4  }
0x143: {  	[tilespmem:$0x2830] =	vst v0  }
0x144: {  	v0 =	vld [tilespmem:s25+$0x1540];
	_ =	sdelay $0x4  }
0x145: {  	[tilespmem:$0x2840] =	vst v0  }
0x146: {  	v0 =	vld [tilespmem:s25+$0x1550];
	_ =	sdelay $0x4  }
0x147: {  	[tilespmem:$0x2850] =	vst v0  }
0x148: {  	v0 =	vld [tilespmem:s25+$0x1560];
	_ =	sdelay $0x4  }
0x149: {  	[tilespmem:$0x2860] =	vst v0  }
0x14a: {  	v0 =	vld [tilespmem:s25+$0x1570];
	_ =	sdelay $0x4  }
0x14b: {  	[tilespmem:$0x2870] =	vst v0  }
0x14c: {  	_ =	swait.ge [sflag:s21], $0x4000  }
.Ltmp1:
0x14d: {  	[sflag:s21] =	ssyncset.done $0x0;
	(pc) =	sbr.rel @p0 .LBB2_4-.Ltmp1, $4  }
0x14e: {  	[sflag:s21] =	ssyncadd.s32 $0xFFFFC000  }
0x14f: {  	[spmem:s2] =	stream.indirect.scatter.add.f32 [tilespmem:s18], [sflag:$0x3], $0x80, s22, s16, $0xb8;
	[tilespmem:$0x1E900] =	vst v63  }
0x150: {  	_ =	swait.ge [sflag:s14], $0x4000  }
0x151: {  	s29 =	smov.u32 s26;
	s25 =	sshra.s32 s28, $0x2;
	[sflag:s14] =	ssyncset.done $0x0  }
0x152: {  	s26 =	sadd.s32 $0x80, s25;
	[sflag:s14] =	ssyncadd.s32 $0xFFFFC000  }
0x153: {  	[tilespmem:s18], [sflag:$0x2] =	stream.indirect.gather [hbm4b:s4+s16], $0x80, s26, s16, $0xb8;
	[tilespmem:$0x1E900] =	vst v63  }
0x154: {  	v0 =	vld [tilespmem:s25+$0x1480];
	_ =	sdelay $0x4  }
0x155: {  	[tilespmem:$0x2880] =	vst v0  }
0x156: {  	v0 =	vld [tilespmem:s25+$0x1490];
	_ =	sdelay $0x4  }
0x157: {  	[tilespmem:$0x2890] =	vst v0  }
0x158: {  	v0 =	vld [tilespmem:s25+$0x14A0];
	_ =	sdelay $0x4  }
0x159: {  	[tilespmem:$0x28A0] =	vst v0  }
0x15a: {  	v0 =	vld [tilespmem:s25+$0x14B0];
	_ =	sdelay $0x4  }
0x15b: {  	[tilespmem:$0x28B0] =	vst v0  }
0x15c: {  	v0 =	vld [tilespmem:s25+$0x14C0];
	_ =	sdelay $0x4  }
0x15d: {  	[tilespmem:$0x28C0] =	vst v0  }
0x15e: {  	v0 =	vld [tilespmem:s25+$0x14D0];
	_ =	sdelay $0x4  }
0x15f: {  	[tilespmem:$0x28D0] =	vst v0  }
0x160: {  	v0 =	vld [tilespmem:s25+$0x14E0];
	_ =	sdelay $0x4  }
0x161: {  	[tilespmem:$0x28E0] =	vst v0  }
0x162: {  	v0 =	vld [tilespmem:s25+$0x14F0];
	_ =	sdelay $0x4  }
0x163: {  	[tilespmem:$0x28F0] =	vst v0  }
0x164: {  	_ =	swait.ge [sflag:s19], $0x4000  }
0x165: {  	[sflag:s19] =	ssyncset.done $0x0  }
0x166: {  	[sflag:s19] =	ssyncadd.s32 $0xFFFFC000  }
0x167: {  	[spmem:s2] =	stream.indirect.scatter.add.f32 [tilespmem:s17], [sflag:$0x3], $0x80, s20, s16, $0xb8;
	[tilespmem:$0x1E900] =	vst v63  }
0x168: {  	_ =	swait.ge [sflag:s14], $0x4000  }
0x169: {  	[sflag:s14] =	ssyncset.done $0x0  }
0x16a: {  	s31 =	sadd.s32 $0x100, s25;
	[sflag:s14] =	ssyncadd.s32 $0xFFFFC000  }
0x16b: {  	[tilespmem:s17], [sflag:$0x1] =	stream.indirect.gather [hbm4b:s4+s16], $0x80, s31, s16, $0xb8;
	[tilespmem:$0x1E900] =	vst v63  }
0x16c: {  	v59 =	vld [tilespmem:s25+$0x1500];
	_ =	sdelay $0x4  }
0x16d: {  	[tilespmem:$0x2800] =	vst v59  }
0x16e: {  	v0 =	vld [tilespmem:s25+$0x1510];
	_ =	sdelay $0x4  }
0x16f: {  	[tilespmem:$0x2810] =	vst v0  }
0x170: {  	v0 =	vld [tilespmem:s25+$0x1520];
	_ =	sdelay $0x4  }
0x171: {  	[tilespmem:$0x2820] =	vst v0  }
0x172: {  	v0 =	vld [tilespmem:s25+$0x1530];
	_ =	sdelay $0x4  }
0x173: {  	[tilespmem:$0x2830] =	vst v0  }
0x174: {  	v0 =	vld [tilespmem:s25+$0x1540];
	_ =	sdelay $0x4  }
0x175: {  	[tilespmem:$0x2840] =	vst v0  }
0x176: {  	v0 =	vld [tilespmem:s25+$0x1550];
	_ =	sdelay $0x4  }
0x177: {  	[tilespmem:$0x2850] =	vst v0  }
0x178: {  	v0 =	vld [tilespmem:s25+$0x1560];
	_ =	sdelay $0x4  }
0x179: {  	[tilespmem:$0x2860] =	vst v0  }
0x17a: {  	v0 =	vld [tilespmem:s25+$0x1570];
	_ =	sdelay $0x4  }
0x17b: {  	[tilespmem:$0x2870] =	vst v0  }
0x17c: {  	_ =	swait.ge [sflag:s21], $0x4000  }
0x17d: {  	[sflag:s21] =	ssyncset.done $0x0  }
0x17e: {  	[sflag:s21] =	ssyncadd.s32 $0xFFFFC000  }
0x17f: {  	[spmem:s2] =	stream.indirect.scatter.add.f32 [tilespmem:s18], [sflag:$0x3], $0x80, s22, s16, $0xb8;
	[tilespmem:$0x1E900] =	vst v63  }
0x180: {  	_ =	swait.ge [sflag:s14], $0x4000  }
0x181: {  	[sflag:s14] =	ssyncset.done $0x0  }
0x182: {  	[sflag:s14] =	ssyncadd.s32 $0xFFFFC000  }
0x183: {  	[tilespmem:s18], [sflag:$0x2] =	stream.indirect.gather [hbm4b:s4+s16], $0x80, s23, s16, $0xb8;
	[tilespmem:$0x1E900] =	vst v63  }
0x184: {  	v60 =	vld [tilespmem:$0x2780]  }
0x185: {  	v1 =	vld [tilespmem:$0x2790]  }
0x186: {  	v2 =	vld [tilespmem:$0x27A0]  }
0x187: {  	v3 =	vld [tilespmem:$0x27B0]  }
0x188: {  	v4 =	vld [tilespmem:$0x27C0]  }
0x189: {  	v61 =	vld [tilespmem:$0x27D0];
	[tilespmem:$0x2880] =	vst v60  }
0x18a: {  	v62 =	vld [tilespmem:$0x27E0];
	[tilespmem:$0x2890] =	vst v1  }
0x18b: {  	v63 =	vld [tilespmem:$0x27F0];
	[tilespmem:$0x28A0] =	vst v2  }
0x18c: {  	[tilespmem:$0x28B0] =	vst v3  }
0x18d: {  	[tilespmem:$0x28C0] =	vst v4  }
0x18e: {  	[tilespmem:$0x28D0] =	vst v61  }
0x18f: {  	[tilespmem:$0x28E0] =	vst v62  }
0x190: {  	[tilespmem:$0x28F0] =	vst v63  }
0x191: {  	_ =	swait.ge [sflag:s19], $0x4000  }
0x192: {  	[sflag:s19] =	ssyncset.done $0x0  }
0x193: {  	[sflag:s19] =	ssyncadd.s32 $0xFFFFC000  }
0x194: {  	[spmem:s2] =	stream.indirect.scatter.add.f32 [tilespmem:s17], [sflag:$0x3], $0x80, s20, s16, $0xb8;
	[tilespmem:$0x1E900] =	vst v63  }
0x195: {  	_ =	swait.ge [sflag:s14], $0x4000  }
0x196: {  	[sflag:s14] =	ssyncset.done $0x0  }
0x197: {  	[sflag:s14] =	ssyncadd.s32 $0xFFFFC000  }
0x198: {  	_ =	swait.ge [sflag:s21], $0x4000  }
0x199: {  	[sflag:s21] =	ssyncset.done $0x0  }
0x19a: {  	[sflag:s21] =	ssyncadd.s32 $0xFFFFC000  }
0x19b: {  	[spmem:s2] =	stream.indirect.scatter.add.f32 [tilespmem:s18], [sflag:$0x3], $0x80, s22, s16, $0xb8;
	[tilespmem:$0x1E900] =	vst v63  }
0x19c: {  	_ =	swait.ge [sflag:s14], $0x4000  }
0x19d: {  	s24 =	sadd.s32 $0x1, s24;
	[sflag:s14] =	ssyncset.done $0x0  }
0x19e: {  	p0 =	sne.s32 s24, s12;
	[sflag:s14] =	ssyncadd.s32 $0xFFFFC000  }
.Ltmp2:
0x19f: {  	[bflag:$0x0] =	sbarrier.arrive $0xFFFF;
	(pc) =	sbr.rel @p0 .LBB2_1-.Ltmp2, $4  }
0x1a0: {  	[hbm:s11], [sflag:s6] =	dma.local [spmem:s13], $0x2800  }
0x1a1: {  	_ =	swait.ge [sflag:s14], $0x2800  }
0x1a2: {  	[sflag:s14] =	ssyncset.done $0x0  }
0x1a3: {  	[sflag:s14] =	ssyncadd.s32 $0xFFFFD800  }
0x1a4: {  	_ =	sfence.sel $0x180000  }
0x1a5: {  	[bflag:$0x0] =	sbarrier.arrive $0xFFFF  }
0x1a6: {  	p0 =	sne.s32 s1, $0x0;
	_ =	strace $0x9000004D  }
0x1a7: {  	s0 =	sadd.s32 @!p0 $0x100000, s0;
	[bflag:$0x2] =	sbarrier.arrive $0xFFFF  }
0x1a8: {  	[sflag:s0] =	ssyncadd.tile.s32 @!p0 $0x1;
	_ =	shalt  }
.Lfunc_end2:
_tile_overlayer_lowered:
.L_overlay_start_2:
0x1a9: {  	(tag) =	ssettag $0x2  }
0x1aa: {  	s0 =	rddreg [dreg:$0x0];
	s2 =	stileid.u32  }
0x1ab: {  	s1 =	rddreg [dreg:$0x1];
	p0 =	sne.s32 s2, $0x0  }
0x1ac: {  	s3 =	rddreg [dreg:$0x2];
	[bflag:$0x3] =	sbarrier.arrive $0xFFFF;
	s2 =	simm.s32 @!p0 $0x1C03  }
0x1ad: {  	[timem:s3], [sflag:s2] =	dma.local @!p0 [hbm:s0], s1  }
0x1ae: {  	s0 =	simm.s32 @!p0 $0x3  }
0x1af: {  	_ =	swait.ge @!p0 [sflag:s0], s1  }
0x1b0: {  	s1 =	ssub.s32 @!p0 $0x0, s1;
	[sflag:s0] =	ssyncset.done @!p0 $0x0  }
0x1b1: {  	[sflag:s0] =	ssyncadd.s32 @!p0 s1  }
0x1b2: {  	[bflag:$0x3] =	sbarrier.arrive $0xFFFF  }
0x1b3: {  	_ =	shalt  }

// kernel: kernel.19.cloned.1.call-start
scs
__scs_entry_jumppad:
0x0: {  	(pc) =	sbr.rel $0x88, $3  }
0x1: {  	(tag) =	ssettag $0x0;
	lr =	simm.s32 $0x1  }
0x2: {  	[smem:$0x3F98] =	sst lr;
	_ =	strace $0xD0000000  }
0x3: {  	_ = 	snop  }
0x4: {  	_ = 	snop  }
0x5: {  	_ = 	snop  }
0x6: {  	_ = 	snop  }
0x7: {  	_ = 	snop  }
__scs_overlays_trampoline_lowered:
0x8: {  	[smem:$0x3FA7] =	sst s0  }
0x9: {  	[smem:$0x3FA8] =	sst s1  }
0xa: {  	[smem:$0x3FA9] =	sst s2  }
0xb: {  	[smem:$0x3FAA] =	sst s3  }
0xc: {  	[smem:$0x3FAB] =	sst s4  }
0xd: {  	[smem:$0x3FAC] =	sst s5  }
0xe: {  	[smem:$0x3FAD] =	sst s6  }
0xf: {  	[smem:$0x3FAE] =	sst s7  }
0x10: {  	[smem:$0x3FAF] =	sst s8  }
0x11: {  	[smem:$0x3FB0] =	sst s9;
	s0 =	simm.s32 @!p0 $0x0  }
0x12: {  	s1 =	sld [smem:$0x3F96];
	s0 =	simm.s32 @p0 $0x1  }
0x13: {  	[smem:$0x3FB1] =	sst s0;
	s0 =	simm.s32 @!p1 $0x0  }
0x14: {  	s2 =	sld [smem:$0x3F95];
	s0 =	simm.s32 @p1 $0x1  }
0x15: {  	[smem:$0x3FB2] =	sst s0;
	s0 =	simm.s32 @!p2 $0x0  }
0x16: {  	s3 =	sld [smem:$0x3FDB];
	s0 =	simm.s32 @p2 $0x1  }
0x17: {  	s4 =	simm.s32 $0x1BF5;
	[smem:$0x3FB4] =	sst s0  }
0x18: {  	s0 =	sld [smem:$0x3F97];
	_ =	swait.ge [sflag:s4], $0x0  }
0x19: {  	s7 =	sld [smem:$0x3F98]  }
0x1a: {  	s8 =	sadd.s32 $0xFFFFE003, lr  }
0x1b: {  	s9 =	sadd.s32 $0xFFFFFEF7, lr;
	s5 =	simm.s32 $0xFFFFFFFF;
	p2 =	slt.u32 s8, $0xFFFFF086  }
0x1c: {  	p1 =	slt.u32 s9, $0xF7A;
	s5 =	simm.s32 @!p2 $0x0  }
0x1d: {  	s5 =	simm.s32 @p1 $0x1;
	p0 =	seq.s32 s7, s2  }
0x1e: {  	s7 =	smul.u32 @!p0 $0xF7A, s2;
	p2 =	seq.s32 @!p0 s5, $0x0  }
0x1f: {  	s9 =	smul.u32 $0xF7A, s1;
	s8 =	simm.s32 @!p0 $0x1BF5;
	p2 =	por !p2, p0  }
0x20: {  	[sflag:s8] =	ssyncset.s32 @!p0 $0xFFFFF086;
	s6 =	sadd.s32 @!p0 s3, s7;
	s7 =	simm.s32 @!p0 $0x108  }
0x21: {  	s3 =	sadd.s32 s3, s9;
	s6 =	sadd.s32 @!p0 $0x88, s6;
	s7 =	simm.s32 @p2 $0x1082  }
0x22: {  	[simem:s7], [sflag:s8] =	dma.local @!p0 [hbm:s6], $0xF7A  }
0x23: {  	s9 =	sor.u32 $0xD0000000, s2;
	s6 =	simm.s32 $0x108;
	_ =	swait.ge @!p0 [sflag:s8], $0x0  }
0x24: {  	s3 =	sadd.s32 $0x88, s3;
	s6 =	simm.s32 @!p1 $0x1082;
	[sflag:s4] =	ssyncset.s32 $0xFFFFF086  }
0x25: {  	[simem:s6], [sflag:s4] =	dma.local [hbm:s3], $0xF7A  }
0x26: {  	[smem:$0x3F98] =	sst s1;
	(tag) =	ssettag s2;
	_ =	strace s9  }
0x27: {  	s1 =	sld [smem:$0x3FA8]  }
0x28: {  	s2 =	sld [smem:$0x3FA9]  }
0x29: {  	s4 =	sld [smem:$0x3FAB]  }
0x2a: {  	p0 =	seq.s32 s5, $0x0;
	s5 =	sld [smem:$0x3FAC]  }
0x2b: {  	s6 =	sld [smem:$0x3FAD]  }
0x2c: {  	s7 =	sld [smem:$0x3FAE]  }
0x2d: {  	s3 =	simm.s32 $0x108;
	s8 =	sld [smem:$0x3FAF]  }
0x2e: {  	s3 =	simm.s32 @!p0 $0x1082;
	s9 =	sld [smem:$0x3FB0]  }
0x2f: {  	lr =	sadd.s32 s0, s3;
	s0 =	sld [smem:$0x3FA7]  }
0x30: {  	s3 =	sld [smem:$0x3FAA]  }
0x31: {  	[smem:$0x3FB3] =	sst s10  }
0x32: {  	s10 =	sld [smem:$0x3FB1];
	_ =	sdelay $0x3  }
0x33: {  	p0 =	seq.s32 s10, $0x1;
	s10 =	sld [smem:$0x3FB3];
	_ =	sdelay $0x3  }
0x34: {  	[smem:$0x3FB3] =	sst s10  }
0x35: {  	s10 =	sld [smem:$0x3FB2];
	_ =	sdelay $0x3  }
0x36: {  	p1 =	seq.s32 s10, $0x1;
	s10 =	sld [smem:$0x3FB3];
	_ =	sdelay $0x3  }
0x37: {  	[smem:$0x3FB3] =	sst s10  }
0x38: {  	s10 =	sld [smem:$0x3FB4]  }
0x39: {  	_ = 	snop;
	(pc) =	sbr.ind lr, $3  }
0x3a: {  	_ = 	snop  }
0x3b: {  	_ = 	snop  }
0x3c: {  	p2 =	seq.s32 s10, $0x1;
	s10 =	sld [smem:$0x3FB3]  }
0x3d: {  	_ =	shalt  }
0x3e: {  	_ =	shalt  }
0x3f: {  	_ =	shalt  }
0x40: {  	_ =	shalt  }
0x41: {  	_ =	shalt  }
0x42: {  	_ =	shalt  }
0x43: {  	_ =	shalt  }
0x44: {  	_ =	shalt  }
0x45: {  	_ =	shalt  }
0x46: {  	_ =	shalt  }
0x47: {  	_ =	shalt  }
0x48: {  	_ =	shalt  }
0x49: {  	_ =	shalt  }
0x4a: {  	_ =	shalt  }
0x4b: {  	_ =	shalt  }
0x4c: {  	_ =	shalt  }
0x4d: {  	_ =	shalt  }
0x4e: {  	_ =	shalt  }
0x4f: {  	_ =	shalt  }
0x50: {  	_ =	shalt  }
0x51: {  	_ =	shalt  }
0x52: {  	_ =	shalt  }
0x53: {  	_ =	shalt  }
0x54: {  	_ =	shalt  }
0x55: {  	_ =	shalt  }
0x56: {  	_ =	shalt  }
0x57: {  	_ =	shalt  }
0x58: {  	_ =	shalt  }
0x59: {  	_ =	shalt  }
0x5a: {  	_ =	shalt  }
0x5b: {  	_ =	shalt  }
0x5c: {  	_ =	shalt  }
0x5d: {  	_ =	shalt  }
0x5e: {  	_ =	shalt  }
0x5f: {  	_ =	shalt  }
0x60: {  	_ =	shalt  }
0x61: {  	_ =	shalt  }
0x62: {  	_ =	shalt  }
0x63: {  	_ =	shalt  }
0x64: {  	_ =	shalt  }
0x65: {  	_ =	shalt  }
0x66: {  	_ =	shalt  }
0x67: {  	_ =	shalt  }
0x68: {  	_ =	shalt  }
0x69: {  	_ =	shalt  }
0x6a: {  	_ =	shalt  }
0x6b: {  	_ =	shalt  }
0x6c: {  	_ =	shalt  }
0x6d: {  	_ =	shalt  }
0x6e: {  	_ =	shalt  }
0x6f: {  	_ =	shalt  }
0x70: {  	_ =	shalt  }
0x71: {  	_ =	shalt  }
0x72: {  	_ =	shalt  }
0x73: {  	_ =	shalt  }
0x74: {  	_ =	shalt  }
0x75: {  	_ =	shalt  }
0x76: {  	_ =	shalt  }
0x77: {  	_ =	shalt  }
0x78: {  	_ =	shalt  }
0x79: {  	_ =	shalt  }
0x7a: {  	_ =	shalt  }
0x7b: {  	_ =	shalt  }
0x7c: {  	_ =	shalt  }
0x7d: {  	_ =	shalt  }
0x7e: {  	_ =	shalt  }
0x7f: {  	_ =	shalt  }
0x80: {  	_ =	shalt  }
0x81: {  	_ =	shalt  }
0x82: {  	_ =	shalt  }
0x83: {  	_ =	shalt  }
0x84: {  	_ =	shalt  }
0x85: {  	_ =	shalt  }
0x86: {  	_ =	shalt  }
0x87: {  	_ =	shalt  }
.Lfunc_end0:
.L_simem_size_0:
called_computation.3_lowered:
.L_overlay_start_0:
0x88: {  	s2 =	sld [smem:$0x3FD9]  }
0x89: {  	s3 =	sld [smem:$0x3FFE];
	_ =	sdelay $0x1  }
0x8a: {  	s1 =	srdreg.scid  }
0x8b: {  	s0 =	sand.u32 $0x1, s1  }
0x8c: {  	s17 =	sshll.u32 s0, $0xA;
	s2 =	sadd.s32 s3, s2  }
0x8d: {  	s2 =	sadd.s32 s2, s17  }
0x8e: {  	[smem:$0x3FBF] =	sst s2  }
0x8f: {  	_ = 	snop  }
0x90: {  	s2 =	sld [smem:$0x3FD0];
	(tm) =	ssettm $0x1  }
0x91: {  	s18 =	sld [smem:$0x3FFB];
	_ =	sdelay $0x3  }
0x92: {  	_ =	strace s18  }
0x93: {  	s3 =	sld [smem:$0x3FFC];
	_ =	sdelay $0x3  }
0x94: {  	_ =	strace s3  }
0x95: {  	s3 =	sld [smem:$0x3FFD];
	_ =	sdelay $0x3  }
0x96: {  	_ =	strace s3  }
0x97: {  	_ =	strace $0x8FFFFFFF  }
0x98: {  	s19 =	sld [smem:$0x3FDB];
	_ =	sdelay $0x1  }
0x99: {  	s4 =	simm.s32 $_scs_section_size  }
0x9a: {  	s5 =	simm.s32 $_size__tile_overlayer_lowered;
	s6 =	simm.s32 $_tile_overlayer_lowered  }
0x9b: {  	s22 =	simm.s32 $0x1BFF;
	s21 =	sshll.u32 s6, $0x1;
	s3 =	sadd.s32 s4, s19  }
0x9c: {  	s7 =	simm.s32 $0x0;
	s20 =	sshll.u32 s5, $0x1;
	s5 =	sadd.s32 s21, s3  }
0x9d: {  	[timem:s7], [sflag:s22] =	dma.local [hbm:s5], s20  }
0x9e: {  	_ =	swait.ge [sflag:s22], s20  }
0x9f: {  	s4 =	ssub.s32 $0x0, s20;
	[sflag:s22] =	ssyncset.done $0x0  }
0xa0: {  	[sflag:s22] =	ssyncadd.s32 s4;
	_ =	sdelay $0x1  }
0xa1: {  	s23 =	simm.s32 $0x1B8B  }
0xa2: {  	_ =	swait.ge [sflag:s23], $0x1  }
0xa3: {  	[sflag:s23] =	ssyncset.done $0x0  }
0xa4: {  	s25 =	simm.s32 $0x1B8E;
	s24 =	sld [smem:$0x3FFE];
	[sflag:s23] =	ssyncadd.s32 $0xFFFFFFFF  }
0xa5: {  	s26 =	simm.s32 $execute0_lowered;
	[smem:$0x3FD2] =	sst s25  }
0xa6: {  	s5 =	sshll.u32 s26, $0x1;
	_ =	strace $0x8000004F;
	[dreg:$0x1] =	wrdreg $0xFFFFFFFF  }
0xa7: {  	s28 =	simm.s32 $_size_execute0_lowered;
	s3 =	sadd.s32 s3, s5;
	[dreg:$0x0] =	wrdreg $0x0  }
0xa8: {  	s5 =	sshll.u32 s28, $0x1;
	[dreg:$0x2] =	wrdreg s3  }
0xa9: {  	[dreg:$0x3] =	wrdreg s5  }
0xaa: {  	[dreg:$0x4] =	wrdreg $0xC0  }
0xab: {  	_ =	task [dreg:s7], $0x5FFFF  }
0xac: {  	[dreg:$0x1] =	wrdreg $0xFFFFFFFF  }
0xad: {  	[dreg:$0x0] =	wrdreg $0x60  }
0xae: {  	[dreg:$0x2] =	wrdreg s24  }
0xaf: {  	[dreg:$0x3] =	wrdreg s2  }
0xb0: {  	[dreg:$0x4] =	wrdreg $0xA9000  }
0xb1: {  	[dreg:$0x5] =	wrdreg $0x9  }
0xb2: {  	_ =	task.clear_ibuf [dreg:s7], $0x6FFFF;
	_ =	strace $0x9000004F  }
0xb3: {  	s29 =	simm.s32 $0x9;
	_ =	strace $0x80000051  }
0xb4: {  	_ =	swait.ge [sflag:s29], $0x1  }
0xb5: {  	[sflag:s29] =	ssyncadd.s32 $0xFFFFFFFF  }
0xb6: {  	_ =	strace $0x90000051  }
0xb7: {  	_ =	sfence  }
0xb8: {  	s30 =	sld [smem:$0x0];
	_ =	sdelay $0x2  }
0xb9: {  	s31 =	sshll.u32 s1, $0xD;
	s1 =	sshrl.u32 s1, $0x2  }
0xba: {  	s3 =	sand.u32 $0x4000, s31;
	s1 =	sadd.s32 s1, s30  }
0xbb: {  	s0 =	sor.u32 s3, s0;
	s1 =	sshll.u32 s1, $0x11  }
0xbc: {  	s0 =	sor.u32 s1, s0  }
0xbd: {  	s0 =	sadd.s32 $0x8F2B, s0  }
0xbe: {  	[sflag:s0] =	ssyncadd.remote.s32 $0x1  }
0xbf: {  	_ =	sfence.sel $0xFFFF  }
0xc0: {  	[dreg:$0x0] =	wrdreg $0xFFFFFFFF;
	(pc) =	sbr.abs _section_cstart, $3  }
0xc1: {  	[dreg:$0x1] =	wrdreg $0xFFFFFFFF  }
0xc2: {  	_ =	task.clear_ibuf [dreg:s7], $0x2FFFF;
	_ =	strace $0x9FFFFFFF  }
0xc3: {  	(tm) =	ssettm $0x7FFFFFFF  }
tec
execute0_lowered:
.L_overlay_start_1:
0x0: {  	(tag) =	ssettag $0x1  }
0x1: {  	s5 =	rddreg [dreg:$0x0]  }
0x2: {  	s9 =	rddreg [dreg:$0x1]  }
0x3: {  	s2 =	rddreg [dreg:$0x2]  }
0x4: {  	s0 =	rddreg [dreg:$0x3]  }
0x5: {  	s1 =	stileid.u32;
	s4 =	srdreg.scid;
	s3 =	simm.s32 $0x0  }
0x6: {  	s16 =	simm.s32 $0x80;
	s17 =	simm.s32 $0x2900;
	s18 =	simm.s32 $0x6900  }
0x7: {  	s19 =	simm.s32 $0x1;
	s20 =	simm.s32 $0x2800;
	s21 =	simm.s32 $0x2  }
0x8: {  	s22 =	simm.s32 $0x2880;
	s23 =	simm.s32 $0x1380;
	s6 =	smul.u32 $0x2800, s1  }
0x9: {  	s24 =	simm.s32 $0x0;
	s7 =	sand.u32 $0x1, s4;
	s12 =	smul.u32 $0x50, s1  }
0xa: {  	[smem:$0x7FF] =	sst s3;
	s4 =	sadd.s32 $0xD400, s5;
	s13 =	smul.u32 $0x50000, s1  }
0xb: {  	s11 =	sadd.s32 $0x3400, s5;
	s29 =	sshll.u32 s1, $0x6;
	s8 =	smul.u32 $0x28000, s7  }
0xc: {  	_ =	strace $0x80000050;
	s10 =	smul.u32 $0x500, s7;
	s7 =	ssub.s32 $0x2, s7  }
0xd: {  	s25 =	sshrl.u32 s7, $0x1;
	s28 =	sshrl.u32 s13, $0x2;
	s8 =	sadd.s32 s6, s8  }
0xe: {  	s6 =	sadd.s32 s6, s5;
	s15 =	ssub.s32 s7, s25;
	s26 =	sadd.s32 s12, s10  }
0xf: {  	s13 =	sadd.s32 s28, s2;
	s14 =	sadd.s32 s8, s5;
	s30 =	sshll.u32 s26, $0x4  }
0x10: {  	s5 =	sadd.s32 $0x5D400, s6;
	s6 =	sor.u32 $0x1C03, s29;
	s12 =	smax.u32 s15, $0x1  }
0x11: {  	s13 =	sshrl.u32 s13, $0x3;
	s15 =	simm.s32 $0x1400;
	s31 =	sadd.s32 $0x280, s30  }
0x12: {  	s7 =	sadd.s32 s9, s30;
	s8 =	sadd.s32 s11, s30;
	s9 =	sadd.s32 s9, s31  }
0x13: {  	s10 =	sadd.s32 s11, s31;
	s11 =	sadd.s32 $0x85400, s14;
	s14 =	simm.s32 $0x3  }
.LBB2_1:
0x14: {  	[spmem:s13], [sflag:s6] =	dma.local [hbm:s5], $0x2800  }
0x15: {  	_ =	swait.ge [sflag:s14], $0x2800  }
0x16: {  	[sflag:s14] =	ssyncset.done $0x0  }
0x17: {  	[sflag:s14] =	ssyncadd.s32 $0xFFFFD800  }
0x18: {  	[bflag:$0x0] =	sbarrier.arrive $0xFFFF  }
0x19: {  	[tilespmem:s3], [sflag:$0x3] =	stream.linear.gather [hbm4b:s7+s3], $0x1400, $0x38;
	[tilespmem:$0x1E900] =	vst v63  }
0x1a: {  	_ =	swait.ge [sflag:s14], $0x1400  }
0x1b: {  	[sflag:s14] =	ssyncset.done $0x0  }
0x1c: {  	[sflag:s14] =	ssyncadd.s32 $0xFFFFEC00  }
0x1d: {  	[tilespmem:s15], [sflag:$0x3] =	stream.linear.gather [hbm4b:s8+s3], $0x1400, $0x38;
	[tilespmem:$0x1E900] =	vst v63  }
0x1e: {  	_ =	swait.ge [sflag:s14], $0x1400  }
0x1f: {  	[sflag:s14] =	ssyncset.done $0x0  }
0x20: {  	[sflag:s14] =	ssyncadd.s32 $0xFFFFEC00  }
0x21: {  	[tilespmem:s17], [sflag:$0x1] =	stream.indirect.gather [hbm4b:s4+s16], $0x80, s3, s16, $0xb8;
	[tilespmem:$0x1E900] =	vst v63  }
0x22: {  	v0 =	vld [tilespmem:$0x1400]  }
0x23: {  	v1 =	vld [tilespmem:$0x1410]  }
0x24: {  	v2 =	vld [tilespmem:$0x1420]  }
0x25: {  	v3 =	vld [tilespmem:$0x1430]  }
0x26: {  	v4 =	vld [tilespmem:$0x1440]  }
0x27: {  	v60 =	vld [tilespmem:$0x1450];
	[tilespmem:$0x2800] =	vst v0  }
0x28: {  	v61 =	vld [tilespmem:$0x1460];
	[tilespmem:$0x2810] =	vst v1  }
0x29: {  	v62 =	vld [tilespmem:$0x1470];
	[tilespmem:$0x2820] =	vst v2  }
0x2a: {  	[tilespmem:$0x2830] =	vst v3  }
0x2b: {  	[tilespmem:$0x2840] =	vst v4  }
0x2c: {  	[tilespmem:$0x2850] =	vst v60  }
0x2d: {  	[tilespmem:$0x2860] =	vst v61  }
0x2e: {  	s25 =	simm.s32 $0x0;
	s26 =	simm.s32 $0x80;
	[tilespmem:$0x2870] =	vst v62  }
0x2f: {  	[tilespmem:s18], [sflag:$0x2] =	stream.indirect.gather [hbm4b:s4+s16], $0x80, s26, s16, $0xb8;
	[tilespmem:$0x1E900] =	vst v63  }
0x30: {  	v0 =	vld [tilespmem:s25+$0x1480];
	_ =	sdelay $0x4  }
0x31: {  	[tilespmem:$0x2880] =	vst v0  }
0x32: {  	v0 =	vld [tilespmem:s25+$0x1490];
	_ =	sdelay $0x4  }
0x33: {  	[tilespmem:$0x2890] =	vst v0  }
0x34: {  	v0 =	vld [tilespmem:s25+$0x14A0];
	_ =	sdelay $0x4  }
0x35: {  	[tilespmem:$0x28A0] =	vst v0  }
0x36: {  	v0 =	vld [tilespmem:s25+$0x14B0];
	_ =	sdelay $0x4  }
0x37: {  	[tilespmem:$0x28B0] =	vst v0  }
0x38: {  	v0 =	vld [tilespmem:s25+$0x14C0];
	_ =	sdelay $0x4  }
0x39: {  	[tilespmem:$0x28C0] =	vst v0  }
0x3a: {  	v0 =	vld [tilespmem:s25+$0x14D0];
	_ =	sdelay $0x4  }
0x3b: {  	[tilespmem:$0x28D0] =	vst v0  }
0x3c: {  	v0 =	vld [tilespmem:s25+$0x14E0];
	_ =	sdelay $0x4  }
0x3d: {  	[tilespmem:$0x28E0] =	vst v0  }
0x3e: {  	v0 =	vld [tilespmem:s25+$0x14F0];
	_ =	sdelay $0x4  }
0x3f: {  	[tilespmem:$0x28F0] =	vst v0  }
0x40: {  	_ =	swait.ge [sflag:s19], $0x4000  }
0x41: {  	[sflag:s19] =	ssyncset.done $0x0  }
0x42: {  	[sflag:s19] =	ssyncadd.s32 $0xFFFFC000  }
0x43: {  	[spmem:s2] =	stream.indirect.scatter.add.f32 [tilespmem:s17], [sflag:$0x3], $0x80, s20, s16, $0xb8;
	[tilespmem:$0x1E900] =	vst v63  }
0x44: {  	_ =	swait.ge [sflag:s14], $0x4000  }
0x45: {  	[sflag:s14] =	ssyncset.done $0x0  }
0x46: {  	s31 =	simm.s32 $0x100;
	[sflag:s14] =	ssyncadd.s32 $0xFFFFC000  }
0x47: {  	[tilespmem:s17], [sflag:$0x1] =	stream.indirect.gather [hbm4b:s4+s16], $0x80, s31, s16, $0xb8;
	[tilespmem:$0x1E900] =	vst v63  }
0x48: {  	v63 =	vld [tilespmem:s25+$0x1500];
	_ =	sdelay $0x4  }
0x49: {  	[tilespmem:$0x2800] =	vst v63  }
0x4a: {  	v0 =	vld [tilespmem:s25+$0x1510];
	_ =	sdelay $0x4  }
0x4b: {  	[tilespmem:$0x2810] =	vst v0  }
0x4c: {  	v0 =	vld [tilespmem:s25+$0x1520];
	_ =	sdelay $0x4  }
0x4d: {  	[tilespmem:$0x2820] =	vst v0  }
0x4e: {  	v0 =	vld [tilespmem:s25+$0x1530];
	_ =	sdelay $0x4  }
0x4f: {  	[tilespmem:$0x2830] =	vst v0  }
0x50: {  	v0 =	vld [tilespmem:s25+$0x1540];
	_ =	sdelay $0x4  }
0x51: {  	[tilespmem:$0x2840] =	vst v0  }
0x52: {  	v0 =	vld [tilespmem:s25+$0x1550];
	_ =	sdelay $0x4  }
0x53: {  	[tilespmem:$0x2850] =	vst v0  }
0x54: {  	v0 =	vld [tilespmem:s25+$0x1560];
	_ =	sdelay $0x4  }
0x55: {  	[tilespmem:$0x2860] =	vst v0  }
0x56: {  	v0 =	vld [tilespmem:s25+$0x1570];
	_ =	sdelay $0x4  }
0x57: {  	[tilespmem:$0x2870] =	vst v0  }
0x58: {  	_ =	swait.ge [sflag:s21], $0x4000  }
0x59: {  	[sflag:s21] =	ssyncset.done $0x0  }
0x5a: {  	[sflag:s21] =	ssyncadd.s32 $0xFFFFC000  }
0x5b: {  	[spmem:s2] =	stream.indirect.scatter.add.f32 [tilespmem:s18], [sflag:$0x3], $0x80, s22, s16, $0xb8;
	[tilespmem:$0x1E900] =	vst v63  }
0x5c: {  	_ =	swait.ge [sflag:s14], $0x4000  }
0x5d: {  	s29 =	simm.s32 $0x800;
	s25 =	simm.s32 $0x100;
	[sflag:s14] =	ssyncset.done $0x0  }
.LBB2_2:
0x5e: {  	s30 =	sadd.s32 $0x80, s25  }
0x5f: {  	[sflag:s14] =	ssyncadd.s32 $0xFFFFC000;
	s28 =	smov.u32 s29;
	s26 =	sadd.s32 $0x400, s29  }
0x60: {  	[tilespmem:s18], [sflag:$0x2] =	stream.indirect.gather [hbm4b:s4+s16], $0x80, s30, s16, $0xb8;
	[tilespmem:$0x1E900] =	vst v63  }
0x61: {  	p0 =	sne.s32 s29, $0x4800;
	v0 =	vld [tilespmem:s25+$0x1480];
	_ =	sdelay $0x4  }
0x62: {  	[tilespmem:$0x2880] =	vst v0  }
0x63: {  	v0 =	vld [tilespmem:s25+$0x1490];
	_ =	sdelay $0x4  }
0x64: {  	[tilespmem:$0x2890] =	vst v0  }
0x65: {  	v0 =	vld [tilespmem:s25+$0x14A0];
	_ =	sdelay $0x4  }
0x66: {  	[tilespmem:$0x28A0] =	vst v0  }
0x67: {  	v0 =	vld [tilespmem:s25+$0x14B0];
	_ =	sdelay $0x4  }
0x68: {  	[tilespmem:$0x28B0] =	vst v0  }
0x69: {  	v0 =	vld [tilespmem:s25+$0x14C0];
	_ =	sdelay $0x4  }
0x6a: {  	[tilespmem:$0x28C0] =	vst v0  }
0x6b: {  	v0 =	vld [tilespmem:s25+$0x14D0];
	_ =	sdelay $0x4  }
0x6c: {  	[tilespmem:$0x28D0] =	vst v0  }
0x6d: {  	v0 =	vld [tilespmem:s25+$0x14E0];
	_ =	sdelay $0x4  }
0x6e: {  	[tilespmem:$0x28E0] =	vst v0  }
0x6f: {  	v0 =	vld [tilespmem:s25+$0x14F0];
	_ =	sdelay $0x4  }
0x70: {  	[tilespmem:$0x28F0] =	vst v0  }
0x71: {  	_ =	swait.ge [sflag:s19], $0x4000  }
0x72: {  	[sflag:s19] =	ssyncset.done $0x0  }
0x73: {  	[sflag:s19] =	ssyncadd.s32 $0xFFFFC000  }
0x74: {  	[spmem:s2] =	stream.indirect.scatter.add.f32 [tilespmem:s17], [sflag:$0x3], $0x80, s20, s16, $0xb8;
	[tilespmem:$0x1E900] =	vst v63  }
0x75: {  	_ =	swait.ge [sflag:s14], $0x4000  }
0x76: {  	[sflag:s14] =	ssyncset.done $0x0  }
0x77: {  	s29 =	sadd.s32 $0x100, s25;
	[sflag:s14] =	ssyncadd.s32 $0xFFFFC000  }
0x78: {  	[tilespmem:s17], [sflag:$0x1] =	stream.indirect.gather [hbm4b:s4+s16], $0x80, s29, s16, $0xb8;
	[tilespmem:$0x1E900] =	vst v63  }
0x79: {  	v0 =	vld [tilespmem:s25+$0x1500];
	_ =	sdelay $0x4  }
0x7a: {  	[tilespmem:$0x2800] =	vst v0  }
0x7b: {  	v0 =	vld [tilespmem:s25+$0x1510];
	_ =	sdelay $0x4  }
0x7c: {  	[tilespmem:$0x2810] =	vst v0  }
0x7d: {  	v0 =	vld [tilespmem:s25+$0x1520];
	_ =	sdelay $0x4  }
0x7e: {  	[tilespmem:$0x2820] =	vst v0  }
0x7f: {  	v0 =	vld [tilespmem:s25+$0x1530];
	_ =	sdelay $0x4  }
0x80: {  	[tilespmem:$0x2830] =	vst v0  }
0x81: {  	v0 =	vld [tilespmem:s25+$0x1540];
	_ =	sdelay $0x4  }
0x82: {  	[tilespmem:$0x2840] =	vst v0  }
0x83: {  	v0 =	vld [tilespmem:s25+$0x1550];
	_ =	sdelay $0x4  }
0x84: {  	[tilespmem:$0x2850] =	vst v0  }
0x85: {  	v0 =	vld [tilespmem:s25+$0x1560];
	_ =	sdelay $0x4  }
0x86: {  	[tilespmem:$0x2860] =	vst v0  }
0x87: {  	v0 =	vld [tilespmem:s25+$0x1570];
	_ =	sdelay $0x4  }
0x88: {  	[tilespmem:$0x2870] =	vst v0  }
0x89: {  	_ =	swait.ge [sflag:s21], $0x4000  }
.Ltmp0:
0x8a: {  	[sflag:s21] =	ssyncset.done $0x0;
	(pc) =	sbr.rel @p0 .LBB2_2-.Ltmp0, $4  }
0x8b: {  	[sflag:s21] =	ssyncadd.s32 $0xFFFFC000  }
0x8c: {  	[spmem:s2] =	stream.indirect.scatter.add.f32 [tilespmem:s18], [sflag:$0x3], $0x80, s22, s16, $0xb8;
	[tilespmem:$0x1E900] =	vst v63  }
0x8d: {  	_ =	swait.ge [sflag:s14], $0x4000  }
0x8e: {  	s29 =	smov.u32 s26;
	s25 =	sshra.s32 s28, $0x2;
	[sflag:s14] =	ssyncset.done $0x0  }
0x8f: {  	s26 =	sadd.s32 $0x80, s25;
	[sflag:s14] =	ssyncadd.s32 $0xFFFFC000  }
0x90: {  	[tilespmem:s18], [sflag:$0x2] =	stream.indirect.gather [hbm4b:s4+s16], $0x80, s26, s16, $0xb8;
	[tilespmem:$0x1E900] =	vst v63  }
0x91: {  	v0 =	vld [tilespmem:s25+$0x1480];
	_ =	sdelay $0x4  }
0x92: {  	[tilespmem:$0x2880] =	vst v0  }
0x93: {  	v0 =	vld [tilespmem:s25+$0x1490];
	_ =	sdelay $0x4  }
0x94: {  	[tilespmem:$0x2890] =	vst v0  }
0x95: {  	v0 =	vld [tilespmem:s25+$0x14A0];
	_ =	sdelay $0x4  }
0x96: {  	[tilespmem:$0x28A0] =	vst v0  }
0x97: {  	v0 =	vld [tilespmem:s25+$0x14B0];
	_ =	sdelay $0x4  }
0x98: {  	[tilespmem:$0x28B0] =	vst v0  }
0x99: {  	v0 =	vld [tilespmem:s25+$0x14C0];
	_ =	sdelay $0x4  }
0x9a: {  	[tilespmem:$0x28C0] =	vst v0  }
0x9b: {  	v0 =	vld [tilespmem:s25+$0x14D0];
	_ =	sdelay $0x4  }
0x9c: {  	[tilespmem:$0x28D0] =	vst v0  }
0x9d: {  	v0 =	vld [tilespmem:s25+$0x14E0];
	_ =	sdelay $0x4  }
0x9e: {  	[tilespmem:$0x28E0] =	vst v0  }
0x9f: {  	v0 =	vld [tilespmem:s25+$0x14F0];
	_ =	sdelay $0x4  }
0xa0: {  	[tilespmem:$0x28F0] =	vst v0  }
0xa1: {  	_ =	swait.ge [sflag:s19], $0x4000  }
0xa2: {  	[sflag:s19] =	ssyncset.done $0x0  }
0xa3: {  	[sflag:s19] =	ssyncadd.s32 $0xFFFFC000  }
0xa4: {  	[spmem:s2] =	stream.indirect.scatter.add.f32 [tilespmem:s17], [sflag:$0x3], $0x80, s20, s16, $0xb8;
	[tilespmem:$0x1E900] =	vst v63  }
0xa5: {  	_ =	swait.ge [sflag:s14], $0x4000  }
0xa6: {  	[sflag:s14] =	ssyncset.done $0x0  }
0xa7: {  	s31 =	sadd.s32 $0x100, s25;
	[sflag:s14] =	ssyncadd.s32 $0xFFFFC000  }
0xa8: {  	[tilespmem:s17], [sflag:$0x1] =	stream.indirect.gather [hbm4b:s4+s16], $0x80, s31, s16, $0xb8;
	[tilespmem:$0x1E900] =	vst v63  }
0xa9: {  	v50 =	vld [tilespmem:s25+$0x1500];
	_ =	sdelay $0x4  }
0xaa: {  	[tilespmem:$0x2800] =	vst v50  }
0xab: {  	v0 =	vld [tilespmem:s25+$0x1510];
	_ =	sdelay $0x4  }
0xac: {  	[tilespmem:$0x2810] =	vst v0  }
0xad: {  	v0 =	vld [tilespmem:s25+$0x1520];
	_ =	sdelay $0x4  }
0xae: {  	[tilespmem:$0x2820] =	vst v0  }
0xaf: {  	v0 =	vld [tilespmem:s25+$0x1530];
	_ =	sdelay $0x4  }
0xb0: {  	[tilespmem:$0x2830] =	vst v0  }
0xb1: {  	v0 =	vld [tilespmem:s25+$0x1540];
	_ =	sdelay $0x4  }
0xb2: {  	[tilespmem:$0x2840] =	vst v0  }
0xb3: {  	v0 =	vld [tilespmem:s25+$0x1550];
	_ =	sdelay $0x4  }
0xb4: {  	[tilespmem:$0x2850] =	vst v0  }
0xb5: {  	v0 =	vld [tilespmem:s25+$0x1560];
	_ =	sdelay $0x4  }
0xb6: {  	[tilespmem:$0x2860] =	vst v0  }
0xb7: {  	v0 =	vld [tilespmem:s25+$0x1570];
	_ =	sdelay $0x4  }
0xb8: {  	[tilespmem:$0x2870] =	vst v0  }
0xb9: {  	_ =	swait.ge [sflag:s21], $0x4000  }
0xba: {  	[sflag:s21] =	ssyncset.done $0x0  }
0xbb: {  	[sflag:s21] =	ssyncadd.s32 $0xFFFFC000  }
0xbc: {  	[spmem:s2] =	stream.indirect.scatter.add.f32 [tilespmem:s18], [sflag:$0x3], $0x80, s22, s16, $0xb8;
	[tilespmem:$0x1E900] =	vst v63  }
0xbd: {  	_ =	swait.ge [sflag:s14], $0x4000  }
0xbe: {  	[sflag:s14] =	ssyncset.done $0x0  }
0xbf: {  	[sflag:s14] =	ssyncadd.s32 $0xFFFFC000  }
0xc0: {  	[tilespmem:s18], [sflag:$0x2] =	stream.indirect.gather [hbm4b:s4+s16], $0x80, s23, s16, $0xb8;
	[tilespmem:$0x1E900] =	vst v63  }
0xc1: {  	v51 =	vld [tilespmem:$0x2780]  }
0xc2: {  	v1 =	vld [tilespmem:$0x2790]  }
0xc3: {  	v2 =	vld [tilespmem:$0x27A0]  }
0xc4: {  	v3 =	vld [tilespmem:$0x27B0]  }
0xc5: {  	v4 =	vld [tilespmem:$0x27C0]  }
0xc6: {  	v52 =	vld [tilespmem:$0x27D0];
	[tilespmem:$0x2880] =	vst v51  }
0xc7: {  	v53 =	vld [tilespmem:$0x27E0];
	[tilespmem:$0x2890] =	vst v1  }
0xc8: {  	v54 =	vld [tilespmem:$0x27F0];
	[tilespmem:$0x28A0] =	vst v2  }
0xc9: {  	[tilespmem:$0x28B0] =	vst v3  }
0xca: {  	[tilespmem:$0x28C0] =	vst v4  }
0xcb: {  	[tilespmem:$0x28D0] =	vst v52  }
0xcc: {  	[tilespmem:$0x28E0] =	vst v53  }
0xcd: {  	[tilespmem:$0x28F0] =	vst v54  }
0xce: {  	_ =	swait.ge [sflag:s19], $0x4000  }
0xcf: {  	[sflag:s19] =	ssyncset.done $0x0  }
0xd0: {  	[sflag:s19] =	ssyncadd.s32 $0xFFFFC000  }
0xd1: {  	[spmem:s2] =	stream.indirect.scatter.add.f32 [tilespmem:s17], [sflag:$0x3], $0x80, s20, s16, $0xb8;
	[tilespmem:$0x1E900] =	vst v63  }
0xd2: {  	_ =	swait.ge [sflag:s14], $0x4000  }
0xd3: {  	[sflag:s14] =	ssyncset.done $0x0  }
0xd4: {  	[sflag:s14] =	ssyncadd.s32 $0xFFFFC000  }
0xd5: {  	_ =	swait.ge [sflag:s21], $0x4000  }
0xd6: {  	[sflag:s21] =	ssyncset.done $0x0  }
0xd7: {  	[sflag:s21] =	ssyncadd.s32 $0xFFFFC000  }
0xd8: {  	[spmem:s2] =	stream.indirect.scatter.add.f32 [tilespmem:s18], [sflag:$0x3], $0x80, s22, s16, $0xb8;
	[tilespmem:$0x1E900] =	vst v63  }
0xd9: {  	_ =	swait.ge [sflag:s14], $0x4000  }
0xda: {  	[sflag:s14] =	ssyncset.done $0x0  }
0xdb: {  	s26 =	simm.s32 $0x0;
	[sflag:s14] =	ssyncadd.s32 $0xFFFFC000  }
0xdc: {  	[tilespmem:s26], [sflag:$0x3] =	stream.linear.gather [hbm4b:s9+s26], $0x1400, $0x38;
	[tilespmem:$0x1E900] =	vst v63  }
0xdd: {  	_ =	swait.ge [sflag:s14], $0x1400  }
0xde: {  	[sflag:s14] =	ssyncset.done $0x0  }
0xdf: {  	[sflag:s14] =	ssyncadd.s32 $0xFFFFEC00  }
0xe0: {  	[tilespmem:s15], [sflag:$0x3] =	stream.linear.gather [hbm4b:s10+s26], $0x1400, $0x38;
	[tilespmem:$0x1E900] =	vst v63  }
0xe1: {  	_ =	swait.ge [sflag:s14], $0x1400  }
0xe2: {  	[sflag:s14] =	ssyncset.done $0x0  }
0xe3: {  	[sflag:s14] =	ssyncadd.s32 $0xFFFFEC00  }
0xe4: {  	[tilespmem:s17], [sflag:$0x1] =	stream.indirect.gather [hbm4b:s4+s16], $0x80, s26, s16, $0xb8;
	[tilespmem:$0x1E900] =	vst v63  }
0xe5: {  	v55 =	vld [tilespmem:$0x1400]  }
0xe6: {  	v56 =	vld [tilespmem:$0x1410]  }
0xe7: {  	v57 =	vld [tilespmem:$0x1420]  }
0xe8: {  	v58 =	vld [tilespmem:$0x1430]  }
0xe9: {  	v59 =	vld [tilespmem:$0x1440]  }
0xea: {  	v60 =	vld [tilespmem:$0x1450];
	[tilespmem:$0x2800] =	vst v55  }
0xeb: {  	v61 =	vld [tilespmem:$0x1460];
	[tilespmem:$0x2810] =	vst v56  }
0xec: {  	v62 =	vld [tilespmem:$0x1470];
	[tilespmem:$0x2820] =	vst v57  }
0xed: {  	[tilespmem:$0x2830] =	vst v58  }
0xee: {  	[tilespmem:$0x2840] =	vst v59  }
0xef: {  	[tilespmem:$0x2850] =	vst v60  }
0xf0: {  	[tilespmem:$0x2860] =	vst v61  }
0xf1: {  	s28 =	simm.s32 $0x0;
	s30 =	simm.s32 $0x80;
	[tilespmem:$0x2870] =	vst v62  }
0xf2: {  	[tilespmem:s18], [sflag:$0x2] =	stream.indirect.gather [hbm4b:s4+s16], $0x80, s30, s16, $0xb8;
	[tilespmem:$0x1E900] =	vst v63  }
0xf3: {  	v0 =	vld [tilespmem:s28+$0x1480];
	_ =	sdelay $0x4  }
0xf4: {  	[tilespmem:$0x2880] =	vst v0  }
0xf5: {  	v0 =	vld [tilespmem:s28+$0x1490];
	_ =	sdelay $0x4  }
0xf6: {  	[tilespmem:$0x2890] =	vst v0  }
0xf7: {  	v0 =	vld [tilespmem:s28+$0x14A0];
	_ =	sdelay $0x4  }
0xf8: {  	[tilespmem:$0x28A0] =	vst v0  }
0xf9: {  	v0 =	vld [tilespmem:s28+$0x14B0];
	_ =	sdelay $0x4  }
0xfa: {  	[tilespmem:$0x28B0] =	vst v0  }
0xfb: {  	v0 =	vld [tilespmem:s28+$0x14C0];
	_ =	sdelay $0x4  }
0xfc: {  	[tilespmem:$0x28C0] =	vst v0  }
0xfd: {  	v0 =	vld [tilespmem:s28+$0x14D0];
	_ =	sdelay $0x4  }
0xfe: {  	[tilespmem:$0x28D0] =	vst v0  }
0xff: {  	v0 =	vld [tilespmem:s28+$0x14E0];
	_ =	sdelay $0x4  }
0x100: {  	[tilespmem:$0x28E0] =	vst v0  }
0x101: {  	v0 =	vld [tilespmem:s28+$0x14F0];
	_ =	sdelay $0x4  }
0x102: {  	[tilespmem:$0x28F0] =	vst v0  }
0x103: {  	_ =	swait.ge [sflag:s19], $0x4000  }
0x104: {  	[sflag:s19] =	ssyncset.done $0x0  }
0x105: {  	[sflag:s19] =	ssyncadd.s32 $0xFFFFC000  }
0x106: {  	[spmem:s2] =	stream.indirect.scatter.add.f32 [tilespmem:s17], [sflag:$0x3], $0x80, s20, s16, $0xb8;
	[tilespmem:$0x1E900] =	vst v63  }
0x107: {  	_ =	swait.ge [sflag:s14], $0x4000  }
0x108: {  	[sflag:s14] =	ssyncset.done $0x0  }
0x109: {  	s31 =	simm.s32 $0x100;
	[sflag:s14] =	ssyncadd.s32 $0xFFFFC000  }
0x10a: {  	[tilespmem:s17], [sflag:$0x1] =	stream.indirect.gather [hbm4b:s4+s16], $0x80, s31, s16, $0xb8;
	[tilespmem:$0x1E900] =	vst v63  }
0x10b: {  	v63 =	vld [tilespmem:s28+$0x1500];
	_ =	sdelay $0x4  }
0x10c: {  	[tilespmem:$0x2800] =	vst v63  }
0x10d: {  	v0 =	vld [tilespmem:s28+$0x1510];
	_ =	sdelay $0x4  }
0x10e: {  	[tilespmem:$0x2810] =	vst v0  }
0x10f: {  	v0 =	vld [tilespmem:s28+$0x1520];
	_ =	sdelay $0x4  }
0x110: {  	[tilespmem:$0x2820] =	vst v0  }
0x111: {  	v0 =	vld [tilespmem:s28+$0x1530];
	_ =	sdelay $0x4  }
0x112: {  	[tilespmem:$0x2830] =	vst v0  }
0x113: {  	v0 =	vld [tilespmem:s28+$0x1540];
	_ =	sdelay $0x4  }
0x114: {  	[tilespmem:$0x2840] =	vst v0  }
0x115: {  	v0 =	vld [tilespmem:s28+$0x1550];
	_ =	sdelay $0x4  }
0x116: {  	[tilespmem:$0x2850] =	vst v0  }
0x117: {  	v0 =	vld [tilespmem:s28+$0x1560];
	_ =	sdelay $0x4  }
0x118: {  	[tilespmem:$0x2860] =	vst v0  }
0x119: {  	v0 =	vld [tilespmem:s28+$0x1570];
	_ =	sdelay $0x4  }
0x11a: {  	[tilespmem:$0x2870] =	vst v0  }
0x11b: {  	_ =	swait.ge [sflag:s21], $0x4000  }
0x11c: {  	[sflag:s21] =	ssyncset.done $0x0  }
0x11d: {  	[sflag:s21] =	ssyncadd.s32 $0xFFFFC000  }
0x11e: {  	[spmem:s2] =	stream.indirect.scatter.add.f32 [tilespmem:s18], [sflag:$0x3], $0x80, s22, s16, $0xb8;
	[tilespmem:$0x1E900] =	vst v63  }
0x11f: {  	_ =	swait.ge [sflag:s14], $0x4000  }
0x120: {  	s29 =	simm.s32 $0x800;
	s25 =	simm.s32 $0x100;
	[sflag:s14] =	ssyncset.done $0x0  }
.LBB2_4:
0x121: {  	s30 =	sadd.s32 $0x80, s25  }
0x122: {  	[sflag:s14] =	ssyncadd.s32 $0xFFFFC000;
	s28 =	smov.u32 s29;
	s26 =	sadd.s32 $0x400, s29  }
0x123: {  	[tilespmem:s18], [sflag:$0x2] =	stream.indirect.gather [hbm4b:s4+s16], $0x80, s30, s16, $0xb8;
	[tilespmem:$0x1E900] =	vst v63  }
0x124: {  	p0 =	sne.s32 s29, $0x4800;
	v0 =	vld [tilespmem:s25+$0x1480];
	_ =	sdelay $0x4  }
0x125: {  	[tilespmem:$0x2880] =	vst v0  }
0x126: {  	v0 =	vld [tilespmem:s25+$0x1490];
	_ =	sdelay $0x4  }
0x127: {  	[tilespmem:$0x2890] =	vst v0  }
0x128: {  	v0 =	vld [tilespmem:s25+$0x14A0];
	_ =	sdelay $0x4  }
0x129: {  	[tilespmem:$0x28A0] =	vst v0  }
0x12a: {  	v0 =	vld [tilespmem:s25+$0x14B0];
	_ =	sdelay $0x4  }
0x12b: {  	[tilespmem:$0x28B0] =	vst v0  }
0x12c: {  	v0 =	vld [tilespmem:s25+$0x14C0];
	_ =	sdelay $0x4  }
0x12d: {  	[tilespmem:$0x28C0] =	vst v0  }
0x12e: {  	v0 =	vld [tilespmem:s25+$0x14D0];
	_ =	sdelay $0x4  }
0x12f: {  	[tilespmem:$0x28D0] =	vst v0  }
0x130: {  	v0 =	vld [tilespmem:s25+$0x14E0];
	_ =	sdelay $0x4  }
0x131: {  	[tilespmem:$0x28E0] =	vst v0  }
0x132: {  	v0 =	vld [tilespmem:s25+$0x14F0];
	_ =	sdelay $0x4  }
0x133: {  	[tilespmem:$0x28F0] =	vst v0  }
0x134: {  	_ =	swait.ge [sflag:s19], $0x4000  }
0x135: {  	[sflag:s19] =	ssyncset.done $0x0  }
0x136: {  	[sflag:s19] =	ssyncadd.s32 $0xFFFFC000  }
0x137: {  	[spmem:s2] =	stream.indirect.scatter.add.f32 [tilespmem:s17], [sflag:$0x3], $0x80, s20, s16, $0xb8;
	[tilespmem:$0x1E900] =	vst v63  }
0x138: {  	_ =	swait.ge [sflag:s14], $0x4000  }
0x139: {  	[sflag:s14] =	ssyncset.done $0x0  }
0x13a: {  	s29 =	sadd.s32 $0x100, s25;
	[sflag:s14] =	ssyncadd.s32 $0xFFFFC000  }
0x13b: {  	[tilespmem:s17], [sflag:$0x1] =	stream.indirect.gather [hbm4b:s4+s16], $0x80, s29, s16, $0xb8;
	[tilespmem:$0x1E900] =	vst v63  }
0x13c: {  	v0 =	vld [tilespmem:s25+$0x1500];
	_ =	sdelay $0x4  }
0x13d: {  	[tilespmem:$0x2800] =	vst v0  }
0x13e: {  	v0 =	vld [tilespmem:s25+$0x1510];
	_ =	sdelay $0x4  }
0x13f: {  	[tilespmem:$0x2810] =	vst v0  }
0x140: {  	v0 =	vld [tilespmem:s25+$0x1520];
	_ =	sdelay $0x4  }
0x141: {  	[tilespmem:$0x2820] =	vst v0  }
0x142: {  	v0 =	vld [tilespmem:s25+$0x1530];
	_ =	sdelay $0x4  }
0x143: {  	[tilespmem:$0x2830] =	vst v0  }
0x144: {  	v0 =	vld [tilespmem:s25+$0x1540];
	_ =	sdelay $0x4  }
0x145: {  	[tilespmem:$0x2840] =	vst v0  }
0x146: {  	v0 =	vld [tilespmem:s25+$0x1550];
	_ =	sdelay $0x4  }
0x147: {  	[tilespmem:$0x2850] =	vst v0  }
0x148: {  	v0 =	vld [tilespmem:s25+$0x1560];
	_ =	sdelay $0x4  }
0x149: {  	[tilespmem:$0x2860] =	vst v0  }
0x14a: {  	v0 =	vld [tilespmem:s25+$0x1570];
	_ =	sdelay $0x4  }
0x14b: {  	[tilespmem:$0x2870] =	vst v0  }
0x14c: {  	_ =	swait.ge [sflag:s21], $0x4000  }
.Ltmp1:
0x14d: {  	[sflag:s21] =	ssyncset.done $0x0;
	(pc) =	sbr.rel @p0 .LBB2_4-.Ltmp1, $4  }
0x14e: {  	[sflag:s21] =	ssyncadd.s32 $0xFFFFC000  }
0x14f: {  	[spmem:s2] =	stream.indirect.scatter.add.f32 [tilespmem:s18], [sflag:$0x3], $0x80, s22, s16, $0xb8;
	[tilespmem:$0x1E900] =	vst v63  }
0x150: {  	_ =	swait.ge [sflag:s14], $0x4000  }
0x151: {  	s29 =	smov.u32 s26;
	s25 =	sshra.s32 s28, $0x2;
	[sflag:s14] =	ssyncset.done $0x0  }
0x152: {  	s26 =	sadd.s32 $0x80, s25;
	[sflag:s14] =	ssyncadd.s32 $0xFFFFC000  }
0x153: {  	[tilespmem:s18], [sflag:$0x2] =	stream.indirect.gather [hbm4b:s4+s16], $0x80, s26, s16, $0xb8;
	[tilespmem:$0x1E900] =	vst v63  }
0x154: {  	v0 =	vld [tilespmem:s25+$0x1480];
	_ =	sdelay $0x4  }
0x155: {  	[tilespmem:$0x2880] =	vst v0  }
0x156: {  	v0 =	vld [tilespmem:s25+$0x1490];
	_ =	sdelay $0x4  }
0x157: {  	[tilespmem:$0x2890] =	vst v0  }
0x158: {  	v0 =	vld [tilespmem:s25+$0x14A0];
	_ =	sdelay $0x4  }
0x159: {  	[tilespmem:$0x28A0] =	vst v0  }
0x15a: {  	v0 =	vld [tilespmem:s25+$0x14B0];
	_ =	sdelay $0x4  }
0x15b: {  	[tilespmem:$0x28B0] =	vst v0  }
0x15c: {  	v0 =	vld [tilespmem:s25+$0x14C0];
	_ =	sdelay $0x4  }
0x15d: {  	[tilespmem:$0x28C0] =	vst v0  }
0x15e: {  	v0 =	vld [tilespmem:s25+$0x14D0];
	_ =	sdelay $0x4  }
0x15f: {  	[tilespmem:$0x28D0] =	vst v0  }
0x160: {  	v0 =	vld [tilespmem:s25+$0x14E0];
	_ =	sdelay $0x4  }
0x161: {  	[tilespmem:$0x28E0] =	vst v0  }
0x162: {  	v0 =	vld [tilespmem:s25+$0x14F0];
	_ =	sdelay $0x4  }
0x163: {  	[tilespmem:$0x28F0] =	vst v0  }
0x164: {  	_ =	swait.ge [sflag:s19], $0x4000  }
0x165: {  	[sflag:s19] =	ssyncset.done $0x0  }
0x166: {  	[sflag:s19] =	ssyncadd.s32 $0xFFFFC000  }
0x167: {  	[spmem:s2] =	stream.indirect.scatter.add.f32 [tilespmem:s17], [sflag:$0x3], $0x80, s20, s16, $0xb8;
	[tilespmem:$0x1E900] =	vst v63  }
0x168: {  	_ =	swait.ge [sflag:s14], $0x4000  }
0x169: {  	[sflag:s14] =	ssyncset.done $0x0  }
0x16a: {  	s31 =	sadd.s32 $0x100, s25;
	[sflag:s14] =	ssyncadd.s32 $0xFFFFC000  }
0x16b: {  	[tilespmem:s17], [sflag:$0x1] =	stream.indirect.gather [hbm4b:s4+s16], $0x80, s31, s16, $0xb8;
	[tilespmem:$0x1E900] =	vst v63  }
0x16c: {  	v59 =	vld [tilespmem:s25+$0x1500];
	_ =	sdelay $0x4  }
0x16d: {  	[tilespmem:$0x2800] =	vst v59  }
0x16e: {  	v0 =	vld [tilespmem:s25+$0x1510];
	_ =	sdelay $0x4  }
0x16f: {  	[tilespmem:$0x2810] =	vst v0  }
0x170: {  	v0 =	vld [tilespmem:s25+$0x1520];
	_ =	sdelay $0x4  }
0x171: {  	[tilespmem:$0x2820] =	vst v0  }
0x172: {  	v0 =	vld [tilespmem:s25+$0x1530];
	_ =	sdelay $0x4  }
0x173: {  	[tilespmem:$0x2830] =	vst v0  }
0x174: {  	v0 =	vld [tilespmem:s25+$0x1540];
	_ =	sdelay $0x4  }
0x175: {  	[tilespmem:$0x2840] =	vst v0  }
0x176: {  	v0 =	vld [tilespmem:s25+$0x1550];
	_ =	sdelay $0x4  }
0x177: {  	[tilespmem:$0x2850] =	vst v0  }
0x178: {  	v0 =	vld [tilespmem:s25+$0x1560];
	_ =	sdelay $0x4  }
0x179: {  	[tilespmem:$0x2860] =	vst v0  }
0x17a: {  	v0 =	vld [tilespmem:s25+$0x1570];
	_ =	sdelay $0x4  }
0x17b: {  	[tilespmem:$0x2870] =	vst v0  }
0x17c: {  	_ =	swait.ge [sflag:s21], $0x4000  }
0x17d: {  	[sflag:s21] =	ssyncset.done $0x0  }
0x17e: {  	[sflag:s21] =	ssyncadd.s32 $0xFFFFC000  }
0x17f: {  	[spmem:s2] =	stream.indirect.scatter.add.f32 [tilespmem:s18], [sflag:$0x3], $0x80, s22, s16, $0xb8;
	[tilespmem:$0x1E900] =	vst v63  }
0x180: {  	_ =	swait.ge [sflag:s14], $0x4000  }
0x181: {  	[sflag:s14] =	ssyncset.done $0x0  }
0x182: {  	[sflag:s14] =	ssyncadd.s32 $0xFFFFC000  }
0x183: {  	[tilespmem:s18], [sflag:$0x2] =	stream.indirect.gather [hbm4b:s4+s16], $0x80, s23, s16, $0xb8;
	[tilespmem:$0x1E900] =	vst v63  }
0x184: {  	v60 =	vld [tilespmem:$0x2780]  }
0x185: {  	v1 =	vld [tilespmem:$0x2790]  }
0x186: {  	v2 =	vld [tilespmem:$0x27A0]  }
0x187: {  	v3 =	vld [tilespmem:$0x27B0]  }
0x188: {  	v4 =	vld [tilespmem:$0x27C0]  }
0x189: {  	v61 =	vld [tilespmem:$0x27D0];
	[tilespmem:$0x2880] =	vst v60  }
0x18a: {  	v62 =	vld [tilespmem:$0x27E0];
	[tilespmem:$0x2890] =	vst v1  }
0x18b: {  	v63 =	vld [tilespmem:$0x27F0];
	[tilespmem:$0x28A0] =	vst v2  }
0x18c: {  	[tilespmem:$0x28B0] =	vst v3  }
0x18d: {  	[tilespmem:$0x28C0] =	vst v4  }
0x18e: {  	[tilespmem:$0x28D0] =	vst v61  }
0x18f: {  	[tilespmem:$0x28E0] =	vst v62  }
0x190: {  	[tilespmem:$0x28F0] =	vst v63  }
0x191: {  	_ =	swait.ge [sflag:s19], $0x4000  }
0x192: {  	[sflag:s19] =	ssyncset.done $0x0  }
0x193: {  	[sflag:s19] =	ssyncadd.s32 $0xFFFFC000  }
0x194: {  	[spmem:s2] =	stream.indirect.scatter.add.f32 [tilespmem:s17], [sflag:$0x3], $0x80, s20, s16, $0xb8;
	[tilespmem:$0x1E900] =	vst v63  }
0x195: {  	_ =	swait.ge [sflag:s14], $0x4000  }
0x196: {  	[sflag:s14] =	ssyncset.done $0x0  }
0x197: {  	[sflag:s14] =	ssyncadd.s32 $0xFFFFC000  }
0x198: {  	_ =	swait.ge [sflag:s21], $0x4000  }
0x199: {  	[sflag:s21] =	ssyncset.done $0x0  }
0x19a: {  	[sflag:s21] =	ssyncadd.s32 $0xFFFFC000  }
0x19b: {  	[spmem:s2] =	stream.indirect.scatter.add.f32 [tilespmem:s18], [sflag:$0x3], $0x80, s22, s16, $0xb8;
	[tilespmem:$0x1E900] =	vst v63  }
0x19c: {  	_ =	swait.ge [sflag:s14], $0x4000  }
0x19d: {  	s24 =	sadd.s32 $0x1, s24;
	[sflag:s14] =	ssyncset.done $0x0  }
0x19e: {  	p0 =	sne.s32 s24, s12;
	[sflag:s14] =	ssyncadd.s32 $0xFFFFC000  }
.Ltmp2:
0x19f: {  	[bflag:$0x0] =	sbarrier.arrive $0xFFFF;
	(pc) =	sbr.rel @p0 .LBB2_1-.Ltmp2, $4  }
0x1a0: {  	[hbm:s11], [sflag:s6] =	dma.local [spmem:s13], $0x2800  }
0x1a1: {  	_ =	swait.ge [sflag:s14], $0x2800  }
0x1a2: {  	[sflag:s14] =	ssyncset.done $0x0  }
0x1a3: {  	[sflag:s14] =	ssyncadd.s32 $0xFFFFD800  }
0x1a4: {  	_ =	sfence.sel $0x180000  }
0x1a5: {  	[bflag:$0x0] =	sbarrier.arrive $0xFFFF  }
0x1a6: {  	p0 =	sne.s32 s1, $0x0;
	_ =	strace $0x90000050  }
0x1a7: {  	s0 =	sadd.s32 @!p0 $0x100000, s0;
	[bflag:$0x2] =	sbarrier.arrive $0xFFFF  }
0x1a8: {  	[sflag:s0] =	ssyncadd.tile.s32 @!p0 $0x1;
	_ =	shalt  }
.Lfunc_end2:
_tile_overlayer_lowered:
.L_overlay_start_2:
0x1a9: {  	(tag) =	ssettag $0x2  }
0x1aa: {  	s0 =	rddreg [dreg:$0x0];
	s2 =	stileid.u32  }
0x1ab: {  	s1 =	rddreg [dreg:$0x1];
	p0 =	sne.s32 s2, $0x0  }
0x1ac: {  	s3 =	rddreg [dreg:$0x2];
	[bflag:$0x3] =	sbarrier.arrive $0xFFFF;
	s2 =	simm.s32 @!p0 $0x1C03  }
0x1ad: {  	[timem:s3], [sflag:s2] =	dma.local @!p0 [hbm:s0], s1  }
0x1ae: {  	s0 =	simm.s32 @!p0 $0x3  }
0x1af: {  	_ =	swait.ge @!p0 [sflag:s0], s1  }
0x1b0: {  	s1 =	ssub.s32 @!p0 $0x0, s1;
	[sflag:s0] =	ssyncset.done @!p0 $0x0  }
0x1b1: {  	[sflag:s0] =	ssyncadd.s32 @!p0 s1  }
0x1b2: {  	[bflag:$0x3] =	sbarrier.arrive $0xFFFF  }
0x1b3: {  	_ =	shalt  }

</sc_bundles>
